<compile_context>
chip_gen: v7x
topology: tpu7x:2x2x1
jax: 0.10.2.dev20260603
libtpu: 0.0.44.dev20260713+nightly
codegen_flags: <defaults>
</compile_context>

<pallas_src>
import functools

import jax
import jax.numpy as jnp
from jax import lax
from jax.experimental import pallas as pl
from jax.experimental.pallas import tpu as pltpu
from jax.experimental.pallas import tpu_sc as plsc

N = 50000
E = 800000
H = 64
NC, NS = 2, 16
EPAD = 802816
ROWS = EPAD // 128
RPT = ROWS // NS
RPC = ROWS // NC
RPCT = RPC // NS
NPAD = 51200
APT = NPAD // NS
BM = 2048
GRID = NPAD // BM
ZR = 400

_mesh = plsc.VectorSubcoreMesh(core_axis_name="c", subcore_axis_name="s")
_sc_params = pltpu.CompilerParams(use_tc_tiling_on_sc=False)



def _mm1_body(x_ref, wl_ref, wr_ref, y1_ref, z_ref):
    xb = x_ref[...]
    y1_ref[...] = lax.dot_general(xb, wl_ref[...], (((1,), (1,)), ((), ())),
                                  preferred_element_type=jnp.float32)
    z_ref[...] = lax.dot_general(xb, wr_ref[...], (((1,), (1,)), ((), ())),
                                 preferred_element_type=jnp.float32)


def _mid_body(agg_ref, cnt_ref, z_ref, b1_ref, w2l_ref, w2r_ref, b2_ref,
              h2_ref, hb_ref):
    cnt = cnt_ref[0] + cnt_ref[1]
    d = 1.0 / jnp.maximum(cnt, 1.0)
    h = jnp.maximum(agg_ref[...] * d[:, None] + b1_ref[0][None, :]
                    + z_ref[...], 0.0)
    h2_ref[...] = lax.dot_general(h, w2l_ref[...], (((1,), (1,)), ((), ())),
                                  preferred_element_type=jnp.float32)
    hb_ref[...] = lax.dot_general(h, w2r_ref[...], (((1,), (1,)), ((), ())),
                                  preferred_element_type=jnp.float32) \
        + b2_ref[0][None, :]


def _fin_body(agg2_ref, cnt_ref, hb_ref, out_ref):
    a = agg2_ref[:, :16] + agg2_ref[:, 16:]
    cnt = cnt_ref[0] + cnt_ref[1]
    d = 1.0 / jnp.maximum(cnt, 1.0)
    out_ref[:, :16] = a * d[:, None] + hb_ref[...]



def _fill_zero(zb_v):
    def body(r, carry):
        zb_v[r, :] = jnp.zeros((16,), jnp.float32)
        return carry
    lax.fori_loop(0, ZR, body, 0)


def _zero_shared_stripe(zb_v, buf_sh, s):
    for k in range(APT // ZR):
        pltpu.sync_copy(zb_v, buf_sh.at[pl.ds(s * APT + k * ZR, ZR)])


def _pipe4(n_groups, fire, drain, process, bufa, bufb):
    npairs, tail = n_groups // 2, n_groups % 2
    fire(0, bufa)

    def body(p, carry):
        g = p * 2
        fire(g + 1, bufb)
        drain(bufa)
        process(bufa)
        fire(jnp.minimum(g + 2, n_groups - 1), bufa)
        drain(bufb)
        process(bufb)
        return carry
    lax.fori_loop(0, npairs, body, 0)
    drain(bufa)
    if tail:
        process(bufa)


def _edge_loop(n_groups, base, src2d, dst2d, tab_sh, acc_sh,
               sa_v, da_v, sb_v, db_v, rows_v, gsem, isem):
    def fire(g, buf):
        s_v, d_v = buf
        pltpu.async_copy(src2d.at[pl.ds(base + g * 4, 4)], s_v, isem)
        pltpu.async_copy(dst2d.at[pl.ds(base + g * 4, 4)], d_v, isem)

    def drain(buf):
        s_v, d_v = buf
        pltpu.make_async_copy(src2d.at[pl.ds(base, 4)], s_v, isem).wait()
        pltpu.make_async_copy(dst2d.at[pl.ds(base, 4)], d_v, isem).wait()

    def process(buf):
        s_v, d_v = buf
        cps = [pltpu.async_copy(tab_sh.at[s_v.at[j]],
                                rows_v.at[pl.ds(j * 128, 128)], gsem)
               for j in range(4)]
        for cp in cps:
            cp.wait()
        scs = [pltpu.async_copy(rows_v.at[pl.ds(j * 128, 128)],
                                acc_sh.at[d_v.at[j]], gsem, add=True)
               for j in range(4)]
        for sc in scs:
            sc.wait()

    _pipe4(n_groups, fire, drain, process, (sa_v, da_v), (sb_v, db_v))



@functools.partial(
    pl.kernel,
    out_type=[jax.ShapeDtypeStruct((NPAD, H), jnp.float32),
              jax.ShapeDtypeStruct((NC * NPAD,), jnp.float32)],
    mesh=_mesh,
    scratch_types=[
        pltpu.VMEM_SHARED((NPAD, 16), jnp.float32),
        pltpu.VMEM_SHARED((NPAD, 16), jnp.float32),
        pltpu.VMEM_SHARED((NPAD,), jnp.float32),
        pltpu.VMEM((ZR, 16), jnp.float32),
        pltpu.VMEM((APT,), jnp.float32),
        pltpu.VMEM((4, 128), jnp.int32),
        pltpu.VMEM((4, 128), jnp.int32),
        pltpu.VMEM((4, 128), jnp.int32),
        pltpu.VMEM((4, 128), jnp.int32),
        pltpu.VMEM((512, 16), jnp.float32),
        pltpu.VMEM((128,), jnp.float32),
        pltpu.SemaphoreType.DMA,
        pltpu.SemaphoreType.DMA,
    ],
    compiler_params=_sc_params,
)
def _agg1_kernel(y1, src2d, dst2d, agg_out, cnt_out,
                 tab_sh, acc_sh, cnt_sh, zb_v, zb1_v,
                 sa_v, da_v, sb_v, db_v, rows_v, ones_v, gsem, isem):
    c = lax.axis_index("c")
    s = lax.axis_index("s")
    for k in range(8):
        ones_v[pl.ds(k * 16, 16)] = jnp.full((16,), 1.0, jnp.float32)
    _fill_zero(zb_v)

    def zb1_body(r, carry):
        zb1_v[pl.ds(r * 16, 16)] = jnp.zeros((16,), jnp.float32)
        return carry
    lax.fori_loop(0, APT // 16, zb1_body, 0)
    pltpu.sync_copy(zb1_v, cnt_sh.at[pl.ds(s * APT, APT)])

    for q in range(2):
        qi = c * 2 + q
        pltpu.sync_copy(y1.at[pl.ds(s * APT, APT), pl.ds(16 * qi, 16)],
                        tab_sh.at[pl.ds(s * APT, APT)])
        _zero_shared_stripe(zb_v, acc_sh, s)
        plsc.subcore_barrier()

        _edge_loop(RPT // 4, s * RPT, src2d, dst2d, tab_sh, acc_sh,
                   sa_v, da_v, sb_v, db_v, rows_v, gsem, isem)

        if q == 0:
            cbase = c * RPC + s * RPCT

            def cfire(g, d_v):
                pltpu.async_copy(dst2d.at[pl.ds(cbase + g * 4, 4)],
                                 d_v, isem)

            def cdrain(d_v):
                pltpu.make_async_copy(dst2d.at[pl.ds(cbase, 4)],
                                      d_v, isem).wait()

            def cproc(d_v):
                scs = [pltpu.async_copy(ones_v, cnt_sh.at[d_v.at[j]],
                                        gsem, add=True)
                       for j in range(4)]
                for sc in scs:
                    sc.wait()

            _pipe4(RPCT // 4, cfire, cdrain, cproc, da_v, db_v)

        plsc.subcore_barrier()
        pltpu.sync_copy(acc_sh.at[pl.ds(s * APT, APT)],
                        agg_out.at[pl.ds(s * APT, APT), pl.ds(16 * qi, 16)])
        if q == 0:
            pltpu.sync_copy(cnt_sh.at[pl.ds(s * APT, APT)],
                            cnt_out.at[pl.ds(c * NPAD + s * APT, APT)])
        plsc.subcore_barrier()



@functools.partial(
    pl.kernel,
    out_type=jax.ShapeDtypeStruct((NPAD, 32), jnp.float32),
    mesh=_mesh,
    scratch_types=[
        pltpu.VMEM_SHARED((NPAD, 16), jnp.float32),
        pltpu.VMEM_SHARED((NPAD, 16), jnp.float32),
        pltpu.VMEM((ZR, 16), jnp.float32),
        pltpu.VMEM((4, 128), jnp.int32),
        pltpu.VMEM((4, 128), jnp.int32),
        pltpu.VMEM((4, 128), jnp.int32),
        pltpu.VMEM((4, 128), jnp.int32),
        pltpu.VMEM((512, 16), jnp.float32),
        pltpu.SemaphoreType.DMA,
        pltpu.SemaphoreType.DMA,
    ],
    compiler_params=_sc_params,
)
def _agg2_kernel(h2pad, src2d, dst2d, agg_out,
                 tab_sh, acc_sh, zb_v, sa_v, da_v, sb_v, db_v,
                 rows_v, gsem, isem):
    c = lax.axis_index("c")
    s = lax.axis_index("s")
    pltpu.sync_copy(h2pad.at[pl.ds(s * APT, APT)],
                    tab_sh.at[pl.ds(s * APT, APT)])
    _fill_zero(zb_v)
    _zero_shared_stripe(zb_v, acc_sh, s)
    plsc.subcore_barrier()

    _edge_loop(RPCT // 4, c * RPC + s * RPCT, src2d, dst2d, tab_sh, acc_sh,
               sa_v, da_v, sb_v, db_v, rows_v, gsem, isem)

    plsc.subcore_barrier()
    pltpu.sync_copy(acc_sh.at[pl.ds(s * APT, APT)],
                    agg_out.at[pl.ds(s * APT, APT), pl.ds(16 * c, 16)])



def kernel(x, edge_index, W1l, b1l, W1r, W2l, b2l, W2r):
    src = edge_index[0].astype(jnp.int32)
    dst = edge_index[1].astype(jnp.int32)
    pad = EPAD - E
    psrc = (jnp.arange(pad, dtype=jnp.int32) * 7919) % N
    pdst = N + jnp.arange(pad, dtype=jnp.int32) % (NPAD - N)
    src2d = jnp.concatenate([src, psrc]).reshape(ROWS, 128)
    dst2d = jnp.concatenate([dst, pdst]).reshape(ROWS, 128)

    y1, z = pl.pallas_call(
        _mm1_body,
        grid=(GRID,),
        in_specs=[pl.BlockSpec((BM, H), lambda i: (i, 0)),
                  pl.BlockSpec((H, H), lambda i: (0, 0)),
                  pl.BlockSpec((H, H), lambda i: (0, 0))],
        out_specs=[pl.BlockSpec((BM, H), lambda i: (i, 0)),
                   pl.BlockSpec((BM, H), lambda i: (i, 0))],
        out_shape=[jax.ShapeDtypeStruct((NPAD, H), jnp.float32),
                   jax.ShapeDtypeStruct((NPAD, H), jnp.float32)],
    )(x, W1l, W1r)

    agg1, cnt_flat = _agg1_kernel(y1, src2d, dst2d)
    cnt = cnt_flat.reshape(NC, NPAD)

    W2lp = jnp.zeros((16, H), jnp.float32).at[:3].set(W2l)
    W2rp = jnp.zeros((16, H), jnp.float32).at[:3].set(W2r)
    b2p = jnp.zeros((1, 16), jnp.float32).at[0, :3].set(b2l)
    h2pad, hb = pl.pallas_call(
        _mid_body,
        grid=(GRID,),
        in_specs=[pl.BlockSpec((BM, H), lambda i: (i, 0)),
                  pl.BlockSpec((2, BM), lambda i: (0, i)),
                  pl.BlockSpec((BM, H), lambda i: (i, 0)),
                  pl.BlockSpec((1, H), lambda i: (0, 0)),
                  pl.BlockSpec((16, H), lambda i: (0, 0)),
                  pl.BlockSpec((16, H), lambda i: (0, 0)),
                  pl.BlockSpec((1, 16), lambda i: (0, 0))],
        out_specs=[pl.BlockSpec((BM, 16), lambda i: (i, 0)),
                   pl.BlockSpec((BM, 16), lambda i: (i, 0))],
        out_shape=[jax.ShapeDtypeStruct((NPAD, 16), jnp.float32),
                   jax.ShapeDtypeStruct((NPAD, 16), jnp.float32)],
    )(agg1, cnt, z, b1l.reshape(1, H), W2lp, W2rp, b2p)

    agg2 = _agg2_kernel(h2pad, src2d, dst2d)

    out16 = pl.pallas_call(
        _fin_body,
        grid=(GRID,),
        in_specs=[pl.BlockSpec((BM, 32), lambda i: (i, 0)),
                  pl.BlockSpec((2, BM), lambda i: (0, i)),
                  pl.BlockSpec((BM, 16), lambda i: (i, 0))],
        out_specs=pl.BlockSpec((BM, 128), lambda i: (i, 0)),
        out_shape=jax.ShapeDtypeStruct((NPAD, 128), jnp.float32),
    )(agg2, cnt, hb)
    return out16[:N, :3]

# --- scband reference (transcript-rebuilt; emitter-appended) ---
"""Pipeline reference for scband-gnn-84885733638151 (READ-ONLY COPY).

The authoritative reference and input builder live on the scoring server;
editing this copy changes nothing except your own understanding.
"""

import jax, jax.numpy as jnp
import numpy as np

N_NODES = 50000
N_EDGES = 800000
HIDDEN = 64
NUM_GENRES = 3


def setup_inputs(seed: int = 0) -> dict:
    key = jax.random.key(seed)
    ks = jax.random.split(key, 8)
    x = jax.random.normal(ks[0], (N_NODES, HIDDEN), dtype=jnp.float32)
    edge_index = jax.random.randint(ks[1], (2, N_EDGES), 0, N_NODES, dtype=jnp.int64)
    s1 = 1.0 / np.sqrt(HIDDEN)
    # SAGEConv layer 1: lin_l (neighbor agg, with bias) and lin_r (root)
    W1l = jax.random.uniform(ks[2], (HIDDEN, HIDDEN), dtype=jnp.float32, minval=-s1, maxval=s1)
    b1l = jax.random.uniform(ks[3], (HIDDEN,), dtype=jnp.float32, minval=-s1, maxval=s1)
    W1r = jax.random.uniform(ks[4], (HIDDEN, HIDDEN), dtype=jnp.float32, minval=-s1, maxval=s1)
    # SAGEConv layer 2
    W2l = jax.random.uniform(ks[5], (NUM_GENRES, HIDDEN), dtype=jnp.float32, minval=-s1, maxval=s1)
    b2l = jax.random.uniform(ks[6], (NUM_GENRES,), dtype=jnp.float32, minval=-s1, maxval=s1)
    W2r = jax.random.uniform(ks[7], (NUM_GENRES, HIDDEN), dtype=jnp.float32, minval=-s1, maxval=s1)
    return {"x": x, "edge_index": edge_index, "W1l": W1l, "b1l": b1l, "W1r": W1r, "W2l": W2l, "b2l": b2l, "W2r": W2r}


def _sage_conv(x, src, dst, num_nodes, Wl, bl, Wr):
    # mean aggregation of source features onto destination nodes
    msgs = jnp.take(x, src, axis=0)
    agg = jax.ops.segment_sum(msgs, dst, num_segments=num_nodes)
    cnt = jax.ops.segment_sum(jnp.ones((src.shape[0],), dtype=x.dtype), dst, num_segments=num_nodes)
    mean_agg = agg / jnp.clip(cnt, 1.0, None)[:, None]
    return mean_agg @ Wl.T + bl + x @ Wr.T


def reference(x, edge_index, W1l, b1l, W1r, W2l, b2l, W2r):
    src = edge_index[0]
    dst = edge_index[1]
    n = x.shape[0]
    h = _sage_conv(x, src, dst, n, W1l, b1l, W1r)
    h = jax.nn.relu(h)
    # F.dropout(x, training=self.training) is identity in eval mode
    out = _sage_conv(h, src, dst, n, W2l, b2l, W2r)
    return out

if __name__ == "__main__":
    import jax
    _d = setup_inputs()
    print(jax.jit(kernel)(*tuple(_d.values())))

</pallas_src>

<mosaic_0001>
#map = affine_map<(d0, d1) -> (0, 0)>
module attributes {stable_mosaic.version = 14 : i64} {
  func.func @_agg2_kernel(%arg0: i32, %arg1: i32, %arg2: memref<51200x16xf32, #tpu.memory_space<hbm>>, %arg3: memref<6272x128xi32, #tpu.memory_space<hbm>>, %arg4: memref<6272x128xi32, #tpu.memory_space<hbm>>, %arg5: memref<51200x32xf32, #tpu.memory_space<hbm>>, %arg6: memref<51200x16xf32, #tpu.memory_space<vmem_shared>>, %arg7: memref<51200x16xf32, #tpu.memory_space<vmem_shared>>, %arg8: memref<400x16xf32, #tpu.memory_space<vmem>>, %arg9: memref<4x128xi32, #tpu.memory_space<vmem>>, %arg10: memref<4x128xi32, #tpu.memory_space<vmem>>, %arg11: memref<4x128xi32, #tpu.memory_space<vmem>>, %arg12: memref<4x128xi32, #tpu.memory_space<vmem>>, %arg13: memref<512x16xf32, #tpu.memory_space<vmem>>, %arg14: memref<!tpu.dma_semaphore, #tpu.memory_space<semaphore_mem>>, %arg15: memref<!tpu.dma_semaphore, #tpu.memory_space<semaphore_mem>>) attributes {dimension_semantics = [#tpu.dimension_semantics<core_parallel>, #tpu.dimension_semantics<subcore_parallel>], iteration_bounds = array<i64: 2, 16>, scalar_prefetch = 0 : i64, scratch_operands = 10 : i64, tpu.core_type = #tpu.core_type<sc_vector_subcore>, window_params = [{transform_indices = #map}, {transform_indices = #map}, {transform_indices = #map}, {transform_indices = #map}]} {
    %mul3A = arith.constant 3200 : i32
    %mul3A_0 = arith.muli %arg1, %mul3A : i32
    %mul3A_1 = arith.constant 3200 : i32
    %mul3A_2 = arith.muli %arg1, %mul3A_1 : i32
    "tpu.region"() ({
      %run_scoped3A = tpu.sem_alloc : memref<!tpu.dma_semaphore, #tpu.memory_space<semaphore_mem>>
      %dma_start3A_235 = arith.constant 0 : i32
      %dma_start3A_236 = tpu.memref_slice %arg6[%mul3A_2, %dma_start3A_235] : memref<51200x16xf32, #tpu.memory_space<vmem_shared>> -> memref<3200x16xf32, #tpu.memory_space<vmem_shared>>
      %dma_start3A_237 = arith.constant 0 : i32
      %dma_start3A_238 = tpu.memref_slice %arg2[%mul3A_0, %dma_start3A_237] : memref<51200x16xf32, #tpu.memory_space<hbm>> -> memref<3200x16xf32, #tpu.memory_space<hbm>>
      tpu.enqueue_dma source(%dma_start3A_238 : memref<3200x16xf32, #tpu.memory_space<hbm>>) target(%dma_start3A_236 : memref<3200x16xf32, #tpu.memory_space<vmem_shared>>) target_semaphore(%run_scoped3A : memref<!tpu.dma_semaphore, #tpu.memory_space<semaphore_mem>>)
      %dma_wait3A_239 = arith.constant 0 : i32
      %dma_wait3A_240 = tpu.memref_slice %arg6[%mul3A_2, %dma_wait3A_239] : memref<51200x16xf32, #tpu.memory_space<vmem_shared>> -> memref<3200x16xf32, #tpu.memory_space<vmem_shared>>
      %dma_wait3A_241 = arith.constant 0 : i32
      %dma_wait3A_242 = tpu.memref_slice %arg2[%mul3A_0, %dma_wait3A_241] : memref<51200x16xf32, #tpu.memory_space<hbm>> -> memref<3200x16xf32, #tpu.memory_space<hbm>>
      tpu.wait_dma2 semaphore(%run_scoped3A : memref<!tpu.dma_semaphore, #tpu.memory_space<semaphore_mem>>) src(%dma_wait3A_242 : memref<3200x16xf32, #tpu.memory_space<hbm>>) dst(%dma_wait3A_240 : memref<3200x16xf32, #tpu.memory_space<vmem_shared>>)
      tpu.yield
    }) : () -> ()
    %scan3A = arith.constant 0 : i32
    %scan3A_3 = arith.constant 0 : i32
    %scan3A_4 = arith.constant 400 : i32
    %scan3A_5 = arith.addi %scan3A_3, %scan3A_4 : i32
    %scan3A_6 = arith.constant 1 : i32
    scf.for %scan3A_235 = %scan3A_3 to %scan3A_5 step %scan3A_6  : i32 {
      %broadcast_in_dim3A = arith.constant 0.000000e+00 : f32
      %broadcast_in_dim3A_236 = vector.broadcast %broadcast_in_dim3A : f32 to vector<16xf32>
      %swap3A = arith.index_cast %scan3A_235 : i32 to index
      %swap3A_237 = arith.constant 0 : index
      %swap3A_238 = tpu.vector_load %arg8[%swap3A, %swap3A_237] {strides = array<i32>} : memref<400x16xf32, #tpu.memory_space<vmem>>, vector<1x16xf32>,
      %swap3A_239 = vector.shape_cast %swap3A_238 : vector<1x16xf32> to vector<16xf32>
      %swap3A_240 = vector.shape_cast %broadcast_in_dim3A_236 : vector<16xf32> to vector<1x16xf32>
      tpu.vector_store %arg8[%swap3A, %swap3A_237], %swap3A_240 {strides = array<i32>} : memref<400x16xf32, #tpu.memory_space<vmem>>, vector<1x16xf32>,
    }
    %scan3A_7 = arith.constant 400 : i32
    %mul3A_8 = arith.constant 3200 : i32
    %mul3A_9 = arith.muli %arg1, %mul3A_8 : i32
    %add3A = arith.constant 0 : i32
    %add3A_10 = arith.addi %mul3A_9, %add3A : i32
    "tpu.region"() ({
      %run_scoped3A = tpu.sem_alloc : memref<!tpu.dma_semaphore, #tpu.memory_space<semaphore_mem>>
      %dma_start3A_235 = arith.constant 0 : i32
      %dma_start3A_236 = tpu.memref_slice %arg7[%add3A_10, %dma_start3A_235] : memref<51200x16xf32, #tpu.memory_space<vmem_shared>> -> memref<400x16xf32, #tpu.memory_space<vmem_shared>>
      %dma_start3A_237 = arith.constant 0 : i32
      %dma_start3A_238 = tpu.memref_slice %arg7[%add3A_10, %dma_start3A_237] : memref<51200x16xf32, #tpu.memory_space<vmem_shared>> -> memref<400x16xf32, #tpu.memory_space<vmem_shared>>
      tpu.enqueue_dma source(%arg8 : memref<400x16xf32, #tpu.memory_space<vmem>>) target(%dma_start3A_238 : memref<400x16xf32, #tpu.memory_space<vmem_shared>>) target_semaphore(%run_scoped3A : memref<!tpu.dma_semaphore, #tpu.memory_space<semaphore_mem>>)
      %dma_wait3A_239 = arith.constant 0 : i32
      %dma_wait3A_240 = tpu.memref_slice %arg7[%add3A_10, %dma_wait3A_239] : memref<51200x16xf32, #tpu.memory_space<vmem_shared>> -> memref<400x16xf32, #tpu.memory_space<vmem_shared>>
      %dma_wait3A_241 = arith.constant 0 : i32
      %dma_wait3A_242 = tpu.memref_slice %arg7[%add3A_10, %dma_wait3A_241] : memref<51200x16xf32, #tpu.memory_space<vmem_shared>> -> memref<400x16xf32, #tpu.memory_space<vmem_shared>>
      tpu.wait_dma2 semaphore(%run_scoped3A : memref<!tpu.dma_semaphore, #tpu.memory_space<semaphore_mem>>) src(%arg8 : memref<400x16xf32, #tpu.memory_space<vmem>>) dst(%dma_wait3A_242 : memref<400x16xf32, #tpu.memory_space<vmem_shared>>)
      tpu.yield
    }) : () -> ()
    %mul3A_11 = arith.constant 3200 : i32
    %mul3A_12 = arith.muli %arg1, %mul3A_11 : i32
    %add3A_13 = arith.constant 400 : i32
    %add3A_14 = arith.addi %mul3A_12, %add3A_13 : i32
    "tpu.region"() ({
      %run_scoped3A = tpu.sem_alloc : memref<!tpu.dma_semaphore, #tpu.memory_space<semaphore_mem>>
      %dma_start3A_235 = arith.constant 0 : i32
      %dma_start3A_236 = tpu.memref_slice %arg7[%add3A_14, %dma_start3A_235] : memref<51200x16xf32, #tpu.memory_space<vmem_shared>> -> memref<400x16xf32, #tpu.memory_space<vmem_shared>>
      %dma_start3A_237 = arith.constant 0 : i32
      %dma_start3A_238 = tpu.memref_slice %arg7[%add3A_14, %dma_start3A_237] : memref<51200x16xf32, #tpu.memory_space<vmem_shared>> -> memref<400x16xf32, #tpu.memory_space<vmem_shared>>
      tpu.enqueue_dma source(%arg8 : memref<400x16xf32, #tpu.memory_space<vmem>>) target(%dma_start3A_238 : memref<400x16xf32, #tpu.memory_space<vmem_shared>>) target_semaphore(%run_scoped3A : memref<!tpu.dma_semaphore, #tpu.memory_space<semaphore_mem>>)
      %dma_wait3A_239 = arith.constant 0 : i32
      %dma_wait3A_240 = tpu.memref_slice %arg7[%add3A_14, %dma_wait3A_239] : memref<51200x16xf32, #tpu.memory_space<vmem_shared>> -> memref<400x16xf32, #tpu.memory_space<vmem_shared>>
      %dma_wait3A_241 = arith.constant 0 : i32
      %dma_wait3A_242 = tpu.memref_slice %arg7[%add3A_14, %dma_wait3A_241] : memref<51200x16xf32, #tpu.memory_space<vmem_shared>> -> memref<400x16xf32, #tpu.memory_space<vmem_shared>>
      tpu.wait_dma2 semaphore(%run_scoped3A : memref<!tpu.dma_semaphore, #tpu.memory_space<semaphore_mem>>) src(%arg8 : memref<400x16xf32, #tpu.memory_space<vmem>>) dst(%dma_wait3A_242 : memref<400x16xf32, #tpu.memory_space<vmem_shared>>)
      tpu.yield
    }) : () -> ()
    %mul3A_15 = arith.constant 3200 : i32
    %mul3A_16 = arith.muli %arg1, %mul3A_15 : i32
    %add3A_17 = arith.constant 800 : i32
    %add3A_18 = arith.addi %mul3A_16, %add3A_17 : i32
    "tpu.region"() ({
      %run_scoped3A = tpu.sem_alloc : memref<!tpu.dma_semaphore, #tpu.memory_space<semaphore_mem>>
      %dma_start3A_235 = arith.constant 0 : i32
      %dma_start3A_236 = tpu.memref_slice %arg7[%add3A_18, %dma_start3A_235] : memref<51200x16xf32, #tpu.memory_space<vmem_shared>> -> memref<400x16xf32, #tpu.memory_space<vmem_shared>>
      %dma_start3A_237 = arith.constant 0 : i32
      %dma_start3A_238 = tpu.memref_slice %arg7[%add3A_18, %dma_start3A_237] : memref<51200x16xf32, #tpu.memory_space<vmem_shared>> -> memref<400x16xf32, #tpu.memory_space<vmem_shared>>
      tpu.enqueue_dma source(%arg8 : memref<400x16xf32, #tpu.memory_space<vmem>>) target(%dma_start3A_238 : memref<400x16xf32, #tpu.memory_space<vmem_shared>>) target_semaphore(%run_scoped3A : memref<!tpu.dma_semaphore, #tpu.memory_space<semaphore_mem>>)
      %dma_wait3A_239 = arith.constant 0 : i32
      %dma_wait3A_240 = tpu.memref_slice %arg7[%add3A_18, %dma_wait3A_239] : memref<51200x16xf32, #tpu.memory_space<vmem_shared>> -> memref<400x16xf32, #tpu.memory_space<vmem_shared>>
      %dma_wait3A_241 = arith.constant 0 : i32
      %dma_wait3A_242 = tpu.memref_slice %arg7[%add3A_18, %dma_wait3A_241] : memref<51200x16xf32, #tpu.memory_space<vmem_shared>> -> memref<400x16xf32, #tpu.memory_space<vmem_shared>>
      tpu.wait_dma2 semaphore(%run_scoped3A : memref<!tpu.dma_semaphore, #tpu.memory_space<semaphore_mem>>) src(%arg8 : memref<400x16xf32, #tpu.memory_space<vmem>>) dst(%dma_wait3A_242 : memref<400x16xf32, #tpu.memory_space<vmem_shared>>)
      tpu.yield
    }) : () -> ()
    %mul3A_19 = arith.constant 3200 : i32
    %mul3A_20 = arith.muli %arg1, %mul3A_19 : i32
    %add3A_21 = arith.constant 1200 : i32
    %add3A_22 = arith.addi %mul3A_20, %add3A_21 : i32
    "tpu.region"() ({
      %run_scoped3A = tpu.sem_alloc : memref<!tpu.dma_semaphore, #tpu.memory_space<semaphore_mem>>
      %dma_start3A_235 = arith.constant 0 : i32
      %dma_start3A_236 = tpu.memref_slice %arg7[%add3A_22, %dma_start3A_235] : memref<51200x16xf32, #tpu.memory_space<vmem_shared>> -> memref<400x16xf32, #tpu.memory_space<vmem_shared>>
      %dma_start3A_237 = arith.constant 0 : i32
      %dma_start3A_238 = tpu.memref_slice %arg7[%add3A_22, %dma_start3A_237] : memref<51200x16xf32, #tpu.memory_space<vmem_shared>> -> memref<400x16xf32, #tpu.memory_space<vmem_shared>>
      tpu.enqueue_dma source(%arg8 : memref<400x16xf32, #tpu.memory_space<vmem>>) target(%dma_start3A_238 : memref<400x16xf32, #tpu.memory_space<vmem_shared>>) target_semaphore(%run_scoped3A : memref<!tpu.dma_semaphore, #tpu.memory_space<semaphore_mem>>)
      %dma_wait3A_239 = arith.constant 0 : i32
      %dma_wait3A_240 = tpu.memref_slice %arg7[%add3A_22, %dma_wait3A_239] : memref<51200x16xf32, #tpu.memory_space<vmem_shared>> -> memref<400x16xf32, #tpu.memory_space<vmem_shared>>
      %dma_wait3A_241 = arith.constant 0 : i32
      %dma_wait3A_242 = tpu.memref_slice %arg7[%add3A_22, %dma_wait3A_241] : memref<51200x16xf32, #tpu.memory_space<vmem_shared>> -> memref<400x16xf32, #tpu.memory_space<vmem_shared>>
      tpu.wait_dma2 semaphore(%run_scoped3A : memref<!tpu.dma_semaphore, #tpu.memory_space<semaphore_mem>>) src(%arg8 : memref<400x16xf32, #tpu.memory_space<vmem>>) dst(%dma_wait3A_242 : memref<400x16xf32, #tpu.memory_space<vmem_shared>>)
      tpu.yield
    }) : () -> ()
    %mul3A_23 = arith.constant 3200 : i32
    %mul3A_24 = arith.muli %arg1, %mul3A_23 : i32
    %add3A_25 = arith.constant 1600 : i32
    %add3A_26 = arith.addi %mul3A_24, %add3A_25 : i32
    "tpu.region"() ({
      %run_scoped3A = tpu.sem_alloc : memref<!tpu.dma_semaphore, #tpu.memory_space<semaphore_mem>>
      %dma_start3A_235 = arith.constant 0 : i32
      %dma_start3A_236 = tpu.memref_slice %arg7[%add3A_26, %dma_start3A_235] : memref<51200x16xf32, #tpu.memory_space<vmem_shared>> -> memref<400x16xf32, #tpu.memory_space<vmem_shared>>
      %dma_start3A_237 = arith.constant 0 : i32
      %dma_start3A_238 = tpu.memref_slice %arg7[%add3A_26, %dma_start3A_237] : memref<51200x16xf32, #tpu.memory_space<vmem_shared>> -> memref<400x16xf32, #tpu.memory_space<vmem_shared>>
      tpu.enqueue_dma source(%arg8 : memref<400x16xf32, #tpu.memory_space<vmem>>) target(%dma_start3A_238 : memref<400x16xf32, #tpu.memory_space<vmem_shared>>) target_semaphore(%run_scoped3A : memref<!tpu.dma_semaphore, #tpu.memory_space<semaphore_mem>>)
      %dma_wait3A_239 = arith.constant 0 : i32
      %dma_wait3A_240 = tpu.memref_slice %arg7[%add3A_26, %dma_wait3A_239] : memref<51200x16xf32, #tpu.memory_space<vmem_shared>> -> memref<400x16xf32, #tpu.memory_space<vmem_shared>>
      %dma_wait3A_241 = arith.constant 0 : i32
      %dma_wait3A_242 = tpu.memref_slice %arg7[%add3A_26, %dma_wait3A_241] : memref<51200x16xf32, #tpu.memory_space<vmem_shared>> -> memref<400x16xf32, #tpu.memory_space<vmem_shared>>
      tpu.wait_dma2 semaphore(%run_scoped3A : memref<!tpu.dma_semaphore, #tpu.memory_space<semaphore_mem>>) src(%arg8 : memref<400x16xf32, #tpu.memory_space<vmem>>) dst(%dma_wait3A_242 : memref<400x16xf32, #tpu.memory_space<vmem_shared>>)
      tpu.yield
    }) : () -> ()
    %mul3A_27 = arith.constant 3200 : i32
    %mul3A_28 = arith.muli %arg1, %mul3A_27 : i32
    %add3A_29 = arith.constant 2000 : i32
    %add3A_30 = arith.addi %mul3A_28, %add3A_29 : i32
    "tpu.region"() ({
      %run_scoped3A = tpu.sem_alloc : memref<!tpu.dma_semaphore, #tpu.memory_space<semaphore_mem>>
      %dma_start3A_235 = arith.constant 0 : i32
      %dma_start3A_236 = tpu.memref_slice %arg7[%add3A_30, %dma_start3A_235] : memref<51200x16xf32, #tpu.memory_space<vmem_shared>> -> memref<400x16xf32, #tpu.memory_space<vmem_shared>>
      %dma_start3A_237 = arith.constant 0 : i32
      %dma_start3A_238 = tpu.memref_slice %arg7[%add3A_30, %dma_start3A_237] : memref<51200x16xf32, #tpu.memory_space<vmem_shared>> -> memref<400x16xf32, #tpu.memory_space<vmem_shared>>
      tpu.enqueue_dma source(%arg8 : memref<400x16xf32, #tpu.memory_space<vmem>>) target(%dma_start3A_238 : memref<400x16xf32, #tpu.memory_space<vmem_shared>>) target_semaphore(%run_scoped3A : memref<!tpu.dma_semaphore, #tpu.memory_space<semaphore_mem>>)
      %dma_wait3A_239 = arith.constant 0 : i32
      %dma_wait3A_240 = tpu.memref_slice %arg7[%add3A_30, %dma_wait3A_239] : memref<51200x16xf32, #tpu.memory_space<vmem_shared>> -> memref<400x16xf32, #tpu.memory_space<vmem_shared>>
      %dma_wait3A_241 = arith.constant 0 : i32
      %dma_wait3A_242 = tpu.memref_slice %arg7[%add3A_30, %dma_wait3A_241] : memref<51200x16xf32, #tpu.memory_space<vmem_shared>> -> memref<400x16xf32, #tpu.memory_space<vmem_shared>>
      tpu.wait_dma2 semaphore(%run_scoped3A : memref<!tpu.dma_semaphore, #tpu.memory_space<semaphore_mem>>) src(%arg8 : memref<400x16xf32, #tpu.memory_space<vmem>>) dst(%dma_wait3A_242 : memref<400x16xf32, #tpu.memory_space<vmem_shared>>)
      tpu.yield
    }) : () -> ()
    %mul3A_31 = arith.constant 3200 : i32
    %mul3A_32 = arith.muli %arg1, %mul3A_31 : i32
    %add3A_33 = arith.constant 2400 : i32
    %add3A_34 = arith.addi %mul3A_32, %add3A_33 : i32
    "tpu.region"() ({
      %run_scoped3A = tpu.sem_alloc : memref<!tpu.dma_semaphore, #tpu.memory_space<semaphore_mem>>
      %dma_start3A_235 = arith.constant 0 : i32
      %dma_start3A_236 = tpu.memref_slice %arg7[%add3A_34, %dma_start3A_235] : memref<51200x16xf32, #tpu.memory_space<vmem_shared>> -> memref<400x16xf32, #tpu.memory_space<vmem_shared>>
      %dma_start3A_237 = arith.constant 0 : i32
      %dma_start3A_238 = tpu.memref_slice %arg7[%add3A_34, %dma_start3A_237] : memref<51200x16xf32, #tpu.memory_space<vmem_shared>> -> memref<400x16xf32, #tpu.memory_space<vmem_shared>>
      tpu.enqueue_dma source(%arg8 : memref<400x16xf32, #tpu.memory_space<vmem>>) target(%dma_start3A_238 : memref<400x16xf32, #tpu.memory_space<vmem_shared>>) target_semaphore(%run_scoped3A : memref<!tpu.dma_semaphore, #tpu.memory_space<semaphore_mem>>)
      %dma_wait3A_239 = arith.constant 0 : i32
      %dma_wait3A_240 = tpu.memref_slice %arg7[%add3A_34, %dma_wait3A_239] : memref<51200x16xf32, #tpu.memory_space<vmem_shared>> -> memref<400x16xf32, #tpu.memory_space<vmem_shared>>
      %dma_wait3A_241 = arith.constant 0 : i32
      %dma_wait3A_242 = tpu.memref_slice %arg7[%add3A_34, %dma_wait3A_241] : memref<51200x16xf32, #tpu.memory_space<vmem_shared>> -> memref<400x16xf32, #tpu.memory_space<vmem_shared>>
      tpu.wait_dma2 semaphore(%run_scoped3A : memref<!tpu.dma_semaphore, #tpu.memory_space<semaphore_mem>>) src(%arg8 : memref<400x16xf32, #tpu.memory_space<vmem>>) dst(%dma_wait3A_242 : memref<400x16xf32, #tpu.memory_space<vmem_shared>>)
      tpu.yield
    }) : () -> ()
    %mul3A_35 = arith.constant 3200 : i32
    %mul3A_36 = arith.muli %arg1, %mul3A_35 : i32
    %add3A_37 = arith.constant 2800 : i32
    %add3A_38 = arith.addi %mul3A_36, %add3A_37 : i32
    "tpu.region"() ({
      %run_scoped3A = tpu.sem_alloc : memref<!tpu.dma_semaphore, #tpu.memory_space<semaphore_mem>>
      %dma_start3A_235 = arith.constant 0 : i32
      %dma_start3A_236 = tpu.memref_slice %arg7[%add3A_38, %dma_start3A_235] : memref<51200x16xf32, #tpu.memory_space<vmem_shared>> -> memref<400x16xf32, #tpu.memory_space<vmem_shared>>
      %dma_start3A_237 = arith.constant 0 : i32
      %dma_start3A_238 = tpu.memref_slice %arg7[%add3A_38, %dma_start3A_237] : memref<51200x16xf32, #tpu.memory_space<vmem_shared>> -> memref<400x16xf32, #tpu.memory_space<vmem_shared>>
      tpu.enqueue_dma source(%arg8 : memref<400x16xf32, #tpu.memory_space<vmem>>) target(%dma_start3A_238 : memref<400x16xf32, #tpu.memory_space<vmem_shared>>) target_semaphore(%run_scoped3A : memref<!tpu.dma_semaphore, #tpu.memory_space<semaphore_mem>>)
      %dma_wait3A_239 = arith.constant 0 : i32
      %dma_wait3A_240 = tpu.memref_slice %arg7[%add3A_38, %dma_wait3A_239] : memref<51200x16xf32, #tpu.memory_space<vmem_shared>> -> memref<400x16xf32, #tpu.memory_space<vmem_shared>>
      %dma_wait3A_241 = arith.constant 0 : i32
      %dma_wait3A_242 = tpu.memref_slice %arg7[%add3A_38, %dma_wait3A_241] : memref<51200x16xf32, #tpu.memory_space<vmem_shared>> -> memref<400x16xf32, #tpu.memory_space<vmem_shared>>
      tpu.wait_dma2 semaphore(%run_scoped3A : memref<!tpu.dma_semaphore, #tpu.memory_space<semaphore_mem>>) src(%arg8 : memref<400x16xf32, #tpu.memory_space<vmem>>) dst(%dma_wait3A_242 : memref<400x16xf32, #tpu.memory_space<vmem_shared>>)
      tpu.yield
    }) : () -> ()
    %barrier3A = arith.constant 0 : index
    tpu.barrier barrier_id(%barrier3A)
    %mul3A_39 = arith.constant 3136 : i32
    %mul3A_40 = arith.muli %arg0, %mul3A_39 : i32
    %mul3A_41 = arith.constant 196 : i32
    %mul3A_42 = arith.muli %arg1, %mul3A_41 : i32
    %add3A_43 = arith.addi %mul3A_40, %mul3A_42 : i32
    %add3A_44 = arith.constant 0 : i32
    %add3A_45 = arith.addi %add3A_43, %add3A_44 : i32
    %dma_start3A = arith.constant 0 : i32
    %dma_start3A_46 = tpu.memref_slice %arg3[%add3A_45, %dma_start3A] : memref<6272x128xi32, #tpu.memory_space<hbm>> -> memref<4x128xi32, #tpu.memory_space<hbm>>
    %dma_start3A_47 = arith.constant 0 : i32
    %dma_start3A_48 = tpu.memref_slice %arg3[%add3A_45, %dma_start3A_47] : memref<6272x128xi32, #tpu.memory_space<hbm>> -> memref<4x128xi32, #tpu.memory_space<hbm>>
    tpu.enqueue_dma source(%dma_start3A_48 : memref<4x128xi32, #tpu.memory_space<hbm>>) target(%arg9 : memref<4x128xi32, #tpu.memory_space<vmem>>) target_semaphore(%arg15 : memref<!tpu.dma_semaphore, #tpu.memory_space<semaphore_mem>>)
    %add3A_49 = arith.constant 0 : i32
    %add3A_50 = arith.addi %add3A_43, %add3A_49 : i32
    %dma_start3A_51 = arith.constant 0 : i32
    %dma_start3A_52 = tpu.memref_slice %arg4[%add3A_50, %dma_start3A_51] : memref<6272x128xi32, #tpu.memory_space<hbm>> -> memref<4x128xi32, #tpu.memory_space<hbm>>
    %dma_start3A_53 = arith.constant 0 : i32
    %dma_start3A_54 = tpu.memref_slice %arg4[%add3A_50, %dma_start3A_53] : memref<6272x128xi32, #tpu.memory_space<hbm>> -> memref<4x128xi32, #tpu.memory_space<hbm>>
    tpu.enqueue_dma source(%dma_start3A_54 : memref<4x128xi32, #tpu.memory_space<hbm>>) target(%arg10 : memref<4x128xi32, #tpu.memory_space<vmem>>) target_semaphore(%arg15 : memref<!tpu.dma_semaphore, #tpu.memory_space<semaphore_mem>>)
    %scan3A_55 = arith.constant 0 : i32
    %scan3A_56 = arith.constant 0 : i32
    %scan3A_57 = arith.constant 24 : i32
    %scan3A_58 = arith.addi %scan3A_56, %scan3A_57 : i32
    %scan3A_59 = arith.constant 1 : i32
    scf.for %scan3A_235 = %scan3A_56 to %scan3A_58 step %scan3A_59  : i32 {
      %mul3A_236 = arith.constant 2 : i32
      %mul3A_237 = arith.muli %scan3A_235, %mul3A_236 : i32
      %add3A_238 = arith.constant 1 : i32
      %add3A_239 = arith.addi %mul3A_237, %add3A_238 : i32
      %mul3A_240 = arith.constant 4 : i32
      %mul3A_241 = arith.muli %add3A_239, %mul3A_240 : i32
      %add3A_242 = arith.addi %add3A_43, %mul3A_241 : i32
      %dma_start3A_243 = arith.constant 0 : i32
      %dma_start3A_244 = tpu.memref_slice %arg3[%add3A_242, %dma_start3A_243] : memref<6272x128xi32, #tpu.memory_space<hbm>> -> memref<4x128xi32, #tpu.memory_space<hbm>>
      %dma_start3A_245 = arith.constant 0 : i32
      %dma_start3A_246 = tpu.memref_slice %arg3[%add3A_242, %dma_start3A_245] : memref<6272x128xi32, #tpu.memory_space<hbm>> -> memref<4x128xi32, #tpu.memory_space<hbm>>
      tpu.enqueue_dma source(%dma_start3A_246 : memref<4x128xi32, #tpu.memory_space<hbm>>) target(%arg11 : memref<4x128xi32, #tpu.memory_space<vmem>>) target_semaphore(%arg15 : memref<!tpu.dma_semaphore, #tpu.memory_space<semaphore_mem>>)
      %mul3A_247 = arith.constant 4 : i32
      %mul3A_248 = arith.muli %add3A_239, %mul3A_247 : i32
      %add3A_249 = arith.addi %add3A_43, %mul3A_248 : i32
      %dma_start3A_250 = arith.constant 0 : i32
      %dma_start3A_251 = tpu.memref_slice %arg4[%add3A_249, %dma_start3A_250] : memref<6272x128xi32, #tpu.memory_space<hbm>> -> memref<4x128xi32, #tpu.memory_space<hbm>>
      %dma_start3A_252 = arith.constant 0 : i32
      %dma_start3A_253 = tpu.memref_slice %arg4[%add3A_249, %dma_start3A_252] : memref<6272x128xi32, #tpu.memory_space<hbm>> -> memref<4x128xi32, #tpu.memory_space<hbm>>
      tpu.enqueue_dma source(%dma_start3A_253 : memref<4x128xi32, #tpu.memory_space<hbm>>) target(%arg12 : memref<4x128xi32, #tpu.memory_space<vmem>>) target_semaphore(%arg15 : memref<!tpu.dma_semaphore, #tpu.memory_space<semaphore_mem>>)
      %dma_wait3A_254 = arith.constant 0 : i32
      %dma_wait3A_255 = tpu.memref_slice %arg3[%add3A_43, %dma_wait3A_254] : memref<6272x128xi32, #tpu.memory_space<hbm>> -> memref<4x128xi32, #tpu.memory_space<hbm>>
      %dma_wait3A_256 = arith.constant 0 : i32
      %dma_wait3A_257 = tpu.memref_slice %arg3[%add3A_43, %dma_wait3A_256] : memref<6272x128xi32, #tpu.memory_space<hbm>> -> memref<4x128xi32, #tpu.memory_space<hbm>>
      tpu.wait_dma2 semaphore(%arg15 : memref<!tpu.dma_semaphore, #tpu.memory_space<semaphore_mem>>) src(%dma_wait3A_257 : memref<4x128xi32, #tpu.memory_space<hbm>>) dst(%arg9 : memref<4x128xi32, #tpu.memory_space<vmem>>)
      %dma_wait3A_258 = arith.constant 0 : i32
      %dma_wait3A_259 = tpu.memref_slice %arg4[%add3A_43, %dma_wait3A_258] : memref<6272x128xi32, #tpu.memory_space<hbm>> -> memref<4x128xi32, #tpu.memory_space<hbm>>
      %dma_wait3A_260 = arith.constant 0 : i32
      %dma_wait3A_261 = tpu.memref_slice %arg4[%add3A_43, %dma_wait3A_260] : memref<6272x128xi32, #tpu.memory_space<hbm>> -> memref<4x128xi32, #tpu.memory_space<hbm>>
      tpu.wait_dma2 semaphore(%arg15 : memref<!tpu.dma_semaphore, #tpu.memory_space<semaphore_mem>>) src(%dma_wait3A_261 : memref<4x128xi32, #tpu.memory_space<hbm>>) dst(%arg10 : memref<4x128xi32, #tpu.memory_space<vmem>>)
      %dma_start3A_262 = arith.constant 0 : i32
      %dma_start3A_263 = arith.constant 0 : i32
      %dma_start3A_264 = arith.constant 0 : i32
      %dma_start3A_265 = tpu.memref_slice %arg13[%dma_start3A_263, %dma_start3A_264] : memref<512x16xf32, #tpu.memory_space<vmem>> -> memref<128x16xf32, #tpu.memory_space<vmem>>
      %dma_start3A_266 = arith.constant 0 : i32
      %dma_start3A_267 = tpu.memref_slice %arg9[%dma_start3A_262, %dma_start3A_266] : memref<4x128xi32, #tpu.memory_space<vmem>> -> memref<1x128xi32, #tpu.memory_space<vmem>>
      %dma_start3A_268 = tpu.memref_squeeze %dma_start3A_267 : memref<1x128xi32, #tpu.memory_space<vmem>> -> memref<128xi32, #tpu.memory_space<vmem>>
      %dma_start3A_269 = arith.constant 0 : i32
      %dma_start3A_270 = arith.constant 0 : i32
      %dma_start3A_271 = tpu.memref_slice %arg6[%dma_start3A_269, %dma_start3A_270] : memref<51200x16xf32, #tpu.memory_space<vmem_shared>> -> memref<51200x16xf32, #tpu.memory_space<vmem_shared>>
      tpu.enqueue_indirect_dma source(%dma_start3A_271 : memref<51200x16xf32, #tpu.memory_space<vmem_shared>>) target(%dma_start3A_265 : memref<128x16xf32, #tpu.memory_space<vmem>>) offsets(%dma_start3A_268 : memref<128xi32, #tpu.memory_space<vmem>>) semaphore(%arg14 : memref<!tpu.dma_semaphore, #tpu.memory_space<semaphore_mem>>)
      %dma_start3A_272 = arith.constant 1 : i32
      %dma_start3A_273 = arith.constant 128 : i32
      %dma_start3A_274 = arith.constant 0 : i32
      %dma_start3A_275 = tpu.memref_slice %arg13[%dma_start3A_273, %dma_start3A_274] : memref<512x16xf32, #tpu.memory_space<vmem>> -> memref<128x16xf32, #tpu.memory_space<vmem>>
      %dma_start3A_276 = arith.constant 0 : i32
      %dma_start3A_277 = tpu.memref_slice %arg9[%dma_start3A_272, %dma_start3A_276] : memref<4x128xi32, #tpu.memory_space<vmem>> -> memref<1x128xi32, #tpu.memory_space<vmem>>
      %dma_start3A_278 = tpu.memref_squeeze %dma_start3A_277 : memref<1x128xi32, #tpu.memory_space<vmem>> -> memref<128xi32, #tpu.memory_space<vmem>>
      %dma_start3A_279 = arith.constant 0 : i32
      %dma_start3A_280 = arith.constant 0 : i32
      %dma_start3A_281 = tpu.memref_slice %arg6[%dma_start3A_279, %dma_start3A_280] : memref<51200x16xf32, #tpu.memory_space<vmem_shared>> -> memref<51200x16xf32, #tpu.memory_space<vmem_shared>>
      tpu.enqueue_indirect_dma source(%dma_start3A_281 : memref<51200x16xf32, #tpu.memory_space<vmem_shared>>) target(%dma_start3A_275 : memref<128x16xf32, #tpu.memory_space<vmem>>) offsets(%dma_start3A_278 : memref<128xi32, #tpu.memory_space<vmem>>) semaphore(%arg14 : memref<!tpu.dma_semaphore, #tpu.memory_space<semaphore_mem>>)
      %dma_start3A_282 = arith.constant 2 : i32
      %dma_start3A_283 = arith.constant 256 : i32
      %dma_start3A_284 = arith.constant 0 : i32
      %dma_start3A_285 = tpu.memref_slice %arg13[%dma_start3A_283, %dma_start3A_284] : memref<512x16xf32, #tpu.memory_space<vmem>> -> memref<128x16xf32, #tpu.memory_space<vmem>>
      %dma_start3A_286 = arith.constant 0 : i32
      %dma_start3A_287 = tpu.memref_slice %arg9[%dma_start3A_282, %dma_start3A_286] : memref<4x128xi32, #tpu.memory_space<vmem>> -> memref<1x128xi32, #tpu.memory_space<vmem>>
      %dma_start3A_288 = tpu.memref_squeeze %dma_start3A_287 : memref<1x128xi32, #tpu.memory_space<vmem>> -> memref<128xi32, #tpu.memory_space<vmem>>
      %dma_start3A_289 = arith.constant 0 : i32
      %dma_start3A_290 = arith.constant 0 : i32
      %dma_start3A_291 = tpu.memref_slice %arg6[%dma_start3A_289, %dma_start3A_290] : memref<51200x16xf32, #tpu.memory_space<vmem_shared>> -> memref<51200x16xf32, #tpu.memory_space<vmem_shared>>
      tpu.enqueue_indirect_dma source(%dma_start3A_291 : memref<51200x16xf32, #tpu.memory_space<vmem_shared>>) target(%dma_start3A_285 : memref<128x16xf32, #tpu.memory_space<vmem>>) offsets(%dma_start3A_288 : memref<128xi32, #tpu.memory_space<vmem>>) semaphore(%arg14 : memref<!tpu.dma_semaphore, #tpu.memory_space<semaphore_mem>>)
      %dma_start3A_292 = arith.constant 3 : i32
      %dma_start3A_293 = arith.constant 384 : i32
      %dma_start3A_294 = arith.constant 0 : i32
      %dma_start3A_295 = tpu.memref_slice %arg13[%dma_start3A_293, %dma_start3A_294] : memref<512x16xf32, #tpu.memory_space<vmem>> -> memref<128x16xf32, #tpu.memory_space<vmem>>
      %dma_start3A_296 = arith.constant 0 : i32
      %dma_start3A_297 = tpu.memref_slice %arg9[%dma_start3A_292, %dma_start3A_296] : memref<4x128xi32, #tpu.memory_space<vmem>> -> memref<1x128xi32, #tpu.memory_space<vmem>>
      %dma_start3A_298 = tpu.memref_squeeze %dma_start3A_297 : memref<1x128xi32, #tpu.memory_space<vmem>> -> memref<128xi32, #tpu.memory_space<vmem>>
      %dma_start3A_299 = arith.constant 0 : i32
      %dma_start3A_300 = arith.constant 0 : i32
      %dma_start3A_301 = tpu.memref_slice %arg6[%dma_start3A_299, %dma_start3A_300] : memref<51200x16xf32, #tpu.memory_space<vmem_shared>> -> memref<51200x16xf32, #tpu.memory_space<vmem_shared>>
      tpu.enqueue_indirect_dma source(%dma_start3A_301 : memref<51200x16xf32, #tpu.memory_space<vmem_shared>>) target(%dma_start3A_295 : memref<128x16xf32, #tpu.memory_space<vmem>>) offsets(%dma_start3A_298 : memref<128xi32, #tpu.memory_space<vmem>>) semaphore(%arg14 : memref<!tpu.dma_semaphore, #tpu.memory_space<semaphore_mem>>)
      %dma_wait3A_302 = arith.constant 0 : i32
      %dma_wait3A_303 = arith.constant 0 : i32
      %dma_wait3A_304 = arith.constant 0 : i32
      %dma_wait3A_305 = tpu.memref_slice %arg13[%dma_wait3A_303, %dma_wait3A_304] : memref<512x16xf32, #tpu.memory_space<vmem>> -> memref<128x16xf32, #tpu.memory_space<vmem>>
      %dma_wait3A_306 = arith.constant 0 : i32
      %dma_wait3A_307 = tpu.memref_slice %arg9[%dma_wait3A_302, %dma_wait3A_306] : memref<4x128xi32, #tpu.memory_space<vmem>> -> memref<1x128xi32, #tpu.memory_space<vmem>>
      %dma_wait3A_308 = tpu.memref_squeeze %dma_wait3A_307 : memref<1x128xi32, #tpu.memory_space<vmem>> -> memref<128xi32, #tpu.memory_space<vmem>>
      %dma_wait3A_309 = arith.constant 0 : i32
      %dma_wait3A_310 = arith.constant 0 : i32
      %dma_wait3A_311 = tpu.memref_slice %arg6[%dma_wait3A_309, %dma_wait3A_310] : memref<51200x16xf32, #tpu.memory_space<vmem_shared>> -> memref<51200x16xf32, #tpu.memory_space<vmem_shared>>
      tpu.wait_indirect_dma semaphore(%arg14 : memref<!tpu.dma_semaphore, #tpu.memory_space<semaphore_mem>>) src(%dma_wait3A_311 : memref<51200x16xf32, #tpu.memory_space<vmem_shared>>) dst(%dma_wait3A_305 : memref<128x16xf32, #tpu.memory_space<vmem>>)
      %dma_wait3A_312 = arith.constant 1 : i32
      %dma_wait3A_313 = arith.constant 128 : i32
      %dma_wait3A_314 = arith.constant 0 : i32
      %dma_wait3A_315 = tpu.memref_slice %arg13[%dma_wait3A_313, %dma_wait3A_314] : memref<512x16xf32, #tpu.memory_space<vmem>> -> memref<128x16xf32, #tpu.memory_space<vmem>>
      %dma_wait3A_316 = arith.constant 0 : i32
      %dma_wait3A_317 = tpu.memref_slice %arg9[%dma_wait3A_312, %dma_wait3A_316] : memref<4x128xi32, #tpu.memory_space<vmem>> -> memref<1x128xi32, #tpu.memory_space<vmem>>
      %dma_wait3A_318 = tpu.memref_squeeze %dma_wait3A_317 : memref<1x128xi32, #tpu.memory_space<vmem>> -> memref<128xi32, #tpu.memory_space<vmem>>
      %dma_wait3A_319 = arith.constant 0 : i32
      %dma_wait3A_320 = arith.constant 0 : i32
      %dma_wait3A_321 = tpu.memref_slice %arg6[%dma_wait3A_319, %dma_wait3A_320] : memref<51200x16xf32, #tpu.memory_space<vmem_shared>> -> memref<51200x16xf32, #tpu.memory_space<vmem_shared>>
      tpu.wait_indirect_dma semaphore(%arg14 : memref<!tpu.dma_semaphore, #tpu.memory_space<semaphore_mem>>) src(%dma_wait3A_321 : memref<51200x16xf32, #tpu.memory_space<vmem_shared>>) dst(%dma_wait3A_315 : memref<128x16xf32, #tpu.memory_space<vmem>>)
      %dma_wait3A_322 = arith.constant 2 : i32
      %dma_wait3A_323 = arith.constant 256 : i32
      %dma_wait3A_324 = arith.constant 0 : i32
      %dma_wait3A_325 = tpu.memref_slice %arg13[%dma_wait3A_323, %dma_wait3A_324] : memref<512x16xf32, #tpu.memory_space<vmem>> -> memref<128x16xf32, #tpu.memory_space<vmem>>
      %dma_wait3A_326 = arith.constant 0 : i32
      %dma_wait3A_327 = tpu.memref_slice %arg9[%dma_wait3A_322, %dma_wait3A_326] : memref<4x128xi32, #tpu.memory_space<vmem>> -> memref<1x128xi32, #tpu.memory_space<vmem>>
      %dma_wait3A_328 = tpu.memref_squeeze %dma_wait3A_327 : memref<1x128xi32, #tpu.memory_space<vmem>> -> memref<128xi32, #tpu.memory_space<vmem>>
      %dma_wait3A_329 = arith.constant 0 : i32
      %dma_wait3A_330 = arith.constant 0 : i32
      %dma_wait3A_331 = tpu.memref_slice %arg6[%dma_wait3A_329, %dma_wait3A_330] : memref<51200x16xf32, #tpu.memory_space<vmem_shared>> -> memref<51200x16xf32, #tpu.memory_space<vmem_shared>>
      tpu.wait_indirect_dma semaphore(%arg14 : memref<!tpu.dma_semaphore, #tpu.memory_space<semaphore_mem>>) src(%dma_wait3A_331 : memref<51200x16xf32, #tpu.memory_space<vmem_shared>>) dst(%dma_wait3A_325 : memref<128x16xf32, #tpu.memory_space<vmem>>)
      %dma_wait3A_332 = arith.constant 3 : i32
      %dma_wait3A_333 = arith.constant 384 : i32
      %dma_wait3A_334 = arith.constant 0 : i32
      %dma_wait3A_335 = tpu.memref_slice %arg13[%dma_wait3A_333, %dma_wait3A_334] : memref<512x16xf32, #tpu.memory_space<vmem>> -> memref<128x16xf32, #tpu.memory_space<vmem>>
      %dma_wait3A_336 = arith.constant 0 : i32
      %dma_wait3A_337 = tpu.memref_slice %arg9[%dma_wait3A_332, %dma_wait3A_336] : memref<4x128xi32, #tpu.memory_space<vmem>> -> memref<1x128xi32, #tpu.memory_space<vmem>>
      %dma_wait3A_338 = tpu.memref_squeeze %dma_wait3A_337 : memref<1x128xi32, #tpu.memory_space<vmem>> -> memref<128xi32, #tpu.memory_space<vmem>>
      %dma_wait3A_339 = arith.constant 0 : i32
      %dma_wait3A_340 = arith.constant 0 : i32
      %dma_wait3A_341 = tpu.memref_slice %arg6[%dma_wait3A_339, %dma_wait3A_340] : memref<51200x16xf32, #tpu.memory_space<vmem_shared>> -> memref<51200x16xf32, #tpu.memory_space<vmem_shared>>
      tpu.wait_indirect_dma semaphore(%arg14 : memref<!tpu.dma_semaphore, #tpu.memory_space<semaphore_mem>>) src(%dma_wait3A_341 : memref<51200x16xf32, #tpu.memory_space<vmem_shared>>) dst(%dma_wait3A_335 : memref<128x16xf32, #tpu.memory_space<vmem>>)
      %dma_start3A_342 = arith.constant 0 : i32
      %dma_start3A_343 = arith.constant 0 : i32
      %dma_start3A_344 = arith.constant 0 : i32
      %dma_start3A_345 = tpu.memref_slice %arg13[%dma_start3A_343, %dma_start3A_344] : memref<512x16xf32, #tpu.memory_space<vmem>> -> memref<128x16xf32, #tpu.memory_space<vmem>>
      %dma_start3A_346 = arith.constant 0 : i32
      %dma_start3A_347 = tpu.memref_slice %arg10[%dma_start3A_342, %dma_start3A_346] : memref<4x128xi32, #tpu.memory_space<vmem>> -> memref<1x128xi32, #tpu.memory_space<vmem>>
      %dma_start3A_348 = tpu.memref_squeeze %dma_start3A_347 : memref<1x128xi32, #tpu.memory_space<vmem>> -> memref<128xi32, #tpu.memory_space<vmem>>
      %dma_start3A_349 = arith.constant 0 : i32
      %dma_start3A_350 = arith.constant 0 : i32
      %dma_start3A_351 = tpu.memref_slice %arg7[%dma_start3A_349, %dma_start3A_350] : memref<51200x16xf32, #tpu.memory_space<vmem_shared>> -> memref<51200x16xf32, #tpu.memory_space<vmem_shared>>
      tpu.enqueue_indirect_dma source(%dma_start3A_345 : memref<128x16xf32, #tpu.memory_space<vmem>>) target(%dma_start3A_351 : memref<51200x16xf32, #tpu.memory_space<vmem_shared>>) offsets(%dma_start3A_348 : memref<128xi32, #tpu.memory_space<vmem>>) semaphore(%arg14 : memref<!tpu.dma_semaphore, #tpu.memory_space<semaphore_mem>>) {add = true}
      %dma_start3A_352 = arith.constant 1 : i32
      %dma_start3A_353 = arith.constant 128 : i32
      %dma_start3A_354 = arith.constant 0 : i32
      %dma_start3A_355 = tpu.memref_slice %arg13[%dma_start3A_353, %dma_start3A_354] : memref<512x16xf32, #tpu.memory_space<vmem>> -> memref<128x16xf32, #tpu.memory_space<vmem>>
      %dma_start3A_356 = arith.constant 0 : i32
      %dma_start3A_357 = tpu.memref_slice %arg10[%dma_start3A_352, %dma_start3A_356] : memref<4x128xi32, #tpu.memory_space<vmem>> -> memref<1x128xi32, #tpu.memory_space<vmem>>
      %dma_start3A_358 = tpu.memref_squeeze %dma_start3A_357 : memref<1x128xi32, #tpu.memory_space<vmem>> -> memref<128xi32, #tpu.memory_space<vmem>>
      %dma_start3A_359 = arith.constant 0 : i32
      %dma_start3A_360 = arith.constant 0 : i32
      %dma_start3A_361 = tpu.memref_slice %arg7[%dma_start3A_359, %dma_start3A_360] : memref<51200x16xf32, #tpu.memory_space<vmem_shared>> -> memref<51200x16xf32, #tpu.memory_space<vmem_shared>>
      tpu.enqueue_indirect_dma source(%dma_start3A_355 : memref<128x16xf32, #tpu.memory_space<vmem>>) target(%dma_start3A_361 : memref<51200x16xf32, #tpu.memory_space<vmem_shared>>) offsets(%dma_start3A_358 : memref<128xi32, #tpu.memory_space<vmem>>) semaphore(%arg14 : memref<!tpu.dma_semaphore, #tpu.memory_space<semaphore_mem>>) {add = true}
      %dma_start3A_362 = arith.constant 2 : i32
      %dma_start3A_363 = arith.constant 256 : i32
      %dma_start3A_364 = arith.constant 0 : i32
      %dma_start3A_365 = tpu.memref_slice %arg13[%dma_start3A_363, %dma_start3A_364] : memref<512x16xf32, #tpu.memory_space<vmem>> -> memref<128x16xf32, #tpu.memory_space<vmem>>
      %dma_start3A_366 = arith.constant 0 : i32
      %dma_start3A_367 = tpu.memref_slice %arg10[%dma_start3A_362, %dma_start3A_366] : memref<4x128xi32, #tpu.memory_space<vmem>> -> memref<1x128xi32, #tpu.memory_space<vmem>>
      %dma_start3A_368 = tpu.memref_squeeze %dma_start3A_367 : memref<1x128xi32, #tpu.memory_space<vmem>> -> memref<128xi32, #tpu.memory_space<vmem>>
      %dma_start3A_369 = arith.constant 0 : i32
      %dma_start3A_370 = arith.constant 0 : i32
      %dma_start3A_371 = tpu.memref_slice %arg7[%dma_start3A_369, %dma_start3A_370] : memref<51200x16xf32, #tpu.memory_space<vmem_shared>> -> memref<51200x16xf32, #tpu.memory_space<vmem_shared>>
      tpu.enqueue_indirect_dma source(%dma_start3A_365 : memref<128x16xf32, #tpu.memory_space<vmem>>) target(%dma_start3A_371 : memref<51200x16xf32, #tpu.memory_space<vmem_shared>>) offsets(%dma_start3A_368 : memref<128xi32, #tpu.memory_space<vmem>>) semaphore(%arg14 : memref<!tpu.dma_semaphore, #tpu.memory_space<semaphore_mem>>) {add = true}
      %dma_start3A_372 = arith.constant 3 : i32
      %dma_start3A_373 = arith.constant 384 : i32
      %dma_start3A_374 = arith.constant 0 : i32
      %dma_start3A_375 = tpu.memref_slice %arg13[%dma_start3A_373, %dma_start3A_374] : memref<512x16xf32, #tpu.memory_space<vmem>> -> memref<128x16xf32, #tpu.memory_space<vmem>>
      %dma_start3A_376 = arith.constant 0 : i32
      %dma_start3A_377 = tpu.memref_slice %arg10[%dma_start3A_372, %dma_start3A_376] : memref<4x128xi32, #tpu.memory_space<vmem>> -> memref<1x128xi32, #tpu.memory_space<vmem>>
      %dma_start3A_378 = tpu.memref_squeeze %dma_start3A_377 : memref<1x128xi32, #tpu.memory_space<vmem>> -> memref<128xi32, #tpu.memory_space<vmem>>
      %dma_start3A_379 = arith.constant 0 : i32
      %dma_start3A_380 = arith.constant 0 : i32
      %dma_start3A_381 = tpu.memref_slice %arg7[%dma_start3A_379, %dma_start3A_380] : memref<51200x16xf32, #tpu.memory_space<vmem_shared>> -> memref<51200x16xf32, #tpu.memory_space<vmem_shared>>
      tpu.enqueue_indirect_dma source(%dma_start3A_375 : memref<128x16xf32, #tpu.memory_space<vmem>>) target(%dma_start3A_381 : memref<51200x16xf32, #tpu.memory_space<vmem_shared>>) offsets(%dma_start3A_378 : memref<128xi32, #tpu.memory_space<vmem>>) semaphore(%arg14 : memref<!tpu.dma_semaphore, #tpu.memory_space<semaphore_mem>>) {add = true}
      %dma_wait3A_382 = arith.constant 0 : i32
      %dma_wait3A_383 = arith.constant 0 : i32
      %dma_wait3A_384 = arith.constant 0 : i32
      %dma_wait3A_385 = tpu.memref_slice %arg13[%dma_wait3A_383, %dma_wait3A_384] : memref<512x16xf32, #tpu.memory_space<vmem>> -> memref<128x16xf32, #tpu.memory_space<vmem>>
      %dma_wait3A_386 = arith.constant 0 : i32
      %dma_wait3A_387 = tpu.memref_slice %arg10[%dma_wait3A_382, %dma_wait3A_386] : memref<4x128xi32, #tpu.memory_space<vmem>> -> memref<1x128xi32, #tpu.memory_space<vmem>>
      %dma_wait3A_388 = tpu.memref_squeeze %dma_wait3A_387 : memref<1x128xi32, #tpu.memory_space<vmem>> -> memref<128xi32, #tpu.memory_space<vmem>>
      %dma_wait3A_389 = arith.constant 0 : i32
      %dma_wait3A_390 = arith.constant 0 : i32
      %dma_wait3A_391 = tpu.memref_slice %arg7[%dma_wait3A_389, %dma_wait3A_390] : memref<51200x16xf32, #tpu.memory_space<vmem_shared>> -> memref<51200x16xf32, #tpu.memory_space<vmem_shared>>
      tpu.wait_indirect_dma semaphore(%arg14 : memref<!tpu.dma_semaphore, #tpu.memory_space<semaphore_mem>>) src(%dma_wait3A_385 : memref<128x16xf32, #tpu.memory_space<vmem>>) dst(%dma_wait3A_391 : memref<51200x16xf32, #tpu.memory_space<vmem_shared>>)
      %dma_wait3A_392 = arith.constant 1 : i32
      %dma_wait3A_393 = arith.constant 128 : i32
      %dma_wait3A_394 = arith.constant 0 : i32
      %dma_wait3A_395 = tpu.memref_slice %arg13[%dma_wait3A_393, %dma_wait3A_394] : memref<512x16xf32, #tpu.memory_space<vmem>> -> memref<128x16xf32, #tpu.memory_space<vmem>>
      %dma_wait3A_396 = arith.constant 0 : i32
      %dma_wait3A_397 = tpu.memref_slice %arg10[%dma_wait3A_392, %dma_wait3A_396] : memref<4x128xi32, #tpu.memory_space<vmem>> -> memref<1x128xi32, #tpu.memory_space<vmem>>
      %dma_wait3A_398 = tpu.memref_squeeze %dma_wait3A_397 : memref<1x128xi32, #tpu.memory_space<vmem>> -> memref<128xi32, #tpu.memory_space<vmem>>
      %dma_wait3A_399 = arith.constant 0 : i32
      %dma_wait3A_400 = arith.constant 0 : i32
      %dma_wait3A_401 = tpu.memref_slice %arg7[%dma_wait3A_399, %dma_wait3A_400] : memref<51200x16xf32, #tpu.memory_space<vmem_shared>> -> memref<51200x16xf32, #tpu.memory_space<vmem_shared>>
      tpu.wait_indirect_dma semaphore(%arg14 : memref<!tpu.dma_semaphore, #tpu.memory_space<semaphore_mem>>) src(%dma_wait3A_395 : memref<128x16xf32, #tpu.memory_space<vmem>>) dst(%dma_wait3A_401 : memref<51200x16xf32, #tpu.memory_space<vmem_shared>>)
      %dma_wait3A_402 = arith.constant 2 : i32
      %dma_wait3A_403 = arith.constant 256 : i32
      %dma_wait3A_404 = arith.constant 0 : i32
      %dma_wait3A_405 = tpu.memref_slice %arg13[%dma_wait3A_403, %dma_wait3A_404] : memref<512x16xf32, #tpu.memory_space<vmem>> -> memref<128x16xf32, #tpu.memory_space<vmem>>
      %dma_wait3A_406 = arith.constant 0 : i32
      %dma_wait3A_407 = tpu.memref_slice %arg10[%dma_wait3A_402, %dma_wait3A_406] : memref<4x128xi32, #tpu.memory_space<vmem>> -> memref<1x128xi32, #tpu.memory_space<vmem>>
      %dma_wait3A_408 = tpu.memref_squeeze %dma_wait3A_407 : memref<1x128xi32, #tpu.memory_space<vmem>> -> memref<128xi32, #tpu.memory_space<vmem>>
      %dma_wait3A_409 = arith.constant 0 : i32
      %dma_wait3A_410 = arith.constant 0 : i32
      %dma_wait3A_411 = tpu.memref_slice %arg7[%dma_wait3A_409, %dma_wait3A_410] : memref<51200x16xf32, #tpu.memory_space<vmem_shared>> -> memref<51200x16xf32, #tpu.memory_space<vmem_shared>>
      tpu.wait_indirect_dma semaphore(%arg14 : memref<!tpu.dma_semaphore, #tpu.memory_space<semaphore_mem>>) src(%dma_wait3A_405 : memref<128x16xf32, #tpu.memory_space<vmem>>) dst(%dma_wait3A_411 : memref<51200x16xf32, #tpu.memory_space<vmem_shared>>)
      %dma_wait3A_412 = arith.constant 3 : i32
      %dma_wait3A_413 = arith.constant 384 : i32
      %dma_wait3A_414 = arith.constant 0 : i32
      %dma_wait3A_415 = tpu.memref_slice %arg13[%dma_wait3A_413, %dma_wait3A_414] : memref<512x16xf32, #tpu.memory_space<vmem>> -> memref<128x16xf32, #tpu.memory_space<vmem>>
      %dma_wait3A_416 = arith.constant 0 : i32
      %dma_wait3A_417 = tpu.memref_slice %arg10[%dma_wait3A_412, %dma_wait3A_416] : memref<4x128xi32, #tpu.memory_space<vmem>> -> memref<1x128xi32, #tpu.memory_space<vmem>>
      %dma_wait3A_418 = tpu.memref_squeeze %dma_wait3A_417 : memref<1x128xi32, #tpu.memory_space<vmem>> -> memref<128xi32, #tpu.memory_space<vmem>>
      %dma_wait3A_419 = arith.constant 0 : i32
      %dma_wait3A_420 = arith.constant 0 : i32
      %dma_wait3A_421 = tpu.memref_slice %arg7[%dma_wait3A_419, %dma_wait3A_420] : memref<51200x16xf32, #tpu.memory_space<vmem_shared>> -> memref<51200x16xf32, #tpu.memory_space<vmem_shared>>
      tpu.wait_indirect_dma semaphore(%arg14 : memref<!tpu.dma_semaphore, #tpu.memory_space<semaphore_mem>>) src(%dma_wait3A_415 : memref<128x16xf32, #tpu.memory_space<vmem>>) dst(%dma_wait3A_421 : memref<51200x16xf32, #tpu.memory_space<vmem_shared>>)
      %add3A_422 = arith.constant 2 : i32
      %add3A_423 = arith.addi %mul3A_237, %add3A_422 : i32
      %min3A = arith.constant 48 : i32
      %min3A_424 = arith.minsi %add3A_423, %min3A : i32
      %mul3A_425 = arith.constant 4 : i32
      %mul3A_426 = arith.muli %min3A_424, %mul3A_425 : i32
      %add3A_427 = arith.addi %add3A_43, %mul3A_426 : i32
      %dma_start3A_428 = arith.constant 0 : i32
      %dma_start3A_429 = tpu.memref_slice %arg3[%add3A_427, %dma_start3A_428] : memref<6272x128xi32, #tpu.memory_space<hbm>> -> memref<4x128xi32, #tpu.memory_space<hbm>>
      %dma_start3A_430 = arith.constant 0 : i32
      %dma_start3A_431 = tpu.memref_slice %arg3[%add3A_427, %dma_start3A_430] : memref<6272x128xi32, #tpu.memory_space<hbm>> -> memref<4x128xi32, #tpu.memory_space<hbm>>
      tpu.enqueue_dma source(%dma_start3A_431 : memref<4x128xi32, #tpu.memory_space<hbm>>) target(%arg9 : memref<4x128xi32, #tpu.memory_space<vmem>>) target_semaphore(%arg15 : memref<!tpu.dma_semaphore, #tpu.memory_space<semaphore_mem>>)
      %mul3A_432 = arith.constant 4 : i32
      %mul3A_433 = arith.muli %min3A_424, %mul3A_432 : i32
      %add3A_434 = arith.addi %add3A_43, %mul3A_433 : i32
      %dma_start3A_435 = arith.constant 0 : i32
      %dma_start3A_436 = tpu.memref_slice %arg4[%add3A_434, %dma_start3A_435] : memref<6272x128xi32, #tpu.memory_space<hbm>> -> memref<4x128xi32, #tpu.memory_space<hbm>>
      %dma_start3A_437 = arith.constant 0 : i32
      %dma_start3A_438 = tpu.memref_slice %arg4[%add3A_434, %dma_start3A_437] : memref<6272x128xi32, #tpu.memory_space<hbm>> -> memref<4x128xi32, #tpu.memory_space<hbm>>
      tpu.enqueue_dma source(%dma_start3A_438 : memref<4x128xi32, #tpu.memory_space<hbm>>) target(%arg10 : memref<4x128xi32, #tpu.memory_space<vmem>>) target_semaphore(%arg15 : memref<!tpu.dma_semaphore, #tpu.memory_space<semaphore_mem>>)
      %dma_wait3A_439 = arith.constant 0 : i32
      %dma_wait3A_440 = tpu.memref_slice %arg3[%add3A_43, %dma_wait3A_439] : memref<6272x128xi32, #tpu.memory_space<hbm>> -> memref<4x128xi32, #tpu.memory_space<hbm>>
      %dma_wait3A_441 = arith.constant 0 : i32
      %dma_wait3A_442 = tpu.memref_slice %arg3[%add3A_43, %dma_wait3A_441] : memref<6272x128xi32, #tpu.memory_space<hbm>> -> memref<4x128xi32, #tpu.memory_space<hbm>>
      tpu.wait_dma2 semaphore(%arg15 : memref<!tpu.dma_semaphore, #tpu.memory_space<semaphore_mem>>) src(%dma_wait3A_442 : memref<4x128xi32, #tpu.memory_space<hbm>>) dst(%arg11 : memref<4x128xi32, #tpu.memory_space<vmem>>)
      %dma_wait3A_443 = arith.constant 0 : i32
      %dma_wait3A_444 = tpu.memref_slice %arg4[%add3A_43, %dma_wait3A_443] : memref<6272x128xi32, #tpu.memory_space<hbm>> -> memref<4x128xi32, #tpu.memory_space<hbm>>
      %dma_wait3A_445 = arith.constant 0 : i32
      %dma_wait3A_446 = tpu.memref_slice %arg4[%add3A_43, %dma_wait3A_445] : memref<6272x128xi32, #tpu.memory_space<hbm>> -> memref<4x128xi32, #tpu.memory_space<hbm>>
      tpu.wait_dma2 semaphore(%arg15 : memref<!tpu.dma_semaphore, #tpu.memory_space<semaphore_mem>>) src(%dma_wait3A_446 : memref<4x128xi32, #tpu.memory_space<hbm>>) dst(%arg12 : memref<4x128xi32, #tpu.memory_space<vmem>>)
      %dma_start3A_447 = arith.constant 0 : i32
      %dma_start3A_448 = arith.constant 0 : i32
      %dma_start3A_449 = arith.constant 0 : i32
      %dma_start3A_450 = tpu.memref_slice %arg13[%dma_start3A_448, %dma_start3A_449] : memref<512x16xf32, #tpu.memory_space<vmem>> -> memref<128x16xf32, #tpu.memory_space<vmem>>
      %dma_start3A_451 = arith.constant 0 : i32
      %dma_start3A_452 = tpu.memref_slice %arg11[%dma_start3A_447, %dma_start3A_451] : memref<4x128xi32, #tpu.memory_space<vmem>> -> memref<1x128xi32, #tpu.memory_space<vmem>>
      %dma_start3A_453 = tpu.memref_squeeze %dma_start3A_452 : memref<1x128xi32, #tpu.memory_space<vmem>> -> memref<128xi32, #tpu.memory_space<vmem>>
      %dma_start3A_454 = arith.constant 0 : i32
      %dma_start3A_455 = arith.constant 0 : i32
      %dma_start3A_456 = tpu.memref_slice %arg6[%dma_start3A_454, %dma_start3A_455] : memref<51200x16xf32, #tpu.memory_space<vmem_shared>> -> memref<51200x16xf32, #tpu.memory_space<vmem_shared>>
      tpu.enqueue_indirect_dma source(%dma_start3A_456 : memref<51200x16xf32, #tpu.memory_space<vmem_shared>>) target(%dma_start3A_450 : memref<128x16xf32, #tpu.memory_space<vmem>>) offsets(%dma_start3A_453 : memref<128xi32, #tpu.memory_space<vmem>>) semaphore(%arg14 : memref<!tpu.dma_semaphore, #tpu.memory_space<semaphore_mem>>)
      %dma_start3A_457 = arith.constant 1 : i32
      %dma_start3A_458 = arith.constant 128 : i32
      %dma_start3A_459 = arith.constant 0 : i32
      %dma_start3A_460 = tpu.memref_slice %arg13[%dma_start3A_458, %dma_start3A_459] : memref<512x16xf32, #tpu.memory_space<vmem>> -> memref<128x16xf32, #tpu.memory_space<vmem>>
      %dma_start3A_461 = arith.constant 0 : i32
      %dma_start3A_462 = tpu.memref_slice %arg11[%dma_start3A_457, %dma_start3A_461] : memref<4x128xi32, #tpu.memory_space<vmem>> -> memref<1x128xi32, #tpu.memory_space<vmem>>
      %dma_start3A_463 = tpu.memref_squeeze %dma_start3A_462 : memref<1x128xi32, #tpu.memory_space<vmem>> -> memref<128xi32, #tpu.memory_space<vmem>>
      %dma_start3A_464 = arith.constant 0 : i32
      %dma_start3A_465 = arith.constant 0 : i32
      %dma_start3A_466 = tpu.memref_slice %arg6[%dma_start3A_464, %dma_start3A_465] : memref<51200x16xf32, #tpu.memory_space<vmem_shared>> -> memref<51200x16xf32, #tpu.memory_space<vmem_shared>>
      tpu.enqueue_indirect_dma source(%dma_start3A_466 : memref<51200x16xf32, #tpu.memory_space<vmem_shared>>) target(%dma_start3A_460 : memref<128x16xf32, #tpu.memory_space<vmem>>) offsets(%dma_start3A_463 : memref<128xi32, #tpu.memory_space<vmem>>) semaphore(%arg14 : memref<!tpu.dma_semaphore, #tpu.memory_space<semaphore_mem>>)
      %dma_start3A_467 = arith.constant 2 : i32
      %dma_start3A_468 = arith.constant 256 : i32
      %dma_start3A_469 = arith.constant 0 : i32
      %dma_start3A_470 = tpu.memref_slice %arg13[%dma_start3A_468, %dma_start3A_469] : memref<512x16xf32, #tpu.memory_space<vmem>> -> memref<128x16xf32, #tpu.memory_space<vmem>>
      %dma_start3A_471 = arith.constant 0 : i32
      %dma_start3A_472 = tpu.memref_slice %arg11[%dma_start3A_467, %dma_start3A_471] : memref<4x128xi32, #tpu.memory_space<vmem>> -> memref<1x128xi32, #tpu.memory_space<vmem>>
      %dma_start3A_473 = tpu.memref_squeeze %dma_start3A_472 : memref<1x128xi32, #tpu.memory_space<vmem>> -> memref<128xi32, #tpu.memory_space<vmem>>
      %dma_start3A_474 = arith.constant 0 : i32
      %dma_start3A_475 = arith.constant 0 : i32
      %dma_start3A_476 = tpu.memref_slice %arg6[%dma_start3A_474, %dma_start3A_475] : memref<51200x16xf32, #tpu.memory_space<vmem_shared>> -> memref<51200x16xf32, #tpu.memory_space<vmem_shared>>
      tpu.enqueue_indirect_dma source(%dma_start3A_476 : memref<51200x16xf32, #tpu.memory_space<vmem_shared>>) target(%dma_start3A_470 : memref<128x16xf32, #tpu.memory_space<vmem>>) offsets(%dma_start3A_473 : memref<128xi32, #tpu.memory_space<vmem>>) semaphore(%arg14 : memref<!tpu.dma_semaphore, #tpu.memory_space<semaphore_mem>>)
      %dma_start3A_477 = arith.constant 3 : i32
      %dma_start3A_478 = arith.constant 384 : i32
      %dma_start3A_479 = arith.constant 0 : i32
      %dma_start3A_480 = tpu.memref_slice %arg13[%dma_start3A_478, %dma_start3A_479] : memref<512x16xf32, #tpu.memory_space<vmem>> -> memref<128x16xf32, #tpu.memory_space<vmem>>
      %dma_start3A_481 = arith.constant 0 : i32
      %dma_start3A_482 = tpu.memref_slice %arg11[%dma_start3A_477, %dma_start3A_481] : memref<4x128xi32, #tpu.memory_space<vmem>> -> memref<1x128xi32, #tpu.memory_space<vmem>>
      %dma_start3A_483 = tpu.memref_squeeze %dma_start3A_482 : memref<1x128xi32, #tpu.memory_space<vmem>> -> memref<128xi32, #tpu.memory_space<vmem>>
      %dma_start3A_484 = arith.constant 0 : i32
      %dma_start3A_485 = arith.constant 0 : i32
      %dma_start3A_486 = tpu.memref_slice %arg6[%dma_start3A_484, %dma_start3A_485] : memref<51200x16xf32, #tpu.memory_space<vmem_shared>> -> memref<51200x16xf32, #tpu.memory_space<vmem_shared>>
      tpu.enqueue_indirect_dma source(%dma_start3A_486 : memref<51200x16xf32, #tpu.memory_space<vmem_shared>>) target(%dma_start3A_480 : memref<128x16xf32, #tpu.memory_space<vmem>>) offsets(%dma_start3A_483 : memref<128xi32, #tpu.memory_space<vmem>>) semaphore(%arg14 : memref<!tpu.dma_semaphore, #tpu.memory_space<semaphore_mem>>)
      %dma_wait3A_487 = arith.constant 0 : i32
      %dma_wait3A_488 = arith.constant 0 : i32
      %dma_wait3A_489 = arith.constant 0 : i32
      %dma_wait3A_490 = tpu.memref_slice %arg13[%dma_wait3A_488, %dma_wait3A_489] : memref<512x16xf32, #tpu.memory_space<vmem>> -> memref<128x16xf32, #tpu.memory_space<vmem>>
      %dma_wait3A_491 = arith.constant 0 : i32
      %dma_wait3A_492 = tpu.memref_slice %arg11[%dma_wait3A_487, %dma_wait3A_491] : memref<4x128xi32, #tpu.memory_space<vmem>> -> memref<1x128xi32, #tpu.memory_space<vmem>>
      %dma_wait3A_493 = tpu.memref_squeeze %dma_wait3A_492 : memref<1x128xi32, #tpu.memory_space<vmem>> -> memref<128xi32, #tpu.memory_space<vmem>>
      %dma_wait3A_494 = arith.constant 0 : i32
      %dma_wait3A_495 = arith.constant 0 : i32
      %dma_wait3A_496 = tpu.memref_slice %arg6[%dma_wait3A_494, %dma_wait3A_495] : memref<51200x16xf32, #tpu.memory_space<vmem_shared>> -> memref<51200x16xf32, #tpu.memory_space<vmem_shared>>
      tpu.wait_indirect_dma semaphore(%arg14 : memref<!tpu.dma_semaphore, #tpu.memory_space<semaphore_mem>>) src(%dma_wait3A_496 : memref<51200x16xf32, #tpu.memory_space<vmem_shared>>) dst(%dma_wait3A_490 : memref<128x16xf32, #tpu.memory_space<vmem>>)
      %dma_wait3A_497 = arith.constant 1 : i32
      %dma_wait3A_498 = arith.constant 128 : i32
      %dma_wait3A_499 = arith.constant 0 : i32
      %dma_wait3A_500 = tpu.memref_slice %arg13[%dma_wait3A_498, %dma_wait3A_499] : memref<512x16xf32, #tpu.memory_space<vmem>> -> memref<128x16xf32, #tpu.memory_space<vmem>>
      %dma_wait3A_501 = arith.constant 0 : i32
      %dma_wait3A_502 = tpu.memref_slice %arg11[%dma_wait3A_497, %dma_wait3A_501] : memref<4x128xi32, #tpu.memory_space<vmem>> -> memref<1x128xi32, #tpu.memory_space<vmem>>
      %dma_wait3A_503 = tpu.memref_squeeze %dma_wait3A_502 : memref<1x128xi32, #tpu.memory_space<vmem>> -> memref<128xi32, #tpu.memory_space<vmem>>
      %dma_wait3A_504 = arith.constant 0 : i32
      %dma_wait3A_505 = arith.constant 0 : i32
      %dma_wait3A_506 = tpu.memref_slice %arg6[%dma_wait3A_504, %dma_wait3A_505] : memref<51200x16xf32, #tpu.memory_space<vmem_shared>> -> memref<51200x16xf32, #tpu.memory_space<vmem_shared>>
      tpu.wait_indirect_dma semaphore(%arg14 : memref<!tpu.dma_semaphore, #tpu.memory_space<semaphore_mem>>) src(%dma_wait3A_506 : memref<51200x16xf32, #tpu.memory_space<vmem_shared>>) dst(%dma_wait3A_500 : memref<128x16xf32, #tpu.memory_space<vmem>>)
      %dma_wait3A_507 = arith.constant 2 : i32
      %dma_wait3A_508 = arith.constant 256 : i32
      %dma_wait3A_509 = arith.constant 0 : i32
      %dma_wait3A_510 = tpu.memref_slice %arg13[%dma_wait3A_508, %dma_wait3A_509] : memref<512x16xf32, #tpu.memory_space<vmem>> -> memref<128x16xf32, #tpu.memory_space<vmem>>
      %dma_wait3A_511 = arith.constant 0 : i32
      %dma_wait3A_512 = tpu.memref_slice %arg11[%dma_wait3A_507, %dma_wait3A_511] : memref<4x128xi32, #tpu.memory_space<vmem>> -> memref<1x128xi32, #tpu.memory_space<vmem>>
      %dma_wait3A_513 = tpu.memref_squeeze %dma_wait3A_512 : memref<1x128xi32, #tpu.memory_space<vmem>> -> memref<128xi32, #tpu.memory_space<vmem>>
      %dma_wait3A_514 = arith.constant 0 : i32
      %dma_wait3A_515 = arith.constant 0 : i32
      %dma_wait3A_516 = tpu.memref_slice %arg6[%dma_wait3A_514, %dma_wait3A_515] : memref<51200x16xf32, #tpu.memory_space<vmem_shared>> -> memref<51200x16xf32, #tpu.memory_space<vmem_shared>>
      tpu.wait_indirect_dma semaphore(%arg14 : memref<!tpu.dma_semaphore, #tpu.memory_space<semaphore_mem>>) src(%dma_wait3A_516 : memref<51200x16xf32, #tpu.memory_space<vmem_shared>>) dst(%dma_wait3A_510 : memref<128x16xf32, #tpu.memory_space<vmem>>)
      %dma_wait3A_517 = arith.constant 3 : i32
      %dma_wait3A_518 = arith.constant 384 : i32
      %dma_wait3A_519 = arith.constant 0 : i32
      %dma_wait3A_520 = tpu.memref_slice %arg13[%dma_wait3A_518, %dma_wait3A_519] : memref<512x16xf32, #tpu.memory_space<vmem>> -> memref<128x16xf32, #tpu.memory_space<vmem>>
      %dma_wait3A_521 = arith.constant 0 : i32
      %dma_wait3A_522 = tpu.memref_slice %arg11[%dma_wait3A_517, %dma_wait3A_521] : memref<4x128xi32, #tpu.memory_space<vmem>> -> memref<1x128xi32, #tpu.memory_space<vmem>>
      %dma_wait3A_523 = tpu.memref_squeeze %dma_wait3A_522 : memref<1x128xi32, #tpu.memory_space<vmem>> -> memref<128xi32, #tpu.memory_space<vmem>>
      %dma_wait3A_524 = arith.constant 0 : i32
      %dma_wait3A_525 = arith.constant 0 : i32
      %dma_wait3A_526 = tpu.memref_slice %arg6[%dma_wait3A_524, %dma_wait3A_525] : memref<51200x16xf32, #tpu.memory_space<vmem_shared>> -> memref<51200x16xf32, #tpu.memory_space<vmem_shared>>
      tpu.wait_indirect_dma semaphore(%arg14 : memref<!tpu.dma_semaphore, #tpu.memory_space<semaphore_mem>>) src(%dma_wait3A_526 : memref<51200x16xf32, #tpu.memory_space<vmem_shared>>) dst(%dma_wait3A_520 : memref<128x16xf32, #tpu.memory_space<vmem>>)
      %dma_start3A_527 = arith.constant 0 : i32
      %dma_start3A_528 = arith.constant 0 : i32
      %dma_start3A_529 = arith.constant 0 : i32
      %dma_start3A_530 = tpu.memref_slice %arg13[%dma_start3A_528, %dma_start3A_529] : memref<512x16xf32, #tpu.memory_space<vmem>> -> memref<128x16xf32, #tpu.memory_space<vmem>>
      %dma_start3A_531 = arith.constant 0 : i32
      %dma_start3A_532 = tpu.memref_slice %arg12[%dma_start3A_527, %dma_start3A_531] : memref<4x128xi32, #tpu.memory_space<vmem>> -> memref<1x128xi32, #tpu.memory_space<vmem>>
      %dma_start3A_533 = tpu.memref_squeeze %dma_start3A_532 : memref<1x128xi32, #tpu.memory_space<vmem>> -> memref<128xi32, #tpu.memory_space<vmem>>
      %dma_start3A_534 = arith.constant 0 : i32
      %dma_start3A_535 = arith.constant 0 : i32
      %dma_start3A_536 = tpu.memref_slice %arg7[%dma_start3A_534, %dma_start3A_535] : memref<51200x16xf32, #tpu.memory_space<vmem_shared>> -> memref<51200x16xf32, #tpu.memory_space<vmem_shared>>
      tpu.enqueue_indirect_dma source(%dma_start3A_530 : memref<128x16xf32, #tpu.memory_space<vmem>>) target(%dma_start3A_536 : memref<51200x16xf32, #tpu.memory_space<vmem_shared>>) offsets(%dma_start3A_533 : memref<128xi32, #tpu.memory_space<vmem>>) semaphore(%arg14 : memref<!tpu.dma_semaphore, #tpu.memory_space<semaphore_mem>>) {add = true}
      %dma_start3A_537 = arith.constant 1 : i32
      %dma_start3A_538 = arith.constant 128 : i32
      %dma_start3A_539 = arith.constant 0 : i32
      %dma_start3A_540 = tpu.memref_slice %arg13[%dma_start3A_538, %dma_start3A_539] : memref<512x16xf32, #tpu.memory_space<vmem>> -> memref<128x16xf32, #tpu.memory_space<vmem>>
      %dma_start3A_541 = arith.constant 0 : i32
      %dma_start3A_542 = tpu.memref_slice %arg12[%dma_start3A_537, %dma_start3A_541] : memref<4x128xi32, #tpu.memory_space<vmem>> -> memref<1x128xi32, #tpu.memory_space<vmem>>
      %dma_start3A_543 = tpu.memref_squeeze %dma_start3A_542 : memref<1x128xi32, #tpu.memory_space<vmem>> -> memref<128xi32, #tpu.memory_space<vmem>>
      %dma_start3A_544 = arith.constant 0 : i32
      %dma_start3A_545 = arith.constant 0 : i32
      %dma_start3A_546 = tpu.memref_slice %arg7[%dma_start3A_544, %dma_start3A_545] : memref<51200x16xf32, #tpu.memory_space<vmem_shared>> -> memref<51200x16xf32, #tpu.memory_space<vmem_shared>>
      tpu.enqueue_indirect_dma source(%dma_start3A_540 : memref<128x16xf32, #tpu.memory_space<vmem>>) target(%dma_start3A_546 : memref<51200x16xf32, #tpu.memory_space<vmem_shared>>) offsets(%dma_start3A_543 : memref<128xi32, #tpu.memory_space<vmem>>) semaphore(%arg14 : memref<!tpu.dma_semaphore, #tpu.memory_space<semaphore_mem>>) {add = true}
      %dma_start3A_547 = arith.constant 2 : i32
      %dma_start3A_548 = arith.constant 256 : i32
      %dma_start3A_549 = arith.constant 0 : i32
      %dma_start3A_550 = tpu.memref_slice %arg13[%dma_start3A_548, %dma_start3A_549] : memref<512x16xf32, #tpu.memory_space<vmem>> -> memref<128x16xf32, #tpu.memory_space<vmem>>
      %dma_start3A_551 = arith.constant 0 : i32
      %dma_start3A_552 = tpu.memref_slice %arg12[%dma_start3A_547, %dma_start3A_551] : memref<4x128xi32, #tpu.memory_space<vmem>> -> memref<1x128xi32, #tpu.memory_space<vmem>>
      %dma_start3A_553 = tpu.memref_squeeze %dma_start3A_552 : memref<1x128xi32, #tpu.memory_space<vmem>> -> memref<128xi32, #tpu.memory_space<vmem>>
      %dma_start3A_554 = arith.constant 0 : i32
      %dma_start3A_555 = arith.constant 0 : i32
      %dma_start3A_556 = tpu.memref_slice %arg7[%dma_start3A_554, %dma_start3A_555] : memref<51200x16xf32, #tpu.memory_space<vmem_shared>> -> memref<51200x16xf32, #tpu.memory_space<vmem_shared>>
      tpu.enqueue_indirect_dma source(%dma_start3A_550 : memref<128x16xf32, #tpu.memory_space<vmem>>) target(%dma_start3A_556 : memref<51200x16xf32, #tpu.memory_space<vmem_shared>>) offsets(%dma_start3A_553 : memref<128xi32, #tpu.memory_space<vmem>>) semaphore(%arg14 : memref<!tpu.dma_semaphore, #tpu.memory_space<semaphore_mem>>) {add = true}
      %dma_start3A_557 = arith.constant 3 : i32
      %dma_start3A_558 = arith.constant 384 : i32
      %dma_start3A_559 = arith.constant 0 : i32
      %dma_start3A_560 = tpu.memref_slice %arg13[%dma_start3A_558, %dma_start3A_559] : memref<512x16xf32, #tpu.memory_space<vmem>> -> memref<128x16xf32, #tpu.memory_space<vmem>>
      %dma_start3A_561 = arith.constant 0 : i32
      %dma_start3A_562 = tpu.memref_slice %arg12[%dma_start3A_557, %dma_start3A_561] : memref<4x128xi32, #tpu.memory_space<vmem>> -> memref<1x128xi32, #tpu.memory_space<vmem>>
      %dma_start3A_563 = tpu.memref_squeeze %dma_start3A_562 : memref<1x128xi32, #tpu.memory_space<vmem>> -> memref<128xi32, #tpu.memory_space<vmem>>
      %dma_start3A_564 = arith.constant 0 : i32
      %dma_start3A_565 = arith.constant 0 : i32
      %dma_start3A_566 = tpu.memref_slice %arg7[%dma_start3A_564, %dma_start3A_565] : memref<51200x16xf32, #tpu.memory_space<vmem_shared>> -> memref<51200x16xf32, #tpu.memory_space<vmem_shared>>
      tpu.enqueue_indirect_dma source(%dma_start3A_560 : memref<128x16xf32, #tpu.memory_space<vmem>>) target(%dma_start3A_566 : memref<51200x16xf32, #tpu.memory_space<vmem_shared>>) offsets(%dma_start3A_563 : memref<128xi32, #tpu.memory_space<vmem>>) semaphore(%arg14 : memref<!tpu.dma_semaphore, #tpu.memory_space<semaphore_mem>>) {add = true}
      %dma_wait3A_567 = arith.constant 0 : i32
      %dma_wait3A_568 = arith.constant 0 : i32
      %dma_wait3A_569 = arith.constant 0 : i32
      %dma_wait3A_570 = tpu.memref_slice %arg13[%dma_wait3A_568, %dma_wait3A_569] : memref<512x16xf32, #tpu.memory_space<vmem>> -> memref<128x16xf32, #tpu.memory_space<vmem>>
      %dma_wait3A_571 = arith.constant 0 : i32
      %dma_wait3A_572 = tpu.memref_slice %arg12[%dma_wait3A_567, %dma_wait3A_571] : memref<4x128xi32, #tpu.memory_space<vmem>> -> memref<1x128xi32, #tpu.memory_space<vmem>>
      %dma_wait3A_573 = tpu.memref_squeeze %dma_wait3A_572 : memref<1x128xi32, #tpu.memory_space<vmem>> -> memref<128xi32, #tpu.memory_space<vmem>>
      %dma_wait3A_574 = arith.constant 0 : i32
      %dma_wait3A_575 = arith.constant 0 : i32
      %dma_wait3A_576 = tpu.memref_slice %arg7[%dma_wait3A_574, %dma_wait3A_575] : memref<51200x16xf32, #tpu.memory_space<vmem_shared>> -> memref<51200x16xf32, #tpu.memory_space<vmem_shared>>
      tpu.wait_indirect_dma semaphore(%arg14 : memref<!tpu.dma_semaphore, #tpu.memory_space<semaphore_mem>>) src(%dma_wait3A_570 : memref<128x16xf32, #tpu.memory_space<vmem>>) dst(%dma_wait3A_576 : memref<51200x16xf32, #tpu.memory_space<vmem_shared>>)
      %dma_wait3A_577 = arith.constant 1 : i32
      %dma_wait3A_578 = arith.constant 128 : i32
      %dma_wait3A_579 = arith.constant 0 : i32
      %dma_wait3A_580 = tpu.memref_slice %arg13[%dma_wait3A_578, %dma_wait3A_579] : memref<512x16xf32, #tpu.memory_space<vmem>> -> memref<128x16xf32, #tpu.memory_space<vmem>>
      %dma_wait3A_581 = arith.constant 0 : i32
      %dma_wait3A_582 = tpu.memref_slice %arg12[%dma_wait3A_577, %dma_wait3A_581] : memref<4x128xi32, #tpu.memory_space<vmem>> -> memref<1x128xi32, #tpu.memory_space<vmem>>
      %dma_wait3A_583 = tpu.memref_squeeze %dma_wait3A_582 : memref<1x128xi32, #tpu.memory_space<vmem>> -> memref<128xi32, #tpu.memory_space<vmem>>
      %dma_wait3A_584 = arith.constant 0 : i32
      %dma_wait3A_585 = arith.constant 0 : i32
      %dma_wait3A_586 = tpu.memref_slice %arg7[%dma_wait3A_584, %dma_wait3A_585] : memref<51200x16xf32, #tpu.memory_space<vmem_shared>> -> memref<51200x16xf32, #tpu.memory_space<vmem_shared>>
      tpu.wait_indirect_dma semaphore(%arg14 : memref<!tpu.dma_semaphore, #tpu.memory_space<semaphore_mem>>) src(%dma_wait3A_580 : memref<128x16xf32, #tpu.memory_space<vmem>>) dst(%dma_wait3A_586 : memref<51200x16xf32, #tpu.memory_space<vmem_shared>>)
      %dma_wait3A_587 = arith.constant 2 : i32
      %dma_wait3A_588 = arith.constant 256 : i32
      %dma_wait3A_589 = arith.constant 0 : i32
      %dma_wait3A_590 = tpu.memref_slice %arg13[%dma_wait3A_588, %dma_wait3A_589] : memref<512x16xf32, #tpu.memory_space<vmem>> -> memref<128x16xf32, #tpu.memory_space<vmem>>
      %dma_wait3A_591 = arith.constant 0 : i32
      %dma_wait3A_592 = tpu.memref_slice %arg12[%dma_wait3A_587, %dma_wait3A_591] : memref<4x128xi32, #tpu.memory_space<vmem>> -> memref<1x128xi32, #tpu.memory_space<vmem>>
      %dma_wait3A_593 = tpu.memref_squeeze %dma_wait3A_592 : memref<1x128xi32, #tpu.memory_space<vmem>> -> memref<128xi32, #tpu.memory_space<vmem>>
      %dma_wait3A_594 = arith.constant 0 : i32
      %dma_wait3A_595 = arith.constant 0 : i32
      %dma_wait3A_596 = tpu.memref_slice %arg7[%dma_wait3A_594, %dma_wait3A_595] : memref<51200x16xf32, #tpu.memory_space<vmem_shared>> -> memref<51200x16xf32, #tpu.memory_space<vmem_shared>>
      tpu.wait_indirect_dma semaphore(%arg14 : memref<!tpu.dma_semaphore, #tpu.memory_space<semaphore_mem>>) src(%dma_wait3A_590 : memref<128x16xf32, #tpu.memory_space<vmem>>) dst(%dma_wait3A_596 : memref<51200x16xf32, #tpu.memory_space<vmem_shared>>)
      %dma_wait3A_597 = arith.constant 3 : i32
      %dma_wait3A_598 = arith.constant 384 : i32
      %dma_wait3A_599 = arith.constant 0 : i32
      %dma_wait3A_600 = tpu.memref_slice %arg13[%dma_wait3A_598, %dma_wait3A_599] : memref<512x16xf32, #tpu.memory_space<vmem>> -> memref<128x16xf32, #tpu.memory_space<vmem>>
      %dma_wait3A_601 = arith.constant 0 : i32
      %dma_wait3A_602 = tpu.memref_slice %arg12[%dma_wait3A_597, %dma_wait3A_601] : memref<4x128xi32, #tpu.memory_space<vmem>> -> memref<1x128xi32, #tpu.memory_space<vmem>>
      %dma_wait3A_603 = tpu.memref_squeeze %dma_wait3A_602 : memref<1x128xi32, #tpu.memory_space<vmem>> -> memref<128xi32, #tpu.memory_space<vmem>>
      %dma_wait3A_604 = arith.constant 0 : i32
      %dma_wait3A_605 = arith.constant 0 : i32
      %dma_wait3A_606 = tpu.memref_slice %arg7[%dma_wait3A_604, %dma_wait3A_605] : memref<51200x16xf32, #tpu.memory_space<vmem_shared>> -> memref<51200x16xf32, #tpu.memory_space<vmem_shared>>
      tpu.wait_indirect_dma semaphore(%arg14 : memref<!tpu.dma_semaphore, #tpu.memory_space<semaphore_mem>>) src(%dma_wait3A_600 : memref<128x16xf32, #tpu.memory_space<vmem>>) dst(%dma_wait3A_606 : memref<51200x16xf32, #tpu.memory_space<vmem_shared>>)
    }
    %scan3A_60 = arith.constant 24 : i32
    %dma_wait3A = arith.constant 0 : i32
    %dma_wait3A_61 = tpu.memref_slice %arg3[%add3A_43, %dma_wait3A] : memref<6272x128xi32, #tpu.memory_space<hbm>> -> memref<4x128xi32, #tpu.memory_space<hbm>>
    %dma_wait3A_62 = arith.constant 0 : i32
    %dma_wait3A_63 = tpu.memref_slice %arg3[%add3A_43, %dma_wait3A_62] : memref<6272x128xi32, #tpu.memory_space<hbm>> -> memref<4x128xi32, #tpu.memory_space<hbm>>
    tpu.wait_dma2 semaphore(%arg15 : memref<!tpu.dma_semaphore, #tpu.memory_space<semaphore_mem>>) src(%dma_wait3A_63 : memref<4x128xi32, #tpu.memory_space<hbm>>) dst(%arg9 : memref<4x128xi32, #tpu.memory_space<vmem>>)
    %dma_wait3A_64 = arith.constant 0 : i32
    %dma_wait3A_65 = tpu.memref_slice %arg4[%add3A_43, %dma_wait3A_64] : memref<6272x128xi32, #tpu.memory_space<hbm>> -> memref<4x128xi32, #tpu.memory_space<hbm>>
    %dma_wait3A_66 = arith.constant 0 : i32
    %dma_wait3A_67 = tpu.memref_slice %arg4[%add3A_43, %dma_wait3A_66] : memref<6272x128xi32, #tpu.memory_space<hbm>> -> memref<4x128xi32, #tpu.memory_space<hbm>>
    tpu.wait_dma2 semaphore(%arg15 : memref<!tpu.dma_semaphore, #tpu.memory_space<semaphore_mem>>) src(%dma_wait3A_67 : memref<4x128xi32, #tpu.memory_space<hbm>>) dst(%arg10 : memref<4x128xi32, #tpu.memory_space<vmem>>)
    %dma_start3A_68 = arith.constant 0 : i32
    %dma_start3A_69 = arith.constant 0 : i32
    %dma_start3A_70 = arith.constant 0 : i32
    %dma_start3A_71 = tpu.memref_slice %arg13[%dma_start3A_69, %dma_start3A_70] : memref<512x16xf32, #tpu.memory_space<vmem>> -> memref<128x16xf32, #tpu.memory_space<vmem>>
    %dma_start3A_72 = arith.constant 0 : i32
    %dma_start3A_73 = tpu.memref_slice %arg9[%dma_start3A_68, %dma_start3A_72] : memref<4x128xi32, #tpu.memory_space<vmem>> -> memref<1x128xi32, #tpu.memory_space<vmem>>
    %dma_start3A_74 = tpu.memref_squeeze %dma_start3A_73 : memref<1x128xi32, #tpu.memory_space<vmem>> -> memref<128xi32, #tpu.memory_space<vmem>>
    %dma_start3A_75 = arith.constant 0 : i32
    %dma_start3A_76 = arith.constant 0 : i32
    %dma_start3A_77 = tpu.memref_slice %arg6[%dma_start3A_75, %dma_start3A_76] : memref<51200x16xf32, #tpu.memory_space<vmem_shared>> -> memref<51200x16xf32, #tpu.memory_space<vmem_shared>>
    tpu.enqueue_indirect_dma source(%dma_start3A_77 : memref<51200x16xf32, #tpu.memory_space<vmem_shared>>) target(%dma_start3A_71 : memref<128x16xf32, #tpu.memory_space<vmem>>) offsets(%dma_start3A_74 : memref<128xi32, #tpu.memory_space<vmem>>) semaphore(%arg14 : memref<!tpu.dma_semaphore, #tpu.memory_space<semaphore_mem>>)
    %dma_start3A_78 = arith.constant 1 : i32
    %dma_start3A_79 = arith.constant 128 : i32
    %dma_start3A_80 = arith.constant 0 : i32
    %dma_start3A_81 = tpu.memref_slice %arg13[%dma_start3A_79, %dma_start3A_80] : memref<512x16xf32, #tpu.memory_space<vmem>> -> memref<128x16xf32, #tpu.memory_space<vmem>>
    %dma_start3A_82 = arith.constant 0 : i32
    %dma_start3A_83 = tpu.memref_slice %arg9[%dma_start3A_78, %dma_start3A_82] : memref<4x128xi32, #tpu.memory_space<vmem>> -> memref<1x128xi32, #tpu.memory_space<vmem>>
    %dma_start3A_84 = tpu.memref_squeeze %dma_start3A_83 : memref<1x128xi32, #tpu.memory_space<vmem>> -> memref<128xi32, #tpu.memory_space<vmem>>
    %dma_start3A_85 = arith.constant 0 : i32
    %dma_start3A_86 = arith.constant 0 : i32
    %dma_start3A_87 = tpu.memref_slice %arg6[%dma_start3A_85, %dma_start3A_86] : memref<51200x16xf32, #tpu.memory_space<vmem_shared>> -> memref<51200x16xf32, #tpu.memory_space<vmem_shared>>
    tpu.enqueue_indirect_dma source(%dma_start3A_87 : memref<51200x16xf32, #tpu.memory_space<vmem_shared>>) target(%dma_start3A_81 : memref<128x16xf32, #tpu.memory_space<vmem>>) offsets(%dma_start3A_84 : memref<128xi32, #tpu.memory_space<vmem>>) semaphore(%arg14 : memref<!tpu.dma_semaphore, #tpu.memory_space<semaphore_mem>>)
    %dma_start3A_88 = arith.constant 2 : i32
    %dma_start3A_89 = arith.constant 256 : i32
    %dma_start3A_90 = arith.constant 0 : i32
    %dma_start3A_91 = tpu.memref_slice %arg13[%dma_start3A_89, %dma_start3A_90] : memref<512x16xf32, #tpu.memory_space<vmem>> -> memref<128x16xf32, #tpu.memory_space<vmem>>
    %dma_start3A_92 = arith.constant 0 : i32
    %dma_start3A_93 = tpu.memref_slice %arg9[%dma_start3A_88, %dma_start3A_92] : memref<4x128xi32, #tpu.memory_space<vmem>> -> memref<1x128xi32, #tpu.memory_space<vmem>>
    %dma_start3A_94 = tpu.memref_squeeze %dma_start3A_93 : memref<1x128xi32, #tpu.memory_space<vmem>> -> memref<128xi32, #tpu.memory_space<vmem>>
    %dma_start3A_95 = arith.constant 0 : i32
    %dma_start3A_96 = arith.constant 0 : i32
    %dma_start3A_97 = tpu.memref_slice %arg6[%dma_start3A_95, %dma_start3A_96] : memref<51200x16xf32, #tpu.memory_space<vmem_shared>> -> memref<51200x16xf32, #tpu.memory_space<vmem_shared>>
    tpu.enqueue_indirect_dma source(%dma_start3A_97 : memref<51200x16xf32, #tpu.memory_space<vmem_shared>>) target(%dma_start3A_91 : memref<128x16xf32, #tpu.memory_space<vmem>>) offsets(%dma_start3A_94 : memref<128xi32, #tpu.memory_space<vmem>>) semaphore(%arg14 : memref<!tpu.dma_semaphore, #tpu.memory_space<semaphore_mem>>)
    %dma_start3A_98 = arith.constant 3 : i32
    %dma_start3A_99 = arith.constant 384 : i32
    %dma_start3A_100 = arith.constant 0 : i32
    %dma_start3A_101 = tpu.memref_slice %arg13[%dma_start3A_99, %dma_start3A_100] : memref<512x16xf32, #tpu.memory_space<vmem>> -> memref<128x16xf32, #tpu.memory_space<vmem>>
    %dma_start3A_102 = arith.constant 0 : i32
    %dma_start3A_103 = tpu.memref_slice %arg9[%dma_start3A_98, %dma_start3A_102] : memref<4x128xi32, #tpu.memory_space<vmem>> -> memref<1x128xi32, #tpu.memory_space<vmem>>
    %dma_start3A_104 = tpu.memref_squeeze %dma_start3A_103 : memref<1x128xi32, #tpu.memory_space<vmem>> -> memref<128xi32, #tpu.memory_space<vmem>>
    %dma_start3A_105 = arith.constant 0 : i32
    %dma_start3A_106 = arith.constant 0 : i32
    %dma_start3A_107 = tpu.memref_slice %arg6[%dma_start3A_105, %dma_start3A_106] : memref<51200x16xf32, #tpu.memory_space<vmem_shared>> -> memref<51200x16xf32, #tpu.memory_space<vmem_shared>>
    tpu.enqueue_indirect_dma source(%dma_start3A_107 : memref<51200x16xf32, #tpu.memory_space<vmem_shared>>) target(%dma_start3A_101 : memref<128x16xf32, #tpu.memory_space<vmem>>) offsets(%dma_start3A_104 : memref<128xi32, #tpu.memory_space<vmem>>) semaphore(%arg14 : memref<!tpu.dma_semaphore, #tpu.memory_space<semaphore_mem>>)
    %dma_wait3A_108 = arith.constant 0 : i32
    %dma_wait3A_109 = arith.constant 0 : i32
    %dma_wait3A_110 = arith.constant 0 : i32
    %dma_wait3A_111 = tpu.memref_slice %arg13[%dma_wait3A_109, %dma_wait3A_110] : memref<512x16xf32, #tpu.memory_space<vmem>> -> memref<128x16xf32, #tpu.memory_space<vmem>>
    %dma_wait3A_112 = arith.constant 0 : i32
    %dma_wait3A_113 = tpu.memref_slice %arg9[%dma_wait3A_108, %dma_wait3A_112] : memref<4x128xi32, #tpu.memory_space<vmem>> -> memref<1x128xi32, #tpu.memory_space<vmem>>
    %dma_wait3A_114 = tpu.memref_squeeze %dma_wait3A_113 : memref<1x128xi32, #tpu.memory_space<vmem>> -> memref<128xi32, #tpu.memory_space<vmem>>
    %dma_wait3A_115 = arith.constant 0 : i32
    %dma_wait3A_116 = arith.constant 0 : i32
    %dma_wait3A_117 = tpu.memref_slice %arg6[%dma_wait3A_115, %dma_wait3A_116] : memref<51200x16xf32, #tpu.memory_space<vmem_shared>> -> memref<51200x16xf32, #tpu.memory_space<vmem_shared>>
    tpu.wait_indirect_dma semaphore(%arg14 : memref<!tpu.dma_semaphore, #tpu.memory_space<semaphore_mem>>) src(%dma_wait3A_117 : memref<51200x16xf32, #tpu.memory_space<vmem_shared>>) dst(%dma_wait3A_111 : memref<128x16xf32, #tpu.memory_space<vmem>>)
    %dma_wait3A_118 = arith.constant 1 : i32
    %dma_wait3A_119 = arith.constant 128 : i32
    %dma_wait3A_120 = arith.constant 0 : i32
    %dma_wait3A_121 = tpu.memref_slice %arg13[%dma_wait3A_119, %dma_wait3A_120] : memref<512x16xf32, #tpu.memory_space<vmem>> -> memref<128x16xf32, #tpu.memory_space<vmem>>
    %dma_wait3A_122 = arith.constant 0 : i32
    %dma_wait3A_123 = tpu.memref_slice %arg9[%dma_wait3A_118, %dma_wait3A_122] : memref<4x128xi32, #tpu.memory_space<vmem>> -> memref<1x128xi32, #tpu.memory_space<vmem>>
    %dma_wait3A_124 = tpu.memref_squeeze %dma_wait3A_123 : memref<1x128xi32, #tpu.memory_space<vmem>> -> memref<128xi32, #tpu.memory_space<vmem>>
    %dma_wait3A_125 = arith.constant 0 : i32
    %dma_wait3A_126 = arith.constant 0 : i32
    %dma_wait3A_127 = tpu.memref_slice %arg6[%dma_wait3A_125, %dma_wait3A_126] : memref<51200x16xf32, #tpu.memory_space<vmem_shared>> -> memref<51200x16xf32, #tpu.memory_space<vmem_shared>>
    tpu.wait_indirect_dma semaphore(%arg14 : memref<!tpu.dma_semaphore, #tpu.memory_space<semaphore_mem>>) src(%dma_wait3A_127 : memref<51200x16xf32, #tpu.memory_space<vmem_shared>>) dst(%dma_wait3A_121 : memref<128x16xf32, #tpu.memory_space<vmem>>)
    %dma_wait3A_128 = arith.constant 2 : i32
    %dma_wait3A_129 = arith.constant 256 : i32
    %dma_wait3A_130 = arith.constant 0 : i32
    %dma_wait3A_131 = tpu.memref_slice %arg13[%dma_wait3A_129, %dma_wait3A_130] : memref<512x16xf32, #tpu.memory_space<vmem>> -> memref<128x16xf32, #tpu.memory_space<vmem>>
    %dma_wait3A_132 = arith.constant 0 : i32
    %dma_wait3A_133 = tpu.memref_slice %arg9[%dma_wait3A_128, %dma_wait3A_132] : memref<4x128xi32, #tpu.memory_space<vmem>> -> memref<1x128xi32, #tpu.memory_space<vmem>>
    %dma_wait3A_134 = tpu.memref_squeeze %dma_wait3A_133 : memref<1x128xi32, #tpu.memory_space<vmem>> -> memref<128xi32, #tpu.memory_space<vmem>>
    %dma_wait3A_135 = arith.constant 0 : i32
    %dma_wait3A_136 = arith.constant 0 : i32
    %dma_wait3A_137 = tpu.memref_slice %arg6[%dma_wait3A_135, %dma_wait3A_136] : memref<51200x16xf32, #tpu.memory_space<vmem_shared>> -> memref<51200x16xf32, #tpu.memory_space<vmem_shared>>
    tpu.wait_indirect_dma semaphore(%arg14 : memref<!tpu.dma_semaphore, #tpu.memory_space<semaphore_mem>>) src(%dma_wait3A_137 : memref<51200x16xf32, #tpu.memory_space<vmem_shared>>) dst(%dma_wait3A_131 : memref<128x16xf32, #tpu.memory_space<vmem>>)
    %dma_wait3A_138 = arith.constant 3 : i32
    %dma_wait3A_139 = arith.constant 384 : i32
    %dma_wait3A_140 = arith.constant 0 : i32
    %dma_wait3A_141 = tpu.memref_slice %arg13[%dma_wait3A_139, %dma_wait3A_140] : memref<512x16xf32, #tpu.memory_space<vmem>> -> memref<128x16xf32, #tpu.memory_space<vmem>>
    %dma_wait3A_142 = arith.constant 0 : i32
    %dma_wait3A_143 = tpu.memref_slice %arg9[%dma_wait3A_138, %dma_wait3A_142] : memref<4x128xi32, #tpu.memory_space<vmem>> -> memref<1x128xi32, #tpu.memory_space<vmem>>
    %dma_wait3A_144 = tpu.memref_squeeze %dma_wait3A_143 : memref<1x128xi32, #tpu.memory_space<vmem>> -> memref<128xi32, #tpu.memory_space<vmem>>
    %dma_wait3A_145 = arith.constant 0 : i32
    %dma_wait3A_146 = arith.constant 0 : i32
    %dma_wait3A_147 = tpu.memref_slice %arg6[%dma_wait3A_145, %dma_wait3A_146] : memref<51200x16xf32, #tpu.memory_space<vmem_shared>> -> memref<51200x16xf32, #tpu.memory_space<vmem_shared>>
    tpu.wait_indirect_dma semaphore(%arg14 : memref<!tpu.dma_semaphore, #tpu.memory_space<semaphore_mem>>) src(%dma_wait3A_147 : memref<51200x16xf32, #tpu.memory_space<vmem_shared>>) dst(%dma_wait3A_141 : memref<128x16xf32, #tpu.memory_space<vmem>>)
    %dma_start3A_148 = arith.constant 0 : i32
    %dma_start3A_149 = arith.constant 0 : i32
    %dma_start3A_150 = arith.constant 0 : i32
    %dma_start3A_151 = tpu.memref_slice %arg13[%dma_start3A_149, %dma_start3A_150] : memref<512x16xf32, #tpu.memory_space<vmem>> -> memref<128x16xf32, #tpu.memory_space<vmem>>
    %dma_start3A_152 = arith.constant 0 : i32
    %dma_start3A_153 = tpu.memref_slice %arg10[%dma_start3A_148, %dma_start3A_152] : memref<4x128xi32, #tpu.memory_space<vmem>> -> memref<1x128xi32, #tpu.memory_space<vmem>>
    %dma_start3A_154 = tpu.memref_squeeze %dma_start3A_153 : memref<1x128xi32, #tpu.memory_space<vmem>> -> memref<128xi32, #tpu.memory_space<vmem>>
    %dma_start3A_155 = arith.constant 0 : i32
    %dma_start3A_156 = arith.constant 0 : i32
    %dma_start3A_157 = tpu.memref_slice %arg7[%dma_start3A_155, %dma_start3A_156] : memref<51200x16xf32, #tpu.memory_space<vmem_shared>> -> memref<51200x16xf32, #tpu.memory_space<vmem_shared>>
    tpu.enqueue_indirect_dma source(%dma_start3A_151 : memref<128x16xf32, #tpu.memory_space<vmem>>) target(%dma_start3A_157 : memref<51200x16xf32, #tpu.memory_space<vmem_shared>>) offsets(%dma_start3A_154 : memref<128xi32, #tpu.memory_space<vmem>>) semaphore(%arg14 : memref<!tpu.dma_semaphore, #tpu.memory_space<semaphore_mem>>) {add = true}
    %dma_start3A_158 = arith.constant 1 : i32
    %dma_start3A_159 = arith.constant 128 : i32
    %dma_start3A_160 = arith.constant 0 : i32
    %dma_start3A_161 = tpu.memref_slice %arg13[%dma_start3A_159, %dma_start3A_160] : memref<512x16xf32, #tpu.memory_space<vmem>> -> memref<128x16xf32, #tpu.memory_space<vmem>>
    %dma_start3A_162 = arith.constant 0 : i32
    %dma_start3A_163 = tpu.memref_slice %arg10[%dma_start3A_158, %dma_start3A_162] : memref<4x128xi32, #tpu.memory_space<vmem>> -> memref<1x128xi32, #tpu.memory_space<vmem>>
    %dma_start3A_164 = tpu.memref_squeeze %dma_start3A_163 : memref<1x128xi32, #tpu.memory_space<vmem>> -> memref<128xi32, #tpu.memory_space<vmem>>
    %dma_start3A_165 = arith.constant 0 : i32
    %dma_start3A_166 = arith.constant 0 : i32
    %dma_start3A_167 = tpu.memref_slice %arg7[%dma_start3A_165, %dma_start3A_166] : memref<51200x16xf32, #tpu.memory_space<vmem_shared>> -> memref<51200x16xf32, #tpu.memory_space<vmem_shared>>
    tpu.enqueue_indirect_dma source(%dma_start3A_161 : memref<128x16xf32, #tpu.memory_space<vmem>>) target(%dma_start3A_167 : memref<51200x16xf32, #tpu.memory_space<vmem_shared>>) offsets(%dma_start3A_164 : memref<128xi32, #tpu.memory_space<vmem>>) semaphore(%arg14 : memref<!tpu.dma_semaphore, #tpu.memory_space<semaphore_mem>>) {add = true}
    %dma_start3A_168 = arith.constant 2 : i32
    %dma_start3A_169 = arith.constant 256 : i32
    %dma_start3A_170 = arith.constant 0 : i32
    %dma_start3A_171 = tpu.memref_slice %arg13[%dma_start3A_169, %dma_start3A_170] : memref<512x16xf32, #tpu.memory_space<vmem>> -> memref<128x16xf32, #tpu.memory_space<vmem>>
    %dma_start3A_172 = arith.constant 0 : i32
    %dma_start3A_173 = tpu.memref_slice %arg10[%dma_start3A_168, %dma_start3A_172] : memref<4x128xi32, #tpu.memory_space<vmem>> -> memref<1x128xi32, #tpu.memory_space<vmem>>
    %dma_start3A_174 = tpu.memref_squeeze %dma_start3A_173 : memref<1x128xi32, #tpu.memory_space<vmem>> -> memref<128xi32, #tpu.memory_space<vmem>>
    %dma_start3A_175 = arith.constant 0 : i32
    %dma_start3A_176 = arith.constant 0 : i32
    %dma_start3A_177 = tpu.memref_slice %arg7[%dma_start3A_175, %dma_start3A_176] : memref<51200x16xf32, #tpu.memory_space<vmem_shared>> -> memref<51200x16xf32, #tpu.memory_space<vmem_shared>>
    tpu.enqueue_indirect_dma source(%dma_start3A_171 : memref<128x16xf32, #tpu.memory_space<vmem>>) target(%dma_start3A_177 : memref<51200x16xf32, #tpu.memory_space<vmem_shared>>) offsets(%dma_start3A_174 : memref<128xi32, #tpu.memory_space<vmem>>) semaphore(%arg14 : memref<!tpu.dma_semaphore, #tpu.memory_space<semaphore_mem>>) {add = true}
    %dma_start3A_178 = arith.constant 3 : i32
    %dma_start3A_179 = arith.constant 384 : i32
    %dma_start3A_180 = arith.constant 0 : i32
    %dma_start3A_181 = tpu.memref_slice %arg13[%dma_start3A_179, %dma_start3A_180] : memref<512x16xf32, #tpu.memory_space<vmem>> -> memref<128x16xf32, #tpu.memory_space<vmem>>
    %dma_start3A_182 = arith.constant 0 : i32
    %dma_start3A_183 = tpu.memref_slice %arg10[%dma_start3A_178, %dma_start3A_182] : memref<4x128xi32, #tpu.memory_space<vmem>> -> memref<1x128xi32, #tpu.memory_space<vmem>>
    %dma_start3A_184 = tpu.memref_squeeze %dma_start3A_183 : memref<1x128xi32, #tpu.memory_space<vmem>> -> memref<128xi32, #tpu.memory_space<vmem>>
    %dma_start3A_185 = arith.constant 0 : i32
    %dma_start3A_186 = arith.constant 0 : i32
    %dma_start3A_187 = tpu.memref_slice %arg7[%dma_start3A_185, %dma_start3A_186] : memref<51200x16xf32, #tpu.memory_space<vmem_shared>> -> memref<51200x16xf32, #tpu.memory_space<vmem_shared>>
    tpu.enqueue_indirect_dma source(%dma_start3A_181 : memref<128x16xf32, #tpu.memory_space<vmem>>) target(%dma_start3A_187 : memref<51200x16xf32, #tpu.memory_space<vmem_shared>>) offsets(%dma_start3A_184 : memref<128xi32, #tpu.memory_space<vmem>>) semaphore(%arg14 : memref<!tpu.dma_semaphore, #tpu.memory_space<semaphore_mem>>) {add = true}
    %dma_wait3A_188 = arith.constant 0 : i32
    %dma_wait3A_189 = arith.constant 0 : i32
    %dma_wait3A_190 = arith.constant 0 : i32
    %dma_wait3A_191 = tpu.memref_slice %arg13[%dma_wait3A_189, %dma_wait3A_190] : memref<512x16xf32, #tpu.memory_space<vmem>> -> memref<128x16xf32, #tpu.memory_space<vmem>>
    %dma_wait3A_192 = arith.constant 0 : i32
    %dma_wait3A_193 = tpu.memref_slice %arg10[%dma_wait3A_188, %dma_wait3A_192] : memref<4x128xi32, #tpu.memory_space<vmem>> -> memref<1x128xi32, #tpu.memory_space<vmem>>
    %dma_wait3A_194 = tpu.memref_squeeze %dma_wait3A_193 : memref<1x128xi32, #tpu.memory_space<vmem>> -> memref<128xi32, #tpu.memory_space<vmem>>
    %dma_wait3A_195 = arith.constant 0 : i32
    %dma_wait3A_196 = arith.constant 0 : i32
    %dma_wait3A_197 = tpu.memref_slice %arg7[%dma_wait3A_195, %dma_wait3A_196] : memref<51200x16xf32, #tpu.memory_space<vmem_shared>> -> memref<51200x16xf32, #tpu.memory_space<vmem_shared>>
    tpu.wait_indirect_dma semaphore(%arg14 : memref<!tpu.dma_semaphore, #tpu.memory_space<semaphore_mem>>) src(%dma_wait3A_191 : memref<128x16xf32, #tpu.memory_space<vmem>>) dst(%dma_wait3A_197 : memref<51200x16xf32, #tpu.memory_space<vmem_shared>>)
    %dma_wait3A_198 = arith.constant 1 : i32
    %dma_wait3A_199 = arith.constant 128 : i32
    %dma_wait3A_200 = arith.constant 0 : i32
    %dma_wait3A_201 = tpu.memref_slice %arg13[%dma_wait3A_199, %dma_wait3A_200] : memref<512x16xf32, #tpu.memory_space<vmem>> -> memref<128x16xf32, #tpu.memory_space<vmem>>
    %dma_wait3A_202 = arith.constant 0 : i32
    %dma_wait3A_203 = tpu.memref_slice %arg10[%dma_wait3A_198, %dma_wait3A_202] : memref<4x128xi32, #tpu.memory_space<vmem>> -> memref<1x128xi32, #tpu.memory_space<vmem>>
    %dma_wait3A_204 = tpu.memref_squeeze %dma_wait3A_203 : memref<1x128xi32, #tpu.memory_space<vmem>> -> memref<128xi32, #tpu.memory_space<vmem>>
    %dma_wait3A_205 = arith.constant 0 : i32
    %dma_wait3A_206 = arith.constant 0 : i32
    %dma_wait3A_207 = tpu.memref_slice %arg7[%dma_wait3A_205, %dma_wait3A_206] : memref<51200x16xf32, #tpu.memory_space<vmem_shared>> -> memref<51200x16xf32, #tpu.memory_space<vmem_shared>>
    tpu.wait_indirect_dma semaphore(%arg14 : memref<!tpu.dma_semaphore, #tpu.memory_space<semaphore_mem>>) src(%dma_wait3A_201 : memref<128x16xf32, #tpu.memory_space<vmem>>) dst(%dma_wait3A_207 : memref<51200x16xf32, #tpu.memory_space<vmem_shared>>)
    %dma_wait3A_208 = arith.constant 2 : i32
    %dma_wait3A_209 = arith.constant 256 : i32
    %dma_wait3A_210 = arith.constant 0 : i32
    %dma_wait3A_211 = tpu.memref_slice %arg13[%dma_wait3A_209, %dma_wait3A_210] : memref<512x16xf32, #tpu.memory_space<vmem>> -> memref<128x16xf32, #tpu.memory_space<vmem>>
    %dma_wait3A_212 = arith.constant 0 : i32
    %dma_wait3A_213 = tpu.memref_slice %arg10[%dma_wait3A_208, %dma_wait3A_212] : memref<4x128xi32, #tpu.memory_space<vmem>> -> memref<1x128xi32, #tpu.memory_space<vmem>>
    %dma_wait3A_214 = tpu.memref_squeeze %dma_wait3A_213 : memref<1x128xi32, #tpu.memory_space<vmem>> -> memref<128xi32, #tpu.memory_space<vmem>>
    %dma_wait3A_215 = arith.constant 0 : i32
    %dma_wait3A_216 = arith.constant 0 : i32
    %dma_wait3A_217 = tpu.memref_slice %arg7[%dma_wait3A_215, %dma_wait3A_216] : memref<51200x16xf32, #tpu.memory_space<vmem_shared>> -> memref<51200x16xf32, #tpu.memory_space<vmem_shared>>
    tpu.wait_indirect_dma semaphore(%arg14 : memref<!tpu.dma_semaphore, #tpu.memory_space<semaphore_mem>>) src(%dma_wait3A_211 : memref<128x16xf32, #tpu.memory_space<vmem>>) dst(%dma_wait3A_217 : memref<51200x16xf32, #tpu.memory_space<vmem_shared>>)
    %dma_wait3A_218 = arith.constant 3 : i32
    %dma_wait3A_219 = arith.constant 384 : i32
    %dma_wait3A_220 = arith.constant 0 : i32
    %dma_wait3A_221 = tpu.memref_slice %arg13[%dma_wait3A_219, %dma_wait3A_220] : memref<512x16xf32, #tpu.memory_space<vmem>> -> memref<128x16xf32, #tpu.memory_space<vmem>>
    %dma_wait3A_222 = arith.constant 0 : i32
    %dma_wait3A_223 = tpu.memref_slice %arg10[%dma_wait3A_218, %dma_wait3A_222] : memref<4x128xi32, #tpu.memory_space<vmem>> -> memref<1x128xi32, #tpu.memory_space<vmem>>
    %dma_wait3A_224 = tpu.memref_squeeze %dma_wait3A_223 : memref<1x128xi32, #tpu.memory_space<vmem>> -> memref<128xi32, #tpu.memory_space<vmem>>
    %dma_wait3A_225 = arith.constant 0 : i32
    %dma_wait3A_226 = arith.constant 0 : i32
    %dma_wait3A_227 = tpu.memref_slice %arg7[%dma_wait3A_225, %dma_wait3A_226] : memref<51200x16xf32, #tpu.memory_space<vmem_shared>> -> memref<51200x16xf32, #tpu.memory_space<vmem_shared>>
    tpu.wait_indirect_dma semaphore(%arg14 : memref<!tpu.dma_semaphore, #tpu.memory_space<semaphore_mem>>) src(%dma_wait3A_221 : memref<128x16xf32, #tpu.memory_space<vmem>>) dst(%dma_wait3A_227 : memref<51200x16xf32, #tpu.memory_space<vmem_shared>>)
    %barrier3A_228 = arith.constant 0 : index
    tpu.barrier barrier_id(%barrier3A_228)
    %mul3A_229 = arith.constant 3200 : i32
    %mul3A_230 = arith.muli %arg1, %mul3A_229 : i32
    %mul3A_231 = arith.constant 3200 : i32
    %mul3A_232 = arith.muli %arg1, %mul3A_231 : i32
    %mul3A_233 = arith.constant 16 : i32
    %mul3A_234 = arith.muli %mul3A_233, %arg0 : i32
    "tpu.region"() ({
      %run_scoped3A = tpu.sem_alloc : memref<!tpu.dma_semaphore, #tpu.memory_space<semaphore_mem>>
      %dma_start3A_235 = tpu.memref_slice %arg5[%mul3A_232, %mul3A_234] : memref<51200x32xf32, #tpu.memory_space<hbm>> -> memref<3200x16xf32, #tpu.memory_space<hbm>>
      %dma_start3A_236 = arith.constant 0 : i32
      %dma_start3A_237 = tpu.memref_slice %arg7[%mul3A_230, %dma_start3A_236] : memref<51200x16xf32, #tpu.memory_space<vmem_shared>> -> memref<3200x16xf32, #tpu.memory_space<vmem_shared>>
      tpu.enqueue_dma source(%dma_start3A_237 : memref<3200x16xf32, #tpu.memory_space<vmem_shared>>) target(%dma_start3A_235 : memref<3200x16xf32, #tpu.memory_space<hbm>>) target_semaphore(%run_scoped3A : memref<!tpu.dma_semaphore, #tpu.memory_space<semaphore_mem>>)
      %dma_wait3A_238 = tpu.memref_slice %arg5[%mul3A_232, %mul3A_234] : memref<51200x32xf32, #tpu.memory_space<hbm>> -> memref<3200x16xf32, #tpu.memory_space<hbm>>
      %dma_wait3A_239 = arith.constant 0 : i32
      %dma_wait3A_240 = tpu.memref_slice %arg7[%mul3A_230, %dma_wait3A_239] : memref<51200x16xf32, #tpu.memory_space<vmem_shared>> -> memref<3200x16xf32, #tpu.memory_space<vmem_shared>>
      tpu.wait_dma2 semaphore(%run_scoped3A : memref<!tpu.dma_semaphore, #tpu.memory_space<semaphore_mem>>) src(%dma_wait3A_240 : memref<3200x16xf32, #tpu.memory_space<vmem_shared>>) dst(%dma_wait3A_238 : memref<3200x16xf32, #tpu.memory_space<hbm>>)
      tpu.yield
    }) : () -> ()
    return
  }
}

#map = affine_map<(d0, d1) -> (0, 0)>
#map1 = affine_map<(d0, d1) -> (0)>
module attributes {stable_mosaic.version = 14 : i64} {
  func.func @_agg1_kernel(%arg0: i32, %arg1: i32, %arg2: memref<51200x64xf32, #tpu.memory_space<hbm>>, %arg3: memref<6272x128xi32, #tpu.memory_space<hbm>>, %arg4: memref<6272x128xi32, #tpu.memory_space<hbm>>, %arg5: memref<51200x64xf32, #tpu.memory_space<hbm>>, %arg6: memref<102400xf32, #tpu.memory_space<hbm>>, %arg7: memref<51200x16xf32, #tpu.memory_space<vmem_shared>>, %arg8: memref<51200x16xf32, #tpu.memory_space<vmem_shared>>, %arg9: memref<51200xf32, #tpu.memory_space<vmem_shared>>, %arg10: memref<400x16xf32, #tpu.memory_space<vmem>>, %arg11: memref<3200xf32, #tpu.memory_space<vmem>>, %arg12: memref<4x128xi32, #tpu.memory_space<vmem>>, %arg13: memref<4x128xi32, #tpu.memory_space<vmem>>, %arg14: memref<4x128xi32, #tpu.memory_space<vmem>>, %arg15: memref<4x128xi32, #tpu.memory_space<vmem>>, %arg16: memref<512x16xf32, #tpu.memory_space<vmem>>, %arg17: memref<128xf32, #tpu.memory_space<vmem>>, %arg18: memref<!tpu.dma_semaphore, #tpu.memory_space<semaphore_mem>>, %arg19: memref<!tpu.dma_semaphore, #tpu.memory_space<semaphore_mem>>) attributes {dimension_semantics = [#tpu.dimension_semantics<core_parallel>, #tpu.dimension_semantics<subcore_parallel>], iteration_bounds = array<i64: 2, 16>, scalar_prefetch = 0 : i64, scratch_operands = 13 : i64, tpu.core_type = #tpu.core_type<sc_vector_subcore>, window_params = [{transform_indices = #map}, {transform_indices = #map}, {transform_indices = #map}, {transform_indices = #map}, {transform_indices = #map1}]} {
    %broadcast_in_dim3A = arith.constant 1.000000e+00 : f32
    %broadcast_in_dim3A_0 = vector.broadcast %broadcast_in_dim3A : f32 to vector<16xf32>
    %swap3A = arith.constant 0 : index
    %swap3A_1 = tpu.vector_load %arg17[%swap3A] {strides = array<i32>} : memref<128xf32, #tpu.memory_space<vmem>>, vector<16xf32>,
    %swap3A_2 = vector.shape_cast %swap3A_1 : vector<16xf32> to vector<16xf32>
    %swap3A_3 = vector.shape_cast %broadcast_in_dim3A_0 : vector<16xf32> to vector<16xf32>
    tpu.vector_store %arg17[%swap3A], %swap3A_3 {strides = array<i32>} : memref<128xf32, #tpu.memory_space<vmem>>, vector<16xf32>,
    %broadcast_in_dim3A_4 = arith.constant 1.000000e+00 : f32
    %broadcast_in_dim3A_5 = vector.broadcast %broadcast_in_dim3A_4 : f32 to vector<16xf32>
    %swap3A_6 = arith.constant 16 : index
    %swap3A_7 = tpu.vector_load %arg17[%swap3A_6] {strides = array<i32>} : memref<128xf32, #tpu.memory_space<vmem>>, vector<16xf32>,
    %swap3A_8 = vector.shape_cast %swap3A_7 : vector<16xf32> to vector<16xf32>
    %swap3A_9 = vector.shape_cast %broadcast_in_dim3A_5 : vector<16xf32> to vector<16xf32>
    tpu.vector_store %arg17[%swap3A_6], %swap3A_9 {strides = array<i32>} : memref<128xf32, #tpu.memory_space<vmem>>, vector<16xf32>,
    %broadcast_in_dim3A_10 = arith.constant 1.000000e+00 : f32
    %broadcast_in_dim3A_11 = vector.broadcast %broadcast_in_dim3A_10 : f32 to vector<16xf32>
    %swap3A_12 = arith.constant 32 : index
    %swap3A_13 = tpu.vector_load %arg17[%swap3A_12] {strides = array<i32>} : memref<128xf32, #tpu.memory_space<vmem>>, vector<16xf32>,
    %swap3A_14 = vector.shape_cast %swap3A_13 : vector<16xf32> to vector<16xf32>
    %swap3A_15 = vector.shape_cast %broadcast_in_dim3A_11 : vector<16xf32> to vector<16xf32>
    tpu.vector_store %arg17[%swap3A_12], %swap3A_15 {strides = array<i32>} : memref<128xf32, #tpu.memory_space<vmem>>, vector<16xf32>,
    %broadcast_in_dim3A_16 = arith.constant 1.000000e+00 : f32
    %broadcast_in_dim3A_17 = vector.broadcast %broadcast_in_dim3A_16 : f32 to vector<16xf32>
    %swap3A_18 = arith.constant 48 : index
    %swap3A_19 = tpu.vector_load %arg17[%swap3A_18] {strides = array<i32>} : memref<128xf32, #tpu.memory_space<vmem>>, vector<16xf32>,
    %swap3A_20 = vector.shape_cast %swap3A_19 : vector<16xf32> to vector<16xf32>
    %swap3A_21 = vector.shape_cast %broadcast_in_dim3A_17 : vector<16xf32> to vector<16xf32>
    tpu.vector_store %arg17[%swap3A_18], %swap3A_21 {strides = array<i32>} : memref<128xf32, #tpu.memory_space<vmem>>, vector<16xf32>,
    %broadcast_in_dim3A_22 = arith.constant 1.000000e+00 : f32
    %broadcast_in_dim3A_23 = vector.broadcast %broadcast_in_dim3A_22 : f32 to vector<16xf32>
    %swap3A_24 = arith.constant 64 : index
    %swap3A_25 = tpu.vector_load %arg17[%swap3A_24] {strides = array<i32>} : memref<128xf32, #tpu.memory_space<vmem>>, vector<16xf32>,
    %swap3A_26 = vector.shape_cast %swap3A_25 : vector<16xf32> to vector<16xf32>
    %swap3A_27 = vector.shape_cast %broadcast_in_dim3A_23 : vector<16xf32> to vector<16xf32>
    tpu.vector_store %arg17[%swap3A_24], %swap3A_27 {strides = array<i32>} : memref<128xf32, #tpu.memory_space<vmem>>, vector<16xf32>,
    %broadcast_in_dim3A_28 = arith.constant 1.000000e+00 : f32
    %broadcast_in_dim3A_29 = vector.broadcast %broadcast_in_dim3A_28 : f32 to vector<16xf32>
    %swap3A_30 = arith.constant 80 : index
    %swap3A_31 = tpu.vector_load %arg17[%swap3A_30] {strides = array<i32>} : memref<128xf32, #tpu.memory_space<vmem>>, vector<16xf32>,
    %swap3A_32 = vector.shape_cast %swap3A_31 : vector<16xf32> to vector<16xf32>
    %swap3A_33 = vector.shape_cast %broadcast_in_dim3A_29 : vector<16xf32> to vector<16xf32>
    tpu.vector_store %arg17[%swap3A_30], %swap3A_33 {strides = array<i32>} : memref<128xf32, #tpu.memory_space<vmem>>, vector<16xf32>,
    %broadcast_in_dim3A_34 = arith.constant 1.000000e+00 : f32
    %broadcast_in_dim3A_35 = vector.broadcast %broadcast_in_dim3A_34 : f32 to vector<16xf32>
    %swap3A_36 = arith.constant 96 : index
    %swap3A_37 = tpu.vector_load %arg17[%swap3A_36] {strides = array<i32>} : memref<128xf32, #tpu.memory_space<vmem>>, vector<16xf32>,
    %swap3A_38 = vector.shape_cast %swap3A_37 : vector<16xf32> to vector<16xf32>
    %swap3A_39 = vector.shape_cast %broadcast_in_dim3A_35 : vector<16xf32> to vector<16xf32>
    tpu.vector_store %arg17[%swap3A_36], %swap3A_39 {strides = array<i32>} : memref<128xf32, #tpu.memory_space<vmem>>, vector<16xf32>,
    %broadcast_in_dim3A_40 = arith.constant 1.000000e+00 : f32
    %broadcast_in_dim3A_41 = vector.broadcast %broadcast_in_dim3A_40 : f32 to vector<16xf32>
    %swap3A_42 = arith.constant 112 : index
    %swap3A_43 = tpu.vector_load %arg17[%swap3A_42] {strides = array<i32>} : memref<128xf32, #tpu.memory_space<vmem>>, vector<16xf32>,
    %swap3A_44 = vector.shape_cast %swap3A_43 : vector<16xf32> to vector<16xf32>
    %swap3A_45 = vector.shape_cast %broadcast_in_dim3A_41 : vector<16xf32> to vector<16xf32>
    tpu.vector_store %arg17[%swap3A_42], %swap3A_45 {strides = array<i32>} : memref<128xf32, #tpu.memory_space<vmem>>, vector<16xf32>,
    %scan3A = arith.constant 0 : i32
    %scan3A_46 = arith.constant 0 : i32
    %scan3A_47 = arith.constant 400 : i32
    %scan3A_48 = arith.addi %scan3A_46, %scan3A_47 : i32
    %scan3A_49 = arith.constant 1 : i32
    scf.for %scan3A_288 = %scan3A_46 to %scan3A_48 step %scan3A_49  : i32 {
      %broadcast_in_dim3A_289 = arith.constant 0.000000e+00 : f32
      %broadcast_in_dim3A_290 = vector.broadcast %broadcast_in_dim3A_289 : f32 to vector<16xf32>
      %swap3A_291 = arith.index_cast %scan3A_288 : i32 to index
      %swap3A_292 = arith.constant 0 : index
      %swap3A_293 = tpu.vector_load %arg10[%swap3A_291, %swap3A_292] {strides = array<i32>} : memref<400x16xf32, #tpu.memory_space<vmem>>, vector<1x16xf32>,
      %swap3A_294 = vector.shape_cast %swap3A_293 : vector<1x16xf32> to vector<16xf32>
      %swap3A_295 = vector.shape_cast %broadcast_in_dim3A_290 : vector<16xf32> to vector<1x16xf32>
      tpu.vector_store %arg10[%swap3A_291, %swap3A_292], %swap3A_295 {strides = array<i32>} : memref<400x16xf32, #tpu.memory_space<vmem>>, vector<1x16xf32>,
    }
    %scan3A_50 = arith.constant 400 : i32
    %scan3A_51 = arith.constant 0 : i32
    %scan3A_52 = arith.constant 0 : i32
    %scan3A_53 = arith.constant 200 : i32
    %scan3A_54 = arith.addi %scan3A_52, %scan3A_53 : i32
    %scan3A_55 = arith.constant 1 : i32
    scf.for %scan3A_288 = %scan3A_52 to %scan3A_54 step %scan3A_55  : i32 {
      %broadcast_in_dim3A_289 = arith.constant 0.000000e+00 : f32
      %broadcast_in_dim3A_290 = vector.broadcast %broadcast_in_dim3A_289 : f32 to vector<16xf32>
      %mul3A_291 = arith.constant 16 : i32
      %mul3A_292 = arith.muli %scan3A_288, %mul3A_291 : i32
      %swap3A_293 = arith.index_cast %mul3A_292 : i32 to index
      %swap3A_294 = tpu.vector_load %arg11[%swap3A_293] {strides = array<i32>} : memref<3200xf32, #tpu.memory_space<vmem>>, vector<16xf32>,
      %swap3A_295 = vector.shape_cast %swap3A_294 : vector<16xf32> to vector<16xf32>
      %swap3A_296 = vector.shape_cast %broadcast_in_dim3A_290 : vector<16xf32> to vector<16xf32>
      tpu.vector_store %arg11[%swap3A_293], %swap3A_296 {strides = array<i32>} : memref<3200xf32, #tpu.memory_space<vmem>>, vector<16xf32>,
    }
    %scan3A_56 = arith.constant 200 : i32
    %mul3A = arith.constant 3200 : i32
    %mul3A_57 = arith.muli %arg1, %mul3A : i32
    "tpu.region"() ({
      %run_scoped3A = tpu.sem_alloc : memref<!tpu.dma_semaphore, #tpu.memory_space<semaphore_mem>>
      %dma_start3A_288 = tpu.memref_slice %arg9[%mul3A_57] : memref<51200xf32, #tpu.memory_space<vmem_shared>> -> memref<3200xf32, #tpu.memory_space<vmem_shared>>
      %dma_start3A_289 = tpu.memref_slice %arg9[%mul3A_57] : memref<51200xf32, #tpu.memory_space<vmem_shared>> -> memref<3200xf32, #tpu.memory_space<vmem_shared>>
      tpu.enqueue_dma source(%arg11 : memref<3200xf32, #tpu.memory_space<vmem>>) target(%dma_start3A_289 : memref<3200xf32, #tpu.memory_space<vmem_shared>>) target_semaphore(%run_scoped3A : memref<!tpu.dma_semaphore, #tpu.memory_space<semaphore_mem>>)
      %dma_wait3A_290 = tpu.memref_slice %arg9[%mul3A_57] : memref<51200xf32, #tpu.memory_space<vmem_shared>> -> memref<3200xf32, #tpu.memory_space<vmem_shared>>
      %dma_wait3A_291 = tpu.memref_slice %arg9[%mul3A_57] : memref<51200xf32, #tpu.memory_space<vmem_shared>> -> memref<3200xf32, #tpu.memory_space<vmem_shared>>
      tpu.wait_dma2 semaphore(%run_scoped3A : memref<!tpu.dma_semaphore, #tpu.memory_space<semaphore_mem>>) src(%arg11 : memref<3200xf32, #tpu.memory_space<vmem>>) dst(%dma_wait3A_291 : memref<3200xf32, #tpu.memory_space<vmem_shared>>)
      tpu.yield
    }) : () -> ()
    %mul3A_58 = arith.constant 2 : i32
    %mul3A_59 = arith.muli %arg0, %mul3A_58 : i32
    %add3A = arith.constant 0 : i32
    %add3A_60 = arith.addi %mul3A_59, %add3A : i32
    %mul3A_61 = arith.constant 3200 : i32
    %mul3A_62 = arith.muli %arg1, %mul3A_61 : i32
    %mul3A_63 = arith.constant 16 : i32
    %mul3A_64 = arith.muli %mul3A_63, %add3A_60 : i32
    %mul3A_65 = arith.constant 3200 : i32
    %mul3A_66 = arith.muli %arg1, %mul3A_65 : i32
    "tpu.region"() ({
      %run_scoped3A = tpu.sem_alloc : memref<!tpu.dma_semaphore, #tpu.memory_space<semaphore_mem>>
      %dma_start3A_288 = arith.constant 0 : i32
      %dma_start3A_289 = tpu.memref_slice %arg7[%mul3A_66, %dma_start3A_288] : memref<51200x16xf32, #tpu.memory_space<vmem_shared>> -> memref<3200x16xf32, #tpu.memory_space<vmem_shared>>
      %dma_start3A_290 = tpu.memref_slice %arg2[%mul3A_62, %mul3A_64] : memref<51200x64xf32, #tpu.memory_space<hbm>> -> memref<3200x16xf32, #tpu.memory_space<hbm>>
      tpu.enqueue_dma source(%dma_start3A_290 : memref<3200x16xf32, #tpu.memory_space<hbm>>) target(%dma_start3A_289 : memref<3200x16xf32, #tpu.memory_space<vmem_shared>>) target_semaphore(%run_scoped3A : memref<!tpu.dma_semaphore, #tpu.memory_space<semaphore_mem>>)
      %dma_wait3A_291 = arith.constant 0 : i32
      %dma_wait3A_292 = tpu.memref_slice %arg7[%mul3A_66, %dma_wait3A_291] : memref<51200x16xf32, #tpu.memory_space<vmem_shared>> -> memref<3200x16xf32, #tpu.memory_space<vmem_shared>>
      %dma_wait3A_293 = tpu.memref_slice %arg2[%mul3A_62, %mul3A_64] : memref<51200x64xf32, #tpu.memory_space<hbm>> -> memref<3200x16xf32, #tpu.memory_space<hbm>>
      tpu.wait_dma2 semaphore(%run_scoped3A : memref<!tpu.dma_semaphore, #tpu.memory_space<semaphore_mem>>) src(%dma_wait3A_293 : memref<3200x16xf32, #tpu.memory_space<hbm>>) dst(%dma_wait3A_292 : memref<3200x16xf32, #tpu.memory_space<vmem_shared>>)
      tpu.yield
    }) : () -> ()
    %mul3A_67 = arith.constant 3200 : i32
    %mul3A_68 = arith.muli %arg1, %mul3A_67 : i32
    %add3A_69 = arith.constant 0 : i32
    %add3A_70 = arith.addi %mul3A_68, %add3A_69 : i32
    "tpu.region"() ({
      %run_scoped3A = tpu.sem_alloc : memref<!tpu.dma_semaphore, #tpu.memory_space<semaphore_mem>>
      %dma_start3A_288 = arith.constant 0 : i32
      %dma_start3A_289 = tpu.memref_slice %arg8[%add3A_70, %dma_start3A_288] : memref<51200x16xf32, #tpu.memory_space<vmem_shared>> -> memref<400x16xf32, #tpu.memory_space<vmem_shared>>
      %dma_start3A_290 = arith.constant 0 : i32
      %dma_start3A_291 = tpu.memref_slice %arg8[%add3A_70, %dma_start3A_290] : memref<51200x16xf32, #tpu.memory_space<vmem_shared>> -> memref<400x16xf32, #tpu.memory_space<vmem_shared>>
      tpu.enqueue_dma source(%arg10 : memref<400x16xf32, #tpu.memory_space<vmem>>) target(%dma_start3A_291 : memref<400x16xf32, #tpu.memory_space<vmem_shared>>) target_semaphore(%run_scoped3A : memref<!tpu.dma_semaphore, #tpu.memory_space<semaphore_mem>>)
      %dma_wait3A_292 = arith.constant 0 : i32
      %dma_wait3A_293 = tpu.memref_slice %arg8[%add3A_70, %dma_wait3A_292] : memref<51200x16xf32, #tpu.memory_space<vmem_shared>> -> memref<400x16xf32, #tpu.memory_space<vmem_shared>>
      %dma_wait3A_294 = arith.constant 0 : i32
      %dma_wait3A_295 = tpu.memref_slice %arg8[%add3A_70, %dma_wait3A_294] : memref<51200x16xf32, #tpu.memory_space<vmem_shared>> -> memref<400x16xf32, #tpu.memory_space<vmem_shared>>
      tpu.wait_dma2 semaphore(%run_scoped3A : memref<!tpu.dma_semaphore, #tpu.memory_space<semaphore_mem>>) src(%arg10 : memref<400x16xf32, #tpu.memory_space<vmem>>) dst(%dma_wait3A_295 : memref<400x16xf32, #tpu.memory_space<vmem_shared>>)
      tpu.yield
    }) : () -> ()
    %mul3A_71 = arith.constant 3200 : i32
    %mul3A_72 = arith.muli %arg1, %mul3A_71 : i32
    %add3A_73 = arith.constant 400 : i32
    %add3A_74 = arith.addi %mul3A_72, %add3A_73 : i32
    "tpu.region"() ({
      %run_scoped3A = tpu.sem_alloc : memref<!tpu.dma_semaphore, #tpu.memory_space<semaphore_mem>>
      %dma_start3A_288 = arith.constant 0 : i32
      %dma_start3A_289 = tpu.memref_slice %arg8[%add3A_74, %dma_start3A_288] : memref<51200x16xf32, #tpu.memory_space<vmem_shared>> -> memref<400x16xf32, #tpu.memory_space<vmem_shared>>
      %dma_start3A_290 = arith.constant 0 : i32
      %dma_start3A_291 = tpu.memref_slice %arg8[%add3A_74, %dma_start3A_290] : memref<51200x16xf32, #tpu.memory_space<vmem_shared>> -> memref<400x16xf32, #tpu.memory_space<vmem_shared>>
      tpu.enqueue_dma source(%arg10 : memref<400x16xf32, #tpu.memory_space<vmem>>) target(%dma_start3A_291 : memref<400x16xf32, #tpu.memory_space<vmem_shared>>) target_semaphore(%run_scoped3A : memref<!tpu.dma_semaphore, #tpu.memory_space<semaphore_mem>>)
      %dma_wait3A_292 = arith.constant 0 : i32
      %dma_wait3A_293 = tpu.memref_slice %arg8[%add3A_74, %dma_wait3A_292] : memref<51200x16xf32, #tpu.memory_space<vmem_shared>> -> memref<400x16xf32, #tpu.memory_space<vmem_shared>>
      %dma_wait3A_294 = arith.constant 0 : i32
      %dma_wait3A_295 = tpu.memref_slice %arg8[%add3A_74, %dma_wait3A_294] : memref<51200x16xf32, #tpu.memory_space<vmem_shared>> -> memref<400x16xf32, #tpu.memory_space<vmem_shared>>
      tpu.wait_dma2 semaphore(%run_scoped3A : memref<!tpu.dma_semaphore, #tpu.memory_space<semaphore_mem>>) src(%arg10 : memref<400x16xf32, #tpu.memory_space<vmem>>) dst(%dma_wait3A_295 : memref<400x16xf32, #tpu.memory_space<vmem_shared>>)
      tpu.yield
    }) : () -> ()
    %mul3A_75 = arith.constant 3200 : i32
    %mul3A_76 = arith.muli %arg1, %mul3A_75 : i32
    %add3A_77 = arith.constant 800 : i32
    %add3A_78 = arith.addi %mul3A_76, %add3A_77 : i32
    "tpu.region"() ({
      %run_scoped3A = tpu.sem_alloc : memref<!tpu.dma_semaphore, #tpu.memory_space<semaphore_mem>>
      %dma_start3A_288 = arith.constant 0 : i32
      %dma_start3A_289 = tpu.memref_slice %arg8[%add3A_78, %dma_start3A_288] : memref<51200x16xf32, #tpu.memory_space<vmem_shared>> -> memref<400x16xf32, #tpu.memory_space<vmem_shared>>
      %dma_start3A_290 = arith.constant 0 : i32
      %dma_start3A_291 = tpu.memref_slice %arg8[%add3A_78, %dma_start3A_290] : memref<51200x16xf32, #tpu.memory_space<vmem_shared>> -> memref<400x16xf32, #tpu.memory_space<vmem_shared>>
      tpu.enqueue_dma source(%arg10 : memref<400x16xf32, #tpu.memory_space<vmem>>) target(%dma_start3A_291 : memref<400x16xf32, #tpu.memory_space<vmem_shared>>) target_semaphore(%run_scoped3A : memref<!tpu.dma_semaphore, #tpu.memory_space<semaphore_mem>>)
      %dma_wait3A_292 = arith.constant 0 : i32
      %dma_wait3A_293 = tpu.memref_slice %arg8[%add3A_78, %dma_wait3A_292] : memref<51200x16xf32, #tpu.memory_space<vmem_shared>> -> memref<400x16xf32, #tpu.memory_space<vmem_shared>>
      %dma_wait3A_294 = arith.constant 0 : i32
      %dma_wait3A_295 = tpu.memref_slice %arg8[%add3A_78, %dma_wait3A_294] : memref<51200x16xf32, #tpu.memory_space<vmem_shared>> -> memref<400x16xf32, #tpu.memory_space<vmem_shared>>
      tpu.wait_dma2 semaphore(%run_scoped3A : memref<!tpu.dma_semaphore, #tpu.memory_space<semaphore_mem>>) src(%arg10 : memref<400x16xf32, #tpu.memory_space<vmem>>) dst(%dma_wait3A_295 : memref<400x16xf32, #tpu.memory_space<vmem_shared>>)
      tpu.yield
    }) : () -> ()
    %mul3A_79 = arith.constant 3200 : i32
    %mul3A_80 = arith.muli %arg1, %mul3A_79 : i32
    %add3A_81 = arith.constant 1200 : i32
    %add3A_82 = arith.addi %mul3A_80, %add3A_81 : i32
    "tpu.region"() ({
      %run_scoped3A = tpu.sem_alloc : memref<!tpu.dma_semaphore, #tpu.memory_space<semaphore_mem>>
      %dma_start3A_288 = arith.constant 0 : i32
      %dma_start3A_289 = tpu.memref_slice %arg8[%add3A_82, %dma_start3A_288] : memref<51200x16xf32, #tpu.memory_space<vmem_shared>> -> memref<400x16xf32, #tpu.memory_space<vmem_shared>>
      %dma_start3A_290 = arith.constant 0 : i32
      %dma_start3A_291 = tpu.memref_slice %arg8[%add3A_82, %dma_start3A_290] : memref<51200x16xf32, #tpu.memory_space<vmem_shared>> -> memref<400x16xf32, #tpu.memory_space<vmem_shared>>
      tpu.enqueue_dma source(%arg10 : memref<400x16xf32, #tpu.memory_space<vmem>>) target(%dma_start3A_291 : memref<400x16xf32, #tpu.memory_space<vmem_shared>>) target_semaphore(%run_scoped3A : memref<!tpu.dma_semaphore, #tpu.memory_space<semaphore_mem>>)
      %dma_wait3A_292 = arith.constant 0 : i32
      %dma_wait3A_293 = tpu.memref_slice %arg8[%add3A_82, %dma_wait3A_292] : memref<51200x16xf32, #tpu.memory_space<vmem_shared>> -> memref<400x16xf32, #tpu.memory_space<vmem_shared>>
      %dma_wait3A_294 = arith.constant 0 : i32
      %dma_wait3A_295 = tpu.memref_slice %arg8[%add3A_82, %dma_wait3A_294] : memref<51200x16xf32, #tpu.memory_space<vmem_shared>> -> memref<400x16xf32, #tpu.memory_space<vmem_shared>>
      tpu.wait_dma2 semaphore(%run_scoped3A : memref<!tpu.dma_semaphore, #tpu.memory_space<semaphore_mem>>) src(%arg10 : memref<400x16xf32, #tpu.memory_space<vmem>>) dst(%dma_wait3A_295 : memref<400x16xf32, #tpu.memory_space<vmem_shared>>)
      tpu.yield
    }) : () -> ()
    %mul3A_83 = arith.constant 3200 : i32
    %mul3A_84 = arith.muli %arg1, %mul3A_83 : i32
    %add3A_85 = arith.constant 1600 : i32
    %add3A_86 = arith.addi %mul3A_84, %add3A_85 : i32
    "tpu.region"() ({
      %run_scoped3A = tpu.sem_alloc : memref<!tpu.dma_semaphore, #tpu.memory_space<semaphore_mem>>
      %dma_start3A_288 = arith.constant 0 : i32
      %dma_start3A_289 = tpu.memref_slice %arg8[%add3A_86, %dma_start3A_288] : memref<51200x16xf32, #tpu.memory_space<vmem_shared>> -> memref<400x16xf32, #tpu.memory_space<vmem_shared>>
      %dma_start3A_290 = arith.constant 0 : i32
      %dma_start3A_291 = tpu.memref_slice %arg8[%add3A_86, %dma_start3A_290] : memref<51200x16xf32, #tpu.memory_space<vmem_shared>> -> memref<400x16xf32, #tpu.memory_space<vmem_shared>>
      tpu.enqueue_dma source(%arg10 : memref<400x16xf32, #tpu.memory_space<vmem>>) target(%dma_start3A_291 : memref<400x16xf32, #tpu.memory_space<vmem_shared>>) target_semaphore(%run_scoped3A : memref<!tpu.dma_semaphore, #tpu.memory_space<semaphore_mem>>)
      %dma_wait3A_292 = arith.constant 0 : i32
      %dma_wait3A_293 = tpu.memref_slice %arg8[%add3A_86, %dma_wait3A_292] : memref<51200x16xf32, #tpu.memory_space<vmem_shared>> -> memref<400x16xf32, #tpu.memory_space<vmem_shared>>
      %dma_wait3A_294 = arith.constant 0 : i32
      %dma_wait3A_295 = tpu.memref_slice %arg8[%add3A_86, %dma_wait3A_294] : memref<51200x16xf32, #tpu.memory_space<vmem_shared>> -> memref<400x16xf32, #tpu.memory_space<vmem_shared>>
      tpu.wait_dma2 semaphore(%run_scoped3A : memref<!tpu.dma_semaphore, #tpu.memory_space<semaphore_mem>>) src(%arg10 : memref<400x16xf32, #tpu.memory_space<vmem>>) dst(%dma_wait3A_295 : memref<400x16xf32, #tpu.memory_space<vmem_shared>>)
      tpu.yield
    }) : () -> ()
    %mul3A_87 = arith.constant 3200 : i32
    %mul3A_88 = arith.muli %arg1, %mul3A_87 : i32
    %add3A_89 = arith.constant 2000 : i32
    %add3A_90 = arith.addi %mul3A_88, %add3A_89 : i32
    "tpu.region"() ({
      %run_scoped3A = tpu.sem_alloc : memref<!tpu.dma_semaphore, #tpu.memory_space<semaphore_mem>>
      %dma_start3A_288 = arith.constant 0 : i32
      %dma_start3A_289 = tpu.memref_slice %arg8[%add3A_90, %dma_start3A_288] : memref<51200x16xf32, #tpu.memory_space<vmem_shared>> -> memref<400x16xf32, #tpu.memory_space<vmem_shared>>
      %dma_start3A_290 = arith.constant 0 : i32
      %dma_start3A_291 = tpu.memref_slice %arg8[%add3A_90, %dma_start3A_290] : memref<51200x16xf32, #tpu.memory_space<vmem_shared>> -> memref<400x16xf32, #tpu.memory_space<vmem_shared>>
      tpu.enqueue_dma source(%arg10 : memref<400x16xf32, #tpu.memory_space<vmem>>) target(%dma_start3A_291 : memref<400x16xf32, #tpu.memory_space<vmem_shared>>) target_semaphore(%run_scoped3A : memref<!tpu.dma_semaphore, #tpu.memory_space<semaphore_mem>>)
      %dma_wait3A_292 = arith.constant 0 : i32
      %dma_wait3A_293 = tpu.memref_slice %arg8[%add3A_90, %dma_wait3A_292] : memref<51200x16xf32, #tpu.memory_space<vmem_shared>> -> memref<400x16xf32, #tpu.memory_space<vmem_shared>>
      %dma_wait3A_294 = arith.constant 0 : i32
      %dma_wait3A_295 = tpu.memref_slice %arg8[%add3A_90, %dma_wait3A_294] : memref<51200x16xf32, #tpu.memory_space<vmem_shared>> -> memref<400x16xf32, #tpu.memory_space<vmem_shared>>
      tpu.wait_dma2 semaphore(%run_scoped3A : memref<!tpu.dma_semaphore, #tpu.memory_space<semaphore_mem>>) src(%arg10 : memref<400x16xf32, #tpu.memory_space<vmem>>) dst(%dma_wait3A_295 : memref<400x16xf32, #tpu.memory_space<vmem_shared>>)
      tpu.yield
    }) : () -> ()
    %mul3A_91 = arith.constant 3200 : i32
    %mul3A_92 = arith.muli %arg1, %mul3A_91 : i32
    %add3A_93 = arith.constant 2400 : i32
    %add3A_94 = arith.addi %mul3A_92, %add3A_93 : i32
    "tpu.region"() ({
      %run_scoped3A = tpu.sem_alloc : memref<!tpu.dma_semaphore, #tpu.memory_space<semaphore_mem>>
      %dma_start3A_288 = arith.constant 0 : i32
      %dma_start3A_289 = tpu.memref_slice %arg8[%add3A_94, %dma_start3A_288] : memref<51200x16xf32, #tpu.memory_space<vmem_shared>> -> memref<400x16xf32, #tpu.memory_space<vmem_shared>>
      %dma_start3A_290 = arith.constant 0 : i32
      %dma_start3A_291 = tpu.memref_slice %arg8[%add3A_94, %dma_start3A_290] : memref<51200x16xf32, #tpu.memory_space<vmem_shared>> -> memref<400x16xf32, #tpu.memory_space<vmem_shared>>
      tpu.enqueue_dma source(%arg10 : memref<400x16xf32, #tpu.memory_space<vmem>>) target(%dma_start3A_291 : memref<400x16xf32, #tpu.memory_space<vmem_shared>>) target_semaphore(%run_scoped3A : memref<!tpu.dma_semaphore, #tpu.memory_space<semaphore_mem>>)
      %dma_wait3A_292 = arith.constant 0 : i32
      %dma_wait3A_293 = tpu.memref_slice %arg8[%add3A_94, %dma_wait3A_292] : memref<51200x16xf32, #tpu.memory_space<vmem_shared>> -> memref<400x16xf32, #tpu.memory_space<vmem_shared>>
      %dma_wait3A_294 = arith.constant 0 : i32
      %dma_wait3A_295 = tpu.memref_slice %arg8[%add3A_94, %dma_wait3A_294] : memref<51200x16xf32, #tpu.memory_space<vmem_shared>> -> memref<400x16xf32, #tpu.memory_space<vmem_shared>>
      tpu.wait_dma2 semaphore(%run_scoped3A : memref<!tpu.dma_semaphore, #tpu.memory_space<semaphore_mem>>) src(%arg10 : memref<400x16xf32, #tpu.memory_space<vmem>>) dst(%dma_wait3A_295 : memref<400x16xf32, #tpu.memory_space<vmem_shared>>)
      tpu.yield
    }) : () -> ()
    %mul3A_95 = arith.constant 3200 : i32
    %mul3A_96 = arith.muli %arg1, %mul3A_95 : i32
    %add3A_97 = arith.constant 2800 : i32
    %add3A_98 = arith.addi %mul3A_96, %add3A_97 : i32
    "tpu.region"() ({
      %run_scoped3A = tpu.sem_alloc : memref<!tpu.dma_semaphore, #tpu.memory_space<semaphore_mem>>
      %dma_start3A_288 = arith.constant 0 : i32
      %dma_start3A_289 = tpu.memref_slice %arg8[%add3A_98, %dma_start3A_288] : memref<51200x16xf32, #tpu.memory_space<vmem_shared>> -> memref<400x16xf32, #tpu.memory_space<vmem_shared>>
      %dma_start3A_290 = arith.constant 0 : i32
      %dma_start3A_291 = tpu.memref_slice %arg8[%add3A_98, %dma_start3A_290] : memref<51200x16xf32, #tpu.memory_space<vmem_shared>> -> memref<400x16xf32, #tpu.memory_space<vmem_shared>>
      tpu.enqueue_dma source(%arg10 : memref<400x16xf32, #tpu.memory_space<vmem>>) target(%dma_start3A_291 : memref<400x16xf32, #tpu.memory_space<vmem_shared>>) target_semaphore(%run_scoped3A : memref<!tpu.dma_semaphore, #tpu.memory_space<semaphore_mem>>)
      %dma_wait3A_292 = arith.constant 0 : i32
      %dma_wait3A_293 = tpu.memref_slice %arg8[%add3A_98, %dma_wait3A_292] : memref<51200x16xf32, #tpu.memory_space<vmem_shared>> -> memref<400x16xf32, #tpu.memory_space<vmem_shared>>
      %dma_wait3A_294 = arith.constant 0 : i32
      %dma_wait3A_295 = tpu.memref_slice %arg8[%add3A_98, %dma_wait3A_294] : memref<51200x16xf32, #tpu.memory_space<vmem_shared>> -> memref<400x16xf32, #tpu.memory_space<vmem_shared>>
      tpu.wait_dma2 semaphore(%run_scoped3A : memref<!tpu.dma_semaphore, #tpu.memory_space<semaphore_mem>>) src(%arg10 : memref<400x16xf32, #tpu.memory_space<vmem>>) dst(%dma_wait3A_295 : memref<400x16xf32, #tpu.memory_space<vmem_shared>>)
      tpu.yield
    }) : () -> ()
    %barrier3A = arith.constant 0 : index
    tpu.barrier barrier_id(%barrier3A)
    %mul3A_99 = arith.constant 392 : i32
    %mul3A_100 = arith.muli %arg1, %mul3A_99 : i32
    %add3A_101 = arith.constant 0 : i32
    %add3A_102 = arith.addi %mul3A_100, %add3A_101 : i32
    %dma_start3A = arith.constant 0 : i32
    %dma_start3A_103 = tpu.memref_slice %arg3[%add3A_102, %dma_start3A] : memref<6272x128xi32, #tpu.memory_space<hbm>> -> memref<4x128xi32, #tpu.memory_space<hbm>>
    %dma_start3A_104 = arith.constant 0 : i32
    %dma_start3A_105 = tpu.memref_slice %arg3[%add3A_102, %dma_start3A_104] : memref<6272x128xi32, #tpu.memory_space<hbm>> -> memref<4x128xi32, #tpu.memory_space<hbm>>
    tpu.enqueue_dma source(%dma_start3A_105 : memref<4x128xi32, #tpu.memory_space<hbm>>) target(%arg12 : memref<4x128xi32, #tpu.memory_space<vmem>>) target_semaphore(%arg19 : memref<!tpu.dma_semaphore, #tpu.memory_space<semaphore_mem>>)
    %add3A_106 = arith.constant 0 : i32
    %add3A_107 = arith.addi %mul3A_100, %add3A_106 : i32
    %dma_start3A_108 = arith.constant 0 : i32
    %dma_start3A_109 = tpu.memref_slice %arg4[%add3A_107, %dma_start3A_108] : memref<6272x128xi32, #tpu.memory_space<hbm>> -> memref<4x128xi32, #tpu.memory_space<hbm>>
    %dma_start3A_110 = arith.constant 0 : i32
    %dma_start3A_111 = tpu.memref_slice %arg4[%add3A_107, %dma_start3A_110] : memref<6272x128xi32, #tpu.memory_space<hbm>> -> memref<4x128xi32, #tpu.memory_space<hbm>>
    tpu.enqueue_dma source(%dma_start3A_111 : memref<4x128xi32, #tpu.memory_space<hbm>>) target(%arg13 : memref<4x128xi32, #tpu.memory_space<vmem>>) target_semaphore(%arg19 : memref<!tpu.dma_semaphore, #tpu.memory_space<semaphore_mem>>)
    %scan3A_112 = arith.constant 0 : i32
    %scan3A_113 = arith.constant 0 : i32
    %scan3A_114 = arith.constant 49 : i32
    %scan3A_115 = arith.addi %scan3A_113, %scan3A_114 : i32
    %scan3A_116 = arith.constant 1 : i32
    scf.for %scan3A_288 = %scan3A_113 to %scan3A_115 step %scan3A_116  : i32 {
      %mul3A_289 = arith.constant 2 : i32
      %mul3A_290 = arith.muli %scan3A_288, %mul3A_289 : i32
      %add3A_291 = arith.constant 1 : i32
      %add3A_292 = arith.addi %mul3A_290, %add3A_291 : i32
      %mul3A_293 = arith.constant 4 : i32
      %mul3A_294 = arith.muli %add3A_292, %mul3A_293 : i32
      %add3A_295 = arith.addi %mul3A_100, %mul3A_294 : i32
      %dma_start3A_296 = arith.constant 0 : i32
      %dma_start3A_297 = tpu.memref_slice %arg3[%add3A_295, %dma_start3A_296] : memref<6272x128xi32, #tpu.memory_space<hbm>> -> memref<4x128xi32, #tpu.memory_space<hbm>>
      %dma_start3A_298 = arith.constant 0 : i32
      %dma_start3A_299 = tpu.memref_slice %arg3[%add3A_295, %dma_start3A_298] : memref<6272x128xi32, #tpu.memory_space<hbm>> -> memref<4x128xi32, #tpu.memory_space<hbm>>
      tpu.enqueue_dma source(%dma_start3A_299 : memref<4x128xi32, #tpu.memory_space<hbm>>) target(%arg14 : memref<4x128xi32, #tpu.memory_space<vmem>>) target_semaphore(%arg19 : memref<!tpu.dma_semaphore, #tpu.memory_space<semaphore_mem>>)
      %mul3A_300 = arith.constant 4 : i32
      %mul3A_301 = arith.muli %add3A_292, %mul3A_300 : i32
      %add3A_302 = arith.addi %mul3A_100, %mul3A_301 : i32
      %dma_start3A_303 = arith.constant 0 : i32
      %dma_start3A_304 = tpu.memref_slice %arg4[%add3A_302, %dma_start3A_303] : memref<6272x128xi32, #tpu.memory_space<hbm>> -> memref<4x128xi32, #tpu.memory_space<hbm>>
      %dma_start3A_305 = arith.constant 0 : i32
      %dma_start3A_306 = tpu.memref_slice %arg4[%add3A_302, %dma_start3A_305] : memref<6272x128xi32, #tpu.memory_space<hbm>> -> memref<4x128xi32, #tpu.memory_space<hbm>>
      tpu.enqueue_dma source(%dma_start3A_306 : memref<4x128xi32, #tpu.memory_space<hbm>>) target(%arg15 : memref<4x128xi32, #tpu.memory_space<vmem>>) target_semaphore(%arg19 : memref<!tpu.dma_semaphore, #tpu.memory_space<semaphore_mem>>)
      %dma_wait3A_307 = arith.constant 0 : i32
      %dma_wait3A_308 = tpu.memref_slice %arg3[%mul3A_100, %dma_wait3A_307] : memref<6272x128xi32, #tpu.memory_space<hbm>> -> memref<4x128xi32, #tpu.memory_space<hbm>>
      %dma_wait3A_309 = arith.constant 0 : i32
      %dma_wait3A_310 = tpu.memref_slice %arg3[%mul3A_100, %dma_wait3A_309] : memref<6272x128xi32, #tpu.memory_space<hbm>> -> memref<4x128xi32, #tpu.memory_space<hbm>>
      tpu.wait_dma2 semaphore(%arg19 : memref<!tpu.dma_semaphore, #tpu.memory_space<semaphore_mem>>) src(%dma_wait3A_310 : memref<4x128xi32, #tpu.memory_space<hbm>>) dst(%arg12 : memref<4x128xi32, #tpu.memory_space<vmem>>)
      %dma_wait3A_311 = arith.constant 0 : i32
      %dma_wait3A_312 = tpu.memref_slice %arg4[%mul3A_100, %dma_wait3A_311] : memref<6272x128xi32, #tpu.memory_space<hbm>> -> memref<4x128xi32, #tpu.memory_space<hbm>>
      %dma_wait3A_313 = arith.constant 0 : i32
      %dma_wait3A_314 = tpu.memref_slice %arg4[%mul3A_100, %dma_wait3A_313] : memref<6272x128xi32, #tpu.memory_space<hbm>> -> memref<4x128xi32, #tpu.memory_space<hbm>>
      tpu.wait_dma2 semaphore(%arg19 : memref<!tpu.dma_semaphore, #tpu.memory_space<semaphore_mem>>) src(%dma_wait3A_314 : memref<4x128xi32, #tpu.memory_space<hbm>>) dst(%arg13 : memref<4x128xi32, #tpu.memory_space<vmem>>)
      %dma_start3A_315 = arith.constant 0 : i32
      %dma_start3A_316 = arith.constant 0 : i32
      %dma_start3A_317 = arith.constant 0 : i32
      %dma_start3A_318 = tpu.memref_slice %arg16[%dma_start3A_316, %dma_start3A_317] : memref<512x16xf32, #tpu.memory_space<vmem>> -> memref<128x16xf32, #tpu.memory_space<vmem>>
      %dma_start3A_319 = arith.constant 0 : i32
      %dma_start3A_320 = tpu.memref_slice %arg12[%dma_start3A_315, %dma_start3A_319] : memref<4x128xi32, #tpu.memory_space<vmem>> -> memref<1x128xi32, #tpu.memory_space<vmem>>
      %dma_start3A_321 = tpu.memref_squeeze %dma_start3A_320 : memref<1x128xi32, #tpu.memory_space<vmem>> -> memref<128xi32, #tpu.memory_space<vmem>>
      %dma_start3A_322 = arith.constant 0 : i32
      %dma_start3A_323 = arith.constant 0 : i32
      %dma_start3A_324 = tpu.memref_slice %arg7[%dma_start3A_322, %dma_start3A_323] : memref<51200x16xf32, #tpu.memory_space<vmem_shared>> -> memref<51200x16xf32, #tpu.memory_space<vmem_shared>>
      tpu.enqueue_indirect_dma source(%dma_start3A_324 : memref<51200x16xf32, #tpu.memory_space<vmem_shared>>) target(%dma_start3A_318 : memref<128x16xf32, #tpu.memory_space<vmem>>) offsets(%dma_start3A_321 : memref<128xi32, #tpu.memory_space<vmem>>) semaphore(%arg18 : memref<!tpu.dma_semaphore, #tpu.memory_space<semaphore_mem>>)
      %dma_start3A_325 = arith.constant 1 : i32
      %dma_start3A_326 = arith.constant 128 : i32
      %dma_start3A_327 = arith.constant 0 : i32
      %dma_start3A_328 = tpu.memref_slice %arg16[%dma_start3A_326, %dma_start3A_327] : memref<512x16xf32, #tpu.memory_space<vmem>> -> memref<128x16xf32, #tpu.memory_space<vmem>>
      %dma_start3A_329 = arith.constant 0 : i32
      %dma_start3A_330 = tpu.memref_slice %arg12[%dma_start3A_325, %dma_start3A_329] : memref<4x128xi32, #tpu.memory_space<vmem>> -> memref<1x128xi32, #tpu.memory_space<vmem>>
      %dma_start3A_331 = tpu.memref_squeeze %dma_start3A_330 : memref<1x128xi32, #tpu.memory_space<vmem>> -> memref<128xi32, #tpu.memory_space<vmem>>
      %dma_start3A_332 = arith.constant 0 : i32
      %dma_start3A_333 = arith.constant 0 : i32
      %dma_start3A_334 = tpu.memref_slice %arg7[%dma_start3A_332, %dma_start3A_333] : memref<51200x16xf32, #tpu.memory_space<vmem_shared>> -> memref<51200x16xf32, #tpu.memory_space<vmem_shared>>
      tpu.enqueue_indirect_dma source(%dma_start3A_334 : memref<51200x16xf32, #tpu.memory_space<vmem_shared>>) target(%dma_start3A_328 : memref<128x16xf32, #tpu.memory_space<vmem>>) offsets(%dma_start3A_331 : memref<128xi32, #tpu.memory_space<vmem>>) semaphore(%arg18 : memref<!tpu.dma_semaphore, #tpu.memory_space<semaphore_mem>>)
      %dma_start3A_335 = arith.constant 2 : i32
      %dma_start3A_336 = arith.constant 256 : i32
      %dma_start3A_337 = arith.constant 0 : i32
      %dma_start3A_338 = tpu.memref_slice %arg16[%dma_start3A_336, %dma_start3A_337] : memref<512x16xf32, #tpu.memory_space<vmem>> -> memref<128x16xf32, #tpu.memory_space<vmem>>
      %dma_start3A_339 = arith.constant 0 : i32
      %dma_start3A_340 = tpu.memref_slice %arg12[%dma_start3A_335, %dma_start3A_339] : memref<4x128xi32, #tpu.memory_space<vmem>> -> memref<1x128xi32, #tpu.memory_space<vmem>>
      %dma_start3A_341 = tpu.memref_squeeze %dma_start3A_340 : memref<1x128xi32, #tpu.memory_space<vmem>> -> memref<128xi32, #tpu.memory_space<vmem>>
      %dma_start3A_342 = arith.constant 0 : i32
      %dma_start3A_343 = arith.constant 0 : i32
      %dma_start3A_344 = tpu.memref_slice %arg7[%dma_start3A_342, %dma_start3A_343] : memref<51200x16xf32, #tpu.memory_space<vmem_shared>> -> memref<51200x16xf32, #tpu.memory_space<vmem_shared>>
      tpu.enqueue_indirect_dma source(%dma_start3A_344 : memref<51200x16xf32, #tpu.memory_space<vmem_shared>>) target(%dma_start3A_338 : memref<128x16xf32, #tpu.memory_space<vmem>>) offsets(%dma_start3A_341 : memref<128xi32, #tpu.memory_space<vmem>>) semaphore(%arg18 : memref<!tpu.dma_semaphore, #tpu.memory_space<semaphore_mem>>)
      %dma_start3A_345 = arith.constant 3 : i32
      %dma_start3A_346 = arith.constant 384 : i32
      %dma_start3A_347 = arith.constant 0 : i32
      %dma_start3A_348 = tpu.memref_slice %arg16[%dma_start3A_346, %dma_start3A_347] : memref<512x16xf32, #tpu.memory_space<vmem>> -> memref<128x16xf32, #tpu.memory_space<vmem>>
      %dma_start3A_349 = arith.constant 0 : i32
      %dma_start3A_350 = tpu.memref_slice %arg12[%dma_start3A_345, %dma_start3A_349] : memref<4x128xi32, #tpu.memory_space<vmem>> -> memref<1x128xi32, #tpu.memory_space<vmem>>
      %dma_start3A_351 = tpu.memref_squeeze %dma_start3A_350 : memref<1x128xi32, #tpu.memory_space<vmem>> -> memref<128xi32, #tpu.memory_space<vmem>>
      %dma_start3A_352 = arith.constant 0 : i32
      %dma_start3A_353 = arith.constant 0 : i32
      %dma_start3A_354 = tpu.memref_slice %arg7[%dma_start3A_352, %dma_start3A_353] : memref<51200x16xf32, #tpu.memory_space<vmem_shared>> -> memref<51200x16xf32, #tpu.memory_space<vmem_shared>>
      tpu.enqueue_indirect_dma source(%dma_start3A_354 : memref<51200x16xf32, #tpu.memory_space<vmem_shared>>) target(%dma_start3A_348 : memref<128x16xf32, #tpu.memory_space<vmem>>) offsets(%dma_start3A_351 : memref<128xi32, #tpu.memory_space<vmem>>) semaphore(%arg18 : memref<!tpu.dma_semaphore, #tpu.memory_space<semaphore_mem>>)
      %dma_wait3A_355 = arith.constant 0 : i32
      %dma_wait3A_356 = arith.constant 0 : i32
      %dma_wait3A_357 = arith.constant 0 : i32
      %dma_wait3A_358 = tpu.memref_slice %arg16[%dma_wait3A_356, %dma_wait3A_357] : memref<512x16xf32, #tpu.memory_space<vmem>> -> memref<128x16xf32, #tpu.memory_space<vmem>>
      %dma_wait3A_359 = arith.constant 0 : i32
      %dma_wait3A_360 = tpu.memref_slice %arg12[%dma_wait3A_355, %dma_wait3A_359] : memref<4x128xi32, #tpu.memory_space<vmem>> -> memref<1x128xi32, #tpu.memory_space<vmem>>
      %dma_wait3A_361 = tpu.memref_squeeze %dma_wait3A_360 : memref<1x128xi32, #tpu.memory_space<vmem>> -> memref<128xi32, #tpu.memory_space<vmem>>
      %dma_wait3A_362 = arith.constant 0 : i32
      %dma_wait3A_363 = arith.constant 0 : i32
      %dma_wait3A_364 = tpu.memref_slice %arg7[%dma_wait3A_362, %dma_wait3A_363] : memref<51200x16xf32, #tpu.memory_space<vmem_shared>> -> memref<51200x16xf32, #tpu.memory_space<vmem_shared>>
      tpu.wait_indirect_dma semaphore(%arg18 : memref<!tpu.dma_semaphore, #tpu.memory_space<semaphore_mem>>) src(%dma_wait3A_364 : memref<51200x16xf32, #tpu.memory_space<vmem_shared>>) dst(%dma_wait3A_358 : memref<128x16xf32, #tpu.memory_space<vmem>>)
      %dma_wait3A_365 = arith.constant 1 : i32
      %dma_wait3A_366 = arith.constant 128 : i32
      %dma_wait3A_367 = arith.constant 0 : i32
      %dma_wait3A_368 = tpu.memref_slice %arg16[%dma_wait3A_366, %dma_wait3A_367] : memref<512x16xf32, #tpu.memory_space<vmem>> -> memref<128x16xf32, #tpu.memory_space<vmem>>
      %dma_wait3A_369 = arith.constant 0 : i32
      %dma_wait3A_370 = tpu.memref_slice %arg12[%dma_wait3A_365, %dma_wait3A_369] : memref<4x128xi32, #tpu.memory_space<vmem>> -> memref<1x128xi32, #tpu.memory_space<vmem>>
      %dma_wait3A_371 = tpu.memref_squeeze %dma_wait3A_370 : memref<1x128xi32, #tpu.memory_space<vmem>> -> memref<128xi32, #tpu.memory_space<vmem>>
      %dma_wait3A_372 = arith.constant 0 : i32
      %dma_wait3A_373 = arith.constant 0 : i32
      %dma_wait3A_374 = tpu.memref_slice %arg7[%dma_wait3A_372, %dma_wait3A_373] : memref<51200x16xf32, #tpu.memory_space<vmem_shared>> -> memref<51200x16xf32, #tpu.memory_space<vmem_shared>>
      tpu.wait_indirect_dma semaphore(%arg18 : memref<!tpu.dma_semaphore, #tpu.memory_space<semaphore_mem>>) src(%dma_wait3A_374 : memref<51200x16xf32, #tpu.memory_space<vmem_shared>>) dst(%dma_wait3A_368 : memref<128x16xf32, #tpu.memory_space<vmem>>)
      %dma_wait3A_375 = arith.constant 2 : i32
      %dma_wait3A_376 = arith.constant 256 : i32
      %dma_wait3A_377 = arith.constant 0 : i32
      %dma_wait3A_378 = tpu.memref_slice %arg16[%dma_wait3A_376, %dma_wait3A_377] : memref<512x16xf32, #tpu.memory_space<vmem>> -> memref<128x16xf32, #tpu.memory_space<vmem>>
      %dma_wait3A_379 = arith.constant 0 : i32
      %dma_wait3A_380 = tpu.memref_slice %arg12[%dma_wait3A_375, %dma_wait3A_379] : memref<4x128xi32, #tpu.memory_space<vmem>> -> memref<1x128xi32, #tpu.memory_space<vmem>>
      %dma_wait3A_381 = tpu.memref_squeeze %dma_wait3A_380 : memref<1x128xi32, #tpu.memory_space<vmem>> -> memref<128xi32, #tpu.memory_space<vmem>>
      %dma_wait3A_382 = arith.constant 0 : i32
      %dma_wait3A_383 = arith.constant 0 : i32
      %dma_wait3A_384 = tpu.memref_slice %arg7[%dma_wait3A_382, %dma_wait3A_383] : memref<51200x16xf32, #tpu.memory_space<vmem_shared>> -> memref<51200x16xf32, #tpu.memory_space<vmem_shared>>
      tpu.wait_indirect_dma semaphore(%arg18 : memref<!tpu.dma_semaphore, #tpu.memory_space<semaphore_mem>>) src(%dma_wait3A_384 : memref<51200x16xf32, #tpu.memory_space<vmem_shared>>) dst(%dma_wait3A_378 : memref<128x16xf32, #tpu.memory_space<vmem>>)
      %dma_wait3A_385 = arith.constant 3 : i32
      %dma_wait3A_386 = arith.constant 384 : i32
      %dma_wait3A_387 = arith.constant 0 : i32
      %dma_wait3A_388 = tpu.memref_slice %arg16[%dma_wait3A_386, %dma_wait3A_387] : memref<512x16xf32, #tpu.memory_space<vmem>> -> memref<128x16xf32, #tpu.memory_space<vmem>>
      %dma_wait3A_389 = arith.constant 0 : i32
      %dma_wait3A_390 = tpu.memref_slice %arg12[%dma_wait3A_385, %dma_wait3A_389] : memref<4x128xi32, #tpu.memory_space<vmem>> -> memref<1x128xi32, #tpu.memory_space<vmem>>
      %dma_wait3A_391 = tpu.memref_squeeze %dma_wait3A_390 : memref<1x128xi32, #tpu.memory_space<vmem>> -> memref<128xi32, #tpu.memory_space<vmem>>
      %dma_wait3A_392 = arith.constant 0 : i32
      %dma_wait3A_393 = arith.constant 0 : i32
      %dma_wait3A_394 = tpu.memref_slice %arg7[%dma_wait3A_392, %dma_wait3A_393] : memref<51200x16xf32, #tpu.memory_space<vmem_shared>> -> memref<51200x16xf32, #tpu.memory_space<vmem_shared>>
      tpu.wait_indirect_dma semaphore(%arg18 : memref<!tpu.dma_semaphore, #tpu.memory_space<semaphore_mem>>) src(%dma_wait3A_394 : memref<51200x16xf32, #tpu.memory_space<vmem_shared>>) dst(%dma_wait3A_388 : memref<128x16xf32, #tpu.memory_space<vmem>>)
      %dma_start3A_395 = arith.constant 0 : i32
      %dma_start3A_396 = arith.constant 0 : i32
      %dma_start3A_397 = arith.constant 0 : i32
      %dma_start3A_398 = tpu.memref_slice %arg16[%dma_start3A_396, %dma_start3A_397] : memref<512x16xf32, #tpu.memory_space<vmem>> -> memref<128x16xf32, #tpu.memory_space<vmem>>
      %dma_start3A_399 = arith.constant 0 : i32
      %dma_start3A_400 = tpu.memref_slice %arg13[%dma_start3A_395, %dma_start3A_399] : memref<4x128xi32, #tpu.memory_space<vmem>> -> memref<1x128xi32, #tpu.memory_space<vmem>>
      %dma_start3A_401 = tpu.memref_squeeze %dma_start3A_400 : memref<1x128xi32, #tpu.memory_space<vmem>> -> memref<128xi32, #tpu.memory_space<vmem>>
      %dma_start3A_402 = arith.constant 0 : i32
      %dma_start3A_403 = arith.constant 0 : i32
      %dma_start3A_404 = tpu.memref_slice %arg8[%dma_start3A_402, %dma_start3A_403] : memref<51200x16xf32, #tpu.memory_space<vmem_shared>> -> memref<51200x16xf32, #tpu.memory_space<vmem_shared>>
      tpu.enqueue_indirect_dma source(%dma_start3A_398 : memref<128x16xf32, #tpu.memory_space<vmem>>) target(%dma_start3A_404 : memref<51200x16xf32, #tpu.memory_space<vmem_shared>>) offsets(%dma_start3A_401 : memref<128xi32, #tpu.memory_space<vmem>>) semaphore(%arg18 : memref<!tpu.dma_semaphore, #tpu.memory_space<semaphore_mem>>) {add = true}
      %dma_start3A_405 = arith.constant 1 : i32
      %dma_start3A_406 = arith.constant 128 : i32
      %dma_start3A_407 = arith.constant 0 : i32
      %dma_start3A_408 = tpu.memref_slice %arg16[%dma_start3A_406, %dma_start3A_407] : memref<512x16xf32, #tpu.memory_space<vmem>> -> memref<128x16xf32, #tpu.memory_space<vmem>>
      %dma_start3A_409 = arith.constant 0 : i32
      %dma_start3A_410 = tpu.memref_slice %arg13[%dma_start3A_405, %dma_start3A_409] : memref<4x128xi32, #tpu.memory_space<vmem>> -> memref<1x128xi32, #tpu.memory_space<vmem>>
      %dma_start3A_411 = tpu.memref_squeeze %dma_start3A_410 : memref<1x128xi32, #tpu.memory_space<vmem>> -> memref<128xi32, #tpu.memory_space<vmem>>
      %dma_start3A_412 = arith.constant 0 : i32
      %dma_start3A_413 = arith.constant 0 : i32
      %dma_start3A_414 = tpu.memref_slice %arg8[%dma_start3A_412, %dma_start3A_413] : memref<51200x16xf32, #tpu.memory_space<vmem_shared>> -> memref<51200x16xf32, #tpu.memory_space<vmem_shared>>
      tpu.enqueue_indirect_dma source(%dma_start3A_408 : memref<128x16xf32, #tpu.memory_space<vmem>>) target(%dma_start3A_414 : memref<51200x16xf32, #tpu.memory_space<vmem_shared>>) offsets(%dma_start3A_411 : memref<128xi32, #tpu.memory_space<vmem>>) semaphore(%arg18 : memref<!tpu.dma_semaphore, #tpu.memory_space<semaphore_mem>>) {add = true}
      %dma_start3A_415 = arith.constant 2 : i32
      %dma_start3A_416 = arith.constant 256 : i32
      %dma_start3A_417 = arith.constant 0 : i32
      %dma_start3A_418 = tpu.memref_slice %arg16[%dma_start3A_416, %dma_start3A_417] : memref<512x16xf32, #tpu.memory_space<vmem>> -> memref<128x16xf32, #tpu.memory_space<vmem>>
      %dma_start3A_419 = arith.constant 0 : i32
      %dma_start3A_420 = tpu.memref_slice %arg13[%dma_start3A_415, %dma_start3A_419] : memref<4x128xi32, #tpu.memory_space<vmem>> -> memref<1x128xi32, #tpu.memory_space<vmem>>
      %dma_start3A_421 = tpu.memref_squeeze %dma_start3A_420 : memref<1x128xi32, #tpu.memory_space<vmem>> -> memref<128xi32, #tpu.memory_space<vmem>>
      %dma_start3A_422 = arith.constant 0 : i32
      %dma_start3A_423 = arith.constant 0 : i32
      %dma_start3A_424 = tpu.memref_slice %arg8[%dma_start3A_422, %dma_start3A_423] : memref<51200x16xf32, #tpu.memory_space<vmem_shared>> -> memref<51200x16xf32, #tpu.memory_space<vmem_shared>>
      tpu.enqueue_indirect_dma source(%dma_start3A_418 : memref<128x16xf32, #tpu.memory_space<vmem>>) target(%dma_start3A_424 : memref<51200x16xf32, #tpu.memory_space<vmem_shared>>) offsets(%dma_start3A_421 : memref<128xi32, #tpu.memory_space<vmem>>) semaphore(%arg18 : memref<!tpu.dma_semaphore, #tpu.memory_space<semaphore_mem>>) {add = true}
      %dma_start3A_425 = arith.constant 3 : i32
      %dma_start3A_426 = arith.constant 384 : i32
      %dma_start3A_427 = arith.constant 0 : i32
      %dma_start3A_428 = tpu.memref_slice %arg16[%dma_start3A_426, %dma_start3A_427] : memref<512x16xf32, #tpu.memory_space<vmem>> -> memref<128x16xf32, #tpu.memory_space<vmem>>
      %dma_start3A_429 = arith.constant 0 : i32
      %dma_start3A_430 = tpu.memref_slice %arg13[%dma_start3A_425, %dma_start3A_429] : memref<4x128xi32, #tpu.memory_space<vmem>> -> memref<1x128xi32, #tpu.memory_space<vmem>>
      %dma_start3A_431 = tpu.memref_squeeze %dma_start3A_430 : memref<1x128xi32, #tpu.memory_space<vmem>> -> memref<128xi32, #tpu.memory_space<vmem>>
      %dma_start3A_432 = arith.constant 0 : i32
      %dma_start3A_433 = arith.constant 0 : i32
      %dma_start3A_434 = tpu.memref_slice %arg8[%dma_start3A_432, %dma_start3A_433] : memref<51200x16xf32, #tpu.memory_space<vmem_shared>> -> memref<51200x16xf32, #tpu.memory_space<vmem_shared>>
      tpu.enqueue_indirect_dma source(%dma_start3A_428 : memref<128x16xf32, #tpu.memory_space<vmem>>) target(%dma_start3A_434 : memref<51200x16xf32, #tpu.memory_space<vmem_shared>>) offsets(%dma_start3A_431 : memref<128xi32, #tpu.memory_space<vmem>>) semaphore(%arg18 : memref<!tpu.dma_semaphore, #tpu.memory_space<semaphore_mem>>) {add = true}
      %dma_wait3A_435 = arith.constant 0 : i32
      %dma_wait3A_436 = arith.constant 0 : i32
      %dma_wait3A_437 = arith.constant 0 : i32
      %dma_wait3A_438 = tpu.memref_slice %arg16[%dma_wait3A_436, %dma_wait3A_437] : memref<512x16xf32, #tpu.memory_space<vmem>> -> memref<128x16xf32, #tpu.memory_space<vmem>>
      %dma_wait3A_439 = arith.constant 0 : i32
      %dma_wait3A_440 = tpu.memref_slice %arg13[%dma_wait3A_435, %dma_wait3A_439] : memref<4x128xi32, #tpu.memory_space<vmem>> -> memref<1x128xi32, #tpu.memory_space<vmem>>
      %dma_wait3A_441 = tpu.memref_squeeze %dma_wait3A_440 : memref<1x128xi32, #tpu.memory_space<vmem>> -> memref<128xi32, #tpu.memory_space<vmem>>
      %dma_wait3A_442 = arith.constant 0 : i32
      %dma_wait3A_443 = arith.constant 0 : i32
      %dma_wait3A_444 = tpu.memref_slice %arg8[%dma_wait3A_442, %dma_wait3A_443] : memref<51200x16xf32, #tpu.memory_space<vmem_shared>> -> memref<51200x16xf32, #tpu.memory_space<vmem_shared>>
      tpu.wait_indirect_dma semaphore(%arg18 : memref<!tpu.dma_semaphore, #tpu.memory_space<semaphore_mem>>) src(%dma_wait3A_438 : memref<128x16xf32, #tpu.memory_space<vmem>>) dst(%dma_wait3A_444 : memref<51200x16xf32, #tpu.memory_space<vmem_shared>>)
      %dma_wait3A_445 = arith.constant 1 : i32
      %dma_wait3A_446 = arith.constant 128 : i32
      %dma_wait3A_447 = arith.constant 0 : i32
      %dma_wait3A_448 = tpu.memref_slice %arg16[%dma_wait3A_446, %dma_wait3A_447] : memref<512x16xf32, #tpu.memory_space<vmem>> -> memref<128x16xf32, #tpu.memory_space<vmem>>
      %dma_wait3A_449 = arith.constant 0 : i32
      %dma_wait3A_450 = tpu.memref_slice %arg13[%dma_wait3A_445, %dma_wait3A_449] : memref<4x128xi32, #tpu.memory_space<vmem>> -> memref<1x128xi32, #tpu.memory_space<vmem>>
      %dma_wait3A_451 = tpu.memref_squeeze %dma_wait3A_450 : memref<1x128xi32, #tpu.memory_space<vmem>> -> memref<128xi32, #tpu.memory_space<vmem>>
      %dma_wait3A_452 = arith.constant 0 : i32
      %dma_wait3A_453 = arith.constant 0 : i32
      %dma_wait3A_454 = tpu.memref_slice %arg8[%dma_wait3A_452, %dma_wait3A_453] : memref<51200x16xf32, #tpu.memory_space<vmem_shared>> -> memref<51200x16xf32, #tpu.memory_space<vmem_shared>>
      tpu.wait_indirect_dma semaphore(%arg18 : memref<!tpu.dma_semaphore, #tpu.memory_space<semaphore_mem>>) src(%dma_wait3A_448 : memref<128x16xf32, #tpu.memory_space<vmem>>) dst(%dma_wait3A_454 : memref<51200x16xf32, #tpu.memory_space<vmem_shared>>)
      %dma_wait3A_455 = arith.constant 2 : i32
      %dma_wait3A_456 = arith.constant 256 : i32
      %dma_wait3A_457 = arith.constant 0 : i32
      %dma_wait3A_458 = tpu.memref_slice %arg16[%dma_wait3A_456, %dma_wait3A_457] : memref<512x16xf32, #tpu.memory_space<vmem>> -> memref<128x16xf32, #tpu.memory_space<vmem>>
      %dma_wait3A_459 = arith.constant 0 : i32
      %dma_wait3A_460 = tpu.memref_slice %arg13[%dma_wait3A_455, %dma_wait3A_459] : memref<4x128xi32, #tpu.memory_space<vmem>> -> memref<1x128xi32, #tpu.memory_space<vmem>>
      %dma_wait3A_461 = tpu.memref_squeeze %dma_wait3A_460 : memref<1x128xi32, #tpu.memory_space<vmem>> -> memref<128xi32, #tpu.memory_space<vmem>>
      %dma_wait3A_462 = arith.constant 0 : i32
      %dma_wait3A_463 = arith.constant 0 : i32
      %dma_wait3A_464 = tpu.memref_slice %arg8[%dma_wait3A_462, %dma_wait3A_463] : memref<51200x16xf32, #tpu.memory_space<vmem_shared>> -> memref<51200x16xf32, #tpu.memory_space<vmem_shared>>
      tpu.wait_indirect_dma semaphore(%arg18 : memref<!tpu.dma_semaphore, #tpu.memory_space<semaphore_mem>>) src(%dma_wait3A_458 : memref<128x16xf32, #tpu.memory_space<vmem>>) dst(%dma_wait3A_464 : memref<51200x16xf32, #tpu.memory_space<vmem_shared>>)
      %dma_wait3A_465 = arith.constant 3 : i32
      %dma_wait3A_466 = arith.constant 384 : i32
      %dma_wait3A_467 = arith.constant 0 : i32
      %dma_wait3A_468 = tpu.memref_slice %arg16[%dma_wait3A_466, %dma_wait3A_467] : memref<512x16xf32, #tpu.memory_space<vmem>> -> memref<128x16xf32, #tpu.memory_space<vmem>>
      %dma_wait3A_469 = arith.constant 0 : i32
      %dma_wait3A_470 = tpu.memref_slice %arg13[%dma_wait3A_465, %dma_wait3A_469] : memref<4x128xi32, #tpu.memory_space<vmem>> -> memref<1x128xi32, #tpu.memory_space<vmem>>
      %dma_wait3A_471 = tpu.memref_squeeze %dma_wait3A_470 : memref<1x128xi32, #tpu.memory_space<vmem>> -> memref<128xi32, #tpu.memory_space<vmem>>
      %dma_wait3A_472 = arith.constant 0 : i32
      %dma_wait3A_473 = arith.constant 0 : i32
      %dma_wait3A_474 = tpu.memref_slice %arg8[%dma_wait3A_472, %dma_wait3A_473] : memref<51200x16xf32, #tpu.memory_space<vmem_shared>> -> memref<51200x16xf32, #tpu.memory_space<vmem_shared>>
      tpu.wait_indirect_dma semaphore(%arg18 : memref<!tpu.dma_semaphore, #tpu.memory_space<semaphore_mem>>) src(%dma_wait3A_468 : memref<128x16xf32, #tpu.memory_space<vmem>>) dst(%dma_wait3A_474 : memref<51200x16xf32, #tpu.memory_space<vmem_shared>>)
      %add3A_475 = arith.constant 2 : i32
      %add3A_476 = arith.addi %mul3A_290, %add3A_475 : i32
      %min3A = arith.constant 97 : i32
      %min3A_477 = arith.minsi %add3A_476, %min3A : i32
      %mul3A_478 = arith.constant 4 : i32
      %mul3A_479 = arith.muli %min3A_477, %mul3A_478 : i32
      %add3A_480 = arith.addi %mul3A_100, %mul3A_479 : i32
      %dma_start3A_481 = arith.constant 0 : i32
      %dma_start3A_482 = tpu.memref_slice %arg3[%add3A_480, %dma_start3A_481] : memref<6272x128xi32, #tpu.memory_space<hbm>> -> memref<4x128xi32, #tpu.memory_space<hbm>>
      %dma_start3A_483 = arith.constant 0 : i32
      %dma_start3A_484 = tpu.memref_slice %arg3[%add3A_480, %dma_start3A_483] : memref<6272x128xi32, #tpu.memory_space<hbm>> -> memref<4x128xi32, #tpu.memory_space<hbm>>
      tpu.enqueue_dma source(%dma_start3A_484 : memref<4x128xi32, #tpu.memory_space<hbm>>) target(%arg12 : memref<4x128xi32, #tpu.memory_space<vmem>>) target_semaphore(%arg19 : memref<!tpu.dma_semaphore, #tpu.memory_space<semaphore_mem>>)
      %mul3A_485 = arith.constant 4 : i32
      %mul3A_486 = arith.muli %min3A_477, %mul3A_485 : i32
      %add3A_487 = arith.addi %mul3A_100, %mul3A_486 : i32
      %dma_start3A_488 = arith.constant 0 : i32
      %dma_start3A_489 = tpu.memref_slice %arg4[%add3A_487, %dma_start3A_488] : memref<6272x128xi32, #tpu.memory_space<hbm>> -> memref<4x128xi32, #tpu.memory_space<hbm>>
      %dma_start3A_490 = arith.constant 0 : i32
      %dma_start3A_491 = tpu.memref_slice %arg4[%add3A_487, %dma_start3A_490] : memref<6272x128xi32, #tpu.memory_space<hbm>> -> memref<4x128xi32, #tpu.memory_space<hbm>>
      tpu.enqueue_dma source(%dma_start3A_491 : memref<4x128xi32, #tpu.memory_space<hbm>>) target(%arg13 : memref<4x128xi32, #tpu.memory_space<vmem>>) target_semaphore(%arg19 : memref<!tpu.dma_semaphore, #tpu.memory_space<semaphore_mem>>)
      %dma_wait3A_492 = arith.constant 0 : i32
      %dma_wait3A_493 = tpu.memref_slice %arg3[%mul3A_100, %dma_wait3A_492] : memref<6272x128xi32, #tpu.memory_space<hbm>> -> memref<4x128xi32, #tpu.memory_space<hbm>>
      %dma_wait3A_494 = arith.constant 0 : i32
      %dma_wait3A_495 = tpu.memref_slice %arg3[%mul3A_100, %dma_wait3A_494] : memref<6272x128xi32, #tpu.memory_space<hbm>> -> memref<4x128xi32, #tpu.memory_space<hbm>>
      tpu.wait_dma2 semaphore(%arg19 : memref<!tpu.dma_semaphore, #tpu.memory_space<semaphore_mem>>) src(%dma_wait3A_495 : memref<4x128xi32, #tpu.memory_space<hbm>>) dst(%arg14 : memref<4x128xi32, #tpu.memory_space<vmem>>)
      %dma_wait3A_496 = arith.constant 0 : i32
      %dma_wait3A_497 = tpu.memref_slice %arg4[%mul3A_100, %dma_wait3A_496] : memref<6272x128xi32, #tpu.memory_space<hbm>> -> memref<4x128xi32, #tpu.memory_space<hbm>>
      %dma_wait3A_498 = arith.constant 0 : i32
      %dma_wait3A_499 = tpu.memref_slice %arg4[%mul3A_100, %dma_wait3A_498] : memref<6272x128xi32, #tpu.memory_space<hbm>> -> memref<4x128xi32, #tpu.memory_space<hbm>>
      tpu.wait_dma2 semaphore(%arg19 : memref<!tpu.dma_semaphore, #tpu.memory_space<semaphore_mem>>) src(%dma_wait3A_499 : memref<4x128xi32, #tpu.memory_space<hbm>>) dst(%arg15 : memref<4x128xi32, #tpu.memory_space<vmem>>)
      %dma_start3A_500 = arith.constant 0 : i32
      %dma_start3A_501 = arith.constant 0 : i32
      %dma_start3A_502 = arith.constant 0 : i32
      %dma_start3A_503 = tpu.memref_slice %arg16[%dma_start3A_501, %dma_start3A_502] : memref<512x16xf32, #tpu.memory_space<vmem>> -> memref<128x16xf32, #tpu.memory_space<vmem>>
      %dma_start3A_504 = arith.constant 0 : i32
      %dma_start3A_505 = tpu.memref_slice %arg14[%dma_start3A_500, %dma_start3A_504] : memref<4x128xi32, #tpu.memory_space<vmem>> -> memref<1x128xi32, #tpu.memory_space<vmem>>
      %dma_start3A_506 = tpu.memref_squeeze %dma_start3A_505 : memref<1x128xi32, #tpu.memory_space<vmem>> -> memref<128xi32, #tpu.memory_space<vmem>>
      %dma_start3A_507 = arith.constant 0 : i32
      %dma_start3A_508 = arith.constant 0 : i32
      %dma_start3A_509 = tpu.memref_slice %arg7[%dma_start3A_507, %dma_start3A_508] : memref<51200x16xf32, #tpu.memory_space<vmem_shared>> -> memref<51200x16xf32, #tpu.memory_space<vmem_shared>>
      tpu.enqueue_indirect_dma source(%dma_start3A_509 : memref<51200x16xf32, #tpu.memory_space<vmem_shared>>) target(%dma_start3A_503 : memref<128x16xf32, #tpu.memory_space<vmem>>) offsets(%dma_start3A_506 : memref<128xi32, #tpu.memory_space<vmem>>) semaphore(%arg18 : memref<!tpu.dma_semaphore, #tpu.memory_space<semaphore_mem>>)
      %dma_start3A_510 = arith.constant 1 : i32
      %dma_start3A_511 = arith.constant 128 : i32
      %dma_start3A_512 = arith.constant 0 : i32
      %dma_start3A_513 = tpu.memref_slice %arg16[%dma_start3A_511, %dma_start3A_512] : memref<512x16xf32, #tpu.memory_space<vmem>> -> memref<128x16xf32, #tpu.memory_space<vmem>>
      %dma_start3A_514 = arith.constant 0 : i32
      %dma_start3A_515 = tpu.memref_slice %arg14[%dma_start3A_510, %dma_start3A_514] : memref<4x128xi32, #tpu.memory_space<vmem>> -> memref<1x128xi32, #tpu.memory_space<vmem>>
      %dma_start3A_516 = tpu.memref_squeeze %dma_start3A_515 : memref<1x128xi32, #tpu.memory_space<vmem>> -> memref<128xi32, #tpu.memory_space<vmem>>
      %dma_start3A_517 = arith.constant 0 : i32
      %dma_start3A_518 = arith.constant 0 : i32
      %dma_start3A_519 = tpu.memref_slice %arg7[%dma_start3A_517, %dma_start3A_518] : memref<51200x16xf32, #tpu.memory_space<vmem_shared>> -> memref<51200x16xf32, #tpu.memory_space<vmem_shared>>
      tpu.enqueue_indirect_dma source(%dma_start3A_519 : memref<51200x16xf32, #tpu.memory_space<vmem_shared>>) target(%dma_start3A_513 : memref<128x16xf32, #tpu.memory_space<vmem>>) offsets(%dma_start3A_516 : memref<128xi32, #tpu.memory_space<vmem>>) semaphore(%arg18 : memref<!tpu.dma_semaphore, #tpu.memory_space<semaphore_mem>>)
      %dma_start3A_520 = arith.constant 2 : i32
      %dma_start3A_521 = arith.constant 256 : i32
      %dma_start3A_522 = arith.constant 0 : i32
      %dma_start3A_523 = tpu.memref_slice %arg16[%dma_start3A_521, %dma_start3A_522] : memref<512x16xf32, #tpu.memory_space<vmem>> -> memref<128x16xf32, #tpu.memory_space<vmem>>
      %dma_start3A_524 = arith.constant 0 : i32
      %dma_start3A_525 = tpu.memref_slice %arg14[%dma_start3A_520, %dma_start3A_524] : memref<4x128xi32, #tpu.memory_space<vmem>> -> memref<1x128xi32, #tpu.memory_space<vmem>>
      %dma_start3A_526 = tpu.memref_squeeze %dma_start3A_525 : memref<1x128xi32, #tpu.memory_space<vmem>> -> memref<128xi32, #tpu.memory_space<vmem>>
      %dma_start3A_527 = arith.constant 0 : i32
      %dma_start3A_528 = arith.constant 0 : i32
      %dma_start3A_529 = tpu.memref_slice %arg7[%dma_start3A_527, %dma_start3A_528] : memref<51200x16xf32, #tpu.memory_space<vmem_shared>> -> memref<51200x16xf32, #tpu.memory_space<vmem_shared>>
      tpu.enqueue_indirect_dma source(%dma_start3A_529 : memref<51200x16xf32, #tpu.memory_space<vmem_shared>>) target(%dma_start3A_523 : memref<128x16xf32, #tpu.memory_space<vmem>>) offsets(%dma_start3A_526 : memref<128xi32, #tpu.memory_space<vmem>>) semaphore(%arg18 : memref<!tpu.dma_semaphore, #tpu.memory_space<semaphore_mem>>)
      %dma_start3A_530 = arith.constant 3 : i32
      %dma_start3A_531 = arith.constant 384 : i32
      %dma_start3A_532 = arith.constant 0 : i32
      %dma_start3A_533 = tpu.memref_slice %arg16[%dma_start3A_531, %dma_start3A_532] : memref<512x16xf32, #tpu.memory_space<vmem>> -> memref<128x16xf32, #tpu.memory_space<vmem>>
      %dma_start3A_534 = arith.constant 0 : i32
      %dma_start3A_535 = tpu.memref_slice %arg14[%dma_start3A_530, %dma_start3A_534] : memref<4x128xi32, #tpu.memory_space<vmem>> -> memref<1x128xi32, #tpu.memory_space<vmem>>
      %dma_start3A_536 = tpu.memref_squeeze %dma_start3A_535 : memref<1x128xi32, #tpu.memory_space<vmem>> -> memref<128xi32, #tpu.memory_space<vmem>>
      %dma_start3A_537 = arith.constant 0 : i32
      %dma_start3A_538 = arith.constant 0 : i32
      %dma_start3A_539 = tpu.memref_slice %arg7[%dma_start3A_537, %dma_start3A_538] : memref<51200x16xf32, #tpu.memory_space<vmem_shared>> -> memref<51200x16xf32, #tpu.memory_space<vmem_shared>>
      tpu.enqueue_indirect_dma source(%dma_start3A_539 : memref<51200x16xf32, #tpu.memory_space<vmem_shared>>) target(%dma_start3A_533 : memref<128x16xf32, #tpu.memory_space<vmem>>) offsets(%dma_start3A_536 : memref<128xi32, #tpu.memory_space<vmem>>) semaphore(%arg18 : memref<!tpu.dma_semaphore, #tpu.memory_space<semaphore_mem>>)
      %dma_wait3A_540 = arith.constant 0 : i32
      %dma_wait3A_541 = arith.constant 0 : i32
      %dma_wait3A_542 = arith.constant 0 : i32
      %dma_wait3A_543 = tpu.memref_slice %arg16[%dma_wait3A_541, %dma_wait3A_542] : memref<512x16xf32, #tpu.memory_space<vmem>> -> memref<128x16xf32, #tpu.memory_space<vmem>>
      %dma_wait3A_544 = arith.constant 0 : i32
      %dma_wait3A_545 = tpu.memref_slice %arg14[%dma_wait3A_540, %dma_wait3A_544] : memref<4x128xi32, #tpu.memory_space<vmem>> -> memref<1x128xi32, #tpu.memory_space<vmem>>
      %dma_wait3A_546 = tpu.memref_squeeze %dma_wait3A_545 : memref<1x128xi32, #tpu.memory_space<vmem>> -> memref<128xi32, #tpu.memory_space<vmem>>
      %dma_wait3A_547 = arith.constant 0 : i32
      %dma_wait3A_548 = arith.constant 0 : i32
      %dma_wait3A_549 = tpu.memref_slice %arg7[%dma_wait3A_547, %dma_wait3A_548] : memref<51200x16xf32, #tpu.memory_space<vmem_shared>> -> memref<51200x16xf32, #tpu.memory_space<vmem_shared>>
      tpu.wait_indirect_dma semaphore(%arg18 : memref<!tpu.dma_semaphore, #tpu.memory_space<semaphore_mem>>) src(%dma_wait3A_549 : memref<51200x16xf32, #tpu.memory_space<vmem_shared>>) dst(%dma_wait3A_543 : memref<128x16xf32, #tpu.memory_space<vmem>>)
      %dma_wait3A_550 = arith.constant 1 : i32
      %dma_wait3A_551 = arith.constant 128 : i32
      %dma_wait3A_552 = arith.constant 0 : i32
      %dma_wait3A_553 = tpu.memref_slice %arg16[%dma_wait3A_551, %dma_wait3A_552] : memref<512x16xf32, #tpu.memory_space<vmem>> -> memref<128x16xf32, #tpu.memory_space<vmem>>
      %dma_wait3A_554 = arith.constant 0 : i32
      %dma_wait3A_555 = tpu.memref_slice %arg14[%dma_wait3A_550, %dma_wait3A_554] : memref<4x128xi32, #tpu.memory_space<vmem>> -> memref<1x128xi32, #tpu.memory_space<vmem>>
      %dma_wait3A_556 = tpu.memref_squeeze %dma_wait3A_555 : memref<1x128xi32, #tpu.memory_space<vmem>> -> memref<128xi32, #tpu.memory_space<vmem>>
      %dma_wait3A_557 = arith.constant 0 : i32
      %dma_wait3A_558 = arith.constant 0 : i32
      %dma_wait3A_559 = tpu.memref_slice %arg7[%dma_wait3A_557, %dma_wait3A_558] : memref<51200x16xf32, #tpu.memory_space<vmem_shared>> -> memref<51200x16xf32, #tpu.memory_space<vmem_shared>>
      tpu.wait_indirect_dma semaphore(%arg18 : memref<!tpu.dma_semaphore, #tpu.memory_space<semaphore_mem>>) src(%dma_wait3A_559 : memref<51200x16xf32, #tpu.memory_space<vmem_shared>>) dst(%dma_wait3A_553 : memref<128x16xf32, #tpu.memory_space<vmem>>)
      %dma_wait3A_560 = arith.constant 2 : i32
      %dma_wait3A_561 = arith.constant 256 : i32
      %dma_wait3A_562 = arith.constant 0 : i32
      %dma_wait3A_563 = tpu.memref_slice %arg16[%dma_wait3A_561, %dma_wait3A_562] : memref<512x16xf32, #tpu.memory_space<vmem>> -> memref<128x16xf32, #tpu.memory_space<vmem>>
      %dma_wait3A_564 = arith.constant 0 : i32
      %dma_wait3A_565 = tpu.memref_slice %arg14[%dma_wait3A_560, %dma_wait3A_564] : memref<4x128xi32, #tpu.memory_space<vmem>> -> memref<1x128xi32, #tpu.memory_space<vmem>>
      %dma_wait3A_566 = tpu.memref_squeeze %dma_wait3A_565 : memref<1x128xi32, #tpu.memory_space<vmem>> -> memref<128xi32, #tpu.memory_space<vmem>>
      %dma_wait3A_567 = arith.constant 0 : i32
      %dma_wait3A_568 = arith.constant 0 : i32
      %dma_wait3A_569 = tpu.memref_slice %arg7[%dma_wait3A_567, %dma_wait3A_568] : memref<51200x16xf32, #tpu.memory_space<vmem_shared>> -> memref<51200x16xf32, #tpu.memory_space<vmem_shared>>
      tpu.wait_indirect_dma semaphore(%arg18 : memref<!tpu.dma_semaphore, #tpu.memory_space<semaphore_mem>>) src(%dma_wait3A_569 : memref<51200x16xf32, #tpu.memory_space<vmem_shared>>) dst(%dma_wait3A_563 : memref<128x16xf32, #tpu.memory_space<vmem>>)
      %dma_wait3A_570 = arith.constant 3 : i32
      %dma_wait3A_571 = arith.constant 384 : i32
      %dma_wait3A_572 = arith.constant 0 : i32
      %dma_wait3A_573 = tpu.memref_slice %arg16[%dma_wait3A_571, %dma_wait3A_572] : memref<512x16xf32, #tpu.memory_space<vmem>> -> memref<128x16xf32, #tpu.memory_space<vmem>>
      %dma_wait3A_574 = arith.constant 0 : i32
      %dma_wait3A_575 = tpu.memref_slice %arg14[%dma_wait3A_570, %dma_wait3A_574] : memref<4x128xi32, #tpu.memory_space<vmem>> -> memref<1x128xi32, #tpu.memory_space<vmem>>
      %dma_wait3A_576 = tpu.memref_squeeze %dma_wait3A_575 : memref<1x128xi32, #tpu.memory_space<vmem>> -> memref<128xi32, #tpu.memory_space<vmem>>
      %dma_wait3A_577 = arith.constant 0 : i32
      %dma_wait3A_578 = arith.constant 0 : i32
      %dma_wait3A_579 = tpu.memref_slice %arg7[%dma_wait3A_577, %dma_wait3A_578] : memref<51200x16xf32, #tpu.memory_space<vmem_shared>> -> memref<51200x16xf32, #tpu.memory_space<vmem_shared>>
      tpu.wait_indirect_dma semaphore(%arg18 : memref<!tpu.dma_semaphore, #tpu.memory_space<semaphore_mem>>) src(%dma_wait3A_579 : memref<51200x16xf32, #tpu.memory_space<vmem_shared>>) dst(%dma_wait3A_573 : memref<128x16xf32, #tpu.memory_space<vmem>>)
      %dma_start3A_580 = arith.constant 0 : i32
      %dma_start3A_581 = arith.constant 0 : i32
      %dma_start3A_582 = arith.constant 0 : i32
      %dma_start3A_583 = tpu.memref_slice %arg16[%dma_start3A_581, %dma_start3A_582] : memref<512x16xf32, #tpu.memory_space<vmem>> -> memref<128x16xf32, #tpu.memory_space<vmem>>
      %dma_start3A_584 = arith.constant 0 : i32
      %dma_start3A_585 = tpu.memref_slice %arg15[%dma_start3A_580, %dma_start3A_584] : memref<4x128xi32, #tpu.memory_space<vmem>> -> memref<1x128xi32, #tpu.memory_space<vmem>>
      %dma_start3A_586 = tpu.memref_squeeze %dma_start3A_585 : memref<1x128xi32, #tpu.memory_space<vmem>> -> memref<128xi32, #tpu.memory_space<vmem>>
      %dma_start3A_587 = arith.constant 0 : i32
      %dma_start3A_588 = arith.constant 0 : i32
      %dma_start3A_589 = tpu.memref_slice %arg8[%dma_start3A_587, %dma_start3A_588] : memref<51200x16xf32, #tpu.memory_space<vmem_shared>> -> memref<51200x16xf32, #tpu.memory_space<vmem_shared>>
      tpu.enqueue_indirect_dma source(%dma_start3A_583 : memref<128x16xf32, #tpu.memory_space<vmem>>) target(%dma_start3A_589 : memref<51200x16xf32, #tpu.memory_space<vmem_shared>>) offsets(%dma_start3A_586 : memref<128xi32, #tpu.memory_space<vmem>>) semaphore(%arg18 : memref<!tpu.dma_semaphore, #tpu.memory_space<semaphore_mem>>) {add = true}
      %dma_start3A_590 = arith.constant 1 : i32
      %dma_start3A_591 = arith.constant 128 : i32
      %dma_start3A_592 = arith.constant 0 : i32
      %dma_start3A_593 = tpu.memref_slice %arg16[%dma_start3A_591, %dma_start3A_592] : memref<512x16xf32, #tpu.memory_space<vmem>> -> memref<128x16xf32, #tpu.memory_space<vmem>>
      %dma_start3A_594 = arith.constant 0 : i32
      %dma_start3A_595 = tpu.memref_slice %arg15[%dma_start3A_590, %dma_start3A_594] : memref<4x128xi32, #tpu.memory_space<vmem>> -> memref<1x128xi32, #tpu.memory_space<vmem>>
      %dma_start3A_596 = tpu.memref_squeeze %dma_start3A_595 : memref<1x128xi32, #tpu.memory_space<vmem>> -> memref<128xi32, #tpu.memory_space<vmem>>
      %dma_start3A_597 = arith.constant 0 : i32
      %dma_start3A_598 = arith.constant 0 : i32
      %dma_start3A_599 = tpu.memref_slice %arg8[%dma_start3A_597, %dma_start3A_598] : memref<51200x16xf32, #tpu.memory_space<vmem_shared>> -> memref<51200x16xf32, #tpu.memory_space<vmem_shared>>
      tpu.enqueue_indirect_dma source(%dma_start3A_593 : memref<128x16xf32, #tpu.memory_space<vmem>>) target(%dma_start3A_599 : memref<51200x16xf32, #tpu.memory_space<vmem_shared>>) offsets(%dma_start3A_596 : memref<128xi32, #tpu.memory_space<vmem>>) semaphore(%arg18 : memref<!tpu.dma_semaphore, #tpu.memory_space<semaphore_mem>>) {add = true}
      %dma_start3A_600 = arith.constant 2 : i32
      %dma_start3A_601 = arith.constant 256 : i32
      %dma_start3A_602 = arith.constant 0 : i32
      %dma_start3A_603 = tpu.memref_slice %arg16[%dma_start3A_601, %dma_start3A_602] : memref<512x16xf32, #tpu.memory_space<vmem>> -> memref<128x16xf32, #tpu.memory_space<vmem>>
      %dma_start3A_604 = arith.constant 0 : i32
      %dma_start3A_605 = tpu.memref_slice %arg15[%dma_start3A_600, %dma_start3A_604] : memref<4x128xi32, #tpu.memory_space<vmem>> -> memref<1x128xi32, #tpu.memory_space<vmem>>
      %dma_start3A_606 = tpu.memref_squeeze %dma_start3A_605 : memref<1x128xi32, #tpu.memory_space<vmem>> -> memref<128xi32, #tpu.memory_space<vmem>>
      %dma_start3A_607 = arith.constant 0 : i32
      %dma_start3A_608 = arith.constant 0 : i32
      %dma_start3A_609 = tpu.memref_slice %arg8[%dma_start3A_607, %dma_start3A_608] : memref<51200x16xf32, #tpu.memory_space<vmem_shared>> -> memref<51200x16xf32, #tpu.memory_space<vmem_shared>>
      tpu.enqueue_indirect_dma source(%dma_start3A_603 : memref<128x16xf32, #tpu.memory_space<vmem>>) target(%dma_start3A_609 : memref<51200x16xf32, #tpu.memory_space<vmem_shared>>) offsets(%dma_start3A_606 : memref<128xi32, #tpu.memory_space<vmem>>) semaphore(%arg18 : memref<!tpu.dma_semaphore, #tpu.memory_space<semaphore_mem>>) {add = true}
      %dma_start3A_610 = arith.constant 3 : i32
      %dma_start3A_611 = arith.constant 384 : i32
      %dma_start3A_612 = arith.constant 0 : i32
      %dma_start3A_613 = tpu.memref_slice %arg16[%dma_start3A_611, %dma_start3A_612] : memref<512x16xf32, #tpu.memory_space<vmem>> -> memref<128x16xf32, #tpu.memory_space<vmem>>
      %dma_start3A_614 = arith.constant 0 : i32
      %dma_start3A_615 = tpu.memref_slice %arg15[%dma_start3A_610, %dma_start3A_614] : memref<4x128xi32, #tpu.memory_space<vmem>> -> memref<1x128xi32, #tpu.memory_space<vmem>>
      %dma_start3A_616 = tpu.memref_squeeze %dma_start3A_615 : memref<1x128xi32, #tpu.memory_space<vmem>> -> memref<128xi32, #tpu.memory_space<vmem>>
      %dma_start3A_617 = arith.constant 0 : i32
      %dma_start3A_618 = arith.constant 0 : i32
      %dma_start3A_619 = tpu.memref_slice %arg8[%dma_start3A_617, %dma_start3A_618] : memref<51200x16xf32, #tpu.memory_space<vmem_shared>> -> memref<51200x16xf32, #tpu.memory_space<vmem_shared>>
      tpu.enqueue_indirect_dma source(%dma_start3A_613 : memref<128x16xf32, #tpu.memory_space<vmem>>) target(%dma_start3A_619 : memref<51200x16xf32, #tpu.memory_space<vmem_shared>>) offsets(%dma_start3A_616 : memref<128xi32, #tpu.memory_space<vmem>>) semaphore(%arg18 : memref<!tpu.dma_semaphore, #tpu.memory_space<semaphore_mem>>) {add = true}
      %dma_wait3A_620 = arith.constant 0 : i32
      %dma_wait3A_621 = arith.constant 0 : i32
      %dma_wait3A_622 = arith.constant 0 : i32
      %dma_wait3A_623 = tpu.memref_slice %arg16[%dma_wait3A_621, %dma_wait3A_622] : memref<512x16xf32, #tpu.memory_space<vmem>> -> memref<128x16xf32, #tpu.memory_space<vmem>>
      %dma_wait3A_624 = arith.constant 0 : i32
      %dma_wait3A_625 = tpu.memref_slice %arg15[%dma_wait3A_620, %dma_wait3A_624] : memref<4x128xi32, #tpu.memory_space<vmem>> -> memref<1x128xi32, #tpu.memory_space<vmem>>
      %dma_wait3A_626 = tpu.memref_squeeze %dma_wait3A_625 : memref<1x128xi32, #tpu.memory_space<vmem>> -> memref<128xi32, #tpu.memory_space<vmem>>
      %dma_wait3A_627 = arith.constant 0 : i32
      %dma_wait3A_628 = arith.constant 0 : i32
      %dma_wait3A_629 = tpu.memref_slice %arg8[%dma_wait3A_627, %dma_wait3A_628] : memref<51200x16xf32, #tpu.memory_space<vmem_shared>> -> memref<51200x16xf32, #tpu.memory_space<vmem_shared>>
      tpu.wait_indirect_dma semaphore(%arg18 : memref<!tpu.dma_semaphore, #tpu.memory_space<semaphore_mem>>) src(%dma_wait3A_623 : memref<128x16xf32, #tpu.memory_space<vmem>>) dst(%dma_wait3A_629 : memref<51200x16xf32, #tpu.memory_space<vmem_shared>>)
      %dma_wait3A_630 = arith.constant 1 : i32
      %dma_wait3A_631 = arith.constant 128 : i32
      %dma_wait3A_632 = arith.constant 0 : i32
      %dma_wait3A_633 = tpu.memref_slice %arg16[%dma_wait3A_631, %dma_wait3A_632] : memref<512x16xf32, #tpu.memory_space<vmem>> -> memref<128x16xf32, #tpu.memory_space<vmem>>
      %dma_wait3A_634 = arith.constant 0 : i32
      %dma_wait3A_635 = tpu.memref_slice %arg15[%dma_wait3A_630, %dma_wait3A_634] : memref<4x128xi32, #tpu.memory_space<vmem>> -> memref<1x128xi32, #tpu.memory_space<vmem>>
      %dma_wait3A_636 = tpu.memref_squeeze %dma_wait3A_635 : memref<1x128xi32, #tpu.memory_space<vmem>> -> memref<128xi32, #tpu.memory_space<vmem>>
      %dma_wait3A_637 = arith.constant 0 : i32
      %dma_wait3A_638 = arith.constant 0 : i32
      %dma_wait3A_639 = tpu.memref_slice %arg8[%dma_wait3A_637, %dma_wait3A_638] : memref<51200x16xf32, #tpu.memory_space<vmem_shared>> -> memref<51200x16xf32, #tpu.memory_space<vmem_shared>>
      tpu.wait_indirect_dma semaphore(%arg18 : memref<!tpu.dma_semaphore, #tpu.memory_space<semaphore_mem>>) src(%dma_wait3A_633 : memref<128x16xf32, #tpu.memory_space<vmem>>) dst(%dma_wait3A_639 : memref<51200x16xf32, #tpu.memory_space<vmem_shared>>)
      %dma_wait3A_640 = arith.constant 2 : i32
      %dma_wait3A_641 = arith.constant 256 : i32
      %dma_wait3A_642 = arith.constant 0 : i32
      %dma_wait3A_643 = tpu.memref_slice %arg16[%dma_wait3A_641, %dma_wait3A_642] : memref<512x16xf32, #tpu.memory_space<vmem>> -> memref<128x16xf32, #tpu.memory_space<vmem>>
      %dma_wait3A_644 = arith.constant 0 : i32
      %dma_wait3A_645 = tpu.memref_slice %arg15[%dma_wait3A_640, %dma_wait3A_644] : memref<4x128xi32, #tpu.memory_space<vmem>> -> memref<1x128xi32, #tpu.memory_space<vmem>>
      %dma_wait3A_646 = tpu.memref_squeeze %dma_wait3A_645 : memref<1x128xi32, #tpu.memory_space<vmem>> -> memref<128xi32, #tpu.memory_space<vmem>>
      %dma_wait3A_647 = arith.constant 0 : i32
      %dma_wait3A_648 = arith.constant 0 : i32
      %dma_wait3A_649 = tpu.memref_slice %arg8[%dma_wait3A_647, %dma_wait3A_648] : memref<51200x16xf32, #tpu.memory_space<vmem_shared>> -> memref<51200x16xf32, #tpu.memory_space<vmem_shared>>
      tpu.wait_indirect_dma semaphore(%arg18 : memref<!tpu.dma_semaphore, #tpu.memory_space<semaphore_mem>>) src(%dma_wait3A_643 : memref<128x16xf32, #tpu.memory_space<vmem>>) dst(%dma_wait3A_649 : memref<51200x16xf32, #tpu.memory_space<vmem_shared>>)
      %dma_wait3A_650 = arith.constant 3 : i32
      %dma_wait3A_651 = arith.constant 384 : i32
      %dma_wait3A_652 = arith.constant 0 : i32
      %dma_wait3A_653 = tpu.memref_slice %arg16[%dma_wait3A_651, %dma_wait3A_652] : memref<512x16xf32, #tpu.memory_space<vmem>> -> memref<128x16xf32, #tpu.memory_space<vmem>>
      %dma_wait3A_654 = arith.constant 0 : i32
      %dma_wait3A_655 = tpu.memref_slice %arg15[%dma_wait3A_650, %dma_wait3A_654] : memref<4x128xi32, #tpu.memory_space<vmem>> -> memref<1x128xi32, #tpu.memory_space<vmem>>
      %dma_wait3A_656 = tpu.memref_squeeze %dma_wait3A_655 : memref<1x128xi32, #tpu.memory_space<vmem>> -> memref<128xi32, #tpu.memory_space<vmem>>
      %dma_wait3A_657 = arith.constant 0 : i32
      %dma_wait3A_658 = arith.constant 0 : i32
      %dma_wait3A_659 = tpu.memref_slice %arg8[%dma_wait3A_657, %dma_wait3A_658] : memref<51200x16xf32, #tpu.memory_space<vmem_shared>> -> memref<51200x16xf32, #tpu.memory_space<vmem_shared>>
      tpu.wait_indirect_dma semaphore(%arg18 : memref<!tpu.dma_semaphore, #tpu.memory_space<semaphore_mem>>) src(%dma_wait3A_653 : memref<128x16xf32, #tpu.memory_space<vmem>>) dst(%dma_wait3A_659 : memref<51200x16xf32, #tpu.memory_space<vmem_shared>>)
    }
    %scan3A_117 = arith.constant 49 : i32
    %dma_wait3A = arith.constant 0 : i32
    %dma_wait3A_118 = tpu.memref_slice %arg3[%mul3A_100, %dma_wait3A] : memref<6272x128xi32, #tpu.memory_space<hbm>> -> memref<4x128xi32, #tpu.memory_space<hbm>>
    %dma_wait3A_119 = arith.constant 0 : i32
    %dma_wait3A_120 = tpu.memref_slice %arg3[%mul3A_100, %dma_wait3A_119] : memref<6272x128xi32, #tpu.memory_space<hbm>> -> memref<4x128xi32, #tpu.memory_space<hbm>>
    tpu.wait_dma2 semaphore(%arg19 : memref<!tpu.dma_semaphore, #tpu.memory_space<semaphore_mem>>) src(%dma_wait3A_120 : memref<4x128xi32, #tpu.memory_space<hbm>>) dst(%arg12 : memref<4x128xi32, #tpu.memory_space<vmem>>)
    %dma_wait3A_121 = arith.constant 0 : i32
    %dma_wait3A_122 = tpu.memref_slice %arg4[%mul3A_100, %dma_wait3A_121] : memref<6272x128xi32, #tpu.memory_space<hbm>> -> memref<4x128xi32, #tpu.memory_space<hbm>>
    %dma_wait3A_123 = arith.constant 0 : i32
    %dma_wait3A_124 = tpu.memref_slice %arg4[%mul3A_100, %dma_wait3A_123] : memref<6272x128xi32, #tpu.memory_space<hbm>> -> memref<4x128xi32, #tpu.memory_space<hbm>>
    tpu.wait_dma2 semaphore(%arg19 : memref<!tpu.dma_semaphore, #tpu.memory_space<semaphore_mem>>) src(%dma_wait3A_124 : memref<4x128xi32, #tpu.memory_space<hbm>>) dst(%arg13 : memref<4x128xi32, #tpu.memory_space<vmem>>)
    %mul3A_125 = arith.constant 3136 : i32
    %mul3A_126 = arith.muli %arg0, %mul3A_125 : i32
    %mul3A_127 = arith.constant 196 : i32
    %mul3A_128 = arith.muli %arg1, %mul3A_127 : i32
    %add3A_129 = arith.addi %mul3A_126, %mul3A_128 : i32
    %add3A_130 = arith.constant 0 : i32
    %add3A_131 = arith.addi %add3A_129, %add3A_130 : i32
    %dma_start3A_132 = arith.constant 0 : i32
    %dma_start3A_133 = tpu.memref_slice %arg4[%add3A_131, %dma_start3A_132] : memref<6272x128xi32, #tpu.memory_space<hbm>> -> memref<4x128xi32, #tpu.memory_space<hbm>>
    %dma_start3A_134 = arith.constant 0 : i32
    %dma_start3A_135 = tpu.memref_slice %arg4[%add3A_131, %dma_start3A_134] : memref<6272x128xi32, #tpu.memory_space<hbm>> -> memref<4x128xi32, #tpu.memory_space<hbm>>
    tpu.enqueue_dma source(%dma_start3A_135 : memref<4x128xi32, #tpu.memory_space<hbm>>) target(%arg13 : memref<4x128xi32, #tpu.memory_space<vmem>>) target_semaphore(%arg19 : memref<!tpu.dma_semaphore, #tpu.memory_space<semaphore_mem>>)
    %scan3A_136 = arith.constant 0 : i32
    %scan3A_137 = arith.constant 0 : i32
    %scan3A_138 = arith.constant 24 : i32
    %scan3A_139 = arith.addi %scan3A_137, %scan3A_138 : i32
    %scan3A_140 = arith.constant 1 : i32
    scf.for %scan3A_288 = %scan3A_137 to %scan3A_139 step %scan3A_140  : i32 {
      %mul3A_289 = arith.constant 2 : i32
      %mul3A_290 = arith.muli %scan3A_288, %mul3A_289 : i32
      %add3A_291 = arith.constant 1 : i32
      %add3A_292 = arith.addi %mul3A_290, %add3A_291 : i32
      %mul3A_293 = arith.constant 4 : i32
      %mul3A_294 = arith.muli %add3A_292, %mul3A_293 : i32
      %add3A_295 = arith.addi %add3A_129, %mul3A_294 : i32
      %dma_start3A_296 = arith.constant 0 : i32
      %dma_start3A_297 = tpu.memref_slice %arg4[%add3A_295, %dma_start3A_296] : memref<6272x128xi32, #tpu.memory_space<hbm>> -> memref<4x128xi32, #tpu.memory_space<hbm>>
      %dma_start3A_298 = arith.constant 0 : i32
      %dma_start3A_299 = tpu.memref_slice %arg4[%add3A_295, %dma_start3A_298] : memref<6272x128xi32, #tpu.memory_space<hbm>> -> memref<4x128xi32, #tpu.memory_space<hbm>>
      tpu.enqueue_dma source(%dma_start3A_299 : memref<4x128xi32, #tpu.memory_space<hbm>>) target(%arg15 : memref<4x128xi32, #tpu.memory_space<vmem>>) target_semaphore(%arg19 : memref<!tpu.dma_semaphore, #tpu.memory_space<semaphore_mem>>)
      %dma_wait3A_300 = arith.constant 0 : i32
      %dma_wait3A_301 = tpu.memref_slice %arg4[%add3A_129, %dma_wait3A_300] : memref<6272x128xi32, #tpu.memory_space<hbm>> -> memref<4x128xi32, #tpu.memory_space<hbm>>
      %dma_wait3A_302 = arith.constant 0 : i32
      %dma_wait3A_303 = tpu.memref_slice %arg4[%add3A_129, %dma_wait3A_302] : memref<6272x128xi32, #tpu.memory_space<hbm>> -> memref<4x128xi32, #tpu.memory_space<hbm>>
      tpu.wait_dma2 semaphore(%arg19 : memref<!tpu.dma_semaphore, #tpu.memory_space<semaphore_mem>>) src(%dma_wait3A_303 : memref<4x128xi32, #tpu.memory_space<hbm>>) dst(%arg13 : memref<4x128xi32, #tpu.memory_space<vmem>>)
      %dma_start3A_304 = arith.constant 0 : i32
      %dma_start3A_305 = arith.constant 0 : i32
      %dma_start3A_306 = tpu.memref_slice %arg13[%dma_start3A_304, %dma_start3A_305] : memref<4x128xi32, #tpu.memory_space<vmem>> -> memref<1x128xi32, #tpu.memory_space<vmem>>
      %dma_start3A_307 = tpu.memref_squeeze %dma_start3A_306 : memref<1x128xi32, #tpu.memory_space<vmem>> -> memref<128xi32, #tpu.memory_space<vmem>>
      %dma_start3A_308 = arith.constant 0 : i32
      %dma_start3A_309 = tpu.memref_slice %arg9[%dma_start3A_308] : memref<51200xf32, #tpu.memory_space<vmem_shared>> -> memref<51200xf32, #tpu.memory_space<vmem_shared>>
      tpu.enqueue_indirect_dma source(%arg17 : memref<128xf32, #tpu.memory_space<vmem>>) target(%dma_start3A_309 : memref<51200xf32, #tpu.memory_space<vmem_shared>>) offsets(%dma_start3A_307 : memref<128xi32, #tpu.memory_space<vmem>>) semaphore(%arg18 : memref<!tpu.dma_semaphore, #tpu.memory_space<semaphore_mem>>) {add = true}
      %dma_start3A_310 = arith.constant 1 : i32
      %dma_start3A_311 = arith.constant 0 : i32
      %dma_start3A_312 = tpu.memref_slice %arg13[%dma_start3A_310, %dma_start3A_311] : memref<4x128xi32, #tpu.memory_space<vmem>> -> memref<1x128xi32, #tpu.memory_space<vmem>>
      %dma_start3A_313 = tpu.memref_squeeze %dma_start3A_312 : memref<1x128xi32, #tpu.memory_space<vmem>> -> memref<128xi32, #tpu.memory_space<vmem>>
      %dma_start3A_314 = arith.constant 0 : i32
      %dma_start3A_315 = tpu.memref_slice %arg9[%dma_start3A_314] : memref<51200xf32, #tpu.memory_space<vmem_shared>> -> memref<51200xf32, #tpu.memory_space<vmem_shared>>
      tpu.enqueue_indirect_dma source(%arg17 : memref<128xf32, #tpu.memory_space<vmem>>) target(%dma_start3A_315 : memref<51200xf32, #tpu.memory_space<vmem_shared>>) offsets(%dma_start3A_313 : memref<128xi32, #tpu.memory_space<vmem>>) semaphore(%arg18 : memref<!tpu.dma_semaphore, #tpu.memory_space<semaphore_mem>>) {add = true}
      %dma_start3A_316 = arith.constant 2 : i32
      %dma_start3A_317 = arith.constant 0 : i32
      %dma_start3A_318 = tpu.memref_slice %arg13[%dma_start3A_316, %dma_start3A_317] : memref<4x128xi32, #tpu.memory_space<vmem>> -> memref<1x128xi32, #tpu.memory_space<vmem>>
      %dma_start3A_319 = tpu.memref_squeeze %dma_start3A_318 : memref<1x128xi32, #tpu.memory_space<vmem>> -> memref<128xi32, #tpu.memory_space<vmem>>
      %dma_start3A_320 = arith.constant 0 : i32
      %dma_start3A_321 = tpu.memref_slice %arg9[%dma_start3A_320] : memref<51200xf32, #tpu.memory_space<vmem_shared>> -> memref<51200xf32, #tpu.memory_space<vmem_shared>>
      tpu.enqueue_indirect_dma source(%arg17 : memref<128xf32, #tpu.memory_space<vmem>>) target(%dma_start3A_321 : memref<51200xf32, #tpu.memory_space<vmem_shared>>) offsets(%dma_start3A_319 : memref<128xi32, #tpu.memory_space<vmem>>) semaphore(%arg18 : memref<!tpu.dma_semaphore, #tpu.memory_space<semaphore_mem>>) {add = true}
      %dma_start3A_322 = arith.constant 3 : i32
      %dma_start3A_323 = arith.constant 0 : i32
      %dma_start3A_324 = tpu.memref_slice %arg13[%dma_start3A_322, %dma_start3A_323] : memref<4x128xi32, #tpu.memory_space<vmem>> -> memref<1x128xi32, #tpu.memory_space<vmem>>
      %dma_start3A_325 = tpu.memref_squeeze %dma_start3A_324 : memref<1x128xi32, #tpu.memory_space<vmem>> -> memref<128xi32, #tpu.memory_space<vmem>>
      %dma_start3A_326 = arith.constant 0 : i32
      %dma_start3A_327 = tpu.memref_slice %arg9[%dma_start3A_326] : memref<51200xf32, #tpu.memory_space<vmem_shared>> -> memref<51200xf32, #tpu.memory_space<vmem_shared>>
      tpu.enqueue_indirect_dma source(%arg17 : memref<128xf32, #tpu.memory_space<vmem>>) target(%dma_start3A_327 : memref<51200xf32, #tpu.memory_space<vmem_shared>>) offsets(%dma_start3A_325 : memref<128xi32, #tpu.memory_space<vmem>>) semaphore(%arg18 : memref<!tpu.dma_semaphore, #tpu.memory_space<semaphore_mem>>) {add = true}
      %dma_wait3A_328 = arith.constant 0 : i32
      %dma_wait3A_329 = arith.constant 0 : i32
      %dma_wait3A_330 = tpu.memref_slice %arg13[%dma_wait3A_328, %dma_wait3A_329] : memref<4x128xi32, #tpu.memory_space<vmem>> -> memref<1x128xi32, #tpu.memory_space<vmem>>
      %dma_wait3A_331 = tpu.memref_squeeze %dma_wait3A_330 : memref<1x128xi32, #tpu.memory_space<vmem>> -> memref<128xi32, #tpu.memory_space<vmem>>
      %dma_wait3A_332 = arith.constant 0 : i32
      %dma_wait3A_333 = tpu.memref_slice %arg9[%dma_wait3A_332] : memref<51200xf32, #tpu.memory_space<vmem_shared>> -> memref<51200xf32, #tpu.memory_space<vmem_shared>>
      tpu.wait_indirect_dma semaphore(%arg18 : memref<!tpu.dma_semaphore, #tpu.memory_space<semaphore_mem>>) src(%arg17 : memref<128xf32, #tpu.memory_space<vmem>>) dst(%dma_wait3A_333 : memref<51200xf32, #tpu.memory_space<vmem_shared>>)
      %dma_wait3A_334 = arith.constant 1 : i32
      %dma_wait3A_335 = arith.constant 0 : i32
      %dma_wait3A_336 = tpu.memref_slice %arg13[%dma_wait3A_334, %dma_wait3A_335] : memref<4x128xi32, #tpu.memory_space<vmem>> -> memref<1x128xi32, #tpu.memory_space<vmem>>
      %dma_wait3A_337 = tpu.memref_squeeze %dma_wait3A_336 : memref<1x128xi32, #tpu.memory_space<vmem>> -> memref<128xi32, #tpu.memory_space<vmem>>
      %dma_wait3A_338 = arith.constant 0 : i32
      %dma_wait3A_339 = tpu.memref_slice %arg9[%dma_wait3A_338] : memref<51200xf32, #tpu.memory_space<vmem_shared>> -> memref<51200xf32, #tpu.memory_space<vmem_shared>>
      tpu.wait_indirect_dma semaphore(%arg18 : memref<!tpu.dma_semaphore, #tpu.memory_space<semaphore_mem>>) src(%arg17 : memref<128xf32, #tpu.memory_space<vmem>>) dst(%dma_wait3A_339 : memref<51200xf32, #tpu.memory_space<vmem_shared>>)
      %dma_wait3A_340 = arith.constant 2 : i32
      %dma_wait3A_341 = arith.constant 0 : i32
      %dma_wait3A_342 = tpu.memref_slice %arg13[%dma_wait3A_340, %dma_wait3A_341] : memref<4x128xi32, #tpu.memory_space<vmem>> -> memref<1x128xi32, #tpu.memory_space<vmem>>
      %dma_wait3A_343 = tpu.memref_squeeze %dma_wait3A_342 : memref<1x128xi32, #tpu.memory_space<vmem>> -> memref<128xi32, #tpu.memory_space<vmem>>
      %dma_wait3A_344 = arith.constant 0 : i32
      %dma_wait3A_345 = tpu.memref_slice %arg9[%dma_wait3A_344] : memref<51200xf32, #tpu.memory_space<vmem_shared>> -> memref<51200xf32, #tpu.memory_space<vmem_shared>>
      tpu.wait_indirect_dma semaphore(%arg18 : memref<!tpu.dma_semaphore, #tpu.memory_space<semaphore_mem>>) src(%arg17 : memref<128xf32, #tpu.memory_space<vmem>>) dst(%dma_wait3A_345 : memref<51200xf32, #tpu.memory_space<vmem_shared>>)
      %dma_wait3A_346 = arith.constant 3 : i32
      %dma_wait3A_347 = arith.constant 0 : i32
      %dma_wait3A_348 = tpu.memref_slice %arg13[%dma_wait3A_346, %dma_wait3A_347] : memref<4x128xi32, #tpu.memory_space<vmem>> -> memref<1x128xi32, #tpu.memory_space<vmem>>
      %dma_wait3A_349 = tpu.memref_squeeze %dma_wait3A_348 : memref<1x128xi32, #tpu.memory_space<vmem>> -> memref<128xi32, #tpu.memory_space<vmem>>
      %dma_wait3A_350 = arith.constant 0 : i32
      %dma_wait3A_351 = tpu.memref_slice %arg9[%dma_wait3A_350] : memref<51200xf32, #tpu.memory_space<vmem_shared>> -> memref<51200xf32, #tpu.memory_space<vmem_shared>>
      tpu.wait_indirect_dma semaphore(%arg18 : memref<!tpu.dma_semaphore, #tpu.memory_space<semaphore_mem>>) src(%arg17 : memref<128xf32, #tpu.memory_space<vmem>>) dst(%dma_wait3A_351 : memref<51200xf32, #tpu.memory_space<vmem_shared>>)
      %add3A_352 = arith.constant 2 : i32
      %add3A_353 = arith.addi %mul3A_290, %add3A_352 : i32
      %min3A = arith.constant 48 : i32
      %min3A_354 = arith.minsi %add3A_353, %min3A : i32
      %mul3A_355 = arith.constant 4 : i32
      %mul3A_356 = arith.muli %min3A_354, %mul3A_355 : i32
      %add3A_357 = arith.addi %add3A_129, %mul3A_356 : i32
      %dma_start3A_358 = arith.constant 0 : i32
      %dma_start3A_359 = tpu.memref_slice %arg4[%add3A_357, %dma_start3A_358] : memref<6272x128xi32, #tpu.memory_space<hbm>> -> memref<4x128xi32, #tpu.memory_space<hbm>>
      %dma_start3A_360 = arith.constant 0 : i32
      %dma_start3A_361 = tpu.memref_slice %arg4[%add3A_357, %dma_start3A_360] : memref<6272x128xi32, #tpu.memory_space<hbm>> -> memref<4x128xi32, #tpu.memory_space<hbm>>
      tpu.enqueue_dma source(%dma_start3A_361 : memref<4x128xi32, #tpu.memory_space<hbm>>) target(%arg13 : memref<4x128xi32, #tpu.memory_space<vmem>>) target_semaphore(%arg19 : memref<!tpu.dma_semaphore, #tpu.memory_space<semaphore_mem>>)
      %dma_wait3A_362 = arith.constant 0 : i32
      %dma_wait3A_363 = tpu.memref_slice %arg4[%add3A_129, %dma_wait3A_362] : memref<6272x128xi32, #tpu.memory_space<hbm>> -> memref<4x128xi32, #tpu.memory_space<hbm>>
      %dma_wait3A_364 = arith.constant 0 : i32
      %dma_wait3A_365 = tpu.memref_slice %arg4[%add3A_129, %dma_wait3A_364] : memref<6272x128xi32, #tpu.memory_space<hbm>> -> memref<4x128xi32, #tpu.memory_space<hbm>>
      tpu.wait_dma2 semaphore(%arg19 : memref<!tpu.dma_semaphore, #tpu.memory_space<semaphore_mem>>) src(%dma_wait3A_365 : memref<4x128xi32, #tpu.memory_space<hbm>>) dst(%arg15 : memref<4x128xi32, #tpu.memory_space<vmem>>)
      %dma_start3A_366 = arith.constant 0 : i32
      %dma_start3A_367 = arith.constant 0 : i32
      %dma_start3A_368 = tpu.memref_slice %arg15[%dma_start3A_366, %dma_start3A_367] : memref<4x128xi32, #tpu.memory_space<vmem>> -> memref<1x128xi32, #tpu.memory_space<vmem>>
      %dma_start3A_369 = tpu.memref_squeeze %dma_start3A_368 : memref<1x128xi32, #tpu.memory_space<vmem>> -> memref<128xi32, #tpu.memory_space<vmem>>
      %dma_start3A_370 = arith.constant 0 : i32
      %dma_start3A_371 = tpu.memref_slice %arg9[%dma_start3A_370] : memref<51200xf32, #tpu.memory_space<vmem_shared>> -> memref<51200xf32, #tpu.memory_space<vmem_shared>>
      tpu.enqueue_indirect_dma source(%arg17 : memref<128xf32, #tpu.memory_space<vmem>>) target(%dma_start3A_371 : memref<51200xf32, #tpu.memory_space<vmem_shared>>) offsets(%dma_start3A_369 : memref<128xi32, #tpu.memory_space<vmem>>) semaphore(%arg18 : memref<!tpu.dma_semaphore, #tpu.memory_space<semaphore_mem>>) {add = true}
      %dma_start3A_372 = arith.constant 1 : i32
      %dma_start3A_373 = arith.constant 0 : i32
      %dma_start3A_374 = tpu.memref_slice %arg15[%dma_start3A_372, %dma_start3A_373] : memref<4x128xi32, #tpu.memory_space<vmem>> -> memref<1x128xi32, #tpu.memory_space<vmem>>
      %dma_start3A_375 = tpu.memref_squeeze %dma_start3A_374 : memref<1x128xi32, #tpu.memory_space<vmem>> -> memref<128xi32, #tpu.memory_space<vmem>>
      %dma_start3A_376 = arith.constant 0 : i32
      %dma_start3A_377 = tpu.memref_slice %arg9[%dma_start3A_376] : memref<51200xf32, #tpu.memory_space<vmem_shared>> -> memref<51200xf32, #tpu.memory_space<vmem_shared>>
      tpu.enqueue_indirect_dma source(%arg17 : memref<128xf32, #tpu.memory_space<vmem>>) target(%dma_start3A_377 : memref<51200xf32, #tpu.memory_space<vmem_shared>>) offsets(%dma_start3A_375 : memref<128xi32, #tpu.memory_space<vmem>>) semaphore(%arg18 : memref<!tpu.dma_semaphore, #tpu.memory_space<semaphore_mem>>) {add = true}
      %dma_start3A_378 = arith.constant 2 : i32
      %dma_start3A_379 = arith.constant 0 : i32
      %dma_start3A_380 = tpu.memref_slice %arg15[%dma_start3A_378, %dma_start3A_379] : memref<4x128xi32, #tpu.memory_space<vmem>> -> memref<1x128xi32, #tpu.memory_space<vmem>>
      %dma_start3A_381 = tpu.memref_squeeze %dma_start3A_380 : memref<1x128xi32, #tpu.memory_space<vmem>> -> memref<128xi32, #tpu.memory_space<vmem>>
      %dma_start3A_382 = arith.constant 0 : i32
      %dma_start3A_383 = tpu.memref_slice %arg9[%dma_start3A_382] : memref<51200xf32, #tpu.memory_space<vmem_shared>> -> memref<51200xf32, #tpu.memory_space<vmem_shared>>
      tpu.enqueue_indirect_dma source(%arg17 : memref<128xf32, #tpu.memory_space<vmem>>) target(%dma_start3A_383 : memref<51200xf32, #tpu.memory_space<vmem_shared>>) offsets(%dma_start3A_381 : memref<128xi32, #tpu.memory_space<vmem>>) semaphore(%arg18 : memref<!tpu.dma_semaphore, #tpu.memory_space<semaphore_mem>>) {add = true}
      %dma_start3A_384 = arith.constant 3 : i32
      %dma_start3A_385 = arith.constant 0 : i32
      %dma_start3A_386 = tpu.memref_slice %arg15[%dma_start3A_384, %dma_start3A_385] : memref<4x128xi32, #tpu.memory_space<vmem>> -> memref<1x128xi32, #tpu.memory_space<vmem>>
      %dma_start3A_387 = tpu.memref_squeeze %dma_start3A_386 : memref<1x128xi32, #tpu.memory_space<vmem>> -> memref<128xi32, #tpu.memory_space<vmem>>
      %dma_start3A_388 = arith.constant 0 : i32
      %dma_start3A_389 = tpu.memref_slice %arg9[%dma_start3A_388] : memref<51200xf32, #tpu.memory_space<vmem_shared>> -> memref<51200xf32, #tpu.memory_space<vmem_shared>>
      tpu.enqueue_indirect_dma source(%arg17 : memref<128xf32, #tpu.memory_space<vmem>>) target(%dma_start3A_389 : memref<51200xf32, #tpu.memory_space<vmem_shared>>) offsets(%dma_start3A_387 : memref<128xi32, #tpu.memory_space<vmem>>) semaphore(%arg18 : memref<!tpu.dma_semaphore, #tpu.memory_space<semaphore_mem>>) {add = true}
      %dma_wait3A_390 = arith.constant 0 : i32
      %dma_wait3A_391 = arith.constant 0 : i32
      %dma_wait3A_392 = tpu.memref_slice %arg15[%dma_wait3A_390, %dma_wait3A_391] : memref<4x128xi32, #tpu.memory_space<vmem>> -> memref<1x128xi32, #tpu.memory_space<vmem>>
      %dma_wait3A_393 = tpu.memref_squeeze %dma_wait3A_392 : memref<1x128xi32, #tpu.memory_space<vmem>> -> memref<128xi32, #tpu.memory_space<vmem>>
      %dma_wait3A_394 = arith.constant 0 : i32
      %dma_wait3A_395 = tpu.memref_slice %arg9[%dma_wait3A_394] : memref<51200xf32, #tpu.memory_space<vmem_shared>> -> memref<51200xf32, #tpu.memory_space<vmem_shared>>
      tpu.wait_indirect_dma semaphore(%arg18 : memref<!tpu.dma_semaphore, #tpu.memory_space<semaphore_mem>>) src(%arg17 : memref<128xf32, #tpu.memory_space<vmem>>) dst(%dma_wait3A_395 : memref<51200xf32, #tpu.memory_space<vmem_shared>>)
      %dma_wait3A_396 = arith.constant 1 : i32
      %dma_wait3A_397 = arith.constant 0 : i32
      %dma_wait3A_398 = tpu.memref_slice %arg15[%dma_wait3A_396, %dma_wait3A_397] : memref<4x128xi32, #tpu.memory_space<vmem>> -> memref<1x128xi32, #tpu.memory_space<vmem>>
      %dma_wait3A_399 = tpu.memref_squeeze %dma_wait3A_398 : memref<1x128xi32, #tpu.memory_space<vmem>> -> memref<128xi32, #tpu.memory_space<vmem>>
      %dma_wait3A_400 = arith.constant 0 : i32
      %dma_wait3A_401 = tpu.memref_slice %arg9[%dma_wait3A_400] : memref<51200xf32, #tpu.memory_space<vmem_shared>> -> memref<51200xf32, #tpu.memory_space<vmem_shared>>
      tpu.wait_indirect_dma semaphore(%arg18 : memref<!tpu.dma_semaphore, #tpu.memory_space<semaphore_mem>>) src(%arg17 : memref<128xf32, #tpu.memory_space<vmem>>) dst(%dma_wait3A_401 : memref<51200xf32, #tpu.memory_space<vmem_shared>>)
      %dma_wait3A_402 = arith.constant 2 : i32
      %dma_wait3A_403 = arith.constant 0 : i32
      %dma_wait3A_404 = tpu.memref_slice %arg15[%dma_wait3A_402, %dma_wait3A_403] : memref<4x128xi32, #tpu.memory_space<vmem>> -> memref<1x128xi32, #tpu.memory_space<vmem>>
      %dma_wait3A_405 = tpu.memref_squeeze %dma_wait3A_404 : memref<1x128xi32, #tpu.memory_space<vmem>> -> memref<128xi32, #tpu.memory_space<vmem>>
      %dma_wait3A_406 = arith.constant 0 : i32
      %dma_wait3A_407 = tpu.memref_slice %arg9[%dma_wait3A_406] : memref<51200xf32, #tpu.memory_space<vmem_shared>> -> memref<51200xf32, #tpu.memory_space<vmem_shared>>
      tpu.wait_indirect_dma semaphore(%arg18 : memref<!tpu.dma_semaphore, #tpu.memory_space<semaphore_mem>>) src(%arg17 : memref<128xf32, #tpu.memory_space<vmem>>) dst(%dma_wait3A_407 : memref<51200xf32, #tpu.memory_space<vmem_shared>>)
      %dma_wait3A_408 = arith.constant 3 : i32
      %dma_wait3A_409 = arith.constant 0 : i32
      %dma_wait3A_410 = tpu.memref_slice %arg15[%dma_wait3A_408, %dma_wait3A_409] : memref<4x128xi32, #tpu.memory_space<vmem>> -> memref<1x128xi32, #tpu.memory_space<vmem>>
      %dma_wait3A_411 = tpu.memref_squeeze %dma_wait3A_410 : memref<1x128xi32, #tpu.memory_space<vmem>> -> memref<128xi32, #tpu.memory_space<vmem>>
      %dma_wait3A_412 = arith.constant 0 : i32
      %dma_wait3A_413 = tpu.memref_slice %arg9[%dma_wait3A_412] : memref<51200xf32, #tpu.memory_space<vmem_shared>> -> memref<51200xf32, #tpu.memory_space<vmem_shared>>
      tpu.wait_indirect_dma semaphore(%arg18 : memref<!tpu.dma_semaphore, #tpu.memory_space<semaphore_mem>>) src(%arg17 : memref<128xf32, #tpu.memory_space<vmem>>) dst(%dma_wait3A_413 : memref<51200xf32, #tpu.memory_space<vmem_shared>>)
    }
    %scan3A_141 = arith.constant 24 : i32
    %dma_wait3A_142 = arith.constant 0 : i32
    %dma_wait3A_143 = tpu.memref_slice %arg4[%add3A_129, %dma_wait3A_142] : memref<6272x128xi32, #tpu.memory_space<hbm>> -> memref<4x128xi32, #tpu.memory_space<hbm>>
    %dma_wait3A_144 = arith.constant 0 : i32
    %dma_wait3A_145 = tpu.memref_slice %arg4[%add3A_129, %dma_wait3A_144] : memref<6272x128xi32, #tpu.memory_space<hbm>> -> memref<4x128xi32, #tpu.memory_space<hbm>>
    tpu.wait_dma2 semaphore(%arg19 : memref<!tpu.dma_semaphore, #tpu.memory_space<semaphore_mem>>) src(%dma_wait3A_145 : memref<4x128xi32, #tpu.memory_space<hbm>>) dst(%arg13 : memref<4x128xi32, #tpu.memory_space<vmem>>)
    %dma_start3A_146 = arith.constant 0 : i32
    %dma_start3A_147 = arith.constant 0 : i32
    %dma_start3A_148 = tpu.memref_slice %arg13[%dma_start3A_146, %dma_start3A_147] : memref<4x128xi32, #tpu.memory_space<vmem>> -> memref<1x128xi32, #tpu.memory_space<vmem>>
    %dma_start3A_149 = tpu.memref_squeeze %dma_start3A_148 : memref<1x128xi32, #tpu.memory_space<vmem>> -> memref<128xi32, #tpu.memory_space<vmem>>
    %dma_start3A_150 = arith.constant 0 : i32
    %dma_start3A_151 = tpu.memref_slice %arg9[%dma_start3A_150] : memref<51200xf32, #tpu.memory_space<vmem_shared>> -> memref<51200xf32, #tpu.memory_space<vmem_shared>>
    tpu.enqueue_indirect_dma source(%arg17 : memref<128xf32, #tpu.memory_space<vmem>>) target(%dma_start3A_151 : memref<51200xf32, #tpu.memory_space<vmem_shared>>) offsets(%dma_start3A_149 : memref<128xi32, #tpu.memory_space<vmem>>) semaphore(%arg18 : memref<!tpu.dma_semaphore, #tpu.memory_space<semaphore_mem>>) {add = true}
    %dma_start3A_152 = arith.constant 1 : i32
    %dma_start3A_153 = arith.constant 0 : i32
    %dma_start3A_154 = tpu.memref_slice %arg13[%dma_start3A_152, %dma_start3A_153] : memref<4x128xi32, #tpu.memory_space<vmem>> -> memref<1x128xi32, #tpu.memory_space<vmem>>
    %dma_start3A_155 = tpu.memref_squeeze %dma_start3A_154 : memref<1x128xi32, #tpu.memory_space<vmem>> -> memref<128xi32, #tpu.memory_space<vmem>>
    %dma_start3A_156 = arith.constant 0 : i32
    %dma_start3A_157 = tpu.memref_slice %arg9[%dma_start3A_156] : memref<51200xf32, #tpu.memory_space<vmem_shared>> -> memref<51200xf32, #tpu.memory_space<vmem_shared>>
    tpu.enqueue_indirect_dma source(%arg17 : memref<128xf32, #tpu.memory_space<vmem>>) target(%dma_start3A_157 : memref<51200xf32, #tpu.memory_space<vmem_shared>>) offsets(%dma_start3A_155 : memref<128xi32, #tpu.memory_space<vmem>>) semaphore(%arg18 : memref<!tpu.dma_semaphore, #tpu.memory_space<semaphore_mem>>) {add = true}
    %dma_start3A_158 = arith.constant 2 : i32
    %dma_start3A_159 = arith.constant 0 : i32
    %dma_start3A_160 = tpu.memref_slice %arg13[%dma_start3A_158, %dma_start3A_159] : memref<4x128xi32, #tpu.memory_space<vmem>> -> memref<1x128xi32, #tpu.memory_space<vmem>>
    %dma_start3A_161 = tpu.memref_squeeze %dma_start3A_160 : memref<1x128xi32, #tpu.memory_space<vmem>> -> memref<128xi32, #tpu.memory_space<vmem>>
    %dma_start3A_162 = arith.constant 0 : i32
    %dma_start3A_163 = tpu.memref_slice %arg9[%dma_start3A_162] : memref<51200xf32, #tpu.memory_space<vmem_shared>> -> memref<51200xf32, #tpu.memory_space<vmem_shared>>
    tpu.enqueue_indirect_dma source(%arg17 : memref<128xf32, #tpu.memory_space<vmem>>) target(%dma_start3A_163 : memref<51200xf32, #tpu.memory_space<vmem_shared>>) offsets(%dma_start3A_161 : memref<128xi32, #tpu.memory_space<vmem>>) semaphore(%arg18 : memref<!tpu.dma_semaphore, #tpu.memory_space<semaphore_mem>>) {add = true}
    %dma_start3A_164 = arith.constant 3 : i32
    %dma_start3A_165 = arith.constant 0 : i32
    %dma_start3A_166 = tpu.memref_slice %arg13[%dma_start3A_164, %dma_start3A_165] : memref<4x128xi32, #tpu.memory_space<vmem>> -> memref<1x128xi32, #tpu.memory_space<vmem>>
    %dma_start3A_167 = tpu.memref_squeeze %dma_start3A_166 : memref<1x128xi32, #tpu.memory_space<vmem>> -> memref<128xi32, #tpu.memory_space<vmem>>
    %dma_start3A_168 = arith.constant 0 : i32
    %dma_start3A_169 = tpu.memref_slice %arg9[%dma_start3A_168] : memref<51200xf32, #tpu.memory_space<vmem_shared>> -> memref<51200xf32, #tpu.memory_space<vmem_shared>>
    tpu.enqueue_indirect_dma source(%arg17 : memref<128xf32, #tpu.memory_space<vmem>>) target(%dma_start3A_169 : memref<51200xf32, #tpu.memory_space<vmem_shared>>) offsets(%dma_start3A_167 : memref<128xi32, #tpu.memory_space<vmem>>) semaphore(%arg18 : memref<!tpu.dma_semaphore, #tpu.memory_space<semaphore_mem>>) {add = true}
    %dma_wait3A_170 = arith.constant 0 : i32
    %dma_wait3A_171 = arith.constant 0 : i32
    %dma_wait3A_172 = tpu.memref_slice %arg13[%dma_wait3A_170, %dma_wait3A_171] : memref<4x128xi32, #tpu.memory_space<vmem>> -> memref<1x128xi32, #tpu.memory_space<vmem>>
    %dma_wait3A_173 = tpu.memref_squeeze %dma_wait3A_172 : memref<1x128xi32, #tpu.memory_space<vmem>> -> memref<128xi32, #tpu.memory_space<vmem>>
    %dma_wait3A_174 = arith.constant 0 : i32
    %dma_wait3A_175 = tpu.memref_slice %arg9[%dma_wait3A_174] : memref<51200xf32, #tpu.memory_space<vmem_shared>> -> memref<51200xf32, #tpu.memory_space<vmem_shared>>
    tpu.wait_indirect_dma semaphore(%arg18 : memref<!tpu.dma_semaphore, #tpu.memory_space<semaphore_mem>>) src(%arg17 : memref<128xf32, #tpu.memory_space<vmem>>) dst(%dma_wait3A_175 : memref<51200xf32, #tpu.memory_space<vmem_shared>>)
    %dma_wait3A_176 = arith.constant 1 : i32
    %dma_wait3A_177 = arith.constant 0 : i32
    %dma_wait3A_178 = tpu.memref_slice %arg13[%dma_wait3A_176, %dma_wait3A_177] : memref<4x128xi32, #tpu.memory_space<vmem>> -> memref<1x128xi32, #tpu.memory_space<vmem>>
    %dma_wait3A_179 = tpu.memref_squeeze %dma_wait3A_178 : memref<1x128xi32, #tpu.memory_space<vmem>> -> memref<128xi32, #tpu.memory_space<vmem>>
    %dma_wait3A_180 = arith.constant 0 : i32
    %dma_wait3A_181 = tpu.memref_slice %arg9[%dma_wait3A_180] : memref<51200xf32, #tpu.memory_space<vmem_shared>> -> memref<51200xf32, #tpu.memory_space<vmem_shared>>
    tpu.wait_indirect_dma semaphore(%arg18 : memref<!tpu.dma_semaphore, #tpu.memory_space<semaphore_mem>>) src(%arg17 : memref<128xf32, #tpu.memory_space<vmem>>) dst(%dma_wait3A_181 : memref<51200xf32, #tpu.memory_space<vmem_shared>>)
    %dma_wait3A_182 = arith.constant 2 : i32
    %dma_wait3A_183 = arith.constant 0 : i32
    %dma_wait3A_184 = tpu.memref_slice %arg13[%dma_wait3A_182, %dma_wait3A_183] : memref<4x128xi32, #tpu.memory_space<vmem>> -> memref<1x128xi32, #tpu.memory_space<vmem>>
    %dma_wait3A_185 = tpu.memref_squeeze %dma_wait3A_184 : memref<1x128xi32, #tpu.memory_space<vmem>> -> memref<128xi32, #tpu.memory_space<vmem>>
    %dma_wait3A_186 = arith.constant 0 : i32
    %dma_wait3A_187 = tpu.memref_slice %arg9[%dma_wait3A_186] : memref<51200xf32, #tpu.memory_space<vmem_shared>> -> memref<51200xf32, #tpu.memory_space<vmem_shared>>
    tpu.wait_indirect_dma semaphore(%arg18 : memref<!tpu.dma_semaphore, #tpu.memory_space<semaphore_mem>>) src(%arg17 : memref<128xf32, #tpu.memory_space<vmem>>) dst(%dma_wait3A_187 : memref<51200xf32, #tpu.memory_space<vmem_shared>>)
    %dma_wait3A_188 = arith.constant 3 : i32
    %dma_wait3A_189 = arith.constant 0 : i32
    %dma_wait3A_190 = tpu.memref_slice %arg13[%dma_wait3A_188, %dma_wait3A_189] : memref<4x128xi32, #tpu.memory_space<vmem>> -> memref<1x128xi32, #tpu.memory_space<vmem>>
    %dma_wait3A_191 = tpu.memref_squeeze %dma_wait3A_190 : memref<1x128xi32, #tpu.memory_space<vmem>> -> memref<128xi32, #tpu.memory_space<vmem>>
    %dma_wait3A_192 = arith.constant 0 : i32
    %dma_wait3A_193 = tpu.memref_slice %arg9[%dma_wait3A_192] : memref<51200xf32, #tpu.memory_space<vmem_shared>> -> memref<51200xf32, #tpu.memory_space<vmem_shared>>
    tpu.wait_indirect_dma semaphore(%arg18 : memref<!tpu.dma_semaphore, #tpu.memory_space<semaphore_mem>>) src(%arg17 : memref<128xf32, #tpu.memory_space<vmem>>) dst(%dma_wait3A_193 : memref<51200xf32, #tpu.memory_space<vmem_shared>>)
    %barrier3A_194 = arith.constant 0 : index
    tpu.barrier barrier_id(%barrier3A_194)
    %mul3A_195 = arith.constant 3200 : i32
    %mul3A_196 = arith.muli %arg1, %mul3A_195 : i32
    %mul3A_197 = arith.constant 3200 : i32
    %mul3A_198 = arith.muli %arg1, %mul3A_197 : i32
    %mul3A_199 = arith.constant 16 : i32
    %mul3A_200 = arith.muli %mul3A_199, %add3A_60 : i32
    "tpu.region"() ({
      %run_scoped3A = tpu.sem_alloc : memref<!tpu.dma_semaphore, #tpu.memory_space<semaphore_mem>>
      %dma_start3A_288 = tpu.memref_slice %arg5[%mul3A_198, %mul3A_200] : memref<51200x64xf32, #tpu.memory_space<hbm>> -> memref<3200x16xf32, #tpu.memory_space<hbm>>
      %dma_start3A_289 = arith.constant 0 : i32
      %dma_start3A_290 = tpu.memref_slice %arg8[%mul3A_196, %dma_start3A_289] : memref<51200x16xf32, #tpu.memory_space<vmem_shared>> -> memref<3200x16xf32, #tpu.memory_space<vmem_shared>>
      tpu.enqueue_dma source(%dma_start3A_290 : memref<3200x16xf32, #tpu.memory_space<vmem_shared>>) target(%dma_start3A_288 : memref<3200x16xf32, #tpu.memory_space<hbm>>) target_semaphore(%run_scoped3A : memref<!tpu.dma_semaphore, #tpu.memory_space<semaphore_mem>>)
      %dma_wait3A_291 = tpu.memref_slice %arg5[%mul3A_198, %mul3A_200] : memref<51200x64xf32, #tpu.memory_space<hbm>> -> memref<3200x16xf32, #tpu.memory_space<hbm>>
      %dma_wait3A_292 = arith.constant 0 : i32
      %dma_wait3A_293 = tpu.memref_slice %arg8[%mul3A_196, %dma_wait3A_292] : memref<51200x16xf32, #tpu.memory_space<vmem_shared>> -> memref<3200x16xf32, #tpu.memory_space<vmem_shared>>
      tpu.wait_dma2 semaphore(%run_scoped3A : memref<!tpu.dma_semaphore, #tpu.memory_space<semaphore_mem>>) src(%dma_wait3A_293 : memref<3200x16xf32, #tpu.memory_space<vmem_shared>>) dst(%dma_wait3A_291 : memref<3200x16xf32, #tpu.memory_space<hbm>>)
      tpu.yield
    }) : () -> ()
    %mul3A_201 = arith.constant 3200 : i32
    %mul3A_202 = arith.muli %arg1, %mul3A_201 : i32
    %mul3A_203 = arith.constant 51200 : i32
    %mul3A_204 = arith.muli %arg0, %mul3A_203 : i32
    %mul3A_205 = arith.constant 3200 : i32
    %mul3A_206 = arith.muli %arg1, %mul3A_205 : i32
    %add3A_207 = arith.addi %mul3A_204, %mul3A_206 : i32
    "tpu.region"() ({
      %run_scoped3A = tpu.sem_alloc : memref<!tpu.dma_semaphore, #tpu.memory_space<semaphore_mem>>
      %dma_start3A_288 = tpu.memref_slice %arg6[%add3A_207] : memref<102400xf32, #tpu.memory_space<hbm>> -> memref<3200xf32, #tpu.memory_space<hbm>>
      %dma_start3A_289 = tpu.memref_slice %arg9[%mul3A_202] : memref<51200xf32, #tpu.memory_space<vmem_shared>> -> memref<3200xf32, #tpu.memory_space<vmem_shared>>
      tpu.enqueue_dma source(%dma_start3A_289 : memref<3200xf32, #tpu.memory_space<vmem_shared>>) target(%dma_start3A_288 : memref<3200xf32, #tpu.memory_space<hbm>>) target_semaphore(%run_scoped3A : memref<!tpu.dma_semaphore, #tpu.memory_space<semaphore_mem>>)
      %dma_wait3A_290 = tpu.memref_slice %arg6[%add3A_207] : memref<102400xf32, #tpu.memory_space<hbm>> -> memref<3200xf32, #tpu.memory_space<hbm>>
      %dma_wait3A_291 = tpu.memref_slice %arg9[%mul3A_202] : memref<51200xf32, #tpu.memory_space<vmem_shared>> -> memref<3200xf32, #tpu.memory_space<vmem_shared>>
      tpu.wait_dma2 semaphore(%run_scoped3A : memref<!tpu.dma_semaphore, #tpu.memory_space<semaphore_mem>>) src(%dma_wait3A_291 : memref<3200xf32, #tpu.memory_space<vmem_shared>>) dst(%dma_wait3A_290 : memref<3200xf32, #tpu.memory_space<hbm>>)
      tpu.yield
    }) : () -> ()
    %barrier3A_208 = arith.constant 0 : index
    tpu.barrier barrier_id(%barrier3A_208)
    %mul3A_209 = arith.constant 2 : i32
    %mul3A_210 = arith.muli %arg0, %mul3A_209 : i32
    %add3A_211 = arith.constant 1 : i32
    %add3A_212 = arith.addi %mul3A_210, %add3A_211 : i32
    %mul3A_213 = arith.constant 3200 : i32
    %mul3A_214 = arith.muli %arg1, %mul3A_213 : i32
    %mul3A_215 = arith.constant 16 : i32
    %mul3A_216 = arith.muli %mul3A_215, %add3A_212 : i32
    %mul3A_217 = arith.constant 3200 : i32
    %mul3A_218 = arith.muli %arg1, %mul3A_217 : i32
    "tpu.region"() ({
      %run_scoped3A = tpu.sem_alloc : memref<!tpu.dma_semaphore, #tpu.memory_space<semaphore_mem>>
      %dma_start3A_288 = arith.constant 0 : i32
      %dma_start3A_289 = tpu.memref_slice %arg7[%mul3A_218, %dma_start3A_288] : memref<51200x16xf32, #tpu.memory_space<vmem_shared>> -> memref<3200x16xf32, #tpu.memory_space<vmem_shared>>
      %dma_start3A_290 = tpu.memref_slice %arg2[%mul3A_214, %mul3A_216] : memref<51200x64xf32, #tpu.memory_space<hbm>> -> memref<3200x16xf32, #tpu.memory_space<hbm>>
      tpu.enqueue_dma source(%dma_start3A_290 : memref<3200x16xf32, #tpu.memory_space<hbm>>) target(%dma_start3A_289 : memref<3200x16xf32, #tpu.memory_space<vmem_shared>>) target_semaphore(%run_scoped3A : memref<!tpu.dma_semaphore, #tpu.memory_space<semaphore_mem>>)
      %dma_wait3A_291 = arith.constant 0 : i32
      %dma_wait3A_292 = tpu.memref_slice %arg7[%mul3A_218, %dma_wait3A_291] : memref<51200x16xf32, #tpu.memory_space<vmem_shared>> -> memref<3200x16xf32, #tpu.memory_space<vmem_shared>>
      %dma_wait3A_293 = tpu.memref_slice %arg2[%mul3A_214, %mul3A_216] : memref<51200x64xf32, #tpu.memory_space<hbm>> -> memref<3200x16xf32, #tpu.memory_space<hbm>>
      tpu.wait_dma2 semaphore(%run_scoped3A : memref<!tpu.dma_semaphore, #tpu.memory_space<semaphore_mem>>) src(%dma_wait3A_293 : memref<3200x16xf32, #tpu.memory_space<hbm>>) dst(%dma_wait3A_292 : memref<3200x16xf32, #tpu.memory_space<vmem_shared>>)
      tpu.yield
    }) : () -> ()
    %mul3A_219 = arith.constant 3200 : i32
    %mul3A_220 = arith.muli %arg1, %mul3A_219 : i32
    %add3A_221 = arith.constant 0 : i32
    %add3A_222 = arith.addi %mul3A_220, %add3A_221 : i32
    "tpu.region"() ({
      %run_scoped3A = tpu.sem_alloc : memref<!tpu.dma_semaphore, #tpu.memory_space<semaphore_mem>>
      %dma_start3A_288 = arith.constant 0 : i32
      %dma_start3A_289 = tpu.memref_slice %arg8[%add3A_222, %dma_start3A_288] : memref<51200x16xf32, #tpu.memory_space<vmem_shared>> -> memref<400x16xf32, #tpu.memory_space<vmem_shared>>
      %dma_start3A_290 = arith.constant 0 : i32
      %dma_start3A_291 = tpu.memref_slice %arg8[%add3A_222, %dma_start3A_290] : memref<51200x16xf32, #tpu.memory_space<vmem_shared>> -> memref<400x16xf32, #tpu.memory_space<vmem_shared>>
      tpu.enqueue_dma source(%arg10 : memref<400x16xf32, #tpu.memory_space<vmem>>) target(%dma_start3A_291 : memref<400x16xf32, #tpu.memory_space<vmem_shared>>) target_semaphore(%run_scoped3A : memref<!tpu.dma_semaphore, #tpu.memory_space<semaphore_mem>>)
      %dma_wait3A_292 = arith.constant 0 : i32
      %dma_wait3A_293 = tpu.memref_slice %arg8[%add3A_222, %dma_wait3A_292] : memref<51200x16xf32, #tpu.memory_space<vmem_shared>> -> memref<400x16xf32, #tpu.memory_space<vmem_shared>>
      %dma_wait3A_294 = arith.constant 0 : i32
      %dma_wait3A_295 = tpu.memref_slice %arg8[%add3A_222, %dma_wait3A_294] : memref<51200x16xf32, #tpu.memory_space<vmem_shared>> -> memref<400x16xf32, #tpu.memory_space<vmem_shared>>
      tpu.wait_dma2 semaphore(%run_scoped3A : memref<!tpu.dma_semaphore, #tpu.memory_space<semaphore_mem>>) src(%arg10 : memref<400x16xf32, #tpu.memory_space<vmem>>) dst(%dma_wait3A_295 : memref<400x16xf32, #tpu.memory_space<vmem_shared>>)
      tpu.yield
    }) : () -> ()
    %mul3A_223 = arith.constant 3200 : i32
    %mul3A_224 = arith.muli %arg1, %mul3A_223 : i32
    %add3A_225 = arith.constant 400 : i32
    %add3A_226 = arith.addi %mul3A_224, %add3A_225 : i32
    "tpu.region"() ({
      %run_scoped3A = tpu.sem_alloc : memref<!tpu.dma_semaphore, #tpu.memory_space<semaphore_mem>>
      %dma_start3A_288 = arith.constant 0 : i32
      %dma_start3A_289 = tpu.memref_slice %arg8[%add3A_226, %dma_start3A_288] : memref<51200x16xf32, #tpu.memory_space<vmem_shared>> -> memref<400x16xf32, #tpu.memory_space<vmem_shared>>
      %dma_start3A_290 = arith.constant 0 : i32
      %dma_start3A_291 = tpu.memref_slice %arg8[%add3A_226, %dma_start3A_290] : memref<51200x16xf32, #tpu.memory_space<vmem_shared>> -> memref<400x16xf32, #tpu.memory_space<vmem_shared>>
      tpu.enqueue_dma source(%arg10 : memref<400x16xf32, #tpu.memory_space<vmem>>) target(%dma_start3A_291 : memref<400x16xf32, #tpu.memory_space<vmem_shared>>) target_semaphore(%run_scoped3A : memref<!tpu.dma_semaphore, #tpu.memory_space<semaphore_mem>>)
      %dma_wait3A_292 = arith.constant 0 : i32
      %dma_wait3A_293 = tpu.memref_slice %arg8[%add3A_226, %dma_wait3A_292] : memref<51200x16xf32, #tpu.memory_space<vmem_shared>> -> memref<400x16xf32, #tpu.memory_space<vmem_shared>>
      %dma_wait3A_294 = arith.constant 0 : i32
      %dma_wait3A_295 = tpu.memref_slice %arg8[%add3A_226, %dma_wait3A_294] : memref<51200x16xf32, #tpu.memory_space<vmem_shared>> -> memref<400x16xf32, #tpu.memory_space<vmem_shared>>
      tpu.wait_dma2 semaphore(%run_scoped3A : memref<!tpu.dma_semaphore, #tpu.memory_space<semaphore_mem>>) src(%arg10 : memref<400x16xf32, #tpu.memory_space<vmem>>) dst(%dma_wait3A_295 : memref<400x16xf32, #tpu.memory_space<vmem_shared>>)
      tpu.yield
    }) : () -> ()
    %mul3A_227 = arith.constant 3200 : i32
    %mul3A_228 = arith.muli %arg1, %mul3A_227 : i32
    %add3A_229 = arith.constant 800 : i32
    %add3A_230 = arith.addi %mul3A_228, %add3A_229 : i32
    "tpu.region"() ({
      %run_scoped3A = tpu.sem_alloc : memref<!tpu.dma_semaphore, #tpu.memory_space<semaphore_mem>>
      %dma_start3A_288 = arith.constant 0 : i32
      %dma_start3A_289 = tpu.memref_slice %arg8[%add3A_230, %dma_start3A_288] : memref<51200x16xf32, #tpu.memory_space<vmem_shared>> -> memref<400x16xf32, #tpu.memory_space<vmem_shared>>
      %dma_start3A_290 = arith.constant 0 : i32
      %dma_start3A_291 = tpu.memref_slice %arg8[%add3A_230, %dma_start3A_290] : memref<51200x16xf32, #tpu.memory_space<vmem_shared>> -> memref<400x16xf32, #tpu.memory_space<vmem_shared>>
      tpu.enqueue_dma source(%arg10 : memref<400x16xf32, #tpu.memory_space<vmem>>) target(%dma_start3A_291 : memref<400x16xf32, #tpu.memory_space<vmem_shared>>) target_semaphore(%run_scoped3A : memref<!tpu.dma_semaphore, #tpu.memory_space<semaphore_mem>>)
      %dma_wait3A_292 = arith.constant 0 : i32
      %dma_wait3A_293 = tpu.memref_slice %arg8[%add3A_230, %dma_wait3A_292] : memref<51200x16xf32, #tpu.memory_space<vmem_shared>> -> memref<400x16xf32, #tpu.memory_space<vmem_shared>>
      %dma_wait3A_294 = arith.constant 0 : i32
      %dma_wait3A_295 = tpu.memref_slice %arg8[%add3A_230, %dma_wait3A_294] : memref<51200x16xf32, #tpu.memory_space<vmem_shared>> -> memref<400x16xf32, #tpu.memory_space<vmem_shared>>
      tpu.wait_dma2 semaphore(%run_scoped3A : memref<!tpu.dma_semaphore, #tpu.memory_space<semaphore_mem>>) src(%arg10 : memref<400x16xf32, #tpu.memory_space<vmem>>) dst(%dma_wait3A_295 : memref<400x16xf32, #tpu.memory_space<vmem_shared>>)
      tpu.yield
    }) : () -> ()
    %mul3A_231 = arith.constant 3200 : i32
    %mul3A_232 = arith.muli %arg1, %mul3A_231 : i32
    %add3A_233 = arith.constant 1200 : i32
    %add3A_234 = arith.addi %mul3A_232, %add3A_233 : i32
    "tpu.region"() ({
      %run_scoped3A = tpu.sem_alloc : memref<!tpu.dma_semaphore, #tpu.memory_space<semaphore_mem>>
      %dma_start3A_288 = arith.constant 0 : i32
      %dma_start3A_289 = tpu.memref_slice %arg8[%add3A_234, %dma_start3A_288] : memref<51200x16xf32, #tpu.memory_space<vmem_shared>> -> memref<400x16xf32, #tpu.memory_space<vmem_shared>>
      %dma_start3A_290 = arith.constant 0 : i32
      %dma_start3A_291 = tpu.memref_slice %arg8[%add3A_234, %dma_start3A_290] : memref<51200x16xf32, #tpu.memory_space<vmem_shared>> -> memref<400x16xf32, #tpu.memory_space<vmem_shared>>
      tpu.enqueue_dma source(%arg10 : memref<400x16xf32, #tpu.memory_space<vmem>>) target(%dma_start3A_291 : memref<400x16xf32, #tpu.memory_space<vmem_shared>>) target_semaphore(%run_scoped3A : memref<!tpu.dma_semaphore, #tpu.memory_space<semaphore_mem>>)
      %dma_wait3A_292 = arith.constant 0 : i32
      %dma_wait3A_293 = tpu.memref_slice %arg8[%add3A_234, %dma_wait3A_292] : memref<51200x16xf32, #tpu.memory_space<vmem_shared>> -> memref<400x16xf32, #tpu.memory_space<vmem_shared>>
      %dma_wait3A_294 = arith.constant 0 : i32
      %dma_wait3A_295 = tpu.memref_slice %arg8[%add3A_234, %dma_wait3A_294] : memref<51200x16xf32, #tpu.memory_space<vmem_shared>> -> memref<400x16xf32, #tpu.memory_space<vmem_shared>>
      tpu.wait_dma2 semaphore(%run_scoped3A : memref<!tpu.dma_semaphore, #tpu.memory_space<semaphore_mem>>) src(%arg10 : memref<400x16xf32, #tpu.memory_space<vmem>>) dst(%dma_wait3A_295 : memref<400x16xf32, #tpu.memory_space<vmem_shared>>)
      tpu.yield
    }) : () -> ()
    %mul3A_235 = arith.constant 3200 : i32
    %mul3A_236 = arith.muli %arg1, %mul3A_235 : i32
    %add3A_237 = arith.constant 1600 : i32
    %add3A_238 = arith.addi %mul3A_236, %add3A_237 : i32
    "tpu.region"() ({
      %run_scoped3A = tpu.sem_alloc : memref<!tpu.dma_semaphore, #tpu.memory_space<semaphore_mem>>
      %dma_start3A_288 = arith.constant 0 : i32
      %dma_start3A_289 = tpu.memref_slice %arg8[%add3A_238, %dma_start3A_288] : memref<51200x16xf32, #tpu.memory_space<vmem_shared>> -> memref<400x16xf32, #tpu.memory_space<vmem_shared>>
      %dma_start3A_290 = arith.constant 0 : i32
      %dma_start3A_291 = tpu.memref_slice %arg8[%add3A_238, %dma_start3A_290] : memref<51200x16xf32, #tpu.memory_space<vmem_shared>> -> memref<400x16xf32, #tpu.memory_space<vmem_shared>>
      tpu.enqueue_dma source(%arg10 : memref<400x16xf32, #tpu.memory_space<vmem>>) target(%dma_start3A_291 : memref<400x16xf32, #tpu.memory_space<vmem_shared>>) target_semaphore(%run_scoped3A : memref<!tpu.dma_semaphore, #tpu.memory_space<semaphore_mem>>)
      %dma_wait3A_292 = arith.constant 0 : i32
      %dma_wait3A_293 = tpu.memref_slice %arg8[%add3A_238, %dma_wait3A_292] : memref<51200x16xf32, #tpu.memory_space<vmem_shared>> -> memref<400x16xf32, #tpu.memory_space<vmem_shared>>
      %dma_wait3A_294 = arith.constant 0 : i32
      %dma_wait3A_295 = tpu.memref_slice %arg8[%add3A_238, %dma_wait3A_294] : memref<51200x16xf32, #tpu.memory_space<vmem_shared>> -> memref<400x16xf32, #tpu.memory_space<vmem_shared>>
      tpu.wait_dma2 semaphore(%run_scoped3A : memref<!tpu.dma_semaphore, #tpu.memory_space<semaphore_mem>>) src(%arg10 : memref<400x16xf32, #tpu.memory_space<vmem>>) dst(%dma_wait3A_295 : memref<400x16xf32, #tpu.memory_space<vmem_shared>>)
      tpu.yield
    }) : () -> ()
    %mul3A_239 = arith.constant 3200 : i32
    %mul3A_240 = arith.muli %arg1, %mul3A_239 : i32
    %add3A_241 = arith.constant 2000 : i32
    %add3A_242 = arith.addi %mul3A_240, %add3A_241 : i32
    "tpu.region"() ({
      %run_scoped3A = tpu.sem_alloc : memref<!tpu.dma_semaphore, #tpu.memory_space<semaphore_mem>>
      %dma_start3A_288 = arith.constant 0 : i32
      %dma_start3A_289 = tpu.memref_slice %arg8[%add3A_242, %dma_start3A_288] : memref<51200x16xf32, #tpu.memory_space<vmem_shared>> -> memref<400x16xf32, #tpu.memory_space<vmem_shared>>
      %dma_start3A_290 = arith.constant 0 : i32
      %dma_start3A_291 = tpu.memref_slice %arg8[%add3A_242, %dma_start3A_290] : memref<51200x16xf32, #tpu.memory_space<vmem_shared>> -> memref<400x16xf32, #tpu.memory_space<vmem_shared>>
      tpu.enqueue_dma source(%arg10 : memref<400x16xf32, #tpu.memory_space<vmem>>) target(%dma_start3A_291 : memref<400x16xf32, #tpu.memory_space<vmem_shared>>) target_semaphore(%run_scoped3A : memref<!tpu.dma_semaphore, #tpu.memory_space<semaphore_mem>>)
      %dma_wait3A_292 = arith.constant 0 : i32
      %dma_wait3A_293 = tpu.memref_slice %arg8[%add3A_242, %dma_wait3A_292] : memref<51200x16xf32, #tpu.memory_space<vmem_shared>> -> memref<400x16xf32, #tpu.memory_space<vmem_shared>>
      %dma_wait3A_294 = arith.constant 0 : i32
      %dma_wait3A_295 = tpu.memref_slice %arg8[%add3A_242, %dma_wait3A_294] : memref<51200x16xf32, #tpu.memory_space<vmem_shared>> -> memref<400x16xf32, #tpu.memory_space<vmem_shared>>
      tpu.wait_dma2 semaphore(%run_scoped3A : memref<!tpu.dma_semaphore, #tpu.memory_space<semaphore_mem>>) src(%arg10 : memref<400x16xf32, #tpu.memory_space<vmem>>) dst(%dma_wait3A_295 : memref<400x16xf32, #tpu.memory_space<vmem_shared>>)
      tpu.yield
    }) : () -> ()
    %mul3A_243 = arith.constant 3200 : i32
    %mul3A_244 = arith.muli %arg1, %mul3A_243 : i32
    %add3A_245 = arith.constant 2400 : i32
    %add3A_246 = arith.addi %mul3A_244, %add3A_245 : i32
    "tpu.region"() ({
      %run_scoped3A = tpu.sem_alloc : memref<!tpu.dma_semaphore, #tpu.memory_space<semaphore_mem>>
      %dma_start3A_288 = arith.constant 0 : i32
      %dma_start3A_289 = tpu.memref_slice %arg8[%add3A_246, %dma_start3A_288] : memref<51200x16xf32, #tpu.memory_space<vmem_shared>> -> memref<400x16xf32, #tpu.memory_space<vmem_shared>>
      %dma_start3A_290 = arith.constant 0 : i32
      %dma_start3A_291 = tpu.memref_slice %arg8[%add3A_246, %dma_start3A_290] : memref<51200x16xf32, #tpu.memory_space<vmem_shared>> -> memref<400x16xf32, #tpu.memory_space<vmem_shared>>
      tpu.enqueue_dma source(%arg10 : memref<400x16xf32, #tpu.memory_space<vmem>>) target(%dma_start3A_291 : memref<400x16xf32, #tpu.memory_space<vmem_shared>>) target_semaphore(%run_scoped3A : memref<!tpu.dma_semaphore, #tpu.memory_space<semaphore_mem>>)
      %dma_wait3A_292 = arith.constant 0 : i32
      %dma_wait3A_293 = tpu.memref_slice %arg8[%add3A_246, %dma_wait3A_292] : memref<51200x16xf32, #tpu.memory_space<vmem_shared>> -> memref<400x16xf32, #tpu.memory_space<vmem_shared>>
      %dma_wait3A_294 = arith.constant 0 : i32
      %dma_wait3A_295 = tpu.memref_slice %arg8[%add3A_246, %dma_wait3A_294] : memref<51200x16xf32, #tpu.memory_space<vmem_shared>> -> memref<400x16xf32, #tpu.memory_space<vmem_shared>>
      tpu.wait_dma2 semaphore(%run_scoped3A : memref<!tpu.dma_semaphore, #tpu.memory_space<semaphore_mem>>) src(%arg10 : memref<400x16xf32, #tpu.memory_space<vmem>>) dst(%dma_wait3A_295 : memref<400x16xf32, #tpu.memory_space<vmem_shared>>)
      tpu.yield
    }) : () -> ()
    %mul3A_247 = arith.constant 3200 : i32
    %mul3A_248 = arith.muli %arg1, %mul3A_247 : i32
    %add3A_249 = arith.constant 2800 : i32
    %add3A_250 = arith.addi %mul3A_248, %add3A_249 : i32
    "tpu.region"() ({
      %run_scoped3A = tpu.sem_alloc : memref<!tpu.dma_semaphore, #tpu.memory_space<semaphore_mem>>
      %dma_start3A_288 = arith.constant 0 : i32
      %dma_start3A_289 = tpu.memref_slice %arg8[%add3A_250, %dma_start3A_288] : memref<51200x16xf32, #tpu.memory_space<vmem_shared>> -> memref<400x16xf32, #tpu.memory_space<vmem_shared>>
      %dma_start3A_290 = arith.constant 0 : i32
      %dma_start3A_291 = tpu.memref_slice %arg8[%add3A_250, %dma_start3A_290] : memref<51200x16xf32, #tpu.memory_space<vmem_shared>> -> memref<400x16xf32, #tpu.memory_space<vmem_shared>>
      tpu.enqueue_dma source(%arg10 : memref<400x16xf32, #tpu.memory_space<vmem>>) target(%dma_start3A_291 : memref<400x16xf32, #tpu.memory_space<vmem_shared>>) target_semaphore(%run_scoped3A : memref<!tpu.dma_semaphore, #tpu.memory_space<semaphore_mem>>)
      %dma_wait3A_292 = arith.constant 0 : i32
      %dma_wait3A_293 = tpu.memref_slice %arg8[%add3A_250, %dma_wait3A_292] : memref<51200x16xf32, #tpu.memory_space<vmem_shared>> -> memref<400x16xf32, #tpu.memory_space<vmem_shared>>
      %dma_wait3A_294 = arith.constant 0 : i32
      %dma_wait3A_295 = tpu.memref_slice %arg8[%add3A_250, %dma_wait3A_294] : memref<51200x16xf32, #tpu.memory_space<vmem_shared>> -> memref<400x16xf32, #tpu.memory_space<vmem_shared>>
      tpu.wait_dma2 semaphore(%run_scoped3A : memref<!tpu.dma_semaphore, #tpu.memory_space<semaphore_mem>>) src(%arg10 : memref<400x16xf32, #tpu.memory_space<vmem>>) dst(%dma_wait3A_295 : memref<400x16xf32, #tpu.memory_space<vmem_shared>>)
      tpu.yield
    }) : () -> ()
    %barrier3A_251 = arith.constant 0 : index
    tpu.barrier barrier_id(%barrier3A_251)
    %mul3A_252 = arith.constant 392 : i32
    %mul3A_253 = arith.muli %arg1, %mul3A_252 : i32
    %add3A_254 = arith.constant 0 : i32
    %add3A_255 = arith.addi %mul3A_253, %add3A_254 : i32
    %dma_start3A_256 = arith.constant 0 : i32
    %dma_start3A_257 = tpu.memref_slice %arg3[%add3A_255, %dma_start3A_256] : memref<6272x128xi32, #tpu.memory_space<hbm>> -> memref<4x128xi32, #tpu.memory_space<hbm>>
    %dma_start3A_258 = arith.constant 0 : i32
    %dma_start3A_259 = tpu.memref_slice %arg3[%add3A_255, %dma_start3A_258] : memref<6272x128xi32, #tpu.memory_space<hbm>> -> memref<4x128xi32, #tpu.memory_space<hbm>>
    tpu.enqueue_dma source(%dma_start3A_259 : memref<4x128xi32, #tpu.memory_space<hbm>>) target(%arg12 : memref<4x128xi32, #tpu.memory_space<vmem>>) target_semaphore(%arg19 : memref<!tpu.dma_semaphore, #tpu.memory_space<semaphore_mem>>)
    %add3A_260 = arith.constant 0 : i32
    %add3A_261 = arith.addi %mul3A_253, %add3A_260 : i32
    %dma_start3A_262 = arith.constant 0 : i32
    %dma_start3A_263 = tpu.memref_slice %arg4[%add3A_261, %dma_start3A_262] : memref<6272x128xi32, #tpu.memory_space<hbm>> -> memref<4x128xi32, #tpu.memory_space<hbm>>
    %dma_start3A_264 = arith.constant 0 : i32
    %dma_start3A_265 = tpu.memref_slice %arg4[%add3A_261, %dma_start3A_264] : memref<6272x128xi32, #tpu.memory_space<hbm>> -> memref<4x128xi32, #tpu.memory_space<hbm>>
    tpu.enqueue_dma source(%dma_start3A_265 : memref<4x128xi32, #tpu.memory_space<hbm>>) target(%arg13 : memref<4x128xi32, #tpu.memory_space<vmem>>) target_semaphore(%arg19 : memref<!tpu.dma_semaphore, #tpu.memory_space<semaphore_mem>>)
    %scan3A_266 = arith.constant 0 : i32
    %scan3A_267 = arith.constant 0 : i32
    %scan3A_268 = arith.constant 49 : i32
    %scan3A_269 = arith.addi %scan3A_267, %scan3A_268 : i32
    %scan3A_270 = arith.constant 1 : i32
    scf.for %scan3A_288 = %scan3A_267 to %scan3A_269 step %scan3A_270  : i32 {
      %mul3A_289 = arith.constant 2 : i32
      %mul3A_290 = arith.muli %scan3A_288, %mul3A_289 : i32
      %add3A_291 = arith.constant 1 : i32
      %add3A_292 = arith.addi %mul3A_290, %add3A_291 : i32
      %mul3A_293 = arith.constant 4 : i32
      %mul3A_294 = arith.muli %add3A_292, %mul3A_293 : i32
      %add3A_295 = arith.addi %mul3A_253, %mul3A_294 : i32
      %dma_start3A_296 = arith.constant 0 : i32
      %dma_start3A_297 = tpu.memref_slice %arg3[%add3A_295, %dma_start3A_296] : memref<6272x128xi32, #tpu.memory_space<hbm>> -> memref<4x128xi32, #tpu.memory_space<hbm>>
      %dma_start3A_298 = arith.constant 0 : i32
      %dma_start3A_299 = tpu.memref_slice %arg3[%add3A_295, %dma_start3A_298] : memref<6272x128xi32, #tpu.memory_space<hbm>> -> memref<4x128xi32, #tpu.memory_space<hbm>>
      tpu.enqueue_dma source(%dma_start3A_299 : memref<4x128xi32, #tpu.memory_space<hbm>>) target(%arg14 : memref<4x128xi32, #tpu.memory_space<vmem>>) target_semaphore(%arg19 : memref<!tpu.dma_semaphore, #tpu.memory_space<semaphore_mem>>)
      %mul3A_300 = arith.constant 4 : i32
      %mul3A_301 = arith.muli %add3A_292, %mul3A_300 : i32
      %add3A_302 = arith.addi %mul3A_253, %mul3A_301 : i32
      %dma_start3A_303 = arith.constant 0 : i32
      %dma_start3A_304 = tpu.memref_slice %arg4[%add3A_302, %dma_start3A_303] : memref<6272x128xi32, #tpu.memory_space<hbm>> -> memref<4x128xi32, #tpu.memory_space<hbm>>
      %dma_start3A_305 = arith.constant 0 : i32
      %dma_start3A_306 = tpu.memref_slice %arg4[%add3A_302, %dma_start3A_305] : memref<6272x128xi32, #tpu.memory_space<hbm>> -> memref<4x128xi32, #tpu.memory_space<hbm>>
      tpu.enqueue_dma source(%dma_start3A_306 : memref<4x128xi32, #tpu.memory_space<hbm>>) target(%arg15 : memref<4x128xi32, #tpu.memory_space<vmem>>) target_semaphore(%arg19 : memref<!tpu.dma_semaphore, #tpu.memory_space<semaphore_mem>>)
      %dma_wait3A_307 = arith.constant 0 : i32
      %dma_wait3A_308 = tpu.memref_slice %arg3[%mul3A_253, %dma_wait3A_307] : memref<6272x128xi32, #tpu.memory_space<hbm>> -> memref<4x128xi32, #tpu.memory_space<hbm>>
      %dma_wait3A_309 = arith.constant 0 : i32
      %dma_wait3A_310 = tpu.memref_slice %arg3[%mul3A_253, %dma_wait3A_309] : memref<6272x128xi32, #tpu.memory_space<hbm>> -> memref<4x128xi32, #tpu.memory_space<hbm>>
      tpu.wait_dma2 semaphore(%arg19 : memref<!tpu.dma_semaphore, #tpu.memory_space<semaphore_mem>>) src(%dma_wait3A_310 : memref<4x128xi32, #tpu.memory_space<hbm>>) dst(%arg12 : memref<4x128xi32, #tpu.memory_space<vmem>>)
      %dma_wait3A_311 = arith.constant 0 : i32
      %dma_wait3A_312 = tpu.memref_slice %arg4[%mul3A_253, %dma_wait3A_311] : memref<6272x128xi32, #tpu.memory_space<hbm>> -> memref<4x128xi32, #tpu.memory_space<hbm>>
      %dma_wait3A_313 = arith.constant 0 : i32
      %dma_wait3A_314 = tpu.memref_slice %arg4[%mul3A_253, %dma_wait3A_313] : memref<6272x128xi32, #tpu.memory_space<hbm>> -> memref<4x128xi32, #tpu.memory_space<hbm>>
      tpu.wait_dma2 semaphore(%arg19 : memref<!tpu.dma_semaphore, #tpu.memory_space<semaphore_mem>>) src(%dma_wait3A_314 : memref<4x128xi32, #tpu.memory_space<hbm>>) dst(%arg13 : memref<4x128xi32, #tpu.memory_space<vmem>>)
      %dma_start3A_315 = arith.constant 0 : i32
      %dma_start3A_316 = arith.constant 0 : i32
      %dma_start3A_317 = arith.constant 0 : i32
      %dma_start3A_318 = tpu.memref_slice %arg16[%dma_start3A_316, %dma_start3A_317] : memref<512x16xf32, #tpu.memory_space<vmem>> -> memref<128x16xf32, #tpu.memory_space<vmem>>
      %dma_start3A_319 = arith.constant 0 : i32
      %dma_start3A_320 = tpu.memref_slice %arg12[%dma_start3A_315, %dma_start3A_319] : memref<4x128xi32, #tpu.memory_space<vmem>> -> memref<1x128xi32, #tpu.memory_space<vmem>>
      %dma_start3A_321 = tpu.memref_squeeze %dma_start3A_320 : memref<1x128xi32, #tpu.memory_space<vmem>> -> memref<128xi32, #tpu.memory_space<vmem>>
      %dma_start3A_322 = arith.constant 0 : i32
      %dma_start3A_323 = arith.constant 0 : i32
      %dma_start3A_324 = tpu.memref_slice %arg7[%dma_start3A_322, %dma_start3A_323] : memref<51200x16xf32, #tpu.memory_space<vmem_shared>> -> memref<51200x16xf32, #tpu.memory_space<vmem_shared>>
      tpu.enqueue_indirect_dma source(%dma_start3A_324 : memref<51200x16xf32, #tpu.memory_space<vmem_shared>>) target(%dma_start3A_318 : memref<128x16xf32, #tpu.memory_space<vmem>>) offsets(%dma_start3A_321 : memref<128xi32, #tpu.memory_space<vmem>>) semaphore(%arg18 : memref<!tpu.dma_semaphore, #tpu.memory_space<semaphore_mem>>)
      %dma_start3A_325 = arith.constant 1 : i32
      %dma_start3A_326 = arith.constant 128 : i32
      %dma_start3A_327 = arith.constant 0 : i32
      %dma_start3A_328 = tpu.memref_slice %arg16[%dma_start3A_326, %dma_start3A_327] : memref<512x16xf32, #tpu.memory_space<vmem>> -> memref<128x16xf32, #tpu.memory_space<vmem>>
      %dma_start3A_329 = arith.constant 0 : i32
      %dma_start3A_330 = tpu.memref_slice %arg12[%dma_start3A_325, %dma_start3A_329] : memref<4x128xi32, #tpu.memory_space<vmem>> -> memref<1x128xi32, #tpu.memory_space<vmem>>
      %dma_start3A_331 = tpu.memref_squeeze %dma_start3A_330 : memref<1x128xi32, #tpu.memory_space<vmem>> -> memref<128xi32, #tpu.memory_space<vmem>>
      %dma_start3A_332 = arith.constant 0 : i32
      %dma_start3A_333 = arith.constant 0 : i32
      %dma_start3A_334 = tpu.memref_slice %arg7[%dma_start3A_332, %dma_start3A_333] : memref<51200x16xf32, #tpu.memory_space<vmem_shared>> -> memref<51200x16xf32, #tpu.memory_space<vmem_shared>>
      tpu.enqueue_indirect_dma source(%dma_start3A_334 : memref<51200x16xf32, #tpu.memory_space<vmem_shared>>) target(%dma_start3A_328 : memref<128x16xf32, #tpu.memory_space<vmem>>) offsets(%dma_start3A_331 : memref<128xi32, #tpu.memory_space<vmem>>) semaphore(%arg18 : memref<!tpu.dma_semaphore, #tpu.memory_space<semaphore_mem>>)
      %dma_start3A_335 = arith.constant 2 : i32
      %dma_start3A_336 = arith.constant 256 : i32
      %dma_start3A_337 = arith.constant 0 : i32
      %dma_start3A_338 = tpu.memref_slice %arg16[%dma_start3A_336, %dma_start3A_337] : memref<512x16xf32, #tpu.memory_space<vmem>> -> memref<128x16xf32, #tpu.memory_space<vmem>>
      %dma_start3A_339 = arith.constant 0 : i32
      %dma_start3A_340 = tpu.memref_slice %arg12[%dma_start3A_335, %dma_start3A_339] : memref<4x128xi32, #tpu.memory_space<vmem>> -> memref<1x128xi32, #tpu.memory_space<vmem>>
      %dma_start3A_341 = tpu.memref_squeeze %dma_start3A_340 : memref<1x128xi32, #tpu.memory_space<vmem>> -> memref<128xi32, #tpu.memory_space<vmem>>
      %dma_start3A_342 = arith.constant 0 : i32
      %dma_start3A_343 = arith.constant 0 : i32
      %dma_start3A_344 = tpu.memref_slice %arg7[%dma_start3A_342, %dma_start3A_343] : memref<51200x16xf32, #tpu.memory_space<vmem_shared>> -> memref<51200x16xf32, #tpu.memory_space<vmem_shared>>
      tpu.enqueue_indirect_dma source(%dma_start3A_344 : memref<51200x16xf32, #tpu.memory_space<vmem_shared>>) target(%dma_start3A_338 : memref<128x16xf32, #tpu.memory_space<vmem>>) offsets(%dma_start3A_341 : memref<128xi32, #tpu.memory_space<vmem>>) semaphore(%arg18 : memref<!tpu.dma_semaphore, #tpu.memory_space<semaphore_mem>>)
      %dma_start3A_345 = arith.constant 3 : i32
      %dma_start3A_346 = arith.constant 384 : i32
      %dma_start3A_347 = arith.constant 0 : i32
      %dma_start3A_348 = tpu.memref_slice %arg16[%dma_start3A_346, %dma_start3A_347] : memref<512x16xf32, #tpu.memory_space<vmem>> -> memref<128x16xf32, #tpu.memory_space<vmem>>
      %dma_start3A_349 = arith.constant 0 : i32
      %dma_start3A_350 = tpu.memref_slice %arg12[%dma_start3A_345, %dma_start3A_349] : memref<4x128xi32, #tpu.memory_space<vmem>> -> memref<1x128xi32, #tpu.memory_space<vmem>>
      %dma_start3A_351 = tpu.memref_squeeze %dma_start3A_350 : memref<1x128xi32, #tpu.memory_space<vmem>> -> memref<128xi32, #tpu.memory_space<vmem>>
      %dma_start3A_352 = arith.constant 0 : i32
      %dma_start3A_353 = arith.constant 0 : i32
      %dma_start3A_354 = tpu.memref_slice %arg7[%dma_start3A_352, %dma_start3A_353] : memref<51200x16xf32, #tpu.memory_space<vmem_shared>> -> memref<51200x16xf32, #tpu.memory_space<vmem_shared>>
      tpu.enqueue_indirect_dma source(%dma_start3A_354 : memref<51200x16xf32, #tpu.memory_space<vmem_shared>>) target(%dma_start3A_348 : memref<128x16xf32, #tpu.memory_space<vmem>>) offsets(%dma_start3A_351 : memref<128xi32, #tpu.memory_space<vmem>>) semaphore(%arg18 : memref<!tpu.dma_semaphore, #tpu.memory_space<semaphore_mem>>)
      %dma_wait3A_355 = arith.constant 0 : i32
      %dma_wait3A_356 = arith.constant 0 : i32
      %dma_wait3A_357 = arith.constant 0 : i32
      %dma_wait3A_358 = tpu.memref_slice %arg16[%dma_wait3A_356, %dma_wait3A_357] : memref<512x16xf32, #tpu.memory_space<vmem>> -> memref<128x16xf32, #tpu.memory_space<vmem>>
      %dma_wait3A_359 = arith.constant 0 : i32
      %dma_wait3A_360 = tpu.memref_slice %arg12[%dma_wait3A_355, %dma_wait3A_359] : memref<4x128xi32, #tpu.memory_space<vmem>> -> memref<1x128xi32, #tpu.memory_space<vmem>>
      %dma_wait3A_361 = tpu.memref_squeeze %dma_wait3A_360 : memref<1x128xi32, #tpu.memory_space<vmem>> -> memref<128xi32, #tpu.memory_space<vmem>>
      %dma_wait3A_362 = arith.constant 0 : i32
      %dma_wait3A_363 = arith.constant 0 : i32
      %dma_wait3A_364 = tpu.memref_slice %arg7[%dma_wait3A_362, %dma_wait3A_363] : memref<51200x16xf32, #tpu.memory_space<vmem_shared>> -> memref<51200x16xf32, #tpu.memory_space<vmem_shared>>
      tpu.wait_indirect_dma semaphore(%arg18 : memref<!tpu.dma_semaphore, #tpu.memory_space<semaphore_mem>>) src(%dma_wait3A_364 : memref<51200x16xf32, #tpu.memory_space<vmem_shared>>) dst(%dma_wait3A_358 : memref<128x16xf32, #tpu.memory_space<vmem>>)
      %dma_wait3A_365 = arith.constant 1 : i32
      %dma_wait3A_366 = arith.constant 128 : i32
      %dma_wait3A_367 = arith.constant 0 : i32
      %dma_wait3A_368 = tpu.memref_slice %arg16[%dma_wait3A_366, %dma_wait3A_367] : memref<512x16xf32, #tpu.memory_space<vmem>> -> memref<128x16xf32, #tpu.memory_space<vmem>>
      %dma_wait3A_369 = arith.constant 0 : i32
      %dma_wait3A_370 = tpu.memref_slice %arg12[%dma_wait3A_365, %dma_wait3A_369] : memref<4x128xi32, #tpu.memory_space<vmem>> -> memref<1x128xi32, #tpu.memory_space<vmem>>
      %dma_wait3A_371 = tpu.memref_squeeze %dma_wait3A_370 : memref<1x128xi32, #tpu.memory_space<vmem>> -> memref<128xi32, #tpu.memory_space<vmem>>
      %dma_wait3A_372 = arith.constant 0 : i32
      %dma_wait3A_373 = arith.constant 0 : i32
      %dma_wait3A_374 = tpu.memref_slice %arg7[%dma_wait3A_372, %dma_wait3A_373] : memref<51200x16xf32, #tpu.memory_space<vmem_shared>> -> memref<51200x16xf32, #tpu.memory_space<vmem_shared>>
      tpu.wait_indirect_dma semaphore(%arg18 : memref<!tpu.dma_semaphore, #tpu.memory_space<semaphore_mem>>) src(%dma_wait3A_374 : memref<51200x16xf32, #tpu.memory_space<vmem_shared>>) dst(%dma_wait3A_368 : memref<128x16xf32, #tpu.memory_space<vmem>>)
      %dma_wait3A_375 = arith.constant 2 : i32
      %dma_wait3A_376 = arith.constant 256 : i32
      %dma_wait3A_377 = arith.constant 0 : i32
      %dma_wait3A_378 = tpu.memref_slice %arg16[%dma_wait3A_376, %dma_wait3A_377] : memref<512x16xf32, #tpu.memory_space<vmem>> -> memref<128x16xf32, #tpu.memory_space<vmem>>
      %dma_wait3A_379 = arith.constant 0 : i32
      %dma_wait3A_380 = tpu.memref_slice %arg12[%dma_wait3A_375, %dma_wait3A_379] : memref<4x128xi32, #tpu.memory_space<vmem>> -> memref<1x128xi32, #tpu.memory_space<vmem>>
      %dma_wait3A_381 = tpu.memref_squeeze %dma_wait3A_380 : memref<1x128xi32, #tpu.memory_space<vmem>> -> memref<128xi32, #tpu.memory_space<vmem>>
      %dma_wait3A_382 = arith.constant 0 : i32
      %dma_wait3A_383 = arith.constant 0 : i32
      %dma_wait3A_384 = tpu.memref_slice %arg7[%dma_wait3A_382, %dma_wait3A_383] : memref<51200x16xf32, #tpu.memory_space<vmem_shared>> -> memref<51200x16xf32, #tpu.memory_space<vmem_shared>>
      tpu.wait_indirect_dma semaphore(%arg18 : memref<!tpu.dma_semaphore, #tpu.memory_space<semaphore_mem>>) src(%dma_wait3A_384 : memref<51200x16xf32, #tpu.memory_space<vmem_shared>>) dst(%dma_wait3A_378 : memref<128x16xf32, #tpu.memory_space<vmem>>)
      %dma_wait3A_385 = arith.constant 3 : i32
      %dma_wait3A_386 = arith.constant 384 : i32
      %dma_wait3A_387 = arith.constant 0 : i32
      %dma_wait3A_388 = tpu.memref_slice %arg16[%dma_wait3A_386, %dma_wait3A_387] : memref<512x16xf32, #tpu.memory_space<vmem>> -> memref<128x16xf32, #tpu.memory_space<vmem>>
      %dma_wait3A_389 = arith.constant 0 : i32
      %dma_wait3A_390 = tpu.memref_slice %arg12[%dma_wait3A_385, %dma_wait3A_389] : memref<4x128xi32, #tpu.memory_space<vmem>> -> memref<1x128xi32, #tpu.memory_space<vmem>>
      %dma_wait3A_391 = tpu.memref_squeeze %dma_wait3A_390 : memref<1x128xi32, #tpu.memory_space<vmem>> -> memref<128xi32, #tpu.memory_space<vmem>>
      %dma_wait3A_392 = arith.constant 0 : i32
      %dma_wait3A_393 = arith.constant 0 : i32
      %dma_wait3A_394 = tpu.memref_slice %arg7[%dma_wait3A_392, %dma_wait3A_393] : memref<51200x16xf32, #tpu.memory_space<vmem_shared>> -> memref<51200x16xf32, #tpu.memory_space<vmem_shared>>
      tpu.wait_indirect_dma semaphore(%arg18 : memref<!tpu.dma_semaphore, #tpu.memory_space<semaphore_mem>>) src(%dma_wait3A_394 : memref<51200x16xf32, #tpu.memory_space<vmem_shared>>) dst(%dma_wait3A_388 : memref<128x16xf32, #tpu.memory_space<vmem>>)
      %dma_start3A_395 = arith.constant 0 : i32
      %dma_start3A_396 = arith.constant 0 : i32
      %dma_start3A_397 = arith.constant 0 : i32
      %dma_start3A_398 = tpu.memref_slice %arg16[%dma_start3A_396, %dma_start3A_397] : memref<512x16xf32, #tpu.memory_space<vmem>> -> memref<128x16xf32, #tpu.memory_space<vmem>>
      %dma_start3A_399 = arith.constant 0 : i32
      %dma_start3A_400 = tpu.memref_slice %arg13[%dma_start3A_395, %dma_start3A_399] : memref<4x128xi32, #tpu.memory_space<vmem>> -> memref<1x128xi32, #tpu.memory_space<vmem>>
      %dma_start3A_401 = tpu.memref_squeeze %dma_start3A_400 : memref<1x128xi32, #tpu.memory_space<vmem>> -> memref<128xi32, #tpu.memory_space<vmem>>
      %dma_start3A_402 = arith.constant 0 : i32
      %dma_start3A_403 = arith.constant 0 : i32
      %dma_start3A_404 = tpu.memref_slice %arg8[%dma_start3A_402, %dma_start3A_403] : memref<51200x16xf32, #tpu.memory_space<vmem_shared>> -> memref<51200x16xf32, #tpu.memory_space<vmem_shared>>
      tpu.enqueue_indirect_dma source(%dma_start3A_398 : memref<128x16xf32, #tpu.memory_space<vmem>>) target(%dma_start3A_404 : memref<51200x16xf32, #tpu.memory_space<vmem_shared>>) offsets(%dma_start3A_401 : memref<128xi32, #tpu.memory_space<vmem>>) semaphore(%arg18 : memref<!tpu.dma_semaphore, #tpu.memory_space<semaphore_mem>>) {add = true}
      %dma_start3A_405 = arith.constant 1 : i32
      %dma_start3A_406 = arith.constant 128 : i32
      %dma_start3A_407 = arith.constant 0 : i32
      %dma_start3A_408 = tpu.memref_slice %arg16[%dma_start3A_406, %dma_start3A_407] : memref<512x16xf32, #tpu.memory_space<vmem>> -> memref<128x16xf32, #tpu.memory_space<vmem>>
      %dma_start3A_409 = arith.constant 0 : i32
      %dma_start3A_410 = tpu.memref_slice %arg13[%dma_start3A_405, %dma_start3A_409] : memref<4x128xi32, #tpu.memory_space<vmem>> -> memref<1x128xi32, #tpu.memory_space<vmem>>
      %dma_start3A_411 = tpu.memref_squeeze %dma_start3A_410 : memref<1x128xi32, #tpu.memory_space<vmem>> -> memref<128xi32, #tpu.memory_space<vmem>>
      %dma_start3A_412 = arith.constant 0 : i32
      %dma_start3A_413 = arith.constant 0 : i32
      %dma_start3A_414 = tpu.memref_slice %arg8[%dma_start3A_412, %dma_start3A_413] : memref<51200x16xf32, #tpu.memory_space<vmem_shared>> -> memref<51200x16xf32, #tpu.memory_space<vmem_shared>>
      tpu.enqueue_indirect_dma source(%dma_start3A_408 : memref<128x16xf32, #tpu.memory_space<vmem>>) target(%dma_start3A_414 : memref<51200x16xf32, #tpu.memory_space<vmem_shared>>) offsets(%dma_start3A_411 : memref<128xi32, #tpu.memory_space<vmem>>) semaphore(%arg18 : memref<!tpu.dma_semaphore, #tpu.memory_space<semaphore_mem>>) {add = true}
      %dma_start3A_415 = arith.constant 2 : i32
      %dma_start3A_416 = arith.constant 256 : i32
      %dma_start3A_417 = arith.constant 0 : i32
      %dma_start3A_418 = tpu.memref_slice %arg16[%dma_start3A_416, %dma_start3A_417] : memref<512x16xf32, #tpu.memory_space<vmem>> -> memref<128x16xf32, #tpu.memory_space<vmem>>
      %dma_start3A_419 = arith.constant 0 : i32
      %dma_start3A_420 = tpu.memref_slice %arg13[%dma_start3A_415, %dma_start3A_419] : memref<4x128xi32, #tpu.memory_space<vmem>> -> memref<1x128xi32, #tpu.memory_space<vmem>>
      %dma_start3A_421 = tpu.memref_squeeze %dma_start3A_420 : memref<1x128xi32, #tpu.memory_space<vmem>> -> memref<128xi32, #tpu.memory_space<vmem>>
      %dma_start3A_422 = arith.constant 0 : i32
      %dma_start3A_423 = arith.constant 0 : i32
      %dma_start3A_424 = tpu.memref_slice %arg8[%dma_start3A_422, %dma_start3A_423] : memref<51200x16xf32, #tpu.memory_space<vmem_shared>> -> memref<51200x16xf32, #tpu.memory_space<vmem_shared>>
      tpu.enqueue_indirect_dma source(%dma_start3A_418 : memref<128x16xf32, #tpu.memory_space<vmem>>) target(%dma_start3A_424 : memref<51200x16xf32, #tpu.memory_space<vmem_shared>>) offsets(%dma_start3A_421 : memref<128xi32, #tpu.memory_space<vmem>>) semaphore(%arg18 : memref<!tpu.dma_semaphore, #tpu.memory_space<semaphore_mem>>) {add = true}
      %dma_start3A_425 = arith.constant 3 : i32
      %dma_start3A_426 = arith.constant 384 : i32
      %dma_start3A_427 = arith.constant 0 : i32
      %dma_start3A_428 = tpu.memref_slice %arg16[%dma_start3A_426, %dma_start3A_427] : memref<512x16xf32, #tpu.memory_space<vmem>> -> memref<128x16xf32, #tpu.memory_space<vmem>>
      %dma_start3A_429 = arith.constant 0 : i32
      %dma_start3A_430 = tpu.memref_slice %arg13[%dma_start3A_425, %dma_start3A_429] : memref<4x128xi32, #tpu.memory_space<vmem>> -> memref<1x128xi32, #tpu.memory_space<vmem>>
      %dma_start3A_431 = tpu.memref_squeeze %dma_start3A_430 : memref<1x128xi32, #tpu.memory_space<vmem>> -> memref<128xi32, #tpu.memory_space<vmem>>
      %dma_start3A_432 = arith.constant 0 : i32
      %dma_start3A_433 = arith.constant 0 : i32
      %dma_start3A_434 = tpu.memref_slice %arg8[%dma_start3A_432, %dma_start3A_433] : memref<51200x16xf32, #tpu.memory_space<vmem_shared>> -> memref<51200x16xf32, #tpu.memory_space<vmem_shared>>
      tpu.enqueue_indirect_dma source(%dma_start3A_428 : memref<128x16xf32, #tpu.memory_space<vmem>>) target(%dma_start3A_434 : memref<51200x16xf32, #tpu.memory_space<vmem_shared>>) offsets(%dma_start3A_431 : memref<128xi32, #tpu.memory_space<vmem>>) semaphore(%arg18 : memref<!tpu.dma_semaphore, #tpu.memory_space<semaphore_mem>>) {add = true}
      %dma_wait3A_435 = arith.constant 0 : i32
      %dma_wait3A_436 = arith.constant 0 : i32
      %dma_wait3A_437 = arith.constant 0 : i32
      %dma_wait3A_438 = tpu.memref_slice %arg16[%dma_wait3A_436, %dma_wait3A_437] : memref<512x16xf32, #tpu.memory_space<vmem>> -> memref<128x16xf32, #tpu.memory_space<vmem>>
      %dma_wait3A_439 = arith.constant 0 : i32
      %dma_wait3A_440 = tpu.memref_slice %arg13[%dma_wait3A_435, %dma_wait3A_439] : memref<4x128xi32, #tpu.memory_space<vmem>> -> memref<1x128xi32, #tpu.memory_space<vmem>>
      %dma_wait3A_441 = tpu.memref_squeeze %dma_wait3A_440 : memref<1x128xi32, #tpu.memory_space<vmem>> -> memref<128xi32, #tpu.memory_space<vmem>>
      %dma_wait3A_442 = arith.constant 0 : i32
      %dma_wait3A_443 = arith.constant 0 : i32
      %dma_wait3A_444 = tpu.memref_slice %arg8[%dma_wait3A_442, %dma_wait3A_443] : memref<51200x16xf32, #tpu.memory_space<vmem_shared>> -> memref<51200x16xf32, #tpu.memory_space<vmem_shared>>
      tpu.wait_indirect_dma semaphore(%arg18 : memref<!tpu.dma_semaphore, #tpu.memory_space<semaphore_mem>>) src(%dma_wait3A_438 : memref<128x16xf32, #tpu.memory_space<vmem>>) dst(%dma_wait3A_444 : memref<51200x16xf32, #tpu.memory_space<vmem_shared>>)
      %dma_wait3A_445 = arith.constant 1 : i32
      %dma_wait3A_446 = arith.constant 128 : i32
      %dma_wait3A_447 = arith.constant 0 : i32
      %dma_wait3A_448 = tpu.memref_slice %arg16[%dma_wait3A_446, %dma_wait3A_447] : memref<512x16xf32, #tpu.memory_space<vmem>> -> memref<128x16xf32, #tpu.memory_space<vmem>>
      %dma_wait3A_449 = arith.constant 0 : i32
      %dma_wait3A_450 = tpu.memref_slice %arg13[%dma_wait3A_445, %dma_wait3A_449] : memref<4x128xi32, #tpu.memory_space<vmem>> -> memref<1x128xi32, #tpu.memory_space<vmem>>
      %dma_wait3A_451 = tpu.memref_squeeze %dma_wait3A_450 : memref<1x128xi32, #tpu.memory_space<vmem>> -> memref<128xi32, #tpu.memory_space<vmem>>
      %dma_wait3A_452 = arith.constant 0 : i32
      %dma_wait3A_453 = arith.constant 0 : i32
      %dma_wait3A_454 = tpu.memref_slice %arg8[%dma_wait3A_452, %dma_wait3A_453] : memref<51200x16xf32, #tpu.memory_space<vmem_shared>> -> memref<51200x16xf32, #tpu.memory_space<vmem_shared>>
      tpu.wait_indirect_dma semaphore(%arg18 : memref<!tpu.dma_semaphore, #tpu.memory_space<semaphore_mem>>) src(%dma_wait3A_448 : memref<128x16xf32, #tpu.memory_space<vmem>>) dst(%dma_wait3A_454 : memref<51200x16xf32, #tpu.memory_space<vmem_shared>>)
      %dma_wait3A_455 = arith.constant 2 : i32
      %dma_wait3A_456 = arith.constant 256 : i32
      %dma_wait3A_457 = arith.constant 0 : i32
      %dma_wait3A_458 = tpu.memref_slice %arg16[%dma_wait3A_456, %dma_wait3A_457] : memref<512x16xf32, #tpu.memory_space<vmem>> -> memref<128x16xf32, #tpu.memory_space<vmem>>
      %dma_wait3A_459 = arith.constant 0 : i32
      %dma_wait3A_460 = tpu.memref_slice %arg13[%dma_wait3A_455, %dma_wait3A_459] : memref<4x128xi32, #tpu.memory_space<vmem>> -> memref<1x128xi32, #tpu.memory_space<vmem>>
      %dma_wait3A_461 = tpu.memref_squeeze %dma_wait3A_460 : memref<1x128xi32, #tpu.memory_space<vmem>> -> memref<128xi32, #tpu.memory_space<vmem>>
      %dma_wait3A_462 = arith.constant 0 : i32
      %dma_wait3A_463 = arith.constant 0 : i32
      %dma_wait3A_464 = tpu.memref_slice %arg8[%dma_wait3A_462, %dma_wait3A_463] : memref<51200x16xf32, #tpu.memory_space<vmem_shared>> -> memref<51200x16xf32, #tpu.memory_space<vmem_shared>>
      tpu.wait_indirect_dma semaphore(%arg18 : memref<!tpu.dma_semaphore, #tpu.memory_space<semaphore_mem>>) src(%dma_wait3A_458 : memref<128x16xf32, #tpu.memory_space<vmem>>) dst(%dma_wait3A_464 : memref<51200x16xf32, #tpu.memory_space<vmem_shared>>)
      %dma_wait3A_465 = arith.constant 3 : i32
      %dma_wait3A_466 = arith.constant 384 : i32
      %dma_wait3A_467 = arith.constant 0 : i32
      %dma_wait3A_468 = tpu.memref_slice %arg16[%dma_wait3A_466, %dma_wait3A_467] : memref<512x16xf32, #tpu.memory_space<vmem>> -> memref<128x16xf32, #tpu.memory_space<vmem>>
      %dma_wait3A_469 = arith.constant 0 : i32
      %dma_wait3A_470 = tpu.memref_slice %arg13[%dma_wait3A_465, %dma_wait3A_469] : memref<4x128xi32, #tpu.memory_space<vmem>> -> memref<1x128xi32, #tpu.memory_space<vmem>>
      %dma_wait3A_471 = tpu.memref_squeeze %dma_wait3A_470 : memref<1x128xi32, #tpu.memory_space<vmem>> -> memref<128xi32, #tpu.memory_space<vmem>>
      %dma_wait3A_472 = arith.constant 0 : i32
      %dma_wait3A_473 = arith.constant 0 : i32
      %dma_wait3A_474 = tpu.memref_slice %arg8[%dma_wait3A_472, %dma_wait3A_473] : memref<51200x16xf32, #tpu.memory_space<vmem_shared>> -> memref<51200x16xf32, #tpu.memory_space<vmem_shared>>
      tpu.wait_indirect_dma semaphore(%arg18 : memref<!tpu.dma_semaphore, #tpu.memory_space<semaphore_mem>>) src(%dma_wait3A_468 : memref<128x16xf32, #tpu.memory_space<vmem>>) dst(%dma_wait3A_474 : memref<51200x16xf32, #tpu.memory_space<vmem_shared>>)
      %add3A_475 = arith.constant 2 : i32
      %add3A_476 = arith.addi %mul3A_290, %add3A_475 : i32
      %min3A = arith.constant 97 : i32
      %min3A_477 = arith.minsi %add3A_476, %min3A : i32
      %mul3A_478 = arith.constant 4 : i32
      %mul3A_479 = arith.muli %min3A_477, %mul3A_478 : i32
      %add3A_480 = arith.addi %mul3A_253, %mul3A_479 : i32
      %dma_start3A_481 = arith.constant 0 : i32
      %dma_start3A_482 = tpu.memref_slice %arg3[%add3A_480, %dma_start3A_481] : memref<6272x128xi32, #tpu.memory_space<hbm>> -> memref<4x128xi32, #tpu.memory_space<hbm>>
      %dma_start3A_483 = arith.constant 0 : i32
      %dma_start3A_484 = tpu.memref_slice %arg3[%add3A_480, %dma_start3A_483] : memref<6272x128xi32, #tpu.memory_space<hbm>> -> memref<4x128xi32, #tpu.memory_space<hbm>>
      tpu.enqueue_dma source(%dma_start3A_484 : memref<4x128xi32, #tpu.memory_space<hbm>>) target(%arg12 : memref<4x128xi32, #tpu.memory_space<vmem>>) target_semaphore(%arg19 : memref<!tpu.dma_semaphore, #tpu.memory_space<semaphore_mem>>)
      %mul3A_485 = arith.constant 4 : i32
      %mul3A_486 = arith.muli %min3A_477, %mul3A_485 : i32
      %add3A_487 = arith.addi %mul3A_253, %mul3A_486 : i32
      %dma_start3A_488 = arith.constant 0 : i32
      %dma_start3A_489 = tpu.memref_slice %arg4[%add3A_487, %dma_start3A_488] : memref<6272x128xi32, #tpu.memory_space<hbm>> -> memref<4x128xi32, #tpu.memory_space<hbm>>
      %dma_start3A_490 = arith.constant 0 : i32
      %dma_start3A_491 = tpu.memref_slice %arg4[%add3A_487, %dma_start3A_490] : memref<6272x128xi32, #tpu.memory_space<hbm>> -> memref<4x128xi32, #tpu.memory_space<hbm>>
      tpu.enqueue_dma source(%dma_start3A_491 : memref<4x128xi32, #tpu.memory_space<hbm>>) target(%arg13 : memref<4x128xi32, #tpu.memory_space<vmem>>) target_semaphore(%arg19 : memref<!tpu.dma_semaphore, #tpu.memory_space<semaphore_mem>>)
      %dma_wait3A_492 = arith.constant 0 : i32
      %dma_wait3A_493 = tpu.memref_slice %arg3[%mul3A_253, %dma_wait3A_492] : memref<6272x128xi32, #tpu.memory_space<hbm>> -> memref<4x128xi32, #tpu.memory_space<hbm>>
      %dma_wait3A_494 = arith.constant 0 : i32
      %dma_wait3A_495 = tpu.memref_slice %arg3[%mul3A_253, %dma_wait3A_494] : memref<6272x128xi32, #tpu.memory_space<hbm>> -> memref<4x128xi32, #tpu.memory_space<hbm>>
      tpu.wait_dma2 semaphore(%arg19 : memref<!tpu.dma_semaphore, #tpu.memory_space<semaphore_mem>>) src(%dma_wait3A_495 : memref<4x128xi32, #tpu.memory_space<hbm>>) dst(%arg14 : memref<4x128xi32, #tpu.memory_space<vmem>>)
      %dma_wait3A_496 = arith.constant 0 : i32
      %dma_wait3A_497 = tpu.memref_slice %arg4[%mul3A_253, %dma_wait3A_496] : memref<6272x128xi32, #tpu.memory_space<hbm>> -> memref<4x128xi32, #tpu.memory_space<hbm>>
      %dma_wait3A_498 = arith.constant 0 : i32
      %dma_wait3A_499 = tpu.memref_slice %arg4[%mul3A_253, %dma_wait3A_498] : memref<6272x128xi32, #tpu.memory_space<hbm>> -> memref<4x128xi32, #tpu.memory_space<hbm>>
      tpu.wait_dma2 semaphore(%arg19 : memref<!tpu.dma_semaphore, #tpu.memory_space<semaphore_mem>>) src(%dma_wait3A_499 : memref<4x128xi32, #tpu.memory_space<hbm>>) dst(%arg15 : memref<4x128xi32, #tpu.memory_space<vmem>>)
      %dma_start3A_500 = arith.constant 0 : i32
      %dma_start3A_501 = arith.constant 0 : i32
      %dma_start3A_502 = arith.constant 0 : i32
      %dma_start3A_503 = tpu.memref_slice %arg16[%dma_start3A_501, %dma_start3A_502] : memref<512x16xf32, #tpu.memory_space<vmem>> -> memref<128x16xf32, #tpu.memory_space<vmem>>
      %dma_start3A_504 = arith.constant 0 : i32
      %dma_start3A_505 = tpu.memref_slice %arg14[%dma_start3A_500, %dma_start3A_504] : memref<4x128xi32, #tpu.memory_space<vmem>> -> memref<1x128xi32, #tpu.memory_space<vmem>>
      %dma_start3A_506 = tpu.memref_squeeze %dma_start3A_505 : memref<1x128xi32, #tpu.memory_space<vmem>> -> memref<128xi32, #tpu.memory_space<vmem>>
      %dma_start3A_507 = arith.constant 0 : i32
      %dma_start3A_508 = arith.constant 0 : i32
      %dma_start3A_509 = tpu.memref_slice %arg7[%dma_start3A_507, %dma_start3A_508] : memref<51200x16xf32, #tpu.memory_space<vmem_shared>> -> memref<51200x16xf32, #tpu.memory_space<vmem_shared>>
      tpu.enqueue_indirect_dma source(%dma_start3A_509 : memref<51200x16xf32, #tpu.memory_space<vmem_shared>>) target(%dma_start3A_503 : memref<128x16xf32, #tpu.memory_space<vmem>>) offsets(%dma_start3A_506 : memref<128xi32, #tpu.memory_space<vmem>>) semaphore(%arg18 : memref<!tpu.dma_semaphore, #tpu.memory_space<semaphore_mem>>)
      %dma_start3A_510 = arith.constant 1 : i32
      %dma_start3A_511 = arith.constant 128 : i32
      %dma_start3A_512 = arith.constant 0 : i32
      %dma_start3A_513 = tpu.memref_slice %arg16[%dma_start3A_511, %dma_start3A_512] : memref<512x16xf32, #tpu.memory_space<vmem>> -> memref<128x16xf32, #tpu.memory_space<vmem>>
      %dma_start3A_514 = arith.constant 0 : i32
      %dma_start3A_515 = tpu.memref_slice %arg14[%dma_start3A_510, %dma_start3A_514] : memref<4x128xi32, #tpu.memory_space<vmem>> -> memref<1x128xi32, #tpu.memory_space<vmem>>
      %dma_start3A_516 = tpu.memref_squeeze %dma_start3A_515 : memref<1x128xi32, #tpu.memory_space<vmem>> -> memref<128xi32, #tpu.memory_space<vmem>>
      %dma_start3A_517 = arith.constant 0 : i32
      %dma_start3A_518 = arith.constant 0 : i32
      %dma_start3A_519 = tpu.memref_slice %arg7[%dma_start3A_517, %dma_start3A_518] : memref<51200x16xf32, #tpu.memory_space<vmem_shared>> -> memref<51200x16xf32, #tpu.memory_space<vmem_shared>>
      tpu.enqueue_indirect_dma source(%dma_start3A_519 : memref<51200x16xf32, #tpu.memory_space<vmem_shared>>) target(%dma_start3A_513 : memref<128x16xf32, #tpu.memory_space<vmem>>) offsets(%dma_start3A_516 : memref<128xi32, #tpu.memory_space<vmem>>) semaphore(%arg18 : memref<!tpu.dma_semaphore, #tpu.memory_space<semaphore_mem>>)
      %dma_start3A_520 = arith.constant 2 : i32
      %dma_start3A_521 = arith.constant 256 : i32
      %dma_start3A_522 = arith.constant 0 : i32
      %dma_start3A_523 = tpu.memref_slice %arg16[%dma_start3A_521, %dma_start3A_522] : memref<512x16xf32, #tpu.memory_space<vmem>> -> memref<128x16xf32, #tpu.memory_space<vmem>>
      %dma_start3A_524 = arith.constant 0 : i32
      %dma_start3A_525 = tpu.memref_slice %arg14[%dma_start3A_520, %dma_start3A_524] : memref<4x128xi32, #tpu.memory_space<vmem>> -> memref<1x128xi32, #tpu.memory_space<vmem>>
      %dma_start3A_526 = tpu.memref_squeeze %dma_start3A_525 : memref<1x128xi32, #tpu.memory_space<vmem>> -> memref<128xi32, #tpu.memory_space<vmem>>
      %dma_start3A_527 = arith.constant 0 : i32
      %dma_start3A_528 = arith.constant 0 : i32
      %dma_start3A_529 = tpu.memref_slice %arg7[%dma_start3A_527, %dma_start3A_528] : memref<51200x16xf32, #tpu.memory_space<vmem_shared>> -> memref<51200x16xf32, #tpu.memory_space<vmem_shared>>
      tpu.enqueue_indirect_dma source(%dma_start3A_529 : memref<51200x16xf32, #tpu.memory_space<vmem_shared>>) target(%dma_start3A_523 : memref<128x16xf32, #tpu.memory_space<vmem>>) offsets(%dma_start3A_526 : memref<128xi32, #tpu.memory_space<vmem>>) semaphore(%arg18 : memref<!tpu.dma_semaphore, #tpu.memory_space<semaphore_mem>>)
      %dma_start3A_530 = arith.constant 3 : i32
      %dma_start3A_531 = arith.constant 384 : i32
      %dma_start3A_532 = arith.constant 0 : i32
      %dma_start3A_533 = tpu.memref_slice %arg16[%dma_start3A_531, %dma_start3A_532] : memref<512x16xf32, #tpu.memory_space<vmem>> -> memref<128x16xf32, #tpu.memory_space<vmem>>
      %dma_start3A_534 = arith.constant 0 : i32
      %dma_start3A_535 = tpu.memref_slice %arg14[%dma_start3A_530, %dma_start3A_534] : memref<4x128xi32, #tpu.memory_space<vmem>> -> memref<1x128xi32, #tpu.memory_space<vmem>>
      %dma_start3A_536 = tpu.memref_squeeze %dma_start3A_535 : memref<1x128xi32, #tpu.memory_space<vmem>> -> memref<128xi32, #tpu.memory_space<vmem>>
      %dma_start3A_537 = arith.constant 0 : i32
      %dma_start3A_538 = arith.constant 0 : i32
      %dma_start3A_539 = tpu.memref_slice %arg7[%dma_start3A_537, %dma_start3A_538] : memref<51200x16xf32, #tpu.memory_space<vmem_shared>> -> memref<51200x16xf32, #tpu.memory_space<vmem_shared>>
      tpu.enqueue_indirect_dma source(%dma_start3A_539 : memref<51200x16xf32, #tpu.memory_space<vmem_shared>>) target(%dma_start3A_533 : memref<128x16xf32, #tpu.memory_space<vmem>>) offsets(%dma_start3A_536 : memref<128xi32, #tpu.memory_space<vmem>>) semaphore(%arg18 : memref<!tpu.dma_semaphore, #tpu.memory_space<semaphore_mem>>)
      %dma_wait3A_540 = arith.constant 0 : i32
      %dma_wait3A_541 = arith.constant 0 : i32
      %dma_wait3A_542 = arith.constant 0 : i32
      %dma_wait3A_543 = tpu.memref_slice %arg16[%dma_wait3A_541, %dma_wait3A_542] : memref<512x16xf32, #tpu.memory_space<vmem>> -> memref<128x16xf32, #tpu.memory_space<vmem>>
      %dma_wait3A_544 = arith.constant 0 : i32
      %dma_wait3A_545 = tpu.memref_slice %arg14[%dma_wait3A_540, %dma_wait3A_544] : memref<4x128xi32, #tpu.memory_space<vmem>> -> memref<1x128xi32, #tpu.memory_space<vmem>>
      %dma_wait3A_546 = tpu.memref_squeeze %dma_wait3A_545 : memref<1x128xi32, #tpu.memory_space<vmem>> -> memref<128xi32, #tpu.memory_space<vmem>>
      %dma_wait3A_547 = arith.constant 0 : i32
      %dma_wait3A_548 = arith.constant 0 : i32
      %dma_wait3A_549 = tpu.memref_slice %arg7[%dma_wait3A_547, %dma_wait3A_548] : memref<51200x16xf32, #tpu.memory_space<vmem_shared>> -> memref<51200x16xf32, #tpu.memory_space<vmem_shared>>
      tpu.wait_indirect_dma semaphore(%arg18 : memref<!tpu.dma_semaphore, #tpu.memory_space<semaphore_mem>>) src(%dma_wait3A_549 : memref<51200x16xf32, #tpu.memory_space<vmem_shared>>) dst(%dma_wait3A_543 : memref<128x16xf32, #tpu.memory_space<vmem>>)
      %dma_wait3A_550 = arith.constant 1 : i32
      %dma_wait3A_551 = arith.constant 128 : i32
      %dma_wait3A_552 = arith.constant 0 : i32
      %dma_wait3A_553 = tpu.memref_slice %arg16[%dma_wait3A_551, %dma_wait3A_552] : memref<512x16xf32, #tpu.memory_space<vmem>> -> memref<128x16xf32, #tpu.memory_space<vmem>>
      %dma_wait3A_554 = arith.constant 0 : i32
      %dma_wait3A_555 = tpu.memref_slice %arg14[%dma_wait3A_550, %dma_wait3A_554] : memref<4x128xi32, #tpu.memory_space<vmem>> -> memref<1x128xi32, #tpu.memory_space<vmem>>
      %dma_wait3A_556 = tpu.memref_squeeze %dma_wait3A_555 : memref<1x128xi32, #tpu.memory_space<vmem>> -> memref<128xi32, #tpu.memory_space<vmem>>
      %dma_wait3A_557 = arith.constant 0 : i32
      %dma_wait3A_558 = arith.constant 0 : i32
      %dma_wait3A_559 = tpu.memref_slice %arg7[%dma_wait3A_557, %dma_wait3A_558] : memref<51200x16xf32, #tpu.memory_space<vmem_shared>> -> memref<51200x16xf32, #tpu.memory_space<vmem_shared>>
      tpu.wait_indirect_dma semaphore(%arg18 : memref<!tpu.dma_semaphore, #tpu.memory_space<semaphore_mem>>) src(%dma_wait3A_559 : memref<51200x16xf32, #tpu.memory_space<vmem_shared>>) dst(%dma_wait3A_553 : memref<128x16xf32, #tpu.memory_space<vmem>>)
      %dma_wait3A_560 = arith.constant 2 : i32
      %dma_wait3A_561 = arith.constant 256 : i32
      %dma_wait3A_562 = arith.constant 0 : i32
      %dma_wait3A_563 = tpu.memref_slice %arg16[%dma_wait3A_561, %dma_wait3A_562] : memref<512x16xf32, #tpu.memory_space<vmem>> -> memref<128x16xf32, #tpu.memory_space<vmem>>
      %dma_wait3A_564 = arith.constant 0 : i32
      %dma_wait3A_565 = tpu.memref_slice %arg14[%dma_wait3A_560, %dma_wait3A_564] : memref<4x128xi32, #tpu.memory_space<vmem>> -> memref<1x128xi32, #tpu.memory_space<vmem>>
      %dma_wait3A_566 = tpu.memref_squeeze %dma_wait3A_565 : memref<1x128xi32, #tpu.memory_space<vmem>> -> memref<128xi32, #tpu.memory_space<vmem>>
      %dma_wait3A_567 = arith.constant 0 : i32
      %dma_wait3A_568 = arith.constant 0 : i32
      %dma_wait3A_569 = tpu.memref_slice %arg7[%dma_wait3A_567, %dma_wait3A_568] : memref<51200x16xf32, #tpu.memory_space<vmem_shared>> -> memref<51200x16xf32, #tpu.memory_space<vmem_shared>>
      tpu.wait_indirect_dma semaphore(%arg18 : memref<!tpu.dma_semaphore, #tpu.memory_space<semaphore_mem>>) src(%dma_wait3A_569 : memref<51200x16xf32, #tpu.memory_space<vmem_shared>>) dst(%dma_wait3A_563 : memref<128x16xf32, #tpu.memory_space<vmem>>)
      %dma_wait3A_570 = arith.constant 3 : i32
      %dma_wait3A_571 = arith.constant 384 : i32
      %dma_wait3A_572 = arith.constant 0 : i32
      %dma_wait3A_573 = tpu.memref_slice %arg16[%dma_wait3A_571, %dma_wait3A_572] : memref<512x16xf32, #tpu.memory_space<vmem>> -> memref<128x16xf32, #tpu.memory_space<vmem>>
      %dma_wait3A_574 = arith.constant 0 : i32
      %dma_wait3A_575 = tpu.memref_slice %arg14[%dma_wait3A_570, %dma_wait3A_574] : memref<4x128xi32, #tpu.memory_space<vmem>> -> memref<1x128xi32, #tpu.memory_space<vmem>>
      %dma_wait3A_576 = tpu.memref_squeeze %dma_wait3A_575 : memref<1x128xi32, #tpu.memory_space<vmem>> -> memref<128xi32, #tpu.memory_space<vmem>>
      %dma_wait3A_577 = arith.constant 0 : i32
      %dma_wait3A_578 = arith.constant 0 : i32
      %dma_wait3A_579 = tpu.memref_slice %arg7[%dma_wait3A_577, %dma_wait3A_578] : memref<51200x16xf32, #tpu.memory_space<vmem_shared>> -> memref<51200x16xf32, #tpu.memory_space<vmem_shared>>
      tpu.wait_indirect_dma semaphore(%arg18 : memref<!tpu.dma_semaphore, #tpu.memory_space<semaphore_mem>>) src(%dma_wait3A_579 : memref<51200x16xf32, #tpu.memory_space<vmem_shared>>) dst(%dma_wait3A_573 : memref<128x16xf32, #tpu.memory_space<vmem>>)
      %dma_start3A_580 = arith.constant 0 : i32
      %dma_start3A_581 = arith.constant 0 : i32
      %dma_start3A_582 = arith.constant 0 : i32
      %dma_start3A_583 = tpu.memref_slice %arg16[%dma_start3A_581, %dma_start3A_582] : memref<512x16xf32, #tpu.memory_space<vmem>> -> memref<128x16xf32, #tpu.memory_space<vmem>>
      %dma_start3A_584 = arith.constant 0 : i32
      %dma_start3A_585 = tpu.memref_slice %arg15[%dma_start3A_580, %dma_start3A_584] : memref<4x128xi32, #tpu.memory_space<vmem>> -> memref<1x128xi32, #tpu.memory_space<vmem>>
      %dma_start3A_586 = tpu.memref_squeeze %dma_start3A_585 : memref<1x128xi32, #tpu.memory_space<vmem>> -> memref<128xi32, #tpu.memory_space<vmem>>
      %dma_start3A_587 = arith.constant 0 : i32
      %dma_start3A_588 = arith.constant 0 : i32
      %dma_start3A_589 = tpu.memref_slice %arg8[%dma_start3A_587, %dma_start3A_588] : memref<51200x16xf32, #tpu.memory_space<vmem_shared>> -> memref<51200x16xf32, #tpu.memory_space<vmem_shared>>
      tpu.enqueue_indirect_dma source(%dma_start3A_583 : memref<128x16xf32, #tpu.memory_space<vmem>>) target(%dma_start3A_589 : memref<51200x16xf32, #tpu.memory_space<vmem_shared>>) offsets(%dma_start3A_586 : memref<128xi32, #tpu.memory_space<vmem>>) semaphore(%arg18 : memref<!tpu.dma_semaphore, #tpu.memory_space<semaphore_mem>>) {add = true}
      %dma_start3A_590 = arith.constant 1 : i32
      %dma_start3A_591 = arith.constant 128 : i32
      %dma_start3A_592 = arith.constant 0 : i32
      %dma_start3A_593 = tpu.memref_slice %arg16[%dma_start3A_591, %dma_start3A_592] : memref<512x16xf32, #tpu.memory_space<vmem>> -> memref<128x16xf32, #tpu.memory_space<vmem>>
      %dma_start3A_594 = arith.constant 0 : i32
      %dma_start3A_595 = tpu.memref_slice %arg15[%dma_start3A_590, %dma_start3A_594] : memref<4x128xi32, #tpu.memory_space<vmem>> -> memref<1x128xi32, #tpu.memory_space<vmem>>
      %dma_start3A_596 = tpu.memref_squeeze %dma_start3A_595 : memref<1x128xi32, #tpu.memory_space<vmem>> -> memref<128xi32, #tpu.memory_space<vmem>>
      %dma_start3A_597 = arith.constant 0 : i32
      %dma_start3A_598 = arith.constant 0 : i32
      %dma_start3A_599 = tpu.memref_slice %arg8[%dma_start3A_597, %dma_start3A_598] : memref<51200x16xf32, #tpu.memory_space<vmem_shared>> -> memref<51200x16xf32, #tpu.memory_space<vmem_shared>>
      tpu.enqueue_indirect_dma source(%dma_start3A_593 : memref<128x16xf32, #tpu.memory_space<vmem>>) target(%dma_start3A_599 : memref<51200x16xf32, #tpu.memory_space<vmem_shared>>) offsets(%dma_start3A_596 : memref<128xi32, #tpu.memory_space<vmem>>) semaphore(%arg18 : memref<!tpu.dma_semaphore, #tpu.memory_space<semaphore_mem>>) {add = true}
      %dma_start3A_600 = arith.constant 2 : i32
      %dma_start3A_601 = arith.constant 256 : i32
      %dma_start3A_602 = arith.constant 0 : i32
      %dma_start3A_603 = tpu.memref_slice %arg16[%dma_start3A_601, %dma_start3A_602] : memref<512x16xf32, #tpu.memory_space<vmem>> -> memref<128x16xf32, #tpu.memory_space<vmem>>
      %dma_start3A_604 = arith.constant 0 : i32
      %dma_start3A_605 = tpu.memref_slice %arg15[%dma_start3A_600, %dma_start3A_604] : memref<4x128xi32, #tpu.memory_space<vmem>> -> memref<1x128xi32, #tpu.memory_space<vmem>>
      %dma_start3A_606 = tpu.memref_squeeze %dma_start3A_605 : memref<1x128xi32, #tpu.memory_space<vmem>> -> memref<128xi32, #tpu.memory_space<vmem>>
      %dma_start3A_607 = arith.constant 0 : i32
      %dma_start3A_608 = arith.constant 0 : i32
      %dma_start3A_609 = tpu.memref_slice %arg8[%dma_start3A_607, %dma_start3A_608] : memref<51200x16xf32, #tpu.memory_space<vmem_shared>> -> memref<51200x16xf32, #tpu.memory_space<vmem_shared>>
      tpu.enqueue_indirect_dma source(%dma_start3A_603 : memref<128x16xf32, #tpu.memory_space<vmem>>) target(%dma_start3A_609 : memref<51200x16xf32, #tpu.memory_space<vmem_shared>>) offsets(%dma_start3A_606 : memref<128xi32, #tpu.memory_space<vmem>>) semaphore(%arg18 : memref<!tpu.dma_semaphore, #tpu.memory_space<semaphore_mem>>) {add = true}
      %dma_start3A_610 = arith.constant 3 : i32
      %dma_start3A_611 = arith.constant 384 : i32
      %dma_start3A_612 = arith.constant 0 : i32
      %dma_start3A_613 = tpu.memref_slice %arg16[%dma_start3A_611, %dma_start3A_612] : memref<512x16xf32, #tpu.memory_space<vmem>> -> memref<128x16xf32, #tpu.memory_space<vmem>>
      %dma_start3A_614 = arith.constant 0 : i32
      %dma_start3A_615 = tpu.memref_slice %arg15[%dma_start3A_610, %dma_start3A_614] : memref<4x128xi32, #tpu.memory_space<vmem>> -> memref<1x128xi32, #tpu.memory_space<vmem>>
      %dma_start3A_616 = tpu.memref_squeeze %dma_start3A_615 : memref<1x128xi32, #tpu.memory_space<vmem>> -> memref<128xi32, #tpu.memory_space<vmem>>
      %dma_start3A_617 = arith.constant 0 : i32
      %dma_start3A_618 = arith.constant 0 : i32
      %dma_start3A_619 = tpu.memref_slice %arg8[%dma_start3A_617, %dma_start3A_618] : memref<51200x16xf32, #tpu.memory_space<vmem_shared>> -> memref<51200x16xf32, #tpu.memory_space<vmem_shared>>
      tpu.enqueue_indirect_dma source(%dma_start3A_613 : memref<128x16xf32, #tpu.memory_space<vmem>>) target(%dma_start3A_619 : memref<51200x16xf32, #tpu.memory_space<vmem_shared>>) offsets(%dma_start3A_616 : memref<128xi32, #tpu.memory_space<vmem>>) semaphore(%arg18 : memref<!tpu.dma_semaphore, #tpu.memory_space<semaphore_mem>>) {add = true}
      %dma_wait3A_620 = arith.constant 0 : i32
      %dma_wait3A_621 = arith.constant 0 : i32
      %dma_wait3A_622 = arith.constant 0 : i32
      %dma_wait3A_623 = tpu.memref_slice %arg16[%dma_wait3A_621, %dma_wait3A_622] : memref<512x16xf32, #tpu.memory_space<vmem>> -> memref<128x16xf32, #tpu.memory_space<vmem>>
      %dma_wait3A_624 = arith.constant 0 : i32
      %dma_wait3A_625 = tpu.memref_slice %arg15[%dma_wait3A_620, %dma_wait3A_624] : memref<4x128xi32, #tpu.memory_space<vmem>> -> memref<1x128xi32, #tpu.memory_space<vmem>>
      %dma_wait3A_626 = tpu.memref_squeeze %dma_wait3A_625 : memref<1x128xi32, #tpu.memory_space<vmem>> -> memref<128xi32, #tpu.memory_space<vmem>>
      %dma_wait3A_627 = arith.constant 0 : i32
      %dma_wait3A_628 = arith.constant 0 : i32
      %dma_wait3A_629 = tpu.memref_slice %arg8[%dma_wait3A_627, %dma_wait3A_628] : memref<51200x16xf32, #tpu.memory_space<vmem_shared>> -> memref<51200x16xf32, #tpu.memory_space<vmem_shared>>
      tpu.wait_indirect_dma semaphore(%arg18 : memref<!tpu.dma_semaphore, #tpu.memory_space<semaphore_mem>>) src(%dma_wait3A_623 : memref<128x16xf32, #tpu.memory_space<vmem>>) dst(%dma_wait3A_629 : memref<51200x16xf32, #tpu.memory_space<vmem_shared>>)
      %dma_wait3A_630 = arith.constant 1 : i32
      %dma_wait3A_631 = arith.constant 128 : i32
      %dma_wait3A_632 = arith.constant 0 : i32
      %dma_wait3A_633 = tpu.memref_slice %arg16[%dma_wait3A_631, %dma_wait3A_632] : memref<512x16xf32, #tpu.memory_space<vmem>> -> memref<128x16xf32, #tpu.memory_space<vmem>>
      %dma_wait3A_634 = arith.constant 0 : i32
      %dma_wait3A_635 = tpu.memref_slice %arg15[%dma_wait3A_630, %dma_wait3A_634] : memref<4x128xi32, #tpu.memory_space<vmem>> -> memref<1x128xi32, #tpu.memory_space<vmem>>
      %dma_wait3A_636 = tpu.memref_squeeze %dma_wait3A_635 : memref<1x128xi32, #tpu.memory_space<vmem>> -> memref<128xi32, #tpu.memory_space<vmem>>
      %dma_wait3A_637 = arith.constant 0 : i32
      %dma_wait3A_638 = arith.constant 0 : i32
      %dma_wait3A_639 = tpu.memref_slice %arg8[%dma_wait3A_637, %dma_wait3A_638] : memref<51200x16xf32, #tpu.memory_space<vmem_shared>> -> memref<51200x16xf32, #tpu.memory_space<vmem_shared>>
      tpu.wait_indirect_dma semaphore(%arg18 : memref<!tpu.dma_semaphore, #tpu.memory_space<semaphore_mem>>) src(%dma_wait3A_633 : memref<128x16xf32, #tpu.memory_space<vmem>>) dst(%dma_wait3A_639 : memref<51200x16xf32, #tpu.memory_space<vmem_shared>>)
      %dma_wait3A_640 = arith.constant 2 : i32
      %dma_wait3A_641 = arith.constant 256 : i32
      %dma_wait3A_642 = arith.constant 0 : i32
      %dma_wait3A_643 = tpu.memref_slice %arg16[%dma_wait3A_641, %dma_wait3A_642] : memref<512x16xf32, #tpu.memory_space<vmem>> -> memref<128x16xf32, #tpu.memory_space<vmem>>
      %dma_wait3A_644 = arith.constant 0 : i32
      %dma_wait3A_645 = tpu.memref_slice %arg15[%dma_wait3A_640, %dma_wait3A_644] : memref<4x128xi32, #tpu.memory_space<vmem>> -> memref<1x128xi32, #tpu.memory_space<vmem>>
      %dma_wait3A_646 = tpu.memref_squeeze %dma_wait3A_645 : memref<1x128xi32, #tpu.memory_space<vmem>> -> memref<128xi32, #tpu.memory_space<vmem>>
      %dma_wait3A_647 = arith.constant 0 : i32
      %dma_wait3A_648 = arith.constant 0 : i32
      %dma_wait3A_649 = tpu.memref_slice %arg8[%dma_wait3A_647, %dma_wait3A_648] : memref<51200x16xf32, #tpu.memory_space<vmem_shared>> -> memref<51200x16xf32, #tpu.memory_space<vmem_shared>>
      tpu.wait_indirect_dma semaphore(%arg18 : memref<!tpu.dma_semaphore, #tpu.memory_space<semaphore_mem>>) src(%dma_wait3A_643 : memref<128x16xf32, #tpu.memory_space<vmem>>) dst(%dma_wait3A_649 : memref<51200x16xf32, #tpu.memory_space<vmem_shared>>)
      %dma_wait3A_650 = arith.constant 3 : i32
      %dma_wait3A_651 = arith.constant 384 : i32
      %dma_wait3A_652 = arith.constant 0 : i32
      %dma_wait3A_653 = tpu.memref_slice %arg16[%dma_wait3A_651, %dma_wait3A_652] : memref<512x16xf32, #tpu.memory_space<vmem>> -> memref<128x16xf32, #tpu.memory_space<vmem>>
      %dma_wait3A_654 = arith.constant 0 : i32
      %dma_wait3A_655 = tpu.memref_slice %arg15[%dma_wait3A_650, %dma_wait3A_654] : memref<4x128xi32, #tpu.memory_space<vmem>> -> memref<1x128xi32, #tpu.memory_space<vmem>>
      %dma_wait3A_656 = tpu.memref_squeeze %dma_wait3A_655 : memref<1x128xi32, #tpu.memory_space<vmem>> -> memref<128xi32, #tpu.memory_space<vmem>>
      %dma_wait3A_657 = arith.constant 0 : i32
      %dma_wait3A_658 = arith.constant 0 : i32
      %dma_wait3A_659 = tpu.memref_slice %arg8[%dma_wait3A_657, %dma_wait3A_658] : memref<51200x16xf32, #tpu.memory_space<vmem_shared>> -> memref<51200x16xf32, #tpu.memory_space<vmem_shared>>
      tpu.wait_indirect_dma semaphore(%arg18 : memref<!tpu.dma_semaphore, #tpu.memory_space<semaphore_mem>>) src(%dma_wait3A_653 : memref<128x16xf32, #tpu.memory_space<vmem>>) dst(%dma_wait3A_659 : memref<51200x16xf32, #tpu.memory_space<vmem_shared>>)
    }
    %scan3A_271 = arith.constant 49 : i32
    %dma_wait3A_272 = arith.constant 0 : i32
    %dma_wait3A_273 = tpu.memref_slice %arg3[%mul3A_253, %dma_wait3A_272] : memref<6272x128xi32, #tpu.memory_space<hbm>> -> memref<4x128xi32, #tpu.memory_space<hbm>>
    %dma_wait3A_274 = arith.constant 0 : i32
    %dma_wait3A_275 = tpu.memref_slice %arg3[%mul3A_253, %dma_wait3A_274] : memref<6272x128xi32, #tpu.memory_space<hbm>> -> memref<4x128xi32, #tpu.memory_space<hbm>>
    tpu.wait_dma2 semaphore(%arg19 : memref<!tpu.dma_semaphore, #tpu.memory_space<semaphore_mem>>) src(%dma_wait3A_275 : memref<4x128xi32, #tpu.memory_space<hbm>>) dst(%arg12 : memref<4x128xi32, #tpu.memory_space<vmem>>)
    %dma_wait3A_276 = arith.constant 0 : i32
    %dma_wait3A_277 = tpu.memref_slice %arg4[%mul3A_253, %dma_wait3A_276] : memref<6272x128xi32, #tpu.memory_space<hbm>> -> memref<4x128xi32, #tpu.memory_space<hbm>>
    %dma_wait3A_278 = arith.constant 0 : i32
    %dma_wait3A_279 = tpu.memref_slice %arg4[%mul3A_253, %dma_wait3A_278] : memref<6272x128xi32, #tpu.memory_space<hbm>> -> memref<4x128xi32, #tpu.memory_space<hbm>>
    tpu.wait_dma2 semaphore(%arg19 : memref<!tpu.dma_semaphore, #tpu.memory_space<semaphore_mem>>) src(%dma_wait3A_279 : memref<4x128xi32, #tpu.memory_space<hbm>>) dst(%arg13 : memref<4x128xi32, #tpu.memory_space<vmem>>)
    %barrier3A_280 = arith.constant 0 : index
    tpu.barrier barrier_id(%barrier3A_280)
    %mul3A_281 = arith.constant 3200 : i32
    %mul3A_282 = arith.muli %arg1, %mul3A_281 : i32
    %mul3A_283 = arith.constant 3200 : i32
    %mul3A_284 = arith.muli %arg1, %mul3A_283 : i32
    %mul3A_285 = arith.constant 16 : i32
    %mul3A_286 = arith.muli %mul3A_285, %add3A_212 : i32
    "tpu.region"() ({
      %run_scoped3A = tpu.sem_alloc : memref<!tpu.dma_semaphore, #tpu.memory_space<semaphore_mem>>
      %dma_start3A_288 = tpu.memref_slice %arg5[%mul3A_284, %mul3A_286] : memref<51200x64xf32, #tpu.memory_space<hbm>> -> memref<3200x16xf32, #tpu.memory_space<hbm>>
      %dma_start3A_289 = arith.constant 0 : i32
      %dma_start3A_290 = tpu.memref_slice %arg8[%mul3A_282, %dma_start3A_289] : memref<51200x16xf32, #tpu.memory_space<vmem_shared>> -> memref<3200x16xf32, #tpu.memory_space<vmem_shared>>
      tpu.enqueue_dma source(%dma_start3A_290 : memref<3200x16xf32, #tpu.memory_space<vmem_shared>>) target(%dma_start3A_288 : memref<3200x16xf32, #tpu.memory_space<hbm>>) target_semaphore(%run_scoped3A : memref<!tpu.dma_semaphore, #tpu.memory_space<semaphore_mem>>)
      %dma_wait3A_291 = tpu.memref_slice %arg5[%mul3A_284, %mul3A_286] : memref<51200x64xf32, #tpu.memory_space<hbm>> -> memref<3200x16xf32, #tpu.memory_space<hbm>>
      %dma_wait3A_292 = arith.constant 0 : i32
      %dma_wait3A_293 = tpu.memref_slice %arg8[%mul3A_282, %dma_wait3A_292] : memref<51200x16xf32, #tpu.memory_space<vmem_shared>> -> memref<3200x16xf32, #tpu.memory_space<vmem_shared>>
      tpu.wait_dma2 semaphore(%run_scoped3A : memref<!tpu.dma_semaphore, #tpu.memory_space<semaphore_mem>>) src(%dma_wait3A_293 : memref<3200x16xf32, #tpu.memory_space<vmem_shared>>) dst(%dma_wait3A_291 : memref<3200x16xf32, #tpu.memory_space<hbm>>)
      tpu.yield
    }) : () -> ()
    %barrier3A_287 = arith.constant 0 : index
    tpu.barrier barrier_id(%barrier3A_287)
    return
  }
}

module attributes {stable_mosaic.version = 14 : i64} {
  func.func @_mm1_body(%arg0: i32, %arg1: memref<2048x64xf32, #tpu.memory_space<vmem>>, %arg2: memref<64x64xf32, #tpu.memory_space<vmem>>, %arg3: memref<64x64xf32, #tpu.memory_space<vmem>>, %arg4: memref<2048x64xf32, #tpu.memory_space<vmem>>, %arg5: memref<2048x64xf32, #tpu.memory_space<vmem>>) attributes {dimension_semantics = [#tpu.dimension_semantics<arbitrary>], iteration_bounds = array<i64: 25>, scalar_prefetch = 0 : i64, scratch_operands = 0 : i64, tpu.core_type = #tpu.core_type<tc>, window_params = [{transform_indices = @transform_0, window_bounds = array<i64: 2048, 64>}, {pipeline_mode = #tpu.pipeline_mode<synchronous>, transform_indices = @transform_1, window_bounds = array<i64: 64, 64>}, {pipeline_mode = #tpu.pipeline_mode<synchronous>, transform_indices = @transform_2, window_bounds = array<i64: 64, 64>}, {transform_indices = @transform_3, window_bounds = array<i64: 2048, 64>}, {transform_indices = @transform_4, window_bounds = array<i64: 2048, 64>}]} {
    %get3A = arith.constant 0 : index
    %get3A_0 = arith.constant 0 : index
    %get3A_1 = vector.load %arg1[%get3A, %get3A_0] : memref<2048x64xf32, #tpu.memory_space<vmem>>, vector<2048x64xf32>
    %get3A_2 = arith.constant 0 : index
    %get3A_3 = arith.constant 0 : index
    %get3A_4 = vector.load %arg2[%get3A_2, %get3A_3] : memref<64x64xf32, #tpu.memory_space<vmem>>, vector<64x64xf32>
    %dot_general3A = arith.constant dense<0.000000e+00> : vector<2048x64xf32>
    %dot_general3A_5 = tpu.matmul %get3A_1, %get3A_4, %dot_general3A {dimension_numbers = #tpu.dot_dimension_numbers<[1], [1], [0], [0], [0, 0, 1, 0], [], []>, transpose_lhs_hint = false} : vector<2048x64xf32>, vector<64x64xf32>, vector<2048x64xf32> -> vector<2048x64xf32>
    %swap3A = arith.constant 0 : index
    %swap3A_6 = arith.constant 0 : index
    %swap3A_7 = vector.load %arg4[%swap3A, %swap3A_6] : memref<2048x64xf32, #tpu.memory_space<vmem>>, vector<2048x64xf32>
    tpu.vector_store %arg4[%swap3A, %swap3A_6], %dot_general3A_5 {strides = array<i32>} : memref<2048x64xf32, #tpu.memory_space<vmem>>, vector<2048x64xf32>,
    %get3A_8 = arith.constant 0 : index
    %get3A_9 = arith.constant 0 : index
    %get3A_10 = vector.load %arg3[%get3A_8, %get3A_9] : memref<64x64xf32, #tpu.memory_space<vmem>>, vector<64x64xf32>
    %dot_general3A_11 = arith.constant dense<0.000000e+00> : vector<2048x64xf32>
    %dot_general3A_12 = tpu.matmul %get3A_1, %get3A_10, %dot_general3A_11 {dimension_numbers = #tpu.dot_dimension_numbers<[1], [1], [0], [0], [0, 0, 1, 0], [], []>, transpose_lhs_hint = false} : vector<2048x64xf32>, vector<64x64xf32>, vector<2048x64xf32> -> vector<2048x64xf32>
    %swap3A_13 = arith.constant 0 : index
    %swap3A_14 = arith.constant 0 : index
    %swap3A_15 = vector.load %arg5[%swap3A_13, %swap3A_14] : memref<2048x64xf32, #tpu.memory_space<vmem>>, vector<2048x64xf32>
    tpu.vector_store %arg5[%swap3A_13, %swap3A_14], %dot_general3A_12 {strides = array<i32>} : memref<2048x64xf32, #tpu.memory_space<vmem>>, vector<2048x64xf32>,
    return
  }
  func.func @transform_0(%arg0: i32) -> (i32, i32) {
    %c0_i32 = arith.constant 0 : i32
    %c0_i32_0 = arith.constant 0 : i32
    return %arg0, %c0_i32 : i32, i32
  }
  func.func @transform_1(%arg0: i32) -> (i32, i32) {
    %c0_i32 = arith.constant 0 : i32
    %c0_i32_0 = arith.constant 0 : i32
    %c0_i32_1 = arith.constant 0 : i32
    return %c0_i32, %c0_i32_0 : i32, i32
  }
  func.func @transform_2(%arg0: i32) -> (i32, i32) {
    %c0_i32 = arith.constant 0 : i32
    %c0_i32_0 = arith.constant 0 : i32
    %c0_i32_1 = arith.constant 0 : i32
    return %c0_i32, %c0_i32_0 : i32, i32
  }
  func.func @transform_3(%arg0: i32) -> (i32, i32) {
    %c0_i32 = arith.constant 0 : i32
    %c0_i32_0 = arith.constant 0 : i32
    return %arg0, %c0_i32 : i32, i32
  }
  func.func @transform_4(%arg0: i32) -> (i32, i32) {
    %c0_i32 = arith.constant 0 : i32
    %c0_i32_0 = arith.constant 0 : i32
    return %arg0, %c0_i32 : i32, i32
  }
}

module attributes {stable_mosaic.version = 14 : i64} {
  func.func @_mid_body(%arg0: i32, %arg1: memref<2048x64xf32, #tpu.memory_space<vmem>>, %arg2: memref<2x2048xf32, #tpu.memory_space<vmem>>, %arg3: memref<2048x64xf32, #tpu.memory_space<vmem>>, %arg4: memref<1x64xf32, #tpu.memory_space<vmem>>, %arg5: memref<16x64xf32, #tpu.memory_space<vmem>>, %arg6: memref<16x64xf32, #tpu.memory_space<vmem>>, %arg7: memref<1x16xf32, #tpu.memory_space<vmem>>, %arg8: memref<2048x16xf32, #tpu.memory_space<vmem>>, %arg9: memref<2048x16xf32, #tpu.memory_space<vmem>>) attributes {dimension_semantics = [#tpu.dimension_semantics<arbitrary>], iteration_bounds = array<i64: 25>, scalar_prefetch = 0 : i64, scratch_operands = 0 : i64, tpu.core_type = #tpu.core_type<tc>, window_params = [{transform_indices = @transform_0, window_bounds = array<i64: 2048, 64>}, {transform_indices = @transform_1, window_bounds = array<i64: 2, 2048>}, {transform_indices = @transform_2, window_bounds = array<i64: 2048, 64>}, {pipeline_mode = #tpu.pipeline_mode<synchronous>, transform_indices = @transform_3, window_bounds = array<i64: 1, 64>}, {pipeline_mode = #tpu.pipeline_mode<synchronous>, transform_indices = @transform_4, window_bounds = array<i64: 16, 64>}, {pipeline_mode = #tpu.pipeline_mode<synchronous>, transform_indices = @transform_5, window_bounds = array<i64: 16, 64>}, {pipeline_mode = #tpu.pipeline_mode<synchronous>, transform_indices = @transform_6, window_bounds = array<i64: 1, 16>}, {transform_indices = @transform_7, window_bounds = array<i64: 2048, 16>}, {transform_indices = @transform_8, window_bounds = array<i64: 2048, 16>}]} {
    %get3A = arith.constant 0 : index
    %get3A_0 = arith.constant 0 : index
    %get3A_1 = vector.load %arg2[%get3A, %get3A_0] : memref<2x2048xf32, #tpu.memory_space<vmem>>, vector<1x2048xf32>
    %get3A_2 = vector.shape_cast %get3A_1 : vector<1x2048xf32> to vector<2048xf32>
    %get3A_3 = arith.constant 1 : index
    %get3A_4 = arith.constant 0 : index
    %get3A_5 = vector.load %arg2[%get3A_3, %get3A_4] : memref<2x2048xf32, #tpu.memory_space<vmem>>, vector<1x2048xf32>
    %get3A_6 = vector.shape_cast %get3A_5 : vector<1x2048xf32> to vector<2048xf32>
    %add3A = arith.addf %get3A_2, %get3A_6 : vector<2048xf32>
    %max3A = arith.constant 1.000000e+00 : f32
    %max3A_7 = vector.broadcast %max3A : f32 to vector<2048xf32>
    %max3A_8 = arith.maximumf %add3A, %max3A_7 : vector<2048xf32>
    %div3A = arith.constant 1.000000e+00 : f32
    %div3A_9 = vector.broadcast %div3A : f32 to vector<2048xf32>
    %div3A_10 = arith.divf %div3A_9, %max3A_8 : vector<2048xf32>
    %get3A_11 = arith.constant 0 : index
    %get3A_12 = arith.constant 0 : index
    %get3A_13 = vector.load %arg1[%get3A_11, %get3A_12] : memref<2048x64xf32, #tpu.memory_space<vmem>>, vector<2048x64xf32>
    %broadcast_in_dim3A = vector.shape_cast %div3A_10 : vector<2048xf32> to vector<2048x1xf32>
    %mul3A = vector.broadcast %broadcast_in_dim3A : vector<2048x1xf32> to vector<2048x64xf32>
    %mul3A_14 = arith.mulf %get3A_13, %mul3A : vector<2048x64xf32>
    %get3A_15 = arith.constant 0 : index
    %get3A_16 = arith.constant 0 : index
    %get3A_17 = vector.load %arg4[%get3A_15, %get3A_16] : memref<1x64xf32, #tpu.memory_space<vmem>>, vector<1x64xf32>
    %get3A_18 = vector.shape_cast %get3A_17 : vector<1x64xf32> to vector<64xf32>
    %broadcast_in_dim3A_19 = vector.shape_cast %get3A_18 : vector<64xf32> to vector<1x64xf32>
    %add3A_20 = vector.broadcast %broadcast_in_dim3A_19 : vector<1x64xf32> to vector<2048x64xf32>
    %add3A_21 = arith.addf %mul3A_14, %add3A_20 : vector<2048x64xf32>
    %get3A_22 = arith.constant 0 : index
    %get3A_23 = arith.constant 0 : index
    %get3A_24 = vector.load %arg3[%get3A_22, %get3A_23] : memref<2048x64xf32, #tpu.memory_space<vmem>>, vector<2048x64xf32>
    %add3A_25 = arith.addf %add3A_21, %get3A_24 : vector<2048x64xf32>
    %max3A_26 = arith.constant 0.000000e+00 : f32
    %max3A_27 = vector.broadcast %max3A_26 : f32 to vector<2048x64xf32>
    %max3A_28 = arith.maximumf %add3A_25, %max3A_27 : vector<2048x64xf32>
    %get3A_29 = arith.constant 0 : index
    %get3A_30 = arith.constant 0 : index
    %get3A_31 = vector.load %arg5[%get3A_29, %get3A_30] : memref<16x64xf32, #tpu.memory_space<vmem>>, vector<16x64xf32>
    %dot_general3A = arith.constant dense<0.000000e+00> : vector<2048x16xf32>
    %dot_general3A_32 = tpu.matmul %max3A_28, %get3A_31, %dot_general3A {dimension_numbers = #tpu.dot_dimension_numbers<[1], [1], [0], [0], [0, 0, 1, 0], [], []>, transpose_lhs_hint = false} : vector<2048x64xf32>, vector<16x64xf32>, vector<2048x16xf32> -> vector<2048x16xf32>
    %swap3A = arith.constant 0 : index
    %swap3A_33 = arith.constant 0 : index
    %swap3A_34 = vector.load %arg8[%swap3A, %swap3A_33] : memref<2048x16xf32, #tpu.memory_space<vmem>>, vector<2048x16xf32>
    tpu.vector_store %arg8[%swap3A, %swap3A_33], %dot_general3A_32 {strides = array<i32>} : memref<2048x16xf32, #tpu.memory_space<vmem>>, vector<2048x16xf32>,
    %get3A_35 = arith.constant 0 : index
    %get3A_36 = arith.constant 0 : index
    %get3A_37 = vector.load %arg6[%get3A_35, %get3A_36] : memref<16x64xf32, #tpu.memory_space<vmem>>, vector<16x64xf32>
    %dot_general3A_38 = arith.constant dense<0.000000e+00> : vector<2048x16xf32>
    %dot_general3A_39 = tpu.matmul %max3A_28, %get3A_37, %dot_general3A_38 {dimension_numbers = #tpu.dot_dimension_numbers<[1], [1], [0], [0], [0, 0, 1, 0], [], []>, transpose_lhs_hint = false} : vector<2048x64xf32>, vector<16x64xf32>, vector<2048x16xf32> -> vector<2048x16xf32>
    %get3A_40 = arith.constant 0 : index
    %get3A_41 = arith.constant 0 : index
    %get3A_42 = vector.load %arg7[%get3A_40, %get3A_41] : memref<1x16xf32, #tpu.memory_space<vmem>>, vector<1x16xf32>
    %get3A_43 = vector.shape_cast %get3A_42 : vector<1x16xf32> to vector<16xf32>
    %broadcast_in_dim3A_44 = vector.shape_cast %get3A_43 : vector<16xf32> to vector<1x16xf32>
    %add3A_45 = vector.broadcast %broadcast_in_dim3A_44 : vector<1x16xf32> to vector<2048x16xf32>
    %add3A_46 = arith.addf %dot_general3A_39, %add3A_45 : vector<2048x16xf32>
    %swap3A_47 = arith.constant 0 : index
    %swap3A_48 = arith.constant 0 : index
    %swap3A_49 = vector.load %arg9[%swap3A_47, %swap3A_48] : memref<2048x16xf32, #tpu.memory_space<vmem>>, vector<2048x16xf32>
    tpu.vector_store %arg9[%swap3A_47, %swap3A_48], %add3A_46 {strides = array<i32>} : memref<2048x16xf32, #tpu.memory_space<vmem>>, vector<2048x16xf32>,
    return
  }
  func.func @transform_0(%arg0: i32) -> (i32, i32) {
    %c0_i32 = arith.constant 0 : i32
    %c0_i32_0 = arith.constant 0 : i32
    return %arg0, %c0_i32 : i32, i32
  }
  func.func @transform_1(%arg0: i32) -> (i32, i32) {
    %c0_i32 = arith.constant 0 : i32
    %c0_i32_0 = arith.constant 0 : i32
    return %c0_i32, %arg0 : i32, i32
  }
  func.func @transform_2(%arg0: i32) -> (i32, i32) {
    %c0_i32 = arith.constant 0 : i32
    %c0_i32_0 = arith.constant 0 : i32
    return %arg0, %c0_i32 : i32, i32
  }
  func.func @transform_3(%arg0: i32) -> (i32, i32) {
    %c0_i32 = arith.constant 0 : i32
    %c0_i32_0 = arith.constant 0 : i32
    %c0_i32_1 = arith.constant 0 : i32
    return %c0_i32, %c0_i32_0 : i32, i32
  }
  func.func @transform_4(%arg0: i32) -> (i32, i32) {
    %c0_i32 = arith.constant 0 : i32
    %c0_i32_0 = arith.constant 0 : i32
    %c0_i32_1 = arith.constant 0 : i32
    return %c0_i32, %c0_i32_0 : i32, i32
  }
  func.func @transform_5(%arg0: i32) -> (i32, i32) {
    %c0_i32 = arith.constant 0 : i32
    %c0_i32_0 = arith.constant 0 : i32
    %c0_i32_1 = arith.constant 0 : i32
    return %c0_i32, %c0_i32_0 : i32, i32
  }
  func.func @transform_6(%arg0: i32) -> (i32, i32) {
    %c0_i32 = arith.constant 0 : i32
    %c0_i32_0 = arith.constant 0 : i32
    %c0_i32_1 = arith.constant 0 : i32
    return %c0_i32, %c0_i32_0 : i32, i32
  }
  func.func @transform_7(%arg0: i32) -> (i32, i32) {
    %c0_i32 = arith.constant 0 : i32
    %c0_i32_0 = arith.constant 0 : i32
    return %arg0, %c0_i32 : i32, i32
  }
  func.func @transform_8(%arg0: i32) -> (i32, i32) {
    %c0_i32 = arith.constant 0 : i32
    %c0_i32_0 = arith.constant 0 : i32
    return %arg0, %c0_i32 : i32, i32
  }
}

module attributes {stable_mosaic.version = 14 : i64} {
  func.func @_fin_body(%arg0: i32, %arg1: memref<2048x32xf32, #tpu.memory_space<vmem>>, %arg2: memref<2x2048xf32, #tpu.memory_space<vmem>>, %arg3: memref<2048x16xf32, #tpu.memory_space<vmem>>, %arg4: memref<2048x128xf32, #tpu.memory_space<vmem>>) attributes {dimension_semantics = [#tpu.dimension_semantics<arbitrary>], iteration_bounds = array<i64: 25>, scalar_prefetch = 0 : i64, scratch_operands = 0 : i64, tpu.core_type = #tpu.core_type<tc>, window_params = [{transform_indices = @transform_0, window_bounds = array<i64: 2048, 32>}, {transform_indices = @transform_1, window_bounds = array<i64: 2, 2048>}, {transform_indices = @transform_2, window_bounds = array<i64: 2048, 16>}, {transform_indices = @transform_3, window_bounds = array<i64: 2048, 128>}]} {
    %get3A = arith.constant 0 : index
    %get3A_0 = arith.constant 0 : index
    %get3A_1 = vector.load %arg1[%get3A, %get3A_0] : memref<2048x32xf32, #tpu.memory_space<vmem>>, vector<2048x16xf32>
    %get3A_2 = arith.constant 0 : index
    %get3A_3 = arith.constant 16 : index
    %get3A_4 = vector.load %arg1[%get3A_2, %get3A_3] : memref<2048x32xf32, #tpu.memory_space<vmem>>, vector<2048x16xf32>
    %add3A = arith.addf %get3A_1, %get3A_4 : vector<2048x16xf32>
    %get3A_5 = arith.constant 0 : index
    %get3A_6 = arith.constant 0 : index
    %get3A_7 = vector.load %arg2[%get3A_5, %get3A_6] : memref<2x2048xf32, #tpu.memory_space<vmem>>, vector<1x2048xf32>
    %get3A_8 = vector.shape_cast %get3A_7 : vector<1x2048xf32> to vector<2048xf32>
    %get3A_9 = arith.constant 1 : index
    %get3A_10 = arith.constant 0 : index
    %get3A_11 = vector.load %arg2[%get3A_9, %get3A_10] : memref<2x2048xf32, #tpu.memory_space<vmem>>, vector<1x2048xf32>
    %get3A_12 = vector.shape_cast %get3A_11 : vector<1x2048xf32> to vector<2048xf32>
    %add3A_13 = arith.addf %get3A_8, %get3A_12 : vector<2048xf32>
    %max3A = arith.constant 1.000000e+00 : f32
    %max3A_14 = vector.broadcast %max3A : f32 to vector<2048xf32>
    %max3A_15 = arith.maximumf %add3A_13, %max3A_14 : vector<2048xf32>
    %div3A = arith.constant 1.000000e+00 : f32
    %div3A_16 = vector.broadcast %div3A : f32 to vector<2048xf32>
    %div3A_17 = arith.divf %div3A_16, %max3A_15 : vector<2048xf32>
    %broadcast_in_dim3A = vector.shape_cast %div3A_17 : vector<2048xf32> to vector<2048x1xf32>
    %mul3A = vector.broadcast %broadcast_in_dim3A : vector<2048x1xf32> to vector<2048x16xf32>
    %mul3A_18 = arith.mulf %add3A, %mul3A : vector<2048x16xf32>
    %get3A_19 = arith.constant 0 : index
    %get3A_20 = arith.constant 0 : index
    %get3A_21 = vector.load %arg3[%get3A_19, %get3A_20] : memref<2048x16xf32, #tpu.memory_space<vmem>>, vector<2048x16xf32>
    %add3A_22 = arith.addf %mul3A_18, %get3A_21 : vector<2048x16xf32>
    %swap3A = arith.constant 0 : index
    %swap3A_23 = arith.constant 0 : index
    %swap3A_24 = vector.load %arg4[%swap3A, %swap3A_23] : memref<2048x128xf32, #tpu.memory_space<vmem>>, vector<2048x16xf32>
    tpu.vector_store %arg4[%swap3A, %swap3A_23], %add3A_22 {strides = array<i32>} : memref<2048x128xf32, #tpu.memory_space<vmem>>, vector<2048x16xf32>,
    return
  }
  func.func @transform_0(%arg0: i32) -> (i32, i32) {
    %c0_i32 = arith.constant 0 : i32
    %c0_i32_0 = arith.constant 0 : i32
    return %arg0, %c0_i32 : i32, i32
  }
  func.func @transform_1(%arg0: i32) -> (i32, i32) {
    %c0_i32 = arith.constant 0 : i32
    %c0_i32_0 = arith.constant 0 : i32
    return %c0_i32, %arg0 : i32, i32
  }
  func.func @transform_2(%arg0: i32) -> (i32, i32) {
    %c0_i32 = arith.constant 0 : i32
    %c0_i32_0 = arith.constant 0 : i32
    return %arg0, %c0_i32 : i32, i32
  }
  func.func @transform_3(%arg0: i32) -> (i32, i32) {
    %c0_i32 = arith.constant 0 : i32
    %c0_i32_0 = arith.constant 0 : i32
    return %arg0, %c0_i32 : i32, i32
  }
}

</mosaic_0001>

<sc_bundles>
// kernel: kernel.10.cloned.1.call-start
scs
__scs_entry_jumppad:
0x0: {  	(pc) =	sbr.rel $0x88, $3  }
0x1: {  	(tag) =	ssettag $0x0;
	lr =	simm.s32 $0x1  }
0x2: {  	[smem:$0x3F99] =	sst lr;
	_ =	strace $0xD0000000  }
0x3: {  	_ = 	snop  }
0x4: {  	_ = 	snop  }
0x5: {  	_ = 	snop  }
0x6: {  	_ = 	snop  }
0x7: {  	_ = 	snop  }
__scs_overlays_trampoline_lowered:
0x8: {  	[smem:$0x3FA8] =	sst s0  }
0x9: {  	[smem:$0x3FA9] =	sst s1  }
0xa: {  	[smem:$0x3FAA] =	sst s2  }
0xb: {  	[smem:$0x3FAB] =	sst s3  }
0xc: {  	[smem:$0x3FAC] =	sst s4  }
0xd: {  	[smem:$0x3FAD] =	sst s5  }
0xe: {  	[smem:$0x3FAE] =	sst s6  }
0xf: {  	[smem:$0x3FAF] =	sst s7  }
0x10: {  	[smem:$0x3FB0] =	sst s8  }
0x11: {  	[smem:$0x3FB1] =	sst s9;
	s0 =	simm.s32 @!p0 $0x0  }
0x12: {  	s1 =	sld [smem:$0x3F97];
	s0 =	simm.s32 @p0 $0x1  }
0x13: {  	[smem:$0x3FB2] =	sst s0;
	s0 =	simm.s32 @!p1 $0x0  }
0x14: {  	s2 =	sld [smem:$0x3F96];
	s0 =	simm.s32 @p1 $0x1  }
0x15: {  	[smem:$0x3FB3] =	sst s0;
	s0 =	simm.s32 @!p2 $0x0  }
0x16: {  	s3 =	sld [smem:$0x3FDB];
	s0 =	simm.s32 @p2 $0x1  }
0x17: {  	s4 =	simm.s32 $0x1BF5;
	[smem:$0x3FB5] =	sst s0  }
0x18: {  	s0 =	sld [smem:$0x3F98];
	_ =	swait.ge [sflag:s4], $0x0  }
0x19: {  	s7 =	sld [smem:$0x3F99]  }
0x1a: {  	s8 =	sadd.s32 $0xFFFFE003, lr  }
0x1b: {  	s9 =	sadd.s32 $0xFFFFFEF7, lr;
	s5 =	simm.s32 $0xFFFFFFFF;
	p2 =	slt.u32 s8, $0xFFFFF086  }
0x1c: {  	p1 =	slt.u32 s9, $0xF7A;
	s5 =	simm.s32 @!p2 $0x0  }
0x1d: {  	s5 =	simm.s32 @p1 $0x1;
	p0 =	seq.s32 s7, s2  }
0x1e: {  	s7 =	smul.u32 @!p0 $0xF7A, s2;
	p2 =	seq.s32 @!p0 s5, $0x0  }
0x1f: {  	s9 =	smul.u32 $0xF7A, s1;
	s8 =	simm.s32 @!p0 $0x1BF5;
	p2 =	por !p2, p0  }
0x20: {  	[sflag:s8] =	ssyncset.s32 @!p0 $0xFFFFF086;
	s6 =	sadd.s32 @!p0 s3, s7;
	s7 =	simm.s32 @!p0 $0x108  }
0x21: {  	s3 =	sadd.s32 s3, s9;
	s6 =	sadd.s32 @!p0 $0x88, s6;
	s7 =	simm.s32 @p2 $0x1082  }
0x22: {  	[simem:s7], [sflag:s8] =	dma.local @!p0 [hbm:s6], $0xF7A  }
0x23: {  	s9 =	sor.u32 $0xD0000000, s2;
	s6 =	simm.s32 $0x108;
	_ =	swait.ge @!p0 [sflag:s8], $0x0  }
0x24: {  	s3 =	sadd.s32 $0x88, s3;
	s6 =	simm.s32 @!p1 $0x1082;
	[sflag:s4] =	ssyncset.s32 $0xFFFFF086  }
0x25: {  	[simem:s6], [sflag:s4] =	dma.local [hbm:s3], $0xF7A  }
0x26: {  	[smem:$0x3F99] =	sst s1;
	(tag) =	ssettag s2;
	_ =	strace s9  }
0x27: {  	s1 =	sld [smem:$0x3FA9]  }
0x28: {  	s2 =	sld [smem:$0x3FAA]  }
0x29: {  	s4 =	sld [smem:$0x3FAC]  }
0x2a: {  	p0 =	seq.s32 s5, $0x0;
	s5 =	sld [smem:$0x3FAD]  }
0x2b: {  	s6 =	sld [smem:$0x3FAE]  }
0x2c: {  	s7 =	sld [smem:$0x3FAF]  }
0x2d: {  	s3 =	simm.s32 $0x108;
	s8 =	sld [smem:$0x3FB0]  }
0x2e: {  	s3 =	simm.s32 @!p0 $0x1082;
	s9 =	sld [smem:$0x3FB1]  }
0x2f: {  	lr =	sadd.s32 s0, s3;
	s0 =	sld [smem:$0x3FA8]  }
0x30: {  	s3 =	sld [smem:$0x3FAB]  }
0x31: {  	[smem:$0x3FB4] =	sst s10  }
0x32: {  	s10 =	sld [smem:$0x3FB2];
	_ =	sdelay $0x3  }
0x33: {  	p0 =	seq.s32 s10, $0x1;
	s10 =	sld [smem:$0x3FB4];
	_ =	sdelay $0x3  }
0x34: {  	[smem:$0x3FB4] =	sst s10  }
0x35: {  	s10 =	sld [smem:$0x3FB3];
	_ =	sdelay $0x3  }
0x36: {  	p1 =	seq.s32 s10, $0x1;
	s10 =	sld [smem:$0x3FB4];
	_ =	sdelay $0x3  }
0x37: {  	[smem:$0x3FB4] =	sst s10  }
0x38: {  	s10 =	sld [smem:$0x3FB5]  }
0x39: {  	_ = 	snop;
	(pc) =	sbr.ind lr, $3  }
0x3a: {  	_ = 	snop  }
0x3b: {  	_ = 	snop  }
0x3c: {  	p2 =	seq.s32 s10, $0x1;
	s10 =	sld [smem:$0x3FB4]  }
0x3d: {  	_ =	shalt  }
0x3e: {  	_ =	shalt  }
0x3f: {  	_ =	shalt  }
0x40: {  	_ =	shalt  }
0x41: {  	_ =	shalt  }
0x42: {  	_ =	shalt  }
0x43: {  	_ =	shalt  }
0x44: {  	_ =	shalt  }
0x45: {  	_ =	shalt  }
0x46: {  	_ =	shalt  }
0x47: {  	_ =	shalt  }
0x48: {  	_ =	shalt  }
0x49: {  	_ =	shalt  }
0x4a: {  	_ =	shalt  }
0x4b: {  	_ =	shalt  }
0x4c: {  	_ =	shalt  }
0x4d: {  	_ =	shalt  }
0x4e: {  	_ =	shalt  }
0x4f: {  	_ =	shalt  }
0x50: {  	_ =	shalt  }
0x51: {  	_ =	shalt  }
0x52: {  	_ =	shalt  }
0x53: {  	_ =	shalt  }
0x54: {  	_ =	shalt  }
0x55: {  	_ =	shalt  }
0x56: {  	_ =	shalt  }
0x57: {  	_ =	shalt  }
0x58: {  	_ =	shalt  }
0x59: {  	_ =	shalt  }
0x5a: {  	_ =	shalt  }
0x5b: {  	_ =	shalt  }
0x5c: {  	_ =	shalt  }
0x5d: {  	_ =	shalt  }
0x5e: {  	_ =	shalt  }
0x5f: {  	_ =	shalt  }
0x60: {  	_ =	shalt  }
0x61: {  	_ =	shalt  }
0x62: {  	_ =	shalt  }
0x63: {  	_ =	shalt  }
0x64: {  	_ =	shalt  }
0x65: {  	_ =	shalt  }
0x66: {  	_ =	shalt  }
0x67: {  	_ =	shalt  }
0x68: {  	_ =	shalt  }
0x69: {  	_ =	shalt  }
0x6a: {  	_ =	shalt  }
0x6b: {  	_ =	shalt  }
0x6c: {  	_ =	shalt  }
0x6d: {  	_ =	shalt  }
0x6e: {  	_ =	shalt  }
0x6f: {  	_ =	shalt  }
0x70: {  	_ =	shalt  }
0x71: {  	_ =	shalt  }
0x72: {  	_ =	shalt  }
0x73: {  	_ =	shalt  }
0x74: {  	_ =	shalt  }
0x75: {  	_ =	shalt  }
0x76: {  	_ =	shalt  }
0x77: {  	_ =	shalt  }
0x78: {  	_ =	shalt  }
0x79: {  	_ =	shalt  }
0x7a: {  	_ =	shalt  }
0x7b: {  	_ =	shalt  }
0x7c: {  	_ =	shalt  }
0x7d: {  	_ =	shalt  }
0x7e: {  	_ =	shalt  }
0x7f: {  	_ =	shalt  }
0x80: {  	_ =	shalt  }
0x81: {  	_ =	shalt  }
0x82: {  	_ =	shalt  }
0x83: {  	_ =	shalt  }
0x84: {  	_ =	shalt  }
0x85: {  	_ =	shalt  }
0x86: {  	_ =	shalt  }
0x87: {  	_ =	shalt  }
.Lfunc_end0:
.L_simem_size_0:
called_computation.1_lowered:
.L_overlay_start_0:
0x88: {  	s2 =	sld [smem:$0x3FD9]  }
0x89: {  	s3 =	sld [smem:$0x3FFE];
	_ =	sdelay $0x1  }
0x8a: {  	s1 =	srdreg.scid  }
0x8b: {  	s0 =	sand.u32 $0x1, s1  }
0x8c: {  	s16 =	sshll.u32 s0, $0xA;
	s2 =	sadd.s32 s3, s2  }
0x8d: {  	s2 =	sadd.s32 s2, s16  }
0x8e: {  	[smem:$0x3FC0] =	sst s2  }
0x8f: {  	_ = 	snop  }
0x90: {  	(tm) =	ssettm $0x1  }
0x91: {  	s17 =	sld [smem:$0x3FFB];
	_ =	sdelay $0x3  }
0x92: {  	_ =	strace s17  }
0x93: {  	s2 =	sld [smem:$0x3FFC];
	_ =	sdelay $0x3  }
0x94: {  	_ =	strace s2  }
0x95: {  	s2 =	sld [smem:$0x3FFD];
	_ =	sdelay $0x3  }
0x96: {  	_ =	strace s2  }
0x97: {  	_ =	strace $0x8FFFFFFF  }
0x98: {  	s18 =	sld [smem:$0x3FDB];
	_ =	sdelay $0x1  }
0x99: {  	s19 =	simm.s32 $_scs_section_size  }
0x9a: {  	s4 =	simm.s32 $_size__tile_overlayer_lowered;
	s5 =	simm.s32 $_tile_overlayer_lowered  }
0x9b: {  	s22 =	simm.s32 $0x1BFF;
	s21 =	sshll.u32 s5, $0x1;
	s2 =	sadd.s32 s19, s18  }
0x9c: {  	s6 =	simm.s32 $0x0;
	s20 =	sshll.u32 s4, $0x1;
	s4 =	sadd.s32 s21, s2  }
0x9d: {  	[timem:s6], [sflag:s22] =	dma.local [hbm:s4], s20  }
0x9e: {  	_ =	swait.ge [sflag:s22], s20  }
0x9f: {  	s3 =	ssub.s32 $0x0, s20;
	[sflag:s22] =	ssyncset.done $0x0  }
0xa0: {  	[sflag:s22] =	ssyncadd.s32 s3;
	_ =	sdelay $0x1  }
0xa1: {  	s23 =	simm.s32 $0x1B8B  }
0xa2: {  	_ =	swait.ge [sflag:s23], $0x1  }
0xa3: {  	[sflag:s23] =	ssyncset.done $0x0  }
0xa4: {  	s25 =	simm.s32 $0x1B8E;
	s24 =	sld [smem:$0x3FFE];
	[sflag:s23] =	ssyncadd.s32 $0xFFFFFFFF  }
0xa5: {  	s26 =	simm.s32 $execute0_lowered;
	[smem:$0x3FD2] =	sst s25  }
0xa6: {  	s4 =	sshll.u32 s26, $0x1;
	_ =	strace $0x80000049;
	[dreg:$0x1] =	wrdreg $0xFFFFFFFF  }
0xa7: {  	s28 =	simm.s32 $_size_execute0_lowered;
	s2 =	sadd.s32 s2, s4;
	[dreg:$0x0] =	wrdreg $0x0  }
0xa8: {  	s4 =	sshll.u32 s28, $0x1;
	[dreg:$0x2] =	wrdreg s2  }
0xa9: {  	[dreg:$0x3] =	wrdreg s4  }
0xaa: {  	[dreg:$0x4] =	wrdreg $0xC0  }
0xab: {  	_ =	task [dreg:s6], $0x5FFFF  }
0xac: {  	[dreg:$0x1] =	wrdreg $0xFFFFFFFF  }
0xad: {  	[dreg:$0x0] =	wrdreg $0x60  }
0xae: {  	[dreg:$0x2] =	wrdreg s24  }
0xaf: {  	[dreg:$0x3] =	wrdreg $0x0  }
0xb0: {  	[dreg:$0x4] =	wrdreg $0xC8000  }
0xb1: {  	[dreg:$0x5] =	wrdreg $0x9  }
0xb2: {  	_ =	task.clear_ibuf [dreg:s6], $0x6FFFF;
	_ =	strace $0x90000049  }
0xb3: {  	s29 =	simm.s32 $0x9;
	_ =	strace $0x8000004B  }
0xb4: {  	_ =	swait.ge [sflag:s29], $0x1  }
0xb5: {  	[sflag:s29] =	ssyncadd.s32 $0xFFFFFFFF  }
0xb6: {  	_ =	strace $0x9000004B  }
0xb7: {  	_ =	sfence  }
0xb8: {  	s30 =	sld [smem:$0x0];
	_ =	sdelay $0x2  }
0xb9: {  	s31 =	sshll.u32 s1, $0xD;
	s1 =	sshrl.u32 s1, $0x2  }
0xba: {  	s3 =	sand.u32 $0x4000, s31;
	s1 =	sadd.s32 s1, s30  }
0xbb: {  	s0 =	sor.u32 s3, s0;
	s1 =	sshll.u32 s1, $0x11  }
0xbc: {  	s0 =	sor.u32 s1, s0  }
0xbd: {  	s0 =	sadd.s32 $0x8F2B, s0  }
0xbe: {  	[sflag:s0] =	ssyncadd.remote.s32 $0x1  }
0xbf: {  	_ =	sfence.sel $0xFFFF  }
0xc0: {  	[dreg:$0x0] =	wrdreg $0xFFFFFFFF;
	(pc) =	sbr.abs _section_cstart, $3  }
0xc1: {  	[dreg:$0x1] =	wrdreg $0xFFFFFFFF  }
0xc2: {  	_ =	task.clear_ibuf [dreg:s6], $0x2FFFF;
	_ =	strace $0x9FFFFFFF  }
0xc3: {  	(tm) =	ssettm $0x7FFFFFFF  }
tec
execute0_lowered:
.L_overlay_start_1:
0x0: {  	(tag) =	ssettag $0x1  }
0x1: {  	s0 =	rddreg [dreg:$0x0]  }
0x2: {  	s2 =	rddreg [dreg:$0x1]  }
0x3: {  	s3 =	rddreg [dreg:$0x2]  }
0x4: {  	s13 =	stileid.u32;
	s4 =	simm.s32 $0x0;
	s5 =	srdreg.scid  }
0x5: {  	s28 =	simm.s32 $0x80;
	s29 =	simm.s32 $0x1B100;
	s1 =	smul.u32 $0xC800, s13  }
0x6: {  	s30 =	simm.s32 $0x1A980;
	s31 =	simm.s32 $0x1B900;
	s7 =	smul.u32 $0x19000, s13  }
0x7: {  	[smem:$0x7FF] =	sst s4;
	s5 =	sand.u32 $0x1, s5;
	s11 =	smul.u32 $0x32000, s13  }
0x8: {  	s9 =	sadd.s32 $0x65200, s0;
	s12 =	sadd.s32 $0x7DA00, s0;
	s15 =	smul.u32 $0xC4, s13  }
0x9: {  	s23 =	sshll.u32 s13, $0x6;
	s20 =	smul.u32 $0xC40, s13;
	s13 =	simm.s32 $0x1AE80  }
0xa: {  	_ =	strace $0x8000004A;
	s8 =	sshll.u32 s5, $0x4;
	s26 =	smul.u32 $0xC40, s5  }
0xb: {  	s22 =	ssub.s32 $0x2, s5;
	s17 =	sor.u32 $0x1C03, s23;
	s5 =	smul.u32 $0xC400, s5  }
0xc: {  	s6 =	sshrl.u32 s1, $0x3;
	s7 =	sor.u32 s8, s7;
	s10 =	sshrl.u32 s22, $0x1  }
0xd: {  	s8 =	sadd.s32 s1, s2;
	s11 =	sshrl.u32 s11, $0x2;
	s18 =	sadd.s32 s1, s3  }
0xe: {  	[dreg:$0x9] =	wrdreg s17;
	s6 =	sadd.s32 s6, s0;
	s7 =	sshrl.u32 s7, $0x3  }
0xf: {  	s24 =	sadd.s32 s11, s3;
	s1 =	sadd.s32 s15, s26;
	s21 =	sadd.s32 s5, s9  }
0x10: {  	s5 =	sadd.s32 s5, s12;
	s26 =	simm.s32 $0x1AE00;
	[dreg:$0xa] =	wrdreg s18  }
0x11: {  	s15 =	simm.s32 $0x1B000;
	s6 =	sadd.s32 $0x1200, s6;
	[dreg:$0x7] =	wrdreg s26  }
0x12: {  	s0 =	sadd.s32 s7, s0;
	s25 =	sadd.s32 $0x1900, s24;
	[dreg:$0x8] =	wrdreg s6  }
0x13: {  	s7 =	ssub.s32 s22, s10;
	s11 =	sadd.s32 $0x3200, s24;
	[dreg:$0xb] =	wrdreg s25  }
0x14: {  	s14 =	sadd.s32 $0x4B00, s24;
	s16 =	sadd.s32 $0x7D00, s24;
	[dreg:$0xc] =	wrdreg s11  }
0x15: {  	s19 =	sadd.s32 $0x9600, s24;
	s1 =	sshll.u32 s1, $0x4;
	[dreg:$0xd] =	wrdreg s14  }
0x16: {  	s22 =	sadd.s32 s20, s5;
	s26 =	simm.s32 $0x2;
	[dreg:$0xf] =	wrdreg s16  }
0x17: {  	s5 =	simm.s32 $0x1AA80;
	s10 =	simm.s32 $0x1AB80;
	[dreg:$0x10] =	wrdreg s19  }
0x18: {  	s11 =	sadd.s32 $0x6400, s24;
	s6 =	sadd.s32 $0xAF00, s24;
	[dreg:$0x5] =	wrdreg s22  }
0x19: {  	s9 =	sadd.s32 s9, s1;
	s1 =	sadd.s32 s12, s1;
	[dreg:$0xe] =	wrdreg s11  }
0x1a: {  	s0 =	sadd.s32 $0x1A200, s0;
	s23 =	smax.u32 s7, $0x1;
	[dreg:$0x11] =	wrdreg s6  }
0x1b: {  	s24 =	sshrl.u32 s8, $0x3;
	s22 =	simm.s32 $0x1A900;
	[dreg:$0x12] =	wrdreg s9  }
0x1c: {  	s25 =	simm.s32 $0x1AD80;
	s8 =	simm.s32 $0x1C900;
	[dreg:$0x13] =	wrdreg s1  }
0x1d: {  	s12 =	simm.s32 $0x1AC80;
	s14 =	simm.s32 $0x1AF80;
	[dreg:$0x14] =	wrdreg s0  }
0x1e: {  	s16 =	simm.s32 $0x1B080;
	s7 =	simm.s32 $0x0;
	[dreg:$0x15] =	wrdreg s23  }
0x1f: {  	s6 =	sadd.s32 s20, s21;
	[dreg:$0x16] =	wrdreg s24;
	s20 =	simm.s32 $0x3  }
0x20: {  	s23 =	simm.s32 $0x1AB00;
	s24 =	simm.s32 $0x1AD00;
	[dreg:$0x6] =	wrdreg s25  }
0x21: {  	s25 =	simm.s32 $0x1AF00;
	s0 =	simm.s32 $0x1AA00;
	s1 =	simm.s32 $0x1C100  }
0x22: {  	v0 =	vimm.f32 $0.0e+00;
	s9 =	simm.s32 $0x1;
	s11 =	simm.s32 $0x1AC00;
	[dreg:$0x4] =	wrdreg s6  }
.LBB2_1:
0x23: {  	[dreg:$0x17] =	wrdreg s7  }
0x24: {  	s6 =	rddreg [dreg:$0x8]  }
0x25: {  	s21 =	rddreg [dreg:$0x16]  }
0x26: {  	[spmem:s21], [sflag:s17] =	dma.local [hbm:s6], $0x1900  }
0x27: {  	_ =	swait.ge [sflag:s20], $0x1900  }
0x28: {  	[sflag:s20] =	ssyncset.done $0x0  }
0x29: {  	s7 =	simm.s32 $0x0;
	s6 =	simm.s32 $0x40;
	[sflag:s20] =	ssyncadd.s32 $0xFFFFE700  }
.LBB2_2:
0x2a: {  	p0 =	sne.s32 s6, $0x63C0;
	[tilespmem:s7+$0x19000] =	vst v0;
	s7 =	smov.u32 s6;
	s6 =	sadd.s32 $0x40, s6  }
.Ltmp0:
0x2b: {  	(pc) =	sbr.rel @p0 .LBB2_2-.Ltmp0, $2  }
0x2c: {  	_ =	sdelay $0x2  }
0x2d: {  	s7 =	sshra.s32 s7, $0x2  }
0x2e: {  	[tilespmem:s7+$0x19000] =	vst v0;
	s7 =	simm.s32 $0x19000  }
0x2f: {  	[spmem:s18] =	stream.linear.scatter [tilespmem:s7], [sflag:$0x3], $0x1900, $0x38;
	[tilespmem:$0x1D100] =	vst v63  }
0x30: {  	_ =	swait.ge [sflag:s20], $0x1900  }
0x31: {  	[sflag:s20] =	ssyncset.done $0x0  }
0x32: {  	s6 =	rddreg [dreg:$0xb];
	[sflag:s20] =	ssyncadd.s32 $0xFFFFE700  }
0x33: {  	[spmem:s6] =	stream.linear.scatter [tilespmem:s7], [sflag:$0x3], $0x1900, $0x38;
	[tilespmem:$0x1D100] =	vst v63  }
0x34: {  	_ =	swait.ge [sflag:s20], $0x1900  }
0x35: {  	[sflag:s20] =	ssyncset.done $0x0  }
0x36: {  	s18 =	rddreg [dreg:$0xc];
	[sflag:s20] =	ssyncadd.s32 $0xFFFFE700  }
0x37: {  	[spmem:s18] =	stream.linear.scatter [tilespmem:s7], [sflag:$0x3], $0x1900, $0x38;
	[tilespmem:$0x1D100] =	vst v63  }
0x38: {  	_ =	swait.ge [sflag:s20], $0x1900  }
0x39: {  	[sflag:s20] =	ssyncset.done $0x0  }
0x3a: {  	s19 =	rddreg [dreg:$0xd];
	[sflag:s20] =	ssyncadd.s32 $0xFFFFE700  }
0x3b: {  	[spmem:s19] =	stream.linear.scatter [tilespmem:s7], [sflag:$0x3], $0x1900, $0x38;
	[tilespmem:$0x1D100] =	vst v63  }
0x3c: {  	_ =	swait.ge [sflag:s20], $0x1900  }
0x3d: {  	[sflag:s20] =	ssyncset.done $0x0  }
0x3e: {  	s21 =	rddreg [dreg:$0xe];
	[sflag:s20] =	ssyncadd.s32 $0xFFFFE700  }
0x3f: {  	[spmem:s21] =	stream.linear.scatter [tilespmem:s7], [sflag:$0x3], $0x1900, $0x38;
	[tilespmem:$0x1D100] =	vst v63  }
0x40: {  	_ =	swait.ge [sflag:s20], $0x1900  }
0x41: {  	[sflag:s20] =	ssyncset.done $0x0  }
0x42: {  	s17 =	rddreg [dreg:$0xf];
	[sflag:s20] =	ssyncadd.s32 $0xFFFFE700  }
0x43: {  	[spmem:s17] =	stream.linear.scatter [tilespmem:s7], [sflag:$0x3], $0x1900, $0x38;
	[tilespmem:$0x1D100] =	vst v63  }
0x44: {  	_ =	swait.ge [sflag:s20], $0x1900  }
0x45: {  	[sflag:s20] =	ssyncset.done $0x0  }
0x46: {  	s18 =	rddreg [dreg:$0x10];
	[sflag:s20] =	ssyncadd.s32 $0xFFFFE700  }
0x47: {  	[spmem:s18] =	stream.linear.scatter [tilespmem:s7], [sflag:$0x3], $0x1900, $0x38;
	[tilespmem:$0x1D100] =	vst v63  }
0x48: {  	_ =	swait.ge [sflag:s20], $0x1900  }
0x49: {  	[sflag:s20] =	ssyncset.done $0x0  }
0x4a: {  	s19 =	rddreg [dreg:$0x11];
	[sflag:s20] =	ssyncadd.s32 $0xFFFFE700  }
0x4b: {  	[spmem:s19] =	stream.linear.scatter [tilespmem:s7], [sflag:$0x3], $0x1900, $0x38;
	[tilespmem:$0x1D100] =	vst v63  }
0x4c: {  	_ =	swait.ge [sflag:s20], $0x1900  }
0x4d: {  	[sflag:s20] =	ssyncset.done $0x0  }
0x4e: {  	[sflag:s20] =	ssyncadd.s32 $0xFFFFE700  }
0x4f: {  	[bflag:$0x0] =	sbarrier.arrive $0xFFFF  }
0x50: {  	s17 =	rddreg [dreg:$0x12]  }
0x51: {  	s21 =	simm.s32 $0x0;
	s18 =	rddreg [dreg:$0x4]  }
0x52: {  	[tilespmem:s22], [sflag:$0x2] =	stream.linear.gather [hbm4b:s17+s21], $0x200, $0x38;
	[tilespmem:$0x1D100] =	vst v63  }
0x53: {  	s17 =	rddreg [dreg:$0x13]  }
0x54: {  	[tilespmem:s23], [sflag:$0x2] =	stream.linear.gather [hbm4b:s17+s21], $0x200, $0x38;
	[tilespmem:$0x1D100] =	vst v63  }
0x55: {  	s19 =	rddreg [dreg:$0x5];
	s21 =	sadd.s32 $0x0, s18  }
0x56: {  	s18 =	sadd.s32 $0x0, s19;
	s7 =	sadd.s32 $0x40, s21  }
0x57: {  	[tilespmem:s24], [sflag:$0x2] =	stream.linear.gather [hbm4b:s7+s4], $0x200, $0x38;
	[tilespmem:$0x1D100] =	vst v63  }
0x58: {  	s17 =	sadd.s32 $0x40, s18  }
0x59: {  	[tilespmem:s25], [sflag:$0x2] =	stream.linear.gather [hbm4b:s17+s4], $0x200, $0x38;
	[tilespmem:$0x1D100] =	vst v63  }
0x5a: {  	_ =	swait.ge [sflag:s26], $0x200  }
0x5b: {  	[sflag:s26] =	ssyncset.done $0x0  }
0x5c: {  	[sflag:s26] =	ssyncadd.s32 $0xFFFFFE00  }
0x5d: {  	_ =	swait.ge [sflag:s26], $0x200  }
0x5e: {  	[sflag:s26] =	ssyncset.done $0x0  }
0x5f: {  	[sflag:s26] =	ssyncadd.s32 $0xFFFFFE00  }
0x60: {  	[tilespmem:s29], [sflag:$0x1] =	stream.indirect.gather [spmem:s2], $0x10, s22, s28, $0xb8;
	[tilespmem:$0x1D100] =	vst v63  }
0x61: {  	_ = 	snop  }
0x62: {  	[tilespmem:s31], [sflag:$0x1] =	stream.indirect.gather [spmem:s2], $0x10, s30, s28, $0xb8;
	[tilespmem:$0x1D100] =	vst v63  }
0x63: {  	_ = 	snop  }
0x64: {  	[tilespmem:s1], [sflag:$0x1] =	stream.indirect.gather [spmem:s2], $0x10, s0, s28, $0xb8;
	[tilespmem:$0x1D100] =	vst v63  }
0x65: {  	_ = 	snop  }
0x66: {  	[tilespmem:s8], [sflag:$0x1] =	stream.indirect.gather [spmem:s2], $0x10, s5, s28, $0xb8;
	[tilespmem:$0x1D100] =	vst v63  }
0x67: {  	_ =	swait.ge [sflag:s9], $0x800  }
0x68: {  	[sflag:s9] =	ssyncset.done $0x0  }
0x69: {  	[sflag:s9] =	ssyncadd.s32 $0xFFFFF800  }
0x6a: {  	_ =	swait.ge [sflag:s9], $0x800  }
0x6b: {  	[sflag:s9] =	ssyncset.done $0x0  }
0x6c: {  	[sflag:s9] =	ssyncadd.s32 $0xFFFFF800  }
0x6d: {  	_ =	swait.ge [sflag:s9], $0x800  }
0x6e: {  	[sflag:s9] =	ssyncset.done $0x0  }
0x6f: {  	[sflag:s9] =	ssyncadd.s32 $0xFFFFF800  }
0x70: {  	_ =	swait.ge [sflag:s9], $0x800  }
0x71: {  	[sflag:s9] =	ssyncset.done $0x0  }
0x72: {  	[sflag:s9] =	ssyncadd.s32 $0xFFFFF800  }
0x73: {  	[spmem:s3] =	stream.indirect.scatter.add.f32 [tilespmem:s29], [sflag:$0x1], $0x10, s23, s28, $0xb8;
	[tilespmem:$0x1D100] =	vst v63  }
0x74: {  	_ = 	snop  }
0x75: {  	[spmem:s3] =	stream.indirect.scatter.add.f32 [tilespmem:s31], [sflag:$0x1], $0x10, s10, s28, $0xb8;
	[tilespmem:$0x1D100] =	vst v63  }
0x76: {  	_ = 	snop  }
0x77: {  	[spmem:s3] =	stream.indirect.scatter.add.f32 [tilespmem:s1], [sflag:$0x1], $0x10, s11, s28, $0xb8;
	[tilespmem:$0x1D100] =	vst v63  }
0x78: {  	_ = 	snop  }
0x79: {  	[spmem:s3] =	stream.indirect.scatter.add.f32 [tilespmem:s8], [sflag:$0x1], $0x10, s12, s28, $0xb8;
	[tilespmem:$0x1D100] =	vst v63  }
0x7a: {  	_ =	swait.ge [sflag:s9], $0x800  }
0x7b: {  	[sflag:s9] =	ssyncset.done $0x0  }
0x7c: {  	[sflag:s9] =	ssyncadd.s32 $0xFFFFF800  }
0x7d: {  	_ =	swait.ge [sflag:s9], $0x800  }
0x7e: {  	[sflag:s9] =	ssyncset.done $0x0  }
0x7f: {  	[sflag:s9] =	ssyncadd.s32 $0xFFFFF800  }
0x80: {  	_ =	swait.ge [sflag:s9], $0x800  }
0x81: {  	[sflag:s9] =	ssyncset.done $0x0  }
0x82: {  	[sflag:s9] =	ssyncadd.s32 $0xFFFFF800  }
0x83: {  	_ =	swait.ge [sflag:s9], $0x800  }
0x84: {  	[sflag:s9] =	ssyncset.done $0x0  }
0x85: {  	s6 =	sadd.s32 $0x80, s21;
	[sflag:s9] =	ssyncadd.s32 $0xFFFFF800  }
0x86: {  	[tilespmem:s22], [sflag:$0x2] =	stream.linear.gather [hbm4b:s6+s4], $0x200, $0x38;
	[tilespmem:$0x1D100] =	vst v63  }
0x87: {  	s18 =	sadd.s32 $0x80, s18  }
0x88: {  	[tilespmem:s23], [sflag:$0x2] =	stream.linear.gather [hbm4b:s18+s4], $0x200, $0x38;
	[tilespmem:$0x1D100] =	vst v63  }
0x89: {  	_ =	swait.ge [sflag:s26], $0x200  }
0x8a: {  	[sflag:s26] =	ssyncset.done $0x0  }
0x8b: {  	[sflag:s26] =	ssyncadd.s32 $0xFFFFFE00  }
0x8c: {  	_ =	swait.ge [sflag:s26], $0x200  }
0x8d: {  	[sflag:s26] =	ssyncset.done $0x0  }
0x8e: {  	[sflag:s26] =	ssyncadd.s32 $0xFFFFFE00  }
0x8f: {  	[tilespmem:s29], [sflag:$0x1] =	stream.indirect.gather [spmem:s2], $0x10, s24, s28, $0xb8;
	[tilespmem:$0x1D100] =	vst v63  }
0x90: {  	s19 =	rddreg [dreg:$0x6]  }
0x91: {  	[tilespmem:s31], [sflag:$0x1] =	stream.indirect.gather [spmem:s2], $0x10, s19, s28, $0xb8;
	[tilespmem:$0x1D100] =	vst v63  }
0x92: {  	s21 =	rddreg [dreg:$0x7]  }
0x93: {  	[tilespmem:s1], [sflag:$0x1] =	stream.indirect.gather [spmem:s2], $0x10, s21, s28, $0xb8;
	[tilespmem:$0x1D100] =	vst v63  }
0x94: {  	_ = 	snop  }
0x95: {  	[tilespmem:s8], [sflag:$0x1] =	stream.indirect.gather [spmem:s2], $0x10, s13, s28, $0xb8;
	[tilespmem:$0x1D100] =	vst v63  }
0x96: {  	_ =	swait.ge [sflag:s9], $0x800  }
0x97: {  	[sflag:s9] =	ssyncset.done $0x0  }
0x98: {  	[sflag:s9] =	ssyncadd.s32 $0xFFFFF800  }
0x99: {  	_ =	swait.ge [sflag:s9], $0x800  }
0x9a: {  	[sflag:s9] =	ssyncset.done $0x0  }
0x9b: {  	[sflag:s9] =	ssyncadd.s32 $0xFFFFF800  }
0x9c: {  	_ =	swait.ge [sflag:s9], $0x800  }
0x9d: {  	[sflag:s9] =	ssyncset.done $0x0  }
0x9e: {  	[sflag:s9] =	ssyncadd.s32 $0xFFFFF800  }
0x9f: {  	_ =	swait.ge [sflag:s9], $0x800  }
0xa0: {  	[sflag:s9] =	ssyncset.done $0x0  }
0xa1: {  	[sflag:s9] =	ssyncadd.s32 $0xFFFFF800  }
0xa2: {  	[spmem:s3] =	stream.indirect.scatter.add.f32 [tilespmem:s29], [sflag:$0x1], $0x10, s25, s28, $0xb8;
	[tilespmem:$0x1D100] =	vst v63  }
0xa3: {  	_ = 	snop  }
0xa4: {  	[spmem:s3] =	stream.indirect.scatter.add.f32 [tilespmem:s31], [sflag:$0x1], $0x10, s14, s28, $0xb8;
	[tilespmem:$0x1D100] =	vst v63  }
0xa5: {  	_ = 	snop  }
0xa6: {  	[spmem:s3] =	stream.indirect.scatter.add.f32 [tilespmem:s1], [sflag:$0x1], $0x10, s15, s28, $0xb8;
	[tilespmem:$0x1D100] =	vst v63  }
0xa7: {  	_ = 	snop  }
0xa8: {  	[spmem:s3] =	stream.indirect.scatter.add.f32 [tilespmem:s8], [sflag:$0x1], $0x10, s16, s28, $0xb8;
	[tilespmem:$0x1D100] =	vst v63  }
0xa9: {  	_ =	swait.ge [sflag:s9], $0x800  }
0xaa: {  	[sflag:s9] =	ssyncset.done $0x0  }
0xab: {  	[sflag:s9] =	ssyncadd.s32 $0xFFFFF800  }
0xac: {  	_ =	swait.ge [sflag:s9], $0x800  }
0xad: {  	[sflag:s9] =	ssyncset.done $0x0  }
0xae: {  	[sflag:s9] =	ssyncadd.s32 $0xFFFFF800  }
0xaf: {  	_ =	swait.ge [sflag:s9], $0x800  }
0xb0: {  	[sflag:s9] =	ssyncset.done $0x0  }
0xb1: {  	[sflag:s9] =	ssyncadd.s32 $0xFFFFF800  }
0xb2: {  	s18 =	simm.s32 $0x80;
	s19 =	simm.s32 $0x100;
	_ =	swait.ge [sflag:s9], $0x800  }
.LBB2_4:
0xb3: {  	s6 =	rddreg [dreg:$0x4];
	[sflag:s9] =	ssyncset.done $0x0  }
0xb4: {  	s21 =	smov.u32 s19;
	s7 =	rddreg [dreg:$0x5];
	s6 =	sadd.s32 s18, s6  }
0xb5: {  	[sflag:s9] =	ssyncadd.s32 $0xFFFFF800;
	s7 =	sadd.s32 s18, s7;
	s17 =	sadd.s32 $0x40, s6  }
0xb6: {  	[tilespmem:s24], [sflag:$0x2] =	stream.linear.gather [hbm4b:s17+s4], $0x200, $0x38;
	[tilespmem:$0x1D100] =	vst v63  }
0xb7: {  	s18 =	smov.u32 s21;
	s21 =	sadd.s32 $0x40, s7  }
0xb8: {  	[tilespmem:s25], [sflag:$0x2] =	stream.linear.gather [hbm4b:s21+s4], $0x200, $0x38;
	[tilespmem:$0x1D100] =	vst v63  }
0xb9: {  	_ =	swait.ge [sflag:s26], $0x200  }
0xba: {  	[sflag:s26] =	ssyncset.done $0x0  }
0xbb: {  	[sflag:s26] =	ssyncadd.s32 $0xFFFFFE00  }
0xbc: {  	_ =	swait.ge [sflag:s26], $0x200  }
0xbd: {  	[sflag:s26] =	ssyncset.done $0x0  }
0xbe: {  	[sflag:s26] =	ssyncadd.s32 $0xFFFFFE00  }
0xbf: {  	[tilespmem:s29], [sflag:$0x1] =	stream.indirect.gather [spmem:s2], $0x10, s22, s28, $0xb8;
	[tilespmem:$0x1D100] =	vst v63  }
0xc0: {  	_ = 	snop  }
0xc1: {  	[tilespmem:s31], [sflag:$0x1] =	stream.indirect.gather [spmem:s2], $0x10, s30, s28, $0xb8;
	[tilespmem:$0x1D100] =	vst v63  }
0xc2: {  	_ = 	snop  }
0xc3: {  	[tilespmem:s1], [sflag:$0x1] =	stream.indirect.gather [spmem:s2], $0x10, s0, s28, $0xb8;
	[tilespmem:$0x1D100] =	vst v63  }
0xc4: {  	_ = 	snop  }
0xc5: {  	[tilespmem:s8], [sflag:$0x1] =	stream.indirect.gather [spmem:s2], $0x10, s5, s28, $0xb8;
	[tilespmem:$0x1D100] =	vst v63  }
0xc6: {  	_ =	swait.ge [sflag:s9], $0x800  }
0xc7: {  	[sflag:s9] =	ssyncset.done $0x0  }
0xc8: {  	[sflag:s9] =	ssyncadd.s32 $0xFFFFF800  }
0xc9: {  	_ =	swait.ge [sflag:s9], $0x800  }
0xca: {  	[sflag:s9] =	ssyncset.done $0x0  }
0xcb: {  	[sflag:s9] =	ssyncadd.s32 $0xFFFFF800  }
0xcc: {  	_ =	swait.ge [sflag:s9], $0x800  }
0xcd: {  	[sflag:s9] =	ssyncset.done $0x0  }
0xce: {  	[sflag:s9] =	ssyncadd.s32 $0xFFFFF800  }
0xcf: {  	_ =	swait.ge [sflag:s9], $0x800  }
0xd0: {  	[sflag:s9] =	ssyncset.done $0x0  }
0xd1: {  	[sflag:s9] =	ssyncadd.s32 $0xFFFFF800  }
0xd2: {  	[spmem:s3] =	stream.indirect.scatter.add.f32 [tilespmem:s29], [sflag:$0x1], $0x10, s23, s28, $0xb8;
	[tilespmem:$0x1D100] =	vst v63  }
0xd3: {  	_ = 	snop  }
0xd4: {  	[spmem:s3] =	stream.indirect.scatter.add.f32 [tilespmem:s31], [sflag:$0x1], $0x10, s10, s28, $0xb8;
	[tilespmem:$0x1D100] =	vst v63  }
0xd5: {  	_ = 	snop  }
0xd6: {  	[spmem:s3] =	stream.indirect.scatter.add.f32 [tilespmem:s1], [sflag:$0x1], $0x10, s11, s28, $0xb8;
	[tilespmem:$0x1D100] =	vst v63  }
0xd7: {  	_ = 	snop  }
0xd8: {  	[spmem:s3] =	stream.indirect.scatter.add.f32 [tilespmem:s8], [sflag:$0x1], $0x10, s12, s28, $0xb8;
	[tilespmem:$0x1D100] =	vst v63  }
0xd9: {  	_ =	swait.ge [sflag:s9], $0x800  }
0xda: {  	[sflag:s9] =	ssyncset.done $0x0  }
0xdb: {  	[sflag:s9] =	ssyncadd.s32 $0xFFFFF800  }
0xdc: {  	_ =	swait.ge [sflag:s9], $0x800  }
0xdd: {  	[sflag:s9] =	ssyncset.done $0x0  }
0xde: {  	[sflag:s9] =	ssyncadd.s32 $0xFFFFF800  }
0xdf: {  	_ =	swait.ge [sflag:s9], $0x800  }
0xe0: {  	[sflag:s9] =	ssyncset.done $0x0  }
0xe1: {  	[sflag:s9] =	ssyncadd.s32 $0xFFFFF800  }
0xe2: {  	_ =	swait.ge [sflag:s9], $0x800  }
0xe3: {  	[sflag:s9] =	ssyncset.done $0x0  }
0xe4: {  	s6 =	sadd.s32 $0x80, s6;
	[sflag:s9] =	ssyncadd.s32 $0xFFFFF800  }
0xe5: {  	[tilespmem:s22], [sflag:$0x2] =	stream.linear.gather [hbm4b:s6+s4], $0x200, $0x38;
	[tilespmem:$0x1D100] =	vst v63  }
0xe6: {  	s7 =	sadd.s32 $0x80, s7  }
0xe7: {  	[tilespmem:s23], [sflag:$0x2] =	stream.linear.gather [hbm4b:s7+s4], $0x200, $0x38;
	[tilespmem:$0x1D100] =	vst v63  }
0xe8: {  	_ =	swait.ge [sflag:s26], $0x200  }
0xe9: {  	[sflag:s26] =	ssyncset.done $0x0  }
0xea: {  	[sflag:s26] =	ssyncadd.s32 $0xFFFFFE00  }
0xeb: {  	_ =	swait.ge [sflag:s26], $0x200  }
0xec: {  	[sflag:s26] =	ssyncset.done $0x0  }
0xed: {  	[sflag:s26] =	ssyncadd.s32 $0xFFFFFE00  }
0xee: {  	[tilespmem:s29], [sflag:$0x1] =	stream.indirect.gather [spmem:s2], $0x10, s24, s28, $0xb8;
	[tilespmem:$0x1D100] =	vst v63  }
0xef: {  	s17 =	rddreg [dreg:$0x6]  }
0xf0: {  	[tilespmem:s31], [sflag:$0x1] =	stream.indirect.gather [spmem:s2], $0x10, s17, s28, $0xb8;
	[tilespmem:$0x1D100] =	vst v63  }
0xf1: {  	s21 =	rddreg [dreg:$0x7]  }
0xf2: {  	[tilespmem:s1], [sflag:$0x1] =	stream.indirect.gather [spmem:s2], $0x10, s21, s28, $0xb8;
	[tilespmem:$0x1D100] =	vst v63  }
0xf3: {  	_ = 	snop  }
0xf4: {  	[tilespmem:s8], [sflag:$0x1] =	stream.indirect.gather [spmem:s2], $0x10, s13, s28, $0xb8;
	[tilespmem:$0x1D100] =	vst v63  }
0xf5: {  	_ =	swait.ge [sflag:s9], $0x800  }
0xf6: {  	[sflag:s9] =	ssyncset.done $0x0  }
0xf7: {  	[sflag:s9] =	ssyncadd.s32 $0xFFFFF800  }
0xf8: {  	_ =	swait.ge [sflag:s9], $0x800  }
0xf9: {  	[sflag:s9] =	ssyncset.done $0x0  }
0xfa: {  	[sflag:s9] =	ssyncadd.s32 $0xFFFFF800  }
0xfb: {  	_ =	swait.ge [sflag:s9], $0x800  }
0xfc: {  	[sflag:s9] =	ssyncset.done $0x0  }
0xfd: {  	[sflag:s9] =	ssyncadd.s32 $0xFFFFF800  }
0xfe: {  	_ =	swait.ge [sflag:s9], $0x800  }
0xff: {  	[sflag:s9] =	ssyncset.done $0x0  }
0x100: {  	[sflag:s9] =	ssyncadd.s32 $0xFFFFF800  }
0x101: {  	[spmem:s3] =	stream.indirect.scatter.add.f32 [tilespmem:s29], [sflag:$0x1], $0x10, s25, s28, $0xb8;
	[tilespmem:$0x1D100] =	vst v63  }
0x102: {  	_ = 	snop  }
0x103: {  	[spmem:s3] =	stream.indirect.scatter.add.f32 [tilespmem:s31], [sflag:$0x1], $0x10, s14, s28, $0xb8;
	[tilespmem:$0x1D100] =	vst v63  }
0x104: {  	_ = 	snop  }
0x105: {  	[spmem:s3] =	stream.indirect.scatter.add.f32 [tilespmem:s1], [sflag:$0x1], $0x10, s15, s28, $0xb8;
	[tilespmem:$0x1D100] =	vst v63  }
0x106: {  	_ = 	snop  }
0x107: {  	[spmem:s3] =	stream.indirect.scatter.add.f32 [tilespmem:s8], [sflag:$0x1], $0x10, s16, s28, $0xb8;
	[tilespmem:$0x1D100] =	vst v63  }
0x108: {  	_ =	swait.ge [sflag:s9], $0x800  }
0x109: {  	[sflag:s9] =	ssyncset.done $0x0  }
0x10a: {  	[sflag:s9] =	ssyncadd.s32 $0xFFFFF800  }
0x10b: {  	_ =	swait.ge [sflag:s9], $0x800  }
0x10c: {  	p0 =	sne.s32 s19, $0xB80;
	[sflag:s9] =	ssyncset.done $0x0  }
.Ltmp1:
0x10d: {  	[sflag:s9] =	ssyncadd.s32 $0xFFFFF800;
	(pc) =	sbr.rel @p0 .LBB2_4-.Ltmp1, $4  }
0x10e: {  	_ =	swait.ge [sflag:s9], $0x800  }
0x10f: {  	[sflag:s9] =	ssyncset.done $0x0  }
0x110: {  	[sflag:s9] =	ssyncadd.s32 $0xFFFFF800  }
0x111: {  	s19 =	sadd.s32 $0x80, s19;
	_ =	swait.ge [sflag:s9], $0x800  }
0x112: {  	s6 =	rddreg [dreg:$0x4]  }
0x113: {  	s7 =	rddreg [dreg:$0x5];
	[sflag:s9] =	ssyncset.done $0x0;
	s6 =	sadd.s32 s18, s6  }
0x114: {  	[sflag:s9] =	ssyncadd.s32 $0xFFFFF800;
	s7 =	sadd.s32 s18, s7;
	s17 =	sadd.s32 $0x40, s6  }
0x115: {  	[tilespmem:s24], [sflag:$0x2] =	stream.linear.gather [hbm4b:s17+s4], $0x200, $0x38;
	[tilespmem:$0x1D100] =	vst v63  }
0x116: {  	s21 =	sadd.s32 $0x40, s7  }
0x117: {  	[tilespmem:s25], [sflag:$0x2] =	stream.linear.gather [hbm4b:s21+s4], $0x200, $0x38;
	[tilespmem:$0x1D100] =	vst v63  }
0x118: {  	_ =	swait.ge [sflag:s26], $0x200  }
0x119: {  	[sflag:s26] =	ssyncset.done $0x0  }
0x11a: {  	[sflag:s26] =	ssyncadd.s32 $0xFFFFFE00  }
0x11b: {  	_ =	swait.ge [sflag:s26], $0x200  }
0x11c: {  	[sflag:s26] =	ssyncset.done $0x0  }
0x11d: {  	[sflag:s26] =	ssyncadd.s32 $0xFFFFFE00  }
0x11e: {  	[tilespmem:s29], [sflag:$0x1] =	stream.indirect.gather [spmem:s2], $0x10, s22, s28, $0xb8;
	[tilespmem:$0x1D100] =	vst v63  }
0x11f: {  	_ = 	snop  }
0x120: {  	[tilespmem:s31], [sflag:$0x1] =	stream.indirect.gather [spmem:s2], $0x10, s30, s28, $0xb8;
	[tilespmem:$0x1D100] =	vst v63  }
0x121: {  	_ = 	snop  }
0x122: {  	[tilespmem:s1], [sflag:$0x1] =	stream.indirect.gather [spmem:s2], $0x10, s0, s28, $0xb8;
	[tilespmem:$0x1D100] =	vst v63  }
0x123: {  	_ = 	snop  }
0x124: {  	[tilespmem:s8], [sflag:$0x1] =	stream.indirect.gather [spmem:s2], $0x10, s5, s28, $0xb8;
	[tilespmem:$0x1D100] =	vst v63  }
0x125: {  	_ =	swait.ge [sflag:s9], $0x800  }
0x126: {  	[sflag:s9] =	ssyncset.done $0x0  }
0x127: {  	[sflag:s9] =	ssyncadd.s32 $0xFFFFF800  }
0x128: {  	_ =	swait.ge [sflag:s9], $0x800  }
0x129: {  	[sflag:s9] =	ssyncset.done $0x0  }
0x12a: {  	[sflag:s9] =	ssyncadd.s32 $0xFFFFF800  }
0x12b: {  	_ =	swait.ge [sflag:s9], $0x800  }
0x12c: {  	[sflag:s9] =	ssyncset.done $0x0  }
0x12d: {  	[sflag:s9] =	ssyncadd.s32 $0xFFFFF800  }
0x12e: {  	_ =	swait.ge [sflag:s9], $0x800  }
0x12f: {  	[sflag:s9] =	ssyncset.done $0x0  }
0x130: {  	[sflag:s9] =	ssyncadd.s32 $0xFFFFF800  }
0x131: {  	[spmem:s3] =	stream.indirect.scatter.add.f32 [tilespmem:s29], [sflag:$0x1], $0x10, s23, s28, $0xb8;
	[tilespmem:$0x1D100] =	vst v63  }
0x132: {  	_ = 	snop  }
0x133: {  	[spmem:s3] =	stream.indirect.scatter.add.f32 [tilespmem:s31], [sflag:$0x1], $0x10, s10, s28, $0xb8;
	[tilespmem:$0x1D100] =	vst v63  }
0x134: {  	_ = 	snop  }
0x135: {  	[spmem:s3] =	stream.indirect.scatter.add.f32 [tilespmem:s1], [sflag:$0x1], $0x10, s11, s28, $0xb8;
	[tilespmem:$0x1D100] =	vst v63  }
0x136: {  	_ = 	snop  }
0x137: {  	[spmem:s3] =	stream.indirect.scatter.add.f32 [tilespmem:s8], [sflag:$0x1], $0x10, s12, s28, $0xb8;
	[tilespmem:$0x1D100] =	vst v63  }
0x138: {  	_ =	swait.ge [sflag:s9], $0x800  }
0x139: {  	[sflag:s9] =	ssyncset.done $0x0  }
0x13a: {  	[sflag:s9] =	ssyncadd.s32 $0xFFFFF800  }
0x13b: {  	_ =	swait.ge [sflag:s9], $0x800  }
0x13c: {  	[sflag:s9] =	ssyncset.done $0x0  }
0x13d: {  	[sflag:s9] =	ssyncadd.s32 $0xFFFFF800  }
0x13e: {  	_ =	swait.ge [sflag:s9], $0x800  }
0x13f: {  	[sflag:s9] =	ssyncset.done $0x0  }
0x140: {  	[sflag:s9] =	ssyncadd.s32 $0xFFFFF800  }
0x141: {  	_ =	swait.ge [sflag:s9], $0x800  }
0x142: {  	[sflag:s9] =	ssyncset.done $0x0  }
0x143: {  	s6 =	sadd.s32 $0x80, s6;
	[sflag:s9] =	ssyncadd.s32 $0xFFFFF800  }
0x144: {  	[tilespmem:s22], [sflag:$0x2] =	stream.linear.gather [hbm4b:s6+s4], $0x200, $0x38;
	[tilespmem:$0x1D100] =	vst v63  }
0x145: {  	s18 =	sadd.s32 $0x80, s7  }
0x146: {  	[tilespmem:s23], [sflag:$0x2] =	stream.linear.gather [hbm4b:s18+s4], $0x200, $0x38;
	[tilespmem:$0x1D100] =	vst v63  }
0x147: {  	_ =	swait.ge [sflag:s26], $0x200  }
0x148: {  	[sflag:s26] =	ssyncset.done $0x0  }
0x149: {  	[sflag:s26] =	ssyncadd.s32 $0xFFFFFE00  }
0x14a: {  	_ =	swait.ge [sflag:s26], $0x200  }
0x14b: {  	[sflag:s26] =	ssyncset.done $0x0  }
0x14c: {  	[sflag:s26] =	ssyncadd.s32 $0xFFFFFE00  }
0x14d: {  	[tilespmem:s29], [sflag:$0x1] =	stream.indirect.gather [spmem:s2], $0x10, s24, s28, $0xb8;
	[tilespmem:$0x1D100] =	vst v63  }
0x14e: {  	s19 =	rddreg [dreg:$0x6]  }
0x14f: {  	[tilespmem:s31], [sflag:$0x1] =	stream.indirect.gather [spmem:s2], $0x10, s19, s28, $0xb8;
	[tilespmem:$0x1D100] =	vst v63  }
0x150: {  	s21 =	rddreg [dreg:$0x7]  }
0x151: {  	[tilespmem:s1], [sflag:$0x1] =	stream.indirect.gather [spmem:s2], $0x10, s21, s28, $0xb8;
	[tilespmem:$0x1D100] =	vst v63  }
0x152: {  	_ = 	snop  }
0x153: {  	[tilespmem:s8], [sflag:$0x1] =	stream.indirect.gather [spmem:s2], $0x10, s13, s28, $0xb8;
	[tilespmem:$0x1D100] =	vst v63  }
0x154: {  	_ =	swait.ge [sflag:s9], $0x800  }
0x155: {  	[sflag:s9] =	ssyncset.done $0x0  }
0x156: {  	[sflag:s9] =	ssyncadd.s32 $0xFFFFF800  }
0x157: {  	_ =	swait.ge [sflag:s9], $0x800  }
0x158: {  	[sflag:s9] =	ssyncset.done $0x0  }
0x159: {  	[sflag:s9] =	ssyncadd.s32 $0xFFFFF800  }
0x15a: {  	_ =	swait.ge [sflag:s9], $0x800  }
0x15b: {  	[sflag:s9] =	ssyncset.done $0x0  }
0x15c: {  	[sflag:s9] =	ssyncadd.s32 $0xFFFFF800  }
0x15d: {  	_ =	swait.ge [sflag:s9], $0x800  }
0x15e: {  	[sflag:s9] =	ssyncset.done $0x0  }
0x15f: {  	[sflag:s9] =	ssyncadd.s32 $0xFFFFF800  }
0x160: {  	[spmem:s3] =	stream.indirect.scatter.add.f32 [tilespmem:s29], [sflag:$0x1], $0x10, s25, s28, $0xb8;
	[tilespmem:$0x1D100] =	vst v63  }
0x161: {  	_ = 	snop  }
0x162: {  	[spmem:s3] =	stream.indirect.scatter.add.f32 [tilespmem:s31], [sflag:$0x1], $0x10, s14, s28, $0xb8;
	[tilespmem:$0x1D100] =	vst v63  }
0x163: {  	_ = 	snop  }
0x164: {  	[spmem:s3] =	stream.indirect.scatter.add.f32 [tilespmem:s1], [sflag:$0x1], $0x10, s15, s28, $0xb8;
	[tilespmem:$0x1D100] =	vst v63  }
0x165: {  	_ = 	snop  }
0x166: {  	[spmem:s3] =	stream.indirect.scatter.add.f32 [tilespmem:s8], [sflag:$0x1], $0x10, s16, s28, $0xb8;
	[tilespmem:$0x1D100] =	vst v63  }
0x167: {  	_ =	swait.ge [sflag:s9], $0x800  }
0x168: {  	[sflag:s9] =	ssyncset.done $0x0  }
0x169: {  	[sflag:s9] =	ssyncadd.s32 $0xFFFFF800  }
0x16a: {  	_ =	swait.ge [sflag:s9], $0x800  }
0x16b: {  	[sflag:s9] =	ssyncset.done $0x0  }
0x16c: {  	[sflag:s9] =	ssyncadd.s32 $0xFFFFF800  }
0x16d: {  	_ =	swait.ge [sflag:s9], $0x800  }
0x16e: {  	[sflag:s9] =	ssyncset.done $0x0  }
0x16f: {  	[sflag:s9] =	ssyncadd.s32 $0xFFFFF800  }
0x170: {  	_ =	swait.ge [sflag:s9], $0x800  }
0x171: {  	[sflag:s9] =	ssyncset.done $0x0  }
0x172: {  	[sflag:s9] =	ssyncadd.s32 $0xFFFFF800  }
0x173: {  	_ =	swait.ge [sflag:s26], $0x200  }
0x174: {  	[sflag:s26] =	ssyncset.done $0x0  }
0x175: {  	[sflag:s26] =	ssyncadd.s32 $0xFFFFFE00  }
0x176: {  	_ =	swait.ge [sflag:s26], $0x200  }
0x177: {  	[sflag:s26] =	ssyncset.done $0x0  }
0x178: {  	[sflag:s26] =	ssyncadd.s32 $0xFFFFFE00  }
0x179: {  	[tilespmem:s29], [sflag:$0x1] =	stream.indirect.gather [spmem:s2], $0x10, s22, s28, $0xb8;
	[tilespmem:$0x1D100] =	vst v63  }
0x17a: {  	_ = 	snop  }
0x17b: {  	[tilespmem:s31], [sflag:$0x1] =	stream.indirect.gather [spmem:s2], $0x10, s30, s28, $0xb8;
	[tilespmem:$0x1D100] =	vst v63  }
0x17c: {  	_ = 	snop  }
0x17d: {  	[tilespmem:s1], [sflag:$0x1] =	stream.indirect.gather [spmem:s2], $0x10, s0, s28, $0xb8;
	[tilespmem:$0x1D100] =	vst v63  }
0x17e: {  	_ = 	snop  }
0x17f: {  	[tilespmem:s8], [sflag:$0x1] =	stream.indirect.gather [spmem:s2], $0x10, s5, s28, $0xb8;
	[tilespmem:$0x1D100] =	vst v63  }
0x180: {  	_ =	swait.ge [sflag:s9], $0x800  }
0x181: {  	[sflag:s9] =	ssyncset.done $0x0  }
0x182: {  	[sflag:s9] =	ssyncadd.s32 $0xFFFFF800  }
0x183: {  	_ =	swait.ge [sflag:s9], $0x800  }
0x184: {  	[sflag:s9] =	ssyncset.done $0x0  }
0x185: {  	[sflag:s9] =	ssyncadd.s32 $0xFFFFF800  }
0x186: {  	_ =	swait.ge [sflag:s9], $0x800  }
0x187: {  	[sflag:s9] =	ssyncset.done $0x0  }
0x188: {  	[sflag:s9] =	ssyncadd.s32 $0xFFFFF800  }
0x189: {  	_ =	swait.ge [sflag:s9], $0x800  }
0x18a: {  	[sflag:s9] =	ssyncset.done $0x0  }
0x18b: {  	[sflag:s9] =	ssyncadd.s32 $0xFFFFF800  }
0x18c: {  	[spmem:s3] =	stream.indirect.scatter.add.f32 [tilespmem:s29], [sflag:$0x1], $0x10, s23, s28, $0xb8;
	[tilespmem:$0x1D100] =	vst v63  }
0x18d: {  	_ = 	snop  }
0x18e: {  	[spmem:s3] =	stream.indirect.scatter.add.f32 [tilespmem:s31], [sflag:$0x1], $0x10, s10, s28, $0xb8;
	[tilespmem:$0x1D100] =	vst v63  }
0x18f: {  	_ = 	snop  }
0x190: {  	[spmem:s3] =	stream.indirect.scatter.add.f32 [tilespmem:s1], [sflag:$0x1], $0x10, s11, s28, $0xb8;
	[tilespmem:$0x1D100] =	vst v63  }
0x191: {  	_ = 	snop  }
0x192: {  	[spmem:s3] =	stream.indirect.scatter.add.f32 [tilespmem:s8], [sflag:$0x1], $0x10, s12, s28, $0xb8;
	[tilespmem:$0x1D100] =	vst v63  }
0x193: {  	_ =	swait.ge [sflag:s9], $0x800  }
0x194: {  	[sflag:s9] =	ssyncset.done $0x0  }
0x195: {  	[sflag:s9] =	ssyncadd.s32 $0xFFFFF800  }
0x196: {  	_ =	swait.ge [sflag:s9], $0x800  }
0x197: {  	[sflag:s9] =	ssyncset.done $0x0  }
0x198: {  	[sflag:s9] =	ssyncadd.s32 $0xFFFFF800  }
0x199: {  	_ =	swait.ge [sflag:s9], $0x800  }
0x19a: {  	[sflag:s9] =	ssyncset.done $0x0  }
0x19b: {  	[sflag:s9] =	ssyncadd.s32 $0xFFFFF800  }
0x19c: {  	_ =	swait.ge [sflag:s9], $0x800  }
0x19d: {  	[sflag:s9] =	ssyncset.done $0x0  }
0x19e: {  	[sflag:s9] =	ssyncadd.s32 $0xFFFFF800  }
0x19f: {  	[bflag:$0x0] =	sbarrier.arrive $0xFFFF  }
0x1a0: {  	s18 =	rddreg [dreg:$0xa]  }
0x1a1: {  	s17 =	rddreg [dreg:$0x9]  }
0x1a2: {  	s19 =	simm.s32 $0x4;
	s21 =	rddreg [dreg:$0x14];
	s7 =	sshrl.u32 s18, $0x3  }
0x1a3: {  	[hbm:s21@s19], [sflag:s17] =	dma.strided [spmem:s7@s26], $0x1900, s9, $0x2   }
0x1a4: {  	_ =	swait.ge [sflag:s20], $0x1900  }
0x1a5: {  	s19 =	rddreg [dreg:$0x17]  }
0x1a6: {  	s21 =	rddreg [dreg:$0x15];
	s7 =	sadd.s32 $0x1, s19  }
0x1a7: {  	p0 =	sne.s32 s7, s21  }
.Ltmp2:
0x1a8: {  	_ = 	snop;
	(pc) =	sbr.rel @p0 .LBB2_1-.Ltmp2, $3  }
0x1a9: {  	_ =	sdelay $0x1  }
0x1aa: {  	[sflag:s20] =	ssyncset.done $0x0  }
0x1ab: {  	[sflag:s20] =	ssyncadd.s32 $0xFFFFE700  }
0x1ac: {  	_ =	sfence.sel $0x180000  }
0x1ad: {  	[bflag:$0x0] =	sbarrier.arrive $0xFFFF  }
0x1ae: {  	_ =	strace $0x9000004A  }
0x1af: {  	s0 =	stileid.u32;
	[bflag:$0x2] =	sbarrier.arrive $0xFFFF  }
0x1b0: {  	p0 =	sne.s32 s0, $0x0;
	s0 =	rddreg [dreg:$0x3]  }
0x1b1: {  	s0 =	sadd.s32 @!p0 $0x100000, s0  }
0x1b2: {  	[sflag:s0] =	ssyncadd.tile.s32 @!p0 $0x1;
	_ =	shalt  }
.Lfunc_end2:
_tile_overlayer_lowered:
.L_overlay_start_2:
0x1b3: {  	(tag) =	ssettag $0x2  }
0x1b4: {  	s0 =	rddreg [dreg:$0x0];
	s2 =	stileid.u32  }
0x1b5: {  	s1 =	rddreg [dreg:$0x1];
	p0 =	sne.s32 s2, $0x0  }
0x1b6: {  	s3 =	rddreg [dreg:$0x2];
	[bflag:$0x3] =	sbarrier.arrive $0xFFFF;
	s2 =	simm.s32 @!p0 $0x1C03  }
0x1b7: {  	[timem:s3], [sflag:s2] =	dma.local @!p0 [hbm:s0], s1  }
0x1b8: {  	s0 =	simm.s32 @!p0 $0x3  }
0x1b9: {  	_ =	swait.ge @!p0 [sflag:s0], s1  }
0x1ba: {  	s1 =	ssub.s32 @!p0 $0x0, s1;
	[sflag:s0] =	ssyncset.done @!p0 $0x0  }
0x1bb: {  	[sflag:s0] =	ssyncadd.s32 @!p0 s1  }
0x1bc: {  	[bflag:$0x3] =	sbarrier.arrive $0xFFFF  }
0x1bd: {  	_ =	shalt  }

// kernel: kernel.7.cloned.1.call-start
scs
__scs_entry_jumppad:
0x0: {  	(pc) =	sbr.rel $0x88, $3  }
0x1: {  	(tag) =	ssettag $0x0;
	lr =	simm.s32 $0x1  }
0x2: {  	[smem:$0x3F99] =	sst lr;
	_ =	strace $0xD0000000  }
0x3: {  	_ = 	snop  }
0x4: {  	_ = 	snop  }
0x5: {  	_ = 	snop  }
0x6: {  	_ = 	snop  }
0x7: {  	_ = 	snop  }
__scs_overlays_trampoline_lowered:
0x8: {  	[smem:$0x3FA8] =	sst s0  }
0x9: {  	[smem:$0x3FA9] =	sst s1  }
0xa: {  	[smem:$0x3FAA] =	sst s2  }
0xb: {  	[smem:$0x3FAB] =	sst s3  }
0xc: {  	[smem:$0x3FAC] =	sst s4  }
0xd: {  	[smem:$0x3FAD] =	sst s5  }
0xe: {  	[smem:$0x3FAE] =	sst s6  }
0xf: {  	[smem:$0x3FAF] =	sst s7  }
0x10: {  	[smem:$0x3FB0] =	sst s8  }
0x11: {  	[smem:$0x3FB1] =	sst s9;
	s0 =	simm.s32 @!p0 $0x0  }
0x12: {  	s1 =	sld [smem:$0x3F97];
	s0 =	simm.s32 @p0 $0x1  }
0x13: {  	[smem:$0x3FB2] =	sst s0;
	s0 =	simm.s32 @!p1 $0x0  }
0x14: {  	s2 =	sld [smem:$0x3F96];
	s0 =	simm.s32 @p1 $0x1  }
0x15: {  	[smem:$0x3FB3] =	sst s0;
	s0 =	simm.s32 @!p2 $0x0  }
0x16: {  	s3 =	sld [smem:$0x3FDB];
	s0 =	simm.s32 @p2 $0x1  }
0x17: {  	s4 =	simm.s32 $0x1BF5;
	[smem:$0x3FB5] =	sst s0  }
0x18: {  	s0 =	sld [smem:$0x3F98];
	_ =	swait.ge [sflag:s4], $0x0  }
0x19: {  	s7 =	sld [smem:$0x3F99]  }
0x1a: {  	s8 =	sadd.s32 $0xFFFFE003, lr  }
0x1b: {  	s9 =	sadd.s32 $0xFFFFFEF7, lr;
	s5 =	simm.s32 $0xFFFFFFFF;
	p2 =	slt.u32 s8, $0xFFFFF086  }
0x1c: {  	p1 =	slt.u32 s9, $0xF7A;
	s5 =	simm.s32 @!p2 $0x0  }
0x1d: {  	s5 =	simm.s32 @p1 $0x1;
	p0 =	seq.s32 s7, s2  }
0x1e: {  	s7 =	smul.u32 @!p0 $0xF7A, s2;
	p2 =	seq.s32 @!p0 s5, $0x0  }
0x1f: {  	s9 =	smul.u32 $0xF7A, s1;
	s8 =	simm.s32 @!p0 $0x1BF5;
	p2 =	por !p2, p0  }
0x20: {  	[sflag:s8] =	ssyncset.s32 @!p0 $0xFFFFF086;
	s6 =	sadd.s32 @!p0 s3, s7;
	s7 =	simm.s32 @!p0 $0x108  }
0x21: {  	s3 =	sadd.s32 s3, s9;
	s6 =	sadd.s32 @!p0 $0x88, s6;
	s7 =	simm.s32 @p2 $0x1082  }
0x22: {  	[simem:s7], [sflag:s8] =	dma.local @!p0 [hbm:s6], $0xF7A  }
0x23: {  	s9 =	sor.u32 $0xD0000000, s2;
	s6 =	simm.s32 $0x108;
	_ =	swait.ge @!p0 [sflag:s8], $0x0  }
0x24: {  	s3 =	sadd.s32 $0x88, s3;
	s6 =	simm.s32 @!p1 $0x1082;
	[sflag:s4] =	ssyncset.s32 $0xFFFFF086  }
0x25: {  	[simem:s6], [sflag:s4] =	dma.local [hbm:s3], $0xF7A  }
0x26: {  	[smem:$0x3F99] =	sst s1;
	(tag) =	ssettag s2;
	_ =	strace s9  }
0x27: {  	s1 =	sld [smem:$0x3FA9]  }
0x28: {  	s2 =	sld [smem:$0x3FAA]  }
0x29: {  	s4 =	sld [smem:$0x3FAC]  }
0x2a: {  	p0 =	seq.s32 s5, $0x0;
	s5 =	sld [smem:$0x3FAD]  }
0x2b: {  	s6 =	sld [smem:$0x3FAE]  }
0x2c: {  	s7 =	sld [smem:$0x3FAF]  }
0x2d: {  	s3 =	simm.s32 $0x108;
	s8 =	sld [smem:$0x3FB0]  }
0x2e: {  	s3 =	simm.s32 @!p0 $0x1082;
	s9 =	sld [smem:$0x3FB1]  }
0x2f: {  	lr =	sadd.s32 s0, s3;
	s0 =	sld [smem:$0x3FA8]  }
0x30: {  	s3 =	sld [smem:$0x3FAB]  }
0x31: {  	[smem:$0x3FB4] =	sst s10  }
0x32: {  	s10 =	sld [smem:$0x3FB2];
	_ =	sdelay $0x3  }
0x33: {  	p0 =	seq.s32 s10, $0x1;
	s10 =	sld [smem:$0x3FB4];
	_ =	sdelay $0x3  }
0x34: {  	[smem:$0x3FB4] =	sst s10  }
0x35: {  	s10 =	sld [smem:$0x3FB3];
	_ =	sdelay $0x3  }
0x36: {  	p1 =	seq.s32 s10, $0x1;
	s10 =	sld [smem:$0x3FB4];
	_ =	sdelay $0x3  }
0x37: {  	[smem:$0x3FB4] =	sst s10  }
0x38: {  	s10 =	sld [smem:$0x3FB5]  }
0x39: {  	_ = 	snop;
	(pc) =	sbr.ind lr, $3  }
0x3a: {  	_ = 	snop  }
0x3b: {  	_ = 	snop  }
0x3c: {  	p2 =	seq.s32 s10, $0x1;
	s10 =	sld [smem:$0x3FB4]  }
0x3d: {  	_ =	shalt  }
0x3e: {  	_ =	shalt  }
0x3f: {  	_ =	shalt  }
0x40: {  	_ =	shalt  }
0x41: {  	_ =	shalt  }
0x42: {  	_ =	shalt  }
0x43: {  	_ =	shalt  }
0x44: {  	_ =	shalt  }
0x45: {  	_ =	shalt  }
0x46: {  	_ =	shalt  }
0x47: {  	_ =	shalt  }
0x48: {  	_ =	shalt  }
0x49: {  	_ =	shalt  }
0x4a: {  	_ =	shalt  }
0x4b: {  	_ =	shalt  }
0x4c: {  	_ =	shalt  }
0x4d: {  	_ =	shalt  }
0x4e: {  	_ =	shalt  }
0x4f: {  	_ =	shalt  }
0x50: {  	_ =	shalt  }
0x51: {  	_ =	shalt  }
0x52: {  	_ =	shalt  }
0x53: {  	_ =	shalt  }
0x54: {  	_ =	shalt  }
0x55: {  	_ =	shalt  }
0x56: {  	_ =	shalt  }
0x57: {  	_ =	shalt  }
0x58: {  	_ =	shalt  }
0x59: {  	_ =	shalt  }
0x5a: {  	_ =	shalt  }
0x5b: {  	_ =	shalt  }
0x5c: {  	_ =	shalt  }
0x5d: {  	_ =	shalt  }
0x5e: {  	_ =	shalt  }
0x5f: {  	_ =	shalt  }
0x60: {  	_ =	shalt  }
0x61: {  	_ =	shalt  }
0x62: {  	_ =	shalt  }
0x63: {  	_ =	shalt  }
0x64: {  	_ =	shalt  }
0x65: {  	_ =	shalt  }
0x66: {  	_ =	shalt  }
0x67: {  	_ =	shalt  }
0x68: {  	_ =	shalt  }
0x69: {  	_ =	shalt  }
0x6a: {  	_ =	shalt  }
0x6b: {  	_ =	shalt  }
0x6c: {  	_ =	shalt  }
0x6d: {  	_ =	shalt  }
0x6e: {  	_ =	shalt  }
0x6f: {  	_ =	shalt  }
0x70: {  	_ =	shalt  }
0x71: {  	_ =	shalt  }
0x72: {  	_ =	shalt  }
0x73: {  	_ =	shalt  }
0x74: {  	_ =	shalt  }
0x75: {  	_ =	shalt  }
0x76: {  	_ =	shalt  }
0x77: {  	_ =	shalt  }
0x78: {  	_ =	shalt  }
0x79: {  	_ =	shalt  }
0x7a: {  	_ =	shalt  }
0x7b: {  	_ =	shalt  }
0x7c: {  	_ =	shalt  }
0x7d: {  	_ =	shalt  }
0x7e: {  	_ =	shalt  }
0x7f: {  	_ =	shalt  }
0x80: {  	_ =	shalt  }
0x81: {  	_ =	shalt  }
0x82: {  	_ =	shalt  }
0x83: {  	_ =	shalt  }
0x84: {  	_ =	shalt  }
0x85: {  	_ =	shalt  }
0x86: {  	_ =	shalt  }
0x87: {  	_ =	shalt  }
.Lfunc_end0:
.L_simem_size_0:
called_computation_lowered:
.L_overlay_start_0:
0x88: {  	s2 =	sld [smem:$0x3FD9]  }
0x89: {  	s3 =	sld [smem:$0x3FFE];
	_ =	sdelay $0x1  }
0x8a: {  	s1 =	srdreg.scid  }
0x8b: {  	s0 =	sand.u32 $0x1, s1  }
0x8c: {  	s17 =	sshll.u32 s0, $0xA;
	s2 =	sadd.s32 s3, s2  }
0x8d: {  	s2 =	sadd.s32 s2, s17  }
0x8e: {  	[smem:$0x3FC0] =	sst s2  }
0x8f: {  	_ = 	snop  }
0x90: {  	s2 =	sld [smem:$0x3FD0];
	(tm) =	ssettm $0x1  }
0x91: {  	s18 =	sld [smem:$0x3FFB];
	_ =	sdelay $0x3  }
0x92: {  	_ =	strace s18  }
0x93: {  	s3 =	sld [smem:$0x3FFC];
	_ =	sdelay $0x3  }
0x94: {  	_ =	strace s3  }
0x95: {  	s3 =	sld [smem:$0x3FFD];
	_ =	sdelay $0x3  }
0x96: {  	_ =	strace s3  }
0x97: {  	_ =	strace $0x8FFFFFFF  }
0x98: {  	s19 =	sld [smem:$0x3FDB];
	_ =	sdelay $0x1  }
0x99: {  	s4 =	simm.s32 $_scs_section_size  }
0x9a: {  	s5 =	simm.s32 $_size__tile_overlayer_lowered;
	s6 =	simm.s32 $_tile_overlayer_lowered  }
0x9b: {  	s22 =	simm.s32 $0x1BFF;
	s21 =	sshll.u32 s6, $0x1;
	s3 =	sadd.s32 s4, s19  }
0x9c: {  	s7 =	simm.s32 $0x0;
	s20 =	sshll.u32 s5, $0x1;
	s5 =	sadd.s32 s21, s3  }
0x9d: {  	[timem:s7], [sflag:s22] =	dma.local [hbm:s5], s20  }
0x9e: {  	_ =	swait.ge [sflag:s22], s20  }
0x9f: {  	s4 =	ssub.s32 $0x0, s20;
	[sflag:s22] =	ssyncset.done $0x0  }
0xa0: {  	[sflag:s22] =	ssyncadd.s32 s4;
	_ =	sdelay $0x1  }
0xa1: {  	s23 =	simm.s32 $0x1B8B  }
0xa2: {  	_ =	swait.ge [sflag:s23], $0x1  }
0xa3: {  	[sflag:s23] =	ssyncset.done $0x0  }
0xa4: {  	s25 =	simm.s32 $0x1B8E;
	s24 =	sld [smem:$0x3FFE];
	[sflag:s23] =	ssyncadd.s32 $0xFFFFFFFF  }
0xa5: {  	s26 =	simm.s32 $execute0_lowered;
	[smem:$0x3FD2] =	sst s25  }
0xa6: {  	s5 =	sshll.u32 s26, $0x1;
	_ =	strace $0x80000046;
	[dreg:$0x1] =	wrdreg $0xFFFFFFFF  }
0xa7: {  	s28 =	simm.s32 $_size_execute0_lowered;
	s3 =	sadd.s32 s3, s5;
	[dreg:$0x0] =	wrdreg $0x0  }
0xa8: {  	s5 =	sshll.u32 s28, $0x1;
	[dreg:$0x2] =	wrdreg s3  }
0xa9: {  	[dreg:$0x3] =	wrdreg s5  }
0xaa: {  	[dreg:$0x4] =	wrdreg $0xC0  }
0xab: {  	_ =	task [dreg:s7], $0x5FFFF  }
0xac: {  	[dreg:$0x1] =	wrdreg $0xFFFFFFFF  }
0xad: {  	[dreg:$0x0] =	wrdreg $0x60  }
0xae: {  	[dreg:$0x2] =	wrdreg s24  }
0xaf: {  	[dreg:$0x3] =	wrdreg s2  }
0xb0: {  	[dreg:$0x4] =	wrdreg $0x190000  }
0xb1: {  	[dreg:$0x5] =	wrdreg $0x0  }
0xb2: {  	[dreg:$0x6] =	wrdreg $0xC8000  }
0xb3: {  	[dreg:$0x7] =	wrdreg $0x9  }
0xb4: {  	_ =	task.clear_ibuf [dreg:s7], $0x8FFFF;
	_ =	strace $0x90000046  }
0xb5: {  	s29 =	simm.s32 $0x9;
	_ =	strace $0x80000048  }
0xb6: {  	_ =	swait.ge [sflag:s29], $0x1  }
0xb7: {  	[sflag:s29] =	ssyncadd.s32 $0xFFFFFFFF  }
0xb8: {  	_ =	strace $0x90000048  }
0xb9: {  	_ =	sfence  }
0xba: {  	s30 =	sld [smem:$0x0];
	_ =	sdelay $0x2  }
0xbb: {  	s31 =	sshll.u32 s1, $0xD;
	s1 =	sshrl.u32 s1, $0x2  }
0xbc: {  	s3 =	sand.u32 $0x4000, s31;
	s1 =	sadd.s32 s1, s30  }
0xbd: {  	s0 =	sor.u32 s3, s0;
	s1 =	sshll.u32 s1, $0x11  }
0xbe: {  	s0 =	sor.u32 s1, s0  }
0xbf: {  	s0 =	sadd.s32 $0x8F2B, s0  }
0xc0: {  	[sflag:s0] =	ssyncadd.remote.s32 $0x1  }
0xc1: {  	_ =	sfence.sel $0xFFFF  }
0xc2: {  	[dreg:$0x0] =	wrdreg $0xFFFFFFFF;
	(pc) =	sbr.abs _section_cstart, $3  }
0xc3: {  	[dreg:$0x1] =	wrdreg $0xFFFFFFFF  }
0xc4: {  	_ =	task.clear_ibuf [dreg:s7], $0x2FFFF;
	_ =	strace $0x9FFFFFFF  }
0xc5: {  	(tm) =	ssettm $0x7FFFFFFF  }
tec
execute0_lowered:
.L_overlay_start_1:
0x0: {  	(tag) =	ssettag $0x1  }
0x1: {  	s0 =	rddreg [dreg:$0x0]  }
0x2: {  	s4 =	rddreg [dreg:$0x1]  }
0x3: {  	s1 =	rddreg [dreg:$0x2]  }
0x4: {  	s2 =	rddreg [dreg:$0x3]  }
0x5: {  	s3 =	rddreg [dreg:$0x4];
	s17 =	stileid.u32  }
0x6: {  	s5 =	simm.s32 $0x0;
	s6 =	srdreg.scid;
	s10 =	smul.u32 $0xC80, s17  }
0x7: {  	s28 =	simm.s32 $0x1C800;
	s29 =	simm.s32 $0x80;
	s12 =	smul.u32 $0xC800, s17  }
0x8: {  	[smem:$0x7FF] =	sst s5;
	s8 =	sadd.s32 $0x1200, s0;
	s14 =	smul.u32 $0x32000, s17  }
0x9: {  	s9 =	sand.u32 $0x1, s6;
	s6 =	sadd.s32 $0x65200, s0;
	s21 =	smul.u32 $0xC4, s17  }
0xa: {  	s7 =	sadd.s32 $0x7DA00, s0;
	s0 =	sadd.s32 $0x96200, s0;
	s20 =	smul.u32 $0xC40, s9  }
0xb: {  	_ =	strace $0x80000047;
	s11 =	ssub.s32 $0x2, s9;
	s23 =	smul.u32 $0xC800, s9  }
0xc: {  	s18 =	sshll.u32 s9, $0x5;
	s9 =	smul.u32 $0xC400, s9;
	s15 =	sadd.s32 s10, s1  }
0xd: {  	s13 =	sshrl.u32 s11, $0x1;
	s19 =	sadd.s32 s12, s2;
	[dreg:$0x6] =	wrdreg s15  }
0xe: {  	s12 =	sadd.s32 s12, s3;
	s11 =	ssub.s32 s11, s13;
	[dreg:$0x7] =	wrdreg s19  }
0xf: {  	s13 =	sor.u32 s18, s14;
	s14 =	sshrl.u32 s14, $0x2;
	[dreg:$0x9] =	wrdreg s12  }
0x10: {  	s15 =	sadd.s32 s21, s20;
	s10 =	sadd.s32 s10, s23;
	s13 =	sshrl.u32 s13, $0x3  }
0x11: {  	s12 =	simm.s32 $0x0;
	s14 =	sadd.s32 s14, s3;
	s16 =	sadd.s32 s8, s13  }
0x12: {  	s10 =	sshrl.u32 s10, $0x3;
	s22 =	sadd.s32 $0x1900, s14;
	[dreg:$0x8] =	wrdreg s16  }
0x13: {  	s23 =	sshll.u32 s15, $0x4;
	s18 =	sadd.s32 $0x3200, s14;
	[dreg:$0xa] =	wrdreg s22  }
0x14: {  	s15 =	simm.s32 $0x1DA00;
	s24 =	sadd.s32 $0x4B00, s14;
	[dreg:$0xb] =	wrdreg s18  }
0x15: {  	s25 =	sadd.s32 $0x6400, s14;
	s26 =	sadd.s32 s0, s13;
	[dreg:$0xc] =	wrdreg s24  }
0x16: {  	s4 =	sadd.s32 s4, s10;
	s10 =	smul.u32 $0xC40, s17;
	[dreg:$0xd] =	wrdreg s25  }
0x17: {  	s31 =	sor.u32 $0x2, s13;
	s13 =	smul.u32 $0x1880, s17;
	[dreg:$0xe] =	wrdreg s26  }
0x18: {  	s30 =	sadd.s32 $0x7D00, s14;
	s19 =	sadd.s32 $0xAF00, s14;
	[dreg:$0xf] =	wrdreg s4  }
0x19: {  	s17 =	smul.u32 $0xC400, s17;
	s8 =	sadd.s32 s8, s31;
	[dreg:$0x15] =	wrdreg s19  }
0x1a: {  	s0 =	sadd.s32 s0, s31;
	s16 =	sadd.s32 s9, s7;
	[dreg:$0x13] =	wrdreg s30  }
0x1b: {  	s18 =	sadd.s32 $0x9600, s14;
	s24 =	smax.u32 s11, $0x1;
	[dreg:$0x10] =	wrdreg s8  }
0x1c: {  	s4 =	simm.s32 $0x1;
	s9 =	simm.s32 $0x2;
	[dreg:$0x11] =	wrdreg s0  }
0x1d: {  	s19 =	simm.s32 $0x1C600;
	s21 =	sadd.s32 s10, s16;
	[dreg:$0x14] =	wrdreg s18  }
0x1e: {  	s20 =	sadd.s32 s6, s13;
	s22 =	sadd.s32 s7, s13;
	s26 =	sadd.s32 $0x400, s17  }
0x1f: {  	s0 =	sadd.s32 s7, s23;
	[dreg:$0x19] =	wrdreg s24;
	s17 =	simm.s32 $0x1C200  }
0x20: {  	s18 =	simm.s32 $0x1C400;
	s8 =	simm.s32 $0x1CA00;
	[dreg:$0x18] =	wrdreg s0  }
0x21: {  	s13 =	simm.s32 $0x1D200;
	s23 =	simm.s32 $0x1C300;
	[dreg:$0x16] =	wrdreg s20  }
0x22: {  	s10 =	simm.s32 $0x1C380;
	s16 =	simm.s32 $0x1C780;
	[dreg:$0x17] =	wrdreg s22  }
0x23: {  	s25 =	sadd.s32 $0x40, s20;
	s31 =	sadd.s32 $0x40, s22;
	[dreg:$0x12] =	wrdreg s21  }
0x24: {  	s22 =	simm.s32 $0x1E200;
	s0 =	simm.s32 $0x1C700;
	[dreg:$0x1a] =	wrdreg s25  }
0x25: {  	v0 =	vimm.f32 $1.000000000e+00;
	v1 =	vimm.f32 $0.0e+00;
	s20 =	simm.s32 $0x1EA00;
	[dreg:$0x1b] =	wrdreg s31;
	s25 =	simm.s32 $0x1C680  }
.LBB2_1:
0x26: {  	[tilespmem:$0x1EA00] =	vst v0  }
0x27: {  	[tilespmem:$0x1EA10] =	vst v0  }
0x28: {  	[tilespmem:$0x1EA20] =	vst v0  }
0x29: {  	[tilespmem:$0x1EA30] =	vst v0  }
0x2a: {  	[tilespmem:$0x1EA40] =	vst v0  }
0x2b: {  	[tilespmem:$0x1EA50] =	vst v0  }
0x2c: {  	[tilespmem:$0x1EA60] =	vst v0  }
0x2d: {  	[dreg:$0x1c] =	wrdreg s12;
	[tilespmem:$0x1EA70] =	vst v0;
	s12 =	simm.s32 $0x0  }
.LBB2_2:
0x2e: {  	p0 =	sne.s32 s12, $0x63C0  }
.Ltmp0:
0x2f: {  	_ = 	snop;
	(pc) =	sbr.rel @p0 .LBB2_2-.Ltmp0, $3  }
0x30: {  	_ =	sdelay $0x1  }
0x31: {  	s14 =	sshra.s32 s12, $0x2  }
0x32: {  	s12 =	sadd.s32 $0x40, s12;
	[tilespmem:s14+$0x19C80] =	vst v1  }
0x33: {  	s12 =	simm.s32 $0x40;
	s14 =	simm.s32 $0x0  }
.LBB2_4:
0x34: {  	p0 =	sne.s32 s12, $0x31C0;
	[tilespmem:s14+$0x1B580] =	vst v1;
	s14 =	smov.u32 s12;
	s12 =	sadd.s32 $0x40, s12  }
.Ltmp1:
0x35: {  	(pc) =	sbr.rel @p0 .LBB2_4-.Ltmp1, $2  }
0x36: {  	_ =	sdelay $0x2  }
0x37: {  	s14 =	sshra.s32 s14, $0x2  }
0x38: {  	[tilespmem:s14+$0x1B580] =	vst v1;
	s11 =	rddreg [dreg:$0x6];
	s12 =	simm.s32 $0x1B580;
	s14 =	simm.s32 $0x3  }
0x39: {  	[spmem:s11] =	stream.linear.scatter [tilespmem:s12], [sflag:$0x3], $0xC80, $0x38;
	[tilespmem:$0x1EA80] =	vst v63  }
0x3a: {  	s24 =	stileid.u32;
	_ =	swait.ge [sflag:s14], $0xC80  }
0x3b: {  	s11 =	sshll.u32 s24, $0x6;
	s12 =	rddreg [dreg:$0x7]  }
0x3c: {  	s21 =	sor.u32 $0x1C03, s11;
	s11 =	rddreg [dreg:$0x8]  }
0x3d: {  	[sflag:s14] =	ssyncset.done $0x0;
	[dreg:$0x1d] =	wrdreg s21;
	s24 =	sshrl.u32 s12, $0x3  }
0x3e: {  	[sflag:s14] =	ssyncadd.s32 $0xFFFFF380;
	s12 =	simm.s32 $0x8;
	[dreg:$0x1e] =	wrdreg s24  }
0x3f: {  	[spmem:s24@s9], [sflag:s21] =	dma.strided [hbm:s11@s12], $0x1900, s4, $0x2   }
0x40: {  	_ =	swait.ge [sflag:s14], $0x1900  }
0x41: {  	[sflag:s14] =	ssyncset.done $0x0  }
0x42: {  	s12 =	simm.s32 $0x19C80;
	s24 =	rddreg [dreg:$0x9];
	[sflag:s14] =	ssyncadd.s32 $0xFFFFE700  }
0x43: {  	[spmem:s24] =	stream.linear.scatter [tilespmem:s12], [sflag:$0x3], $0x1900, $0x38;
	[tilespmem:$0x1EA80] =	vst v63  }
0x44: {  	_ =	swait.ge [sflag:s14], $0x1900  }
0x45: {  	[sflag:s14] =	ssyncset.done $0x0  }
0x46: {  	s21 =	rddreg [dreg:$0xa];
	[sflag:s14] =	ssyncadd.s32 $0xFFFFE700  }
0x47: {  	[spmem:s21] =	stream.linear.scatter [tilespmem:s12], [sflag:$0x3], $0x1900, $0x38;
	[tilespmem:$0x1EA80] =	vst v63  }
0x48: {  	_ =	swait.ge [sflag:s14], $0x1900  }
0x49: {  	[sflag:s14] =	ssyncset.done $0x0  }
0x4a: {  	s24 =	rddreg [dreg:$0xb];
	[sflag:s14] =	ssyncadd.s32 $0xFFFFE700  }
0x4b: {  	[spmem:s24] =	stream.linear.scatter [tilespmem:s12], [sflag:$0x3], $0x1900, $0x38;
	[tilespmem:$0x1EA80] =	vst v63  }
0x4c: {  	_ =	swait.ge [sflag:s14], $0x1900  }
0x4d: {  	[sflag:s14] =	ssyncset.done $0x0  }
0x4e: {  	s21 =	rddreg [dreg:$0xc];
	[sflag:s14] =	ssyncadd.s32 $0xFFFFE700  }
0x4f: {  	[spmem:s21] =	stream.linear.scatter [tilespmem:s12], [sflag:$0x3], $0x1900, $0x38;
	[tilespmem:$0x1EA80] =	vst v63  }
0x50: {  	_ =	swait.ge [sflag:s14], $0x1900  }
0x51: {  	[sflag:s14] =	ssyncset.done $0x0  }
0x52: {  	s24 =	rddreg [dreg:$0xd];
	[sflag:s14] =	ssyncadd.s32 $0xFFFFE700  }
0x53: {  	[spmem:s24] =	stream.linear.scatter [tilespmem:s12], [sflag:$0x3], $0x1900, $0x38;
	[tilespmem:$0x1EA80] =	vst v63  }
0x54: {  	_ =	swait.ge [sflag:s14], $0x1900  }
0x55: {  	[sflag:s14] =	ssyncset.done $0x0  }
0x56: {  	[sflag:s14] =	ssyncadd.s32 $0xFFFFE700  }
0x57: {  	[spmem:s30] =	stream.linear.scatter [tilespmem:s12], [sflag:$0x3], $0x1900, $0x38;
	[tilespmem:$0x1EA80] =	vst v63  }
0x58: {  	_ =	swait.ge [sflag:s14], $0x1900  }
0x59: {  	[sflag:s14] =	ssyncset.done $0x0  }
0x5a: {  	s21 =	rddreg [dreg:$0x14];
	[sflag:s14] =	ssyncadd.s32 $0xFFFFE700  }
0x5b: {  	[spmem:s21] =	stream.linear.scatter [tilespmem:s12], [sflag:$0x3], $0x1900, $0x38;
	[tilespmem:$0x1EA80] =	vst v63  }
0x5c: {  	_ =	swait.ge [sflag:s14], $0x1900  }
0x5d: {  	[sflag:s14] =	ssyncset.done $0x0  }
0x5e: {  	s24 =	rddreg [dreg:$0x15];
	[sflag:s14] =	ssyncadd.s32 $0xFFFFE700  }
0x5f: {  	[spmem:s24] =	stream.linear.scatter [tilespmem:s12], [sflag:$0x3], $0x1900, $0x38;
	[tilespmem:$0x1EA80] =	vst v63  }
0x60: {  	_ =	swait.ge [sflag:s14], $0x1900  }
0x61: {  	[sflag:s14] =	ssyncset.done $0x0  }
0x62: {  	[sflag:s14] =	ssyncadd.s32 $0xFFFFE700  }
0x63: {  	[bflag:$0x0] =	sbarrier.arrive $0xFFFF  }
0x64: {  	s12 =	simm.s32 $0x0;
	s14 =	rddreg [dreg:$0x16]  }
0x65: {  	[tilespmem:s17], [sflag:$0x2] =	stream.linear.gather [hbm4b:s14+s12], $0x200, $0x38;
	[tilespmem:$0x1EA80] =	vst v63  }
0x66: {  	s21 =	rddreg [dreg:$0x17]  }
0x67: {  	[tilespmem:s18], [sflag:$0x2] =	stream.linear.gather [hbm4b:s21+s12], $0x200, $0x38;
	[tilespmem:$0x1EA80] =	vst v63  }
0x68: {  	s11 =	rddreg [dreg:$0x1a]  }
0x69: {  	[tilespmem:s19], [sflag:$0x2] =	stream.linear.gather [hbm4b:s11+s5], $0x200, $0x38;
	[tilespmem:$0x1EA80] =	vst v63  }
0x6a: {  	s21 =	rddreg [dreg:$0x1b]  }
0x6b: {  	[tilespmem:s28], [sflag:$0x2] =	stream.linear.gather [hbm4b:s21+s5], $0x200, $0x38;
	[tilespmem:$0x1EA80] =	vst v63  }
0x6c: {  	_ =	swait.ge [sflag:s9], $0x200  }
0x6d: {  	[sflag:s9] =	ssyncset.done $0x0  }
0x6e: {  	[sflag:s9] =	ssyncadd.s32 $0xFFFFFE00  }
0x6f: {  	_ =	swait.ge [sflag:s9], $0x200  }
0x70: {  	[sflag:s9] =	ssyncset.done $0x0  }
0x71: {  	[sflag:s9] =	ssyncadd.s32 $0xFFFFFE00  }
0x72: {  	[tilespmem:s8], [sflag:$0x1] =	stream.indirect.gather [spmem:s2], $0x10, s17, s29, $0xb8;
	[tilespmem:$0x1EA80] =	vst v63  }
0x73: {  	s24 =	simm.s32 $0x1C280  }
0x74: {  	[tilespmem:s13], [sflag:$0x1] =	stream.indirect.gather [spmem:s2], $0x10, s24, s29, $0xb8;
	[tilespmem:$0x1EA80] =	vst v63  }
0x75: {  	_ = 	snop  }
0x76: {  	[tilespmem:s15], [sflag:$0x1] =	stream.indirect.gather [spmem:s2], $0x10, s23, s29, $0xb8;
	[tilespmem:$0x1EA80] =	vst v63  }
0x77: {  	_ = 	snop  }
0x78: {  	[tilespmem:s22], [sflag:$0x1] =	stream.indirect.gather [spmem:s2], $0x10, s10, s29, $0xb8;
	[tilespmem:$0x1EA80] =	vst v63  }
0x79: {  	_ =	swait.ge [sflag:s4], $0x800  }
0x7a: {  	[sflag:s4] =	ssyncset.done $0x0  }
0x7b: {  	[sflag:s4] =	ssyncadd.s32 $0xFFFFF800  }
0x7c: {  	_ =	swait.ge [sflag:s4], $0x800  }
0x7d: {  	[sflag:s4] =	ssyncset.done $0x0  }
0x7e: {  	[sflag:s4] =	ssyncadd.s32 $0xFFFFF800  }
0x7f: {  	_ =	swait.ge [sflag:s4], $0x800  }
0x80: {  	[sflag:s4] =	ssyncset.done $0x0  }
0x81: {  	[sflag:s4] =	ssyncadd.s32 $0xFFFFF800  }
0x82: {  	_ =	swait.ge [sflag:s4], $0x800  }
0x83: {  	[sflag:s4] =	ssyncset.done $0x0  }
0x84: {  	[sflag:s4] =	ssyncadd.s32 $0xFFFFF800  }
0x85: {  	[spmem:s3] =	stream.indirect.scatter.add.f32 [tilespmem:s8], [sflag:$0x1], $0x10, s18, s29, $0xb8;
	[tilespmem:$0x1EA80] =	vst v63  }
0x86: {  	s24 =	simm.s32 $0x1C480  }
0x87: {  	[spmem:s3] =	stream.indirect.scatter.add.f32 [tilespmem:s13], [sflag:$0x1], $0x10, s24, s29, $0xb8;
	[tilespmem:$0x1EA80] =	vst v63  }
0x88: {  	s14 =	simm.s32 $0x1C500  }
0x89: {  	[spmem:s3] =	stream.indirect.scatter.add.f32 [tilespmem:s15], [sflag:$0x1], $0x10, s14, s29, $0xb8;
	[tilespmem:$0x1EA80] =	vst v63  }
0x8a: {  	s23 =	simm.s32 $0x1C580  }
0x8b: {  	[spmem:s3] =	stream.indirect.scatter.add.f32 [tilespmem:s22], [sflag:$0x1], $0x10, s23, s29, $0xb8;
	[tilespmem:$0x1EA80] =	vst v63  }
0x8c: {  	_ =	swait.ge [sflag:s4], $0x800  }
0x8d: {  	[sflag:s4] =	ssyncset.done $0x0  }
0x8e: {  	[sflag:s4] =	ssyncadd.s32 $0xFFFFF800  }
0x8f: {  	_ =	swait.ge [sflag:s4], $0x800  }
0x90: {  	[sflag:s4] =	ssyncset.done $0x0  }
0x91: {  	[sflag:s4] =	ssyncadd.s32 $0xFFFFF800  }
0x92: {  	_ =	swait.ge [sflag:s4], $0x800  }
0x93: {  	s12 =	smin.u32 s12, $0x5F;
	[sflag:s4] =	ssyncset.done $0x0  }
0x94: {  	s12 =	sshll.u32 s12, $0x9;
	[sflag:s4] =	ssyncadd.s32 $0xFFFFF800  }
0x95: {  	s12 =	sadd.s32 s12, s26;
	_ =	swait.ge [sflag:s4], $0x800  }
0x96: {  	s12 =	sshrl.u32 s12, $0x3;
	[sflag:s4] =	ssyncset.done $0x0  }
0x97: {  	s24 =	sadd.s32 s6, s12;
	[sflag:s4] =	ssyncadd.s32 $0xFFFFF800  }
0x98: {  	[tilespmem:s17], [sflag:$0x2] =	stream.linear.gather [hbm4b:s24+s5], $0x200, $0x38;
	[tilespmem:$0x1EA80] =	vst v63  }
0x99: {  	s12 =	sadd.s32 s7, s12  }
0x9a: {  	[tilespmem:s18], [sflag:$0x2] =	stream.linear.gather [hbm4b:s12+s5], $0x200, $0x38;
	[tilespmem:$0x1EA80] =	vst v63  }
0x9b: {  	_ =	swait.ge [sflag:s9], $0x200  }
0x9c: {  	[sflag:s9] =	ssyncset.done $0x0  }
0x9d: {  	[sflag:s9] =	ssyncadd.s32 $0xFFFFFE00  }
0x9e: {  	_ =	swait.ge [sflag:s9], $0x200  }
0x9f: {  	[sflag:s9] =	ssyncset.done $0x0  }
0xa0: {  	[sflag:s9] =	ssyncadd.s32 $0xFFFFFE00  }
0xa1: {  	[tilespmem:s8], [sflag:$0x1] =	stream.indirect.gather [spmem:s2], $0x10, s19, s29, $0xb8;
	[tilespmem:$0x1EA80] =	vst v63  }
0xa2: {  	_ = 	snop  }
0xa3: {  	[tilespmem:s13], [sflag:$0x1] =	stream.indirect.gather [spmem:s2], $0x10, s25, s29, $0xb8;
	[tilespmem:$0x1EA80] =	vst v63  }
0xa4: {  	_ = 	snop  }
0xa5: {  	[tilespmem:s15], [sflag:$0x1] =	stream.indirect.gather [spmem:s2], $0x10, s0, s29, $0xb8;
	[tilespmem:$0x1EA80] =	vst v63  }
0xa6: {  	_ = 	snop  }
0xa7: {  	[tilespmem:s22], [sflag:$0x1] =	stream.indirect.gather [spmem:s2], $0x10, s16, s29, $0xb8;
	[tilespmem:$0x1EA80] =	vst v63  }
0xa8: {  	_ =	swait.ge [sflag:s4], $0x800  }
0xa9: {  	[sflag:s4] =	ssyncset.done $0x0  }
0xaa: {  	[sflag:s4] =	ssyncadd.s32 $0xFFFFF800  }
0xab: {  	_ =	swait.ge [sflag:s4], $0x800  }
0xac: {  	[sflag:s4] =	ssyncset.done $0x0  }
0xad: {  	[sflag:s4] =	ssyncadd.s32 $0xFFFFF800  }
0xae: {  	_ =	swait.ge [sflag:s4], $0x800  }
0xaf: {  	[sflag:s4] =	ssyncset.done $0x0  }
0xb0: {  	[sflag:s4] =	ssyncadd.s32 $0xFFFFF800  }
0xb1: {  	_ =	swait.ge [sflag:s4], $0x800  }
0xb2: {  	[sflag:s4] =	ssyncset.done $0x0  }
0xb3: {  	[sflag:s4] =	ssyncadd.s32 $0xFFFFF800  }
0xb4: {  	[spmem:s3] =	stream.indirect.scatter.add.f32 [tilespmem:s8], [sflag:$0x1], $0x10, s28, s29, $0xb8;
	[tilespmem:$0x1EA80] =	vst v63  }
0xb5: {  	s24 =	simm.s32 $0x1C880  }
0xb6: {  	[spmem:s3] =	stream.indirect.scatter.add.f32 [tilespmem:s13], [sflag:$0x1], $0x10, s24, s29, $0xb8;
	[tilespmem:$0x1EA80] =	vst v63  }
0xb7: {  	s31 =	simm.s32 $0x1C900  }
0xb8: {  	[spmem:s3] =	stream.indirect.scatter.add.f32 [tilespmem:s15], [sflag:$0x1], $0x10, s31, s29, $0xb8;
	[tilespmem:$0x1EA80] =	vst v63  }
0xb9: {  	s25 =	simm.s32 $0x1C980  }
0xba: {  	[spmem:s3] =	stream.indirect.scatter.add.f32 [tilespmem:s22], [sflag:$0x1], $0x10, s25, s29, $0xb8;
	[tilespmem:$0x1EA80] =	vst v63  }
0xbb: {  	_ =	swait.ge [sflag:s4], $0x800  }
0xbc: {  	[sflag:s4] =	ssyncset.done $0x0  }
0xbd: {  	[sflag:s4] =	ssyncadd.s32 $0xFFFFF800  }
0xbe: {  	_ =	swait.ge [sflag:s4], $0x800  }
0xbf: {  	[sflag:s4] =	ssyncset.done $0x0  }
0xc0: {  	[sflag:s4] =	ssyncadd.s32 $0xFFFFF800  }
0xc1: {  	_ =	swait.ge [sflag:s4], $0x800  }
0xc2: {  	s30 =	simm.s32 $0x1C700;
	[sflag:s4] =	ssyncset.done $0x0  }
0xc3: {  	s10 =	simm.s32 $0x1C380;
	s14 =	smov.u32 s11;
	[sflag:s4] =	ssyncadd.s32 $0xFFFFF800  }
0xc4: {  	s23 =	simm.s32 $0x1C300;
	s12 =	simm.s32 $0x2;
	_ =	swait.ge [sflag:s4], $0x800  }
0xc5: {  	s0 =	simm.s32 $0x1C680;
	s16 =	simm.s32 $0x1C780;
	[sflag:s4] =	ssyncset.done $0x0  }
.LBB2_6:
0xc6: {  	[sflag:s4] =	ssyncadd.s32 $0xFFFFF800;
	s14 =	sadd.s32 $0x80, s14;
	s21 =	sadd.s32 $0x80, s21  }
0xc7: {  	[tilespmem:s19], [sflag:$0x2] =	stream.linear.gather [hbm4b:s14+s5], $0x200, $0x38;
	[tilespmem:$0x1EA80] =	vst v63  }
0xc8: {  	p0 =	sne.s32 s12, $0x60;
	s25 =	smov.u32 s12;
	s12 =	sadd.s32 $0x2, s12  }
0xc9: {  	[tilespmem:s28], [sflag:$0x2] =	stream.linear.gather [hbm4b:s21+s5], $0x200, $0x38;
	[tilespmem:$0x1EA80] =	vst v63  }
0xca: {  	_ =	swait.ge [sflag:s9], $0x200  }
0xcb: {  	[sflag:s9] =	ssyncset.done $0x0  }
0xcc: {  	[sflag:s9] =	ssyncadd.s32 $0xFFFFFE00  }
0xcd: {  	_ =	swait.ge [sflag:s9], $0x200  }
0xce: {  	[sflag:s9] =	ssyncset.done $0x0  }
0xcf: {  	[sflag:s9] =	ssyncadd.s32 $0xFFFFFE00  }
0xd0: {  	[tilespmem:s8], [sflag:$0x1] =	stream.indirect.gather [spmem:s2], $0x10, s17, s29, $0xb8;
	[tilespmem:$0x1EA80] =	vst v63  }
0xd1: {  	s11 =	simm.s32 $0x1C280  }
0xd2: {  	[tilespmem:s13], [sflag:$0x1] =	stream.indirect.gather [spmem:s2], $0x10, s11, s29, $0xb8;
	[tilespmem:$0x1EA80] =	vst v63  }
0xd3: {  	_ = 	snop  }
0xd4: {  	[tilespmem:s15], [sflag:$0x1] =	stream.indirect.gather [spmem:s2], $0x10, s23, s29, $0xb8;
	[tilespmem:$0x1EA80] =	vst v63  }
0xd5: {  	_ = 	snop  }
0xd6: {  	[tilespmem:s22], [sflag:$0x1] =	stream.indirect.gather [spmem:s2], $0x10, s10, s29, $0xb8;
	[tilespmem:$0x1EA80] =	vst v63  }
0xd7: {  	_ =	swait.ge [sflag:s4], $0x800  }
0xd8: {  	[sflag:s4] =	ssyncset.done $0x0  }
0xd9: {  	[sflag:s4] =	ssyncadd.s32 $0xFFFFF800  }
0xda: {  	_ =	swait.ge [sflag:s4], $0x800  }
0xdb: {  	[sflag:s4] =	ssyncset.done $0x0  }
0xdc: {  	[sflag:s4] =	ssyncadd.s32 $0xFFFFF800  }
0xdd: {  	_ =	swait.ge [sflag:s4], $0x800  }
0xde: {  	[sflag:s4] =	ssyncset.done $0x0  }
0xdf: {  	[sflag:s4] =	ssyncadd.s32 $0xFFFFF800  }
0xe0: {  	_ =	swait.ge [sflag:s4], $0x800  }
0xe1: {  	[sflag:s4] =	ssyncset.done $0x0  }
0xe2: {  	[sflag:s4] =	ssyncadd.s32 $0xFFFFF800  }
0xe3: {  	[spmem:s3] =	stream.indirect.scatter.add.f32 [tilespmem:s8], [sflag:$0x1], $0x10, s18, s29, $0xb8;
	[tilespmem:$0x1EA80] =	vst v63  }
0xe4: {  	s11 =	simm.s32 $0x1C480  }
0xe5: {  	[spmem:s3] =	stream.indirect.scatter.add.f32 [tilespmem:s13], [sflag:$0x1], $0x10, s11, s29, $0xb8;
	[tilespmem:$0x1EA80] =	vst v63  }
0xe6: {  	s11 =	simm.s32 $0x1C500  }
0xe7: {  	[spmem:s3] =	stream.indirect.scatter.add.f32 [tilespmem:s15], [sflag:$0x1], $0x10, s11, s29, $0xb8;
	[tilespmem:$0x1EA80] =	vst v63  }
0xe8: {  	s11 =	simm.s32 $0x1C580  }
0xe9: {  	[spmem:s3] =	stream.indirect.scatter.add.f32 [tilespmem:s22], [sflag:$0x1], $0x10, s11, s29, $0xb8;
	[tilespmem:$0x1EA80] =	vst v63  }
0xea: {  	_ =	swait.ge [sflag:s4], $0x800  }
0xeb: {  	[sflag:s4] =	ssyncset.done $0x0  }
0xec: {  	[sflag:s4] =	ssyncadd.s32 $0xFFFFF800  }
0xed: {  	_ =	swait.ge [sflag:s4], $0x800  }
0xee: {  	[sflag:s4] =	ssyncset.done $0x0  }
0xef: {  	[sflag:s4] =	ssyncadd.s32 $0xFFFFF800  }
0xf0: {  	_ =	swait.ge [sflag:s4], $0x800  }
0xf1: {  	s25 =	smin.u32 s25, $0x5F;
	[sflag:s4] =	ssyncset.done $0x0  }
0xf2: {  	s25 =	sshll.u32 s25, $0x9;
	[sflag:s4] =	ssyncadd.s32 $0xFFFFF800  }
0xf3: {  	s25 =	sadd.s32 s25, s26;
	_ =	swait.ge [sflag:s4], $0x800  }
0xf4: {  	s25 =	sshrl.u32 s25, $0x3;
	[sflag:s4] =	ssyncset.done $0x0  }
0xf5: {  	s11 =	sadd.s32 s6, s25;
	[sflag:s4] =	ssyncadd.s32 $0xFFFFF800  }
0xf6: {  	[tilespmem:s17], [sflag:$0x2] =	stream.linear.gather [hbm4b:s11+s5], $0x200, $0x38;
	[tilespmem:$0x1EA80] =	vst v63  }
0xf7: {  	s11 =	sadd.s32 s7, s25  }
0xf8: {  	[tilespmem:s18], [sflag:$0x2] =	stream.linear.gather [hbm4b:s11+s5], $0x200, $0x38;
	[tilespmem:$0x1EA80] =	vst v63  }
0xf9: {  	_ =	swait.ge [sflag:s9], $0x200  }
0xfa: {  	[sflag:s9] =	ssyncset.done $0x0  }
0xfb: {  	[sflag:s9] =	ssyncadd.s32 $0xFFFFFE00  }
0xfc: {  	_ =	swait.ge [sflag:s9], $0x200  }
0xfd: {  	[sflag:s9] =	ssyncset.done $0x0  }
0xfe: {  	[sflag:s9] =	ssyncadd.s32 $0xFFFFFE00  }
0xff: {  	[tilespmem:s8], [sflag:$0x1] =	stream.indirect.gather [spmem:s2], $0x10, s19, s29, $0xb8;
	[tilespmem:$0x1EA80] =	vst v63  }
0x100: {  	_ = 	snop  }
0x101: {  	[tilespmem:s13], [sflag:$0x1] =	stream.indirect.gather [spmem:s2], $0x10, s0, s29, $0xb8;
	[tilespmem:$0x1EA80] =	vst v63  }
0x102: {  	_ = 	snop  }
0x103: {  	[tilespmem:s15], [sflag:$0x1] =	stream.indirect.gather [spmem:s2], $0x10, s30, s29, $0xb8;
	[tilespmem:$0x1EA80] =	vst v63  }
0x104: {  	_ = 	snop  }
0x105: {  	[tilespmem:s22], [sflag:$0x1] =	stream.indirect.gather [spmem:s2], $0x10, s16, s29, $0xb8;
	[tilespmem:$0x1EA80] =	vst v63  }
0x106: {  	_ =	swait.ge [sflag:s4], $0x800  }
0x107: {  	[sflag:s4] =	ssyncset.done $0x0  }
0x108: {  	[sflag:s4] =	ssyncadd.s32 $0xFFFFF800  }
0x109: {  	_ =	swait.ge [sflag:s4], $0x800  }
0x10a: {  	[sflag:s4] =	ssyncset.done $0x0  }
0x10b: {  	[sflag:s4] =	ssyncadd.s32 $0xFFFFF800  }
0x10c: {  	_ =	swait.ge [sflag:s4], $0x800  }
0x10d: {  	[sflag:s4] =	ssyncset.done $0x0  }
0x10e: {  	[sflag:s4] =	ssyncadd.s32 $0xFFFFF800  }
0x10f: {  	_ =	swait.ge [sflag:s4], $0x800  }
0x110: {  	[sflag:s4] =	ssyncset.done $0x0  }
0x111: {  	[sflag:s4] =	ssyncadd.s32 $0xFFFFF800  }
0x112: {  	[spmem:s3] =	stream.indirect.scatter.add.f32 [tilespmem:s8], [sflag:$0x1], $0x10, s28, s29, $0xb8;
	[tilespmem:$0x1EA80] =	vst v63  }
0x113: {  	_ = 	snop  }
0x114: {  	[spmem:s3] =	stream.indirect.scatter.add.f32 [tilespmem:s13], [sflag:$0x1], $0x10, s24, s29, $0xb8;
	[tilespmem:$0x1EA80] =	vst v63  }
0x115: {  	_ = 	snop  }
0x116: {  	[spmem:s3] =	stream.indirect.scatter.add.f32 [tilespmem:s15], [sflag:$0x1], $0x10, s31, s29, $0xb8;
	[tilespmem:$0x1EA80] =	vst v63  }
0x117: {  	s11 =	simm.s32 $0x1C980  }
0x118: {  	[spmem:s3] =	stream.indirect.scatter.add.f32 [tilespmem:s22], [sflag:$0x1], $0x10, s11, s29, $0xb8;
	[tilespmem:$0x1EA80] =	vst v63  }
0x119: {  	_ =	swait.ge [sflag:s4], $0x800  }
0x11a: {  	[sflag:s4] =	ssyncset.done $0x0  }
0x11b: {  	[sflag:s4] =	ssyncadd.s32 $0xFFFFF800  }
0x11c: {  	_ =	swait.ge [sflag:s4], $0x800  }
0x11d: {  	[sflag:s4] =	ssyncset.done $0x0  }
0x11e: {  	[sflag:s4] =	ssyncadd.s32 $0xFFFFF800  }
.Ltmp2:
0x11f: {  	_ =	swait.ge [sflag:s4], $0x800;
	(pc) =	sbr.rel @p0 .LBB2_6-.Ltmp2, $4  }
0x120: {  	[sflag:s4] =	ssyncset.done $0x0  }
0x121: {  	[sflag:s4] =	ssyncadd.s32 $0xFFFFF800  }
0x122: {  	_ =	swait.ge [sflag:s4], $0x800  }
0x123: {  	[sflag:s4] =	ssyncset.done $0x0  }
0x124: {  	[sflag:s4] =	ssyncadd.s32 $0xFFFFF800  }
0x125: {  	_ =	swait.ge [sflag:s9], $0x200  }
0x126: {  	[sflag:s9] =	ssyncset.done $0x0  }
0x127: {  	[sflag:s9] =	ssyncadd.s32 $0xFFFFFE00  }
0x128: {  	_ =	swait.ge [sflag:s9], $0x200  }
0x129: {  	[sflag:s9] =	ssyncset.done $0x0;
	s30 =	rddreg [dreg:$0x12]  }
0x12a: {  	s11 =	rddreg [dreg:$0x18];
	[sflag:s9] =	ssyncadd.s32 $0xFFFFFE00;
	s16 =	sadd.s32 $0xFFFFF400, s30  }
0x12b: {  	[tilespmem:s18], [sflag:$0x2] =	stream.linear.gather [hbm4b:s11+s5], $0x200, $0x38;
	[tilespmem:$0x1EA80] =	vst v63  }
0x12c: {  	s12 =	sadd.s32 $0xC40, s16  }
0x12d: {  	[tilespmem:s28], [sflag:$0x2] =	stream.linear.gather [hbm4b:s12+s5], $0x200, $0x38;
	[tilespmem:$0x1EA80] =	vst v63  }
0x12e: {  	_ =	swait.ge [sflag:s9], $0x200  }
0x12f: {  	[sflag:s9] =	ssyncset.done $0x0  }
0x130: {  	[sflag:s9] =	ssyncadd.s32 $0xFFFFFE00  }
0x131: {  	[spmem:s1] =	stream.indirect.scatter.add.f32 [tilespmem:s20], [sflag:$0x1], $0x1, s18, s29, $0xb8;
	[tilespmem:$0x1EA80] =	vst v63  }
0x132: {  	s0 =	simm.s32 $0x1C480  }
0x133: {  	[spmem:s1] =	stream.indirect.scatter.add.f32 [tilespmem:s20], [sflag:$0x1], $0x1, s0, s29, $0xb8;
	[tilespmem:$0x1EA80] =	vst v63  }
0x134: {  	s21 =	simm.s32 $0x1C500  }
0x135: {  	[spmem:s1] =	stream.indirect.scatter.add.f32 [tilespmem:s20], [sflag:$0x1], $0x1, s21, s29, $0xb8;
	[tilespmem:$0x1EA80] =	vst v63  }
0x136: {  	s23 =	simm.s32 $0x1C580  }
0x137: {  	[spmem:s1] =	stream.indirect.scatter.add.f32 [tilespmem:s20], [sflag:$0x1], $0x1, s23, s29, $0xb8;
	[tilespmem:$0x1EA80] =	vst v63  }
0x138: {  	_ =	swait.ge [sflag:s4], $0x80  }
0x139: {  	[sflag:s4] =	ssyncset.done $0x0  }
0x13a: {  	[sflag:s4] =	ssyncadd.s32 $0xFFFFFF80  }
0x13b: {  	_ =	swait.ge [sflag:s4], $0x80  }
0x13c: {  	[sflag:s4] =	ssyncset.done $0x0  }
0x13d: {  	[sflag:s4] =	ssyncadd.s32 $0xFFFFFF80  }
0x13e: {  	_ =	swait.ge [sflag:s4], $0x80  }
0x13f: {  	[sflag:s4] =	ssyncset.done $0x0  }
0x140: {  	[sflag:s4] =	ssyncadd.s32 $0xFFFFFF80  }
0x141: {  	_ =	swait.ge [sflag:s4], $0x80  }
0x142: {  	[sflag:s4] =	ssyncset.done $0x0  }
0x143: {  	s11 =	sadd.s32 $0xC80, s16;
	[sflag:s4] =	ssyncadd.s32 $0xFFFFFF80  }
0x144: {  	[tilespmem:s18], [sflag:$0x2] =	stream.linear.gather [hbm4b:s11+s5], $0x200, $0x38;
	[tilespmem:$0x1EA80] =	vst v63  }
0x145: {  	_ =	swait.ge [sflag:s9], $0x200  }
0x146: {  	[sflag:s9] =	ssyncset.done $0x0  }
0x147: {  	[sflag:s9] =	ssyncadd.s32 $0xFFFFFE00  }
0x148: {  	[spmem:s1] =	stream.indirect.scatter.add.f32 [tilespmem:s20], [sflag:$0x1], $0x1, s28, s29, $0xb8;
	[tilespmem:$0x1EA80] =	vst v63  }
0x149: {  	_ = 	snop  }
0x14a: {  	[spmem:s1] =	stream.indirect.scatter.add.f32 [tilespmem:s20], [sflag:$0x1], $0x1, s24, s29, $0xb8;
	[tilespmem:$0x1EA80] =	vst v63  }
0x14b: {  	_ = 	snop  }
0x14c: {  	[spmem:s1] =	stream.indirect.scatter.add.f32 [tilespmem:s20], [sflag:$0x1], $0x1, s31, s29, $0xb8;
	[tilespmem:$0x1EA80] =	vst v63  }
0x14d: {  	s25 =	simm.s32 $0x1C980  }
0x14e: {  	[spmem:s1] =	stream.indirect.scatter.add.f32 [tilespmem:s20], [sflag:$0x1], $0x1, s25, s29, $0xb8;
	[tilespmem:$0x1EA80] =	vst v63  }
0x14f: {  	_ =	swait.ge [sflag:s4], $0x80  }
0x150: {  	[sflag:s4] =	ssyncset.done $0x0  }
0x151: {  	[sflag:s4] =	ssyncadd.s32 $0xFFFFFF80  }
0x152: {  	_ =	swait.ge [sflag:s4], $0x80  }
0x153: {  	[sflag:s4] =	ssyncset.done $0x0  }
0x154: {  	[sflag:s4] =	ssyncadd.s32 $0xFFFFFF80  }
0x155: {  	_ =	swait.ge [sflag:s4], $0x80  }
0x156: {  	s10 =	simm.s32 $0x1C480;
	s16 =	simm.s32 $0x1C580;
	[sflag:s4] =	ssyncset.done $0x0  }
0x157: {  	s0 =	simm.s32 $0x1C880;
	s21 =	sadd.s32 $0xFFFFF480, s30;
	[sflag:s4] =	ssyncadd.s32 $0xFFFFFF80  }
0x158: {  	s23 =	simm.s32 $0x1C500;
	s24 =	simm.s32 $0x1C900;
	_ =	swait.ge [sflag:s4], $0x80  }
0x159: {  	s31 =	simm.s32 $0x1C980;
	s25 =	simm.s32 $0xFFFFF500;
	[sflag:s4] =	ssyncset.done $0x0  }
.LBB2_8:
0x15a: {  	s11 =	sadd.s32 $0xC40, s21  }
0x15b: {  	[sflag:s4] =	ssyncadd.s32 $0xFFFFFF80;
	s14 =	smov.u32 s25;
	s12 =	sadd.s32 $0x80, s25  }
0x15c: {  	[tilespmem:s28], [sflag:$0x2] =	stream.linear.gather [hbm4b:s11+s5], $0x200, $0x38;
	[tilespmem:$0x1EA80] =	vst v63  }
0x15d: {  	p0 =	sne.s32 s25, $0xFFFFFF80;
	_ =	swait.ge [sflag:s9], $0x200  }
0x15e: {  	[sflag:s9] =	ssyncset.done $0x0  }
0x15f: {  	[sflag:s9] =	ssyncadd.s32 $0xFFFFFE00  }
0x160: {  	[spmem:s1] =	stream.indirect.scatter.add.f32 [tilespmem:s20], [sflag:$0x1], $0x1, s18, s29, $0xb8;
	[tilespmem:$0x1EA80] =	vst v63  }
0x161: {  	_ = 	snop  }
0x162: {  	[spmem:s1] =	stream.indirect.scatter.add.f32 [tilespmem:s20], [sflag:$0x1], $0x1, s10, s29, $0xb8;
	[tilespmem:$0x1EA80] =	vst v63  }
0x163: {  	_ = 	snop  }
0x164: {  	[spmem:s1] =	stream.indirect.scatter.add.f32 [tilespmem:s20], [sflag:$0x1], $0x1, s23, s29, $0xb8;
	[tilespmem:$0x1EA80] =	vst v63  }
0x165: {  	_ = 	snop  }
0x166: {  	[spmem:s1] =	stream.indirect.scatter.add.f32 [tilespmem:s20], [sflag:$0x1], $0x1, s16, s29, $0xb8;
	[tilespmem:$0x1EA80] =	vst v63  }
0x167: {  	_ =	swait.ge [sflag:s4], $0x80  }
0x168: {  	[sflag:s4] =	ssyncset.done $0x0  }
0x169: {  	[sflag:s4] =	ssyncadd.s32 $0xFFFFFF80  }
0x16a: {  	_ =	swait.ge [sflag:s4], $0x80  }
0x16b: {  	[sflag:s4] =	ssyncset.done $0x0  }
0x16c: {  	[sflag:s4] =	ssyncadd.s32 $0xFFFFFF80  }
0x16d: {  	_ =	swait.ge [sflag:s4], $0x80  }
0x16e: {  	[sflag:s4] =	ssyncset.done $0x0  }
0x16f: {  	[sflag:s4] =	ssyncadd.s32 $0xFFFFFF80  }
0x170: {  	_ =	swait.ge [sflag:s4], $0x80  }
0x171: {  	[sflag:s4] =	ssyncset.done $0x0  }
0x172: {  	s11 =	sadd.s32 $0xC80, s21;
	[sflag:s4] =	ssyncadd.s32 $0xFFFFFF80  }
0x173: {  	[tilespmem:s18], [sflag:$0x2] =	stream.linear.gather [hbm4b:s11+s5], $0x200, $0x38;
	[tilespmem:$0x1EA80] =	vst v63  }
0x174: {  	_ =	swait.ge [sflag:s9], $0x200  }
0x175: {  	[sflag:s9] =	ssyncset.done $0x0  }
0x176: {  	[sflag:s9] =	ssyncadd.s32 $0xFFFFFE00  }
0x177: {  	[spmem:s1] =	stream.indirect.scatter.add.f32 [tilespmem:s20], [sflag:$0x1], $0x1, s28, s29, $0xb8;
	[tilespmem:$0x1EA80] =	vst v63  }
0x178: {  	_ = 	snop  }
0x179: {  	[spmem:s1] =	stream.indirect.scatter.add.f32 [tilespmem:s20], [sflag:$0x1], $0x1, s0, s29, $0xb8;
	[tilespmem:$0x1EA80] =	vst v63  }
0x17a: {  	_ = 	snop  }
0x17b: {  	[spmem:s1] =	stream.indirect.scatter.add.f32 [tilespmem:s20], [sflag:$0x1], $0x1, s24, s29, $0xb8;
	[tilespmem:$0x1EA80] =	vst v63  }
0x17c: {  	_ = 	snop  }
0x17d: {  	[spmem:s1] =	stream.indirect.scatter.add.f32 [tilespmem:s20], [sflag:$0x1], $0x1, s31, s29, $0xb8;
	[tilespmem:$0x1EA80] =	vst v63  }
0x17e: {  	_ =	swait.ge [sflag:s4], $0x80  }
0x17f: {  	[sflag:s4] =	ssyncset.done $0x0  }
0x180: {  	[sflag:s4] =	ssyncadd.s32 $0xFFFFFF80  }
0x181: {  	_ =	swait.ge [sflag:s4], $0x80  }
0x182: {  	[sflag:s4] =	ssyncset.done $0x0  }
0x183: {  	[sflag:s4] =	ssyncadd.s32 $0xFFFFFF80  }
.Ltmp3:
0x184: {  	_ =	swait.ge [sflag:s4], $0x80;
	(pc) =	sbr.rel @p0 .LBB2_8-.Ltmp3, $4  }
0x185: {  	[sflag:s4] =	ssyncset.done $0x0  }
0x186: {  	[sflag:s4] =	ssyncadd.s32 $0xFFFFFF80  }
0x187: {  	_ =	swait.ge [sflag:s4], $0x80  }
0x188: {  	s21 =	sadd.s32 s14, s30;
	s25 =	smov.u32 s12;
	[sflag:s4] =	ssyncset.done $0x0  }
0x189: {  	s11 =	sadd.s32 $0xC40, s21;
	[sflag:s4] =	ssyncadd.s32 $0xFFFFFF80  }
0x18a: {  	[tilespmem:s28], [sflag:$0x2] =	stream.linear.gather [hbm4b:s11+s5], $0x200, $0x38;
	[tilespmem:$0x1EA80] =	vst v63  }
0x18b: {  	_ =	swait.ge [sflag:s9], $0x200  }
0x18c: {  	[sflag:s9] =	ssyncset.done $0x0  }
0x18d: {  	[sflag:s9] =	ssyncadd.s32 $0xFFFFFE00  }
0x18e: {  	[spmem:s1] =	stream.indirect.scatter.add.f32 [tilespmem:s20], [sflag:$0x1], $0x1, s18, s29, $0xb8;
	[tilespmem:$0x1EA80] =	vst v63  }
0x18f: {  	_ = 	snop  }
0x190: {  	[spmem:s1] =	stream.indirect.scatter.add.f32 [tilespmem:s20], [sflag:$0x1], $0x1, s10, s29, $0xb8;
	[tilespmem:$0x1EA80] =	vst v63  }
0x191: {  	_ = 	snop  }
0x192: {  	[spmem:s1] =	stream.indirect.scatter.add.f32 [tilespmem:s20], [sflag:$0x1], $0x1, s23, s29, $0xb8;
	[tilespmem:$0x1EA80] =	vst v63  }
0x193: {  	_ = 	snop  }
0x194: {  	[spmem:s1] =	stream.indirect.scatter.add.f32 [tilespmem:s20], [sflag:$0x1], $0x1, s16, s29, $0xb8;
	[tilespmem:$0x1EA80] =	vst v63  }
0x195: {  	_ =	swait.ge [sflag:s4], $0x80  }
0x196: {  	[sflag:s4] =	ssyncset.done $0x0  }
0x197: {  	[sflag:s4] =	ssyncadd.s32 $0xFFFFFF80  }
0x198: {  	_ =	swait.ge [sflag:s4], $0x80  }
0x199: {  	[sflag:s4] =	ssyncset.done $0x0  }
0x19a: {  	[sflag:s4] =	ssyncadd.s32 $0xFFFFFF80  }
0x19b: {  	_ =	swait.ge [sflag:s4], $0x80  }
0x19c: {  	[sflag:s4] =	ssyncset.done $0x0  }
0x19d: {  	[sflag:s4] =	ssyncadd.s32 $0xFFFFFF80  }
0x19e: {  	_ =	swait.ge [sflag:s4], $0x80  }
0x19f: {  	[sflag:s4] =	ssyncset.done $0x0  }
0x1a0: {  	s25 =	sadd.s32 $0xC80, s21;
	[sflag:s4] =	ssyncadd.s32 $0xFFFFFF80  }
0x1a1: {  	[tilespmem:s18], [sflag:$0x2] =	stream.linear.gather [hbm4b:s25+s5], $0x200, $0x38;
	[tilespmem:$0x1EA80] =	vst v63  }
0x1a2: {  	_ =	swait.ge [sflag:s9], $0x200  }
0x1a3: {  	[sflag:s9] =	ssyncset.done $0x0  }
0x1a4: {  	[sflag:s9] =	ssyncadd.s32 $0xFFFFFE00  }
0x1a5: {  	[spmem:s1] =	stream.indirect.scatter.add.f32 [tilespmem:s20], [sflag:$0x1], $0x1, s28, s29, $0xb8;
	[tilespmem:$0x1EA80] =	vst v63  }
0x1a6: {  	_ = 	snop  }
0x1a7: {  	[spmem:s1] =	stream.indirect.scatter.add.f32 [tilespmem:s20], [sflag:$0x1], $0x1, s0, s29, $0xb8;
	[tilespmem:$0x1EA80] =	vst v63  }
0x1a8: {  	_ = 	snop  }
0x1a9: {  	[spmem:s1] =	stream.indirect.scatter.add.f32 [tilespmem:s20], [sflag:$0x1], $0x1, s24, s29, $0xb8;
	[tilespmem:$0x1EA80] =	vst v63  }
0x1aa: {  	_ = 	snop  }
0x1ab: {  	[spmem:s1] =	stream.indirect.scatter.add.f32 [tilespmem:s20], [sflag:$0x1], $0x1, s31, s29, $0xb8;
	[tilespmem:$0x1EA80] =	vst v63  }
0x1ac: {  	_ =	swait.ge [sflag:s4], $0x80  }
0x1ad: {  	[sflag:s4] =	ssyncset.done $0x0  }
0x1ae: {  	[sflag:s4] =	ssyncadd.s32 $0xFFFFFF80  }
0x1af: {  	_ =	swait.ge [sflag:s4], $0x80  }
0x1b0: {  	[sflag:s4] =	ssyncset.done $0x0  }
0x1b1: {  	[sflag:s4] =	ssyncadd.s32 $0xFFFFFF80  }
0x1b2: {  	_ =	swait.ge [sflag:s4], $0x80  }
0x1b3: {  	[sflag:s4] =	ssyncset.done $0x0  }
0x1b4: {  	[sflag:s4] =	ssyncadd.s32 $0xFFFFFF80  }
0x1b5: {  	_ =	swait.ge [sflag:s4], $0x80  }
0x1b6: {  	[sflag:s4] =	ssyncset.done $0x0  }
0x1b7: {  	[sflag:s4] =	ssyncadd.s32 $0xFFFFFF80  }
0x1b8: {  	_ =	swait.ge [sflag:s9], $0x200  }
0x1b9: {  	[sflag:s9] =	ssyncset.done $0x0  }
0x1ba: {  	[sflag:s9] =	ssyncadd.s32 $0xFFFFFE00  }
0x1bb: {  	[spmem:s1] =	stream.indirect.scatter.add.f32 [tilespmem:s20], [sflag:$0x1], $0x1, s18, s29, $0xb8;
	[tilespmem:$0x1EA80] =	vst v63  }
0x1bc: {  	_ = 	snop  }
0x1bd: {  	[spmem:s1] =	stream.indirect.scatter.add.f32 [tilespmem:s20], [sflag:$0x1], $0x1, s10, s29, $0xb8;
	[tilespmem:$0x1EA80] =	vst v63  }
0x1be: {  	_ = 	snop  }
0x1bf: {  	[spmem:s1] =	stream.indirect.scatter.add.f32 [tilespmem:s20], [sflag:$0x1], $0x1, s23, s29, $0xb8;
	[tilespmem:$0x1EA80] =	vst v63  }
0x1c0: {  	_ = 	snop  }
0x1c1: {  	[spmem:s1] =	stream.indirect.scatter.add.f32 [tilespmem:s20], [sflag:$0x1], $0x1, s16, s29, $0xb8;
	[tilespmem:$0x1EA80] =	vst v63  }
0x1c2: {  	_ =	swait.ge [sflag:s4], $0x80  }
0x1c3: {  	[sflag:s4] =	ssyncset.done $0x0  }
0x1c4: {  	[sflag:s4] =	ssyncadd.s32 $0xFFFFFF80  }
0x1c5: {  	_ =	swait.ge [sflag:s4], $0x80  }
0x1c6: {  	[sflag:s4] =	ssyncset.done $0x0  }
0x1c7: {  	[sflag:s4] =	ssyncadd.s32 $0xFFFFFF80  }
0x1c8: {  	_ =	swait.ge [sflag:s4], $0x80  }
0x1c9: {  	[sflag:s4] =	ssyncset.done $0x0  }
0x1ca: {  	[sflag:s4] =	ssyncadd.s32 $0xFFFFFF80  }
0x1cb: {  	_ =	swait.ge [sflag:s4], $0x80  }
0x1cc: {  	[sflag:s4] =	ssyncset.done $0x0  }
0x1cd: {  	[sflag:s4] =	ssyncadd.s32 $0xFFFFFF80  }
0x1ce: {  	[bflag:$0x0] =	sbarrier.arrive $0xFFFF  }
0x1cf: {  	s12 =	rddreg [dreg:$0x9]  }
0x1d0: {  	s14 =	rddreg [dreg:$0xe]  }
0x1d1: {  	s0 =	rddreg [dreg:$0x1d];
	s11 =	sshrl.u32 s12, $0x3  }
0x1d2: {  	s21 =	simm.s32 $0x3;
	s25 =	simm.s32 $0x8;
	[dreg:$0x1f] =	wrdreg s11  }
0x1d3: {  	[hbm:s14@s25], [sflag:s0] =	dma.strided [spmem:s11@s9], $0x1900, s4, $0x2   }
0x1d4: {  	_ =	swait.ge [sflag:s21], $0x1900  }
0x1d5: {  	[sflag:s21] =	ssyncset.done $0x0;
	s16 =	rddreg [dreg:$0x6]  }
0x1d6: {  	s14 =	rddreg [dreg:$0xf];
	[sflag:s21] =	ssyncadd.s32 $0xFFFFE700;
	s11 =	sshrl.u32 s16, $0x3  }
0x1d7: {  	[hbm:s14], [sflag:s0] =	dma.local [spmem:s11], $0x190  }
0x1d8: {  	_ =	swait.ge [sflag:s21], $0x190  }
0x1d9: {  	[sflag:s21] =	ssyncset.done $0x0  }
0x1da: {  	[sflag:s21] =	ssyncadd.s32 $0xFFFFFE70  }
0x1db: {  	[bflag:$0x0] =	sbarrier.arrive $0xFFFF  }
0x1dc: {  	s23 =	rddreg [dreg:$0x10]  }
0x1dd: {  	s24 =	rddreg [dreg:$0x1e]  }
0x1de: {  	[spmem:s24@s9], [sflag:s0] =	dma.strided [hbm:s23@s25], $0x1900, s4, $0x2   }
0x1df: {  	_ =	swait.ge [sflag:s21], $0x1900  }
0x1e0: {  	[sflag:s21] =	ssyncset.done $0x0  }
0x1e1: {  	s14 =	simm.s32 $0x19C80;
	[sflag:s21] =	ssyncadd.s32 $0xFFFFE700  }
0x1e2: {  	[spmem:s12] =	stream.linear.scatter [tilespmem:s14], [sflag:$0x3], $0x1900, $0x38;
	[tilespmem:$0x1EA80] =	vst v63  }
0x1e3: {  	_ =	swait.ge [sflag:s21], $0x1900  }
0x1e4: {  	[sflag:s21] =	ssyncset.done $0x0  }
0x1e5: {  	s0 =	rddreg [dreg:$0xa];
	[sflag:s21] =	ssyncadd.s32 $0xFFFFE700  }
0x1e6: {  	[spmem:s0] =	stream.linear.scatter [tilespmem:s14], [sflag:$0x3], $0x1900, $0x38;
	[tilespmem:$0x1EA80] =	vst v63  }
0x1e7: {  	_ =	swait.ge [sflag:s21], $0x1900  }
0x1e8: {  	[sflag:s21] =	ssyncset.done $0x0  }
0x1e9: {  	s10 =	rddreg [dreg:$0xb];
	[sflag:s21] =	ssyncadd.s32 $0xFFFFE700  }
0x1ea: {  	[spmem:s10] =	stream.linear.scatter [tilespmem:s14], [sflag:$0x3], $0x1900, $0x38;
	[tilespmem:$0x1EA80] =	vst v63  }
0x1eb: {  	_ =	swait.ge [sflag:s21], $0x1900  }
0x1ec: {  	[sflag:s21] =	ssyncset.done $0x0  }
0x1ed: {  	s12 =	rddreg [dreg:$0xc];
	[sflag:s21] =	ssyncadd.s32 $0xFFFFE700  }
0x1ee: {  	[spmem:s12] =	stream.linear.scatter [tilespmem:s14], [sflag:$0x3], $0x1900, $0x38;
	[tilespmem:$0x1EA80] =	vst v63  }
0x1ef: {  	_ =	swait.ge [sflag:s21], $0x1900  }
0x1f0: {  	[sflag:s21] =	ssyncset.done $0x0  }
0x1f1: {  	s16 =	rddreg [dreg:$0xd];
	[sflag:s21] =	ssyncadd.s32 $0xFFFFE700  }
0x1f2: {  	[spmem:s16] =	stream.linear.scatter [tilespmem:s14], [sflag:$0x3], $0x1900, $0x38;
	[tilespmem:$0x1EA80] =	vst v63  }
0x1f3: {  	_ =	swait.ge [sflag:s21], $0x1900  }
0x1f4: {  	[sflag:s21] =	ssyncset.done $0x0  }
0x1f5: {  	s23 =	rddreg [dreg:$0x13];
	[sflag:s21] =	ssyncadd.s32 $0xFFFFE700  }
0x1f6: {  	[spmem:s23] =	stream.linear.scatter [tilespmem:s14], [sflag:$0x3], $0x1900, $0x38;
	[tilespmem:$0x1EA80] =	vst v63  }
0x1f7: {  	_ =	swait.ge [sflag:s21], $0x1900  }
0x1f8: {  	[sflag:s21] =	ssyncset.done $0x0  }
0x1f9: {  	s24 =	rddreg [dreg:$0x14];
	[sflag:s21] =	ssyncadd.s32 $0xFFFFE700  }
0x1fa: {  	[spmem:s24] =	stream.linear.scatter [tilespmem:s14], [sflag:$0x3], $0x1900, $0x38;
	[tilespmem:$0x1EA80] =	vst v63  }
0x1fb: {  	_ =	swait.ge [sflag:s21], $0x1900  }
0x1fc: {  	[sflag:s21] =	ssyncset.done $0x0  }
0x1fd: {  	s25 =	rddreg [dreg:$0x15];
	[sflag:s21] =	ssyncadd.s32 $0xFFFFE700  }
0x1fe: {  	[spmem:s25] =	stream.linear.scatter [tilespmem:s14], [sflag:$0x3], $0x1900, $0x38;
	[tilespmem:$0x1EA80] =	vst v63  }
0x1ff: {  	_ =	swait.ge [sflag:s21], $0x1900  }
0x200: {  	[sflag:s21] =	ssyncset.done $0x0  }
0x201: {  	[sflag:s21] =	ssyncadd.s32 $0xFFFFE700  }
0x202: {  	[bflag:$0x0] =	sbarrier.arrive $0xFFFF  }
0x203: {  	s11 =	simm.s32 $0x0;
	s0 =	rddreg [dreg:$0x16]  }
0x204: {  	[tilespmem:s17], [sflag:$0x2] =	stream.linear.gather [hbm4b:s0+s11], $0x200, $0x38;
	[tilespmem:$0x1EA80] =	vst v63  }
0x205: {  	s10 =	rddreg [dreg:$0x17]  }
0x206: {  	[tilespmem:s18], [sflag:$0x2] =	stream.linear.gather [hbm4b:s10+s11], $0x200, $0x38;
	[tilespmem:$0x1EA80] =	vst v63  }
0x207: {  	s14 =	rddreg [dreg:$0x1a]  }
0x208: {  	[tilespmem:s19], [sflag:$0x2] =	stream.linear.gather [hbm4b:s14+s5], $0x200, $0x38;
	[tilespmem:$0x1EA80] =	vst v63  }
0x209: {  	s21 =	rddreg [dreg:$0x1b]  }
0x20a: {  	[tilespmem:s28], [sflag:$0x2] =	stream.linear.gather [hbm4b:s21+s5], $0x200, $0x38;
	[tilespmem:$0x1EA80] =	vst v63  }
0x20b: {  	_ =	swait.ge [sflag:s9], $0x200  }
0x20c: {  	[sflag:s9] =	ssyncset.done $0x0  }
0x20d: {  	[sflag:s9] =	ssyncadd.s32 $0xFFFFFE00  }
0x20e: {  	_ =	swait.ge [sflag:s9], $0x200  }
0x20f: {  	[sflag:s9] =	ssyncset.done $0x0  }
0x210: {  	[sflag:s9] =	ssyncadd.s32 $0xFFFFFE00  }
0x211: {  	[tilespmem:s8], [sflag:$0x1] =	stream.indirect.gather [spmem:s2], $0x10, s17, s29, $0xb8;
	[tilespmem:$0x1EA80] =	vst v63  }
0x212: {  	s12 =	simm.s32 $0x1C280  }
0x213: {  	[tilespmem:s13], [sflag:$0x1] =	stream.indirect.gather [spmem:s2], $0x10, s12, s29, $0xb8;
	[tilespmem:$0x1EA80] =	vst v63  }
0x214: {  	s16 =	simm.s32 $0x1C300  }
0x215: {  	[tilespmem:s15], [sflag:$0x1] =	stream.indirect.gather [spmem:s2], $0x10, s16, s29, $0xb8;
	[tilespmem:$0x1EA80] =	vst v63  }
0x216: {  	s24 =	simm.s32 $0x1C380  }
0x217: {  	[tilespmem:s22], [sflag:$0x1] =	stream.indirect.gather [spmem:s2], $0x10, s24, s29, $0xb8;
	[tilespmem:$0x1EA80] =	vst v63  }
0x218: {  	_ =	swait.ge [sflag:s4], $0x800  }
0x219: {  	[sflag:s4] =	ssyncset.done $0x0  }
0x21a: {  	[sflag:s4] =	ssyncadd.s32 $0xFFFFF800  }
0x21b: {  	_ =	swait.ge [sflag:s4], $0x800  }
0x21c: {  	[sflag:s4] =	ssyncset.done $0x0  }
0x21d: {  	[sflag:s4] =	ssyncadd.s32 $0xFFFFF800  }
0x21e: {  	_ =	swait.ge [sflag:s4], $0x800  }
0x21f: {  	[sflag:s4] =	ssyncset.done $0x0  }
0x220: {  	[sflag:s4] =	ssyncadd.s32 $0xFFFFF800  }
0x221: {  	_ =	swait.ge [sflag:s4], $0x800  }
0x222: {  	[sflag:s4] =	ssyncset.done $0x0  }
0x223: {  	[sflag:s4] =	ssyncadd.s32 $0xFFFFF800  }
0x224: {  	[spmem:s3] =	stream.indirect.scatter.add.f32 [tilespmem:s8], [sflag:$0x1], $0x10, s18, s29, $0xb8;
	[tilespmem:$0x1EA80] =	vst v63  }
0x225: {  	s23 =	simm.s32 $0x1C480  }
0x226: {  	[spmem:s3] =	stream.indirect.scatter.add.f32 [tilespmem:s13], [sflag:$0x1], $0x10, s23, s29, $0xb8;
	[tilespmem:$0x1EA80] =	vst v63  }
0x227: {  	s0 =	simm.s32 $0x1C500  }
0x228: {  	[spmem:s3] =	stream.indirect.scatter.add.f32 [tilespmem:s15], [sflag:$0x1], $0x10, s0, s29, $0xb8;
	[tilespmem:$0x1EA80] =	vst v63  }
0x229: {  	s12 =	simm.s32 $0x1C580  }
0x22a: {  	[spmem:s3] =	stream.indirect.scatter.add.f32 [tilespmem:s22], [sflag:$0x1], $0x10, s12, s29, $0xb8;
	[tilespmem:$0x1EA80] =	vst v63  }
0x22b: {  	_ =	swait.ge [sflag:s4], $0x800  }
0x22c: {  	[sflag:s4] =	ssyncset.done $0x0  }
0x22d: {  	[sflag:s4] =	ssyncadd.s32 $0xFFFFF800  }
0x22e: {  	_ =	swait.ge [sflag:s4], $0x800  }
0x22f: {  	[sflag:s4] =	ssyncset.done $0x0  }
0x230: {  	[sflag:s4] =	ssyncadd.s32 $0xFFFFF800  }
0x231: {  	_ =	swait.ge [sflag:s4], $0x800  }
0x232: {  	s11 =	smin.u32 s11, $0x5F;
	[sflag:s4] =	ssyncset.done $0x0  }
0x233: {  	s11 =	sshll.u32 s11, $0x9;
	[sflag:s4] =	ssyncadd.s32 $0xFFFFF800  }
0x234: {  	s11 =	sadd.s32 s11, s26;
	_ =	swait.ge [sflag:s4], $0x800  }
0x235: {  	s11 =	sshrl.u32 s11, $0x3;
	[sflag:s4] =	ssyncset.done $0x0  }
0x236: {  	s0 =	sadd.s32 s6, s11;
	[sflag:s4] =	ssyncadd.s32 $0xFFFFF800  }
0x237: {  	[tilespmem:s17], [sflag:$0x2] =	stream.linear.gather [hbm4b:s0+s5], $0x200, $0x38;
	[tilespmem:$0x1EA80] =	vst v63  }
0x238: {  	s11 =	sadd.s32 s7, s11  }
0x239: {  	[tilespmem:s18], [sflag:$0x2] =	stream.linear.gather [hbm4b:s11+s5], $0x200, $0x38;
	[tilespmem:$0x1EA80] =	vst v63  }
0x23a: {  	_ =	swait.ge [sflag:s9], $0x200  }
0x23b: {  	[sflag:s9] =	ssyncset.done $0x0  }
0x23c: {  	[sflag:s9] =	ssyncadd.s32 $0xFFFFFE00  }
0x23d: {  	_ =	swait.ge [sflag:s9], $0x200  }
0x23e: {  	[sflag:s9] =	ssyncset.done $0x0  }
0x23f: {  	[sflag:s9] =	ssyncadd.s32 $0xFFFFFE00  }
0x240: {  	[tilespmem:s8], [sflag:$0x1] =	stream.indirect.gather [spmem:s2], $0x10, s19, s29, $0xb8;
	[tilespmem:$0x1EA80] =	vst v63  }
0x241: {  	s16 =	simm.s32 $0x1C680  }
0x242: {  	[tilespmem:s13], [sflag:$0x1] =	stream.indirect.gather [spmem:s2], $0x10, s16, s29, $0xb8;
	[tilespmem:$0x1EA80] =	vst v63  }
0x243: {  	s0 =	simm.s32 $0x1C700  }
0x244: {  	[tilespmem:s15], [sflag:$0x1] =	stream.indirect.gather [spmem:s2], $0x10, s0, s29, $0xb8;
	[tilespmem:$0x1EA80] =	vst v63  }
0x245: {  	s30 =	simm.s32 $0x1C780  }
0x246: {  	[tilespmem:s22], [sflag:$0x1] =	stream.indirect.gather [spmem:s2], $0x10, s30, s29, $0xb8;
	[tilespmem:$0x1EA80] =	vst v63  }
0x247: {  	_ =	swait.ge [sflag:s4], $0x800  }
0x248: {  	[sflag:s4] =	ssyncset.done $0x0  }
0x249: {  	[sflag:s4] =	ssyncadd.s32 $0xFFFFF800  }
0x24a: {  	_ =	swait.ge [sflag:s4], $0x800  }
0x24b: {  	[sflag:s4] =	ssyncset.done $0x0  }
0x24c: {  	[sflag:s4] =	ssyncadd.s32 $0xFFFFF800  }
0x24d: {  	_ =	swait.ge [sflag:s4], $0x800  }
0x24e: {  	[sflag:s4] =	ssyncset.done $0x0  }
0x24f: {  	[sflag:s4] =	ssyncadd.s32 $0xFFFFF800  }
0x250: {  	_ =	swait.ge [sflag:s4], $0x800  }
0x251: {  	[sflag:s4] =	ssyncset.done $0x0  }
0x252: {  	[sflag:s4] =	ssyncadd.s32 $0xFFFFF800  }
0x253: {  	[spmem:s3] =	stream.indirect.scatter.add.f32 [tilespmem:s8], [sflag:$0x1], $0x10, s28, s29, $0xb8;
	[tilespmem:$0x1EA80] =	vst v63  }
0x254: {  	s31 =	simm.s32 $0x1C880  }
0x255: {  	[spmem:s3] =	stream.indirect.scatter.add.f32 [tilespmem:s13], [sflag:$0x1], $0x10, s31, s29, $0xb8;
	[tilespmem:$0x1EA80] =	vst v63  }
0x256: {  	s25 =	simm.s32 $0x1C900  }
0x257: {  	[spmem:s3] =	stream.indirect.scatter.add.f32 [tilespmem:s15], [sflag:$0x1], $0x10, s25, s29, $0xb8;
	[tilespmem:$0x1EA80] =	vst v63  }
0x258: {  	s24 =	simm.s32 $0x1C980  }
0x259: {  	[spmem:s3] =	stream.indirect.scatter.add.f32 [tilespmem:s22], [sflag:$0x1], $0x10, s24, s29, $0xb8;
	[tilespmem:$0x1EA80] =	vst v63  }
0x25a: {  	_ =	swait.ge [sflag:s4], $0x800  }
0x25b: {  	[sflag:s4] =	ssyncset.done $0x0  }
0x25c: {  	[sflag:s4] =	ssyncadd.s32 $0xFFFFF800  }
0x25d: {  	_ =	swait.ge [sflag:s4], $0x800  }
0x25e: {  	[sflag:s4] =	ssyncset.done $0x0  }
0x25f: {  	[sflag:s4] =	ssyncadd.s32 $0xFFFFF800  }
0x260: {  	_ =	swait.ge [sflag:s4], $0x800  }
0x261: {  	[sflag:s4] =	ssyncset.done $0x0  }
0x262: {  	[sflag:s4] =	ssyncadd.s32 $0xFFFFF800  }
0x263: {  	s10 =	simm.s32 $0x1C500;
	s23 =	simm.s32 $0x1C580;
	_ =	swait.ge [sflag:s4], $0x800  }
0x264: {  	s12 =	simm.s32 $0x2;
	s16 =	simm.s32 $0x1C900;
	[sflag:s4] =	ssyncset.done $0x0  }
.LBB2_10:
0x265: {  	[sflag:s4] =	ssyncadd.s32 $0xFFFFF800;
	s14 =	sadd.s32 $0x80, s14;
	s21 =	sadd.s32 $0x80, s21  }
0x266: {  	[tilespmem:s19], [sflag:$0x2] =	stream.linear.gather [hbm4b:s14+s5], $0x200, $0x38;
	[tilespmem:$0x1EA80] =	vst v63  }
0x267: {  	p0 =	sne.s32 s12, $0x60;
	s25 =	smov.u32 s12;
	s12 =	sadd.s32 $0x2, s12  }
0x268: {  	[tilespmem:s28], [sflag:$0x2] =	stream.linear.gather [hbm4b:s21+s5], $0x200, $0x38;
	[tilespmem:$0x1EA80] =	vst v63  }
0x269: {  	_ =	swait.ge [sflag:s9], $0x200  }
0x26a: {  	[sflag:s9] =	ssyncset.done $0x0  }
0x26b: {  	[sflag:s9] =	ssyncadd.s32 $0xFFFFFE00  }
0x26c: {  	_ =	swait.ge [sflag:s9], $0x200  }
0x26d: {  	[sflag:s9] =	ssyncset.done $0x0  }
0x26e: {  	[sflag:s9] =	ssyncadd.s32 $0xFFFFFE00  }
0x26f: {  	[tilespmem:s8], [sflag:$0x1] =	stream.indirect.gather [spmem:s2], $0x10, s17, s29, $0xb8;
	[tilespmem:$0x1EA80] =	vst v63  }
0x270: {  	s11 =	simm.s32 $0x1C280  }
0x271: {  	[tilespmem:s13], [sflag:$0x1] =	stream.indirect.gather [spmem:s2], $0x10, s11, s29, $0xb8;
	[tilespmem:$0x1EA80] =	vst v63  }
0x272: {  	s11 =	simm.s32 $0x1C300  }
0x273: {  	[tilespmem:s15], [sflag:$0x1] =	stream.indirect.gather [spmem:s2], $0x10, s11, s29, $0xb8;
	[tilespmem:$0x1EA80] =	vst v63  }
0x274: {  	s11 =	simm.s32 $0x1C380  }
0x275: {  	[tilespmem:s22], [sflag:$0x1] =	stream.indirect.gather [spmem:s2], $0x10, s11, s29, $0xb8;
	[tilespmem:$0x1EA80] =	vst v63  }
0x276: {  	_ =	swait.ge [sflag:s4], $0x800  }
0x277: {  	[sflag:s4] =	ssyncset.done $0x0  }
0x278: {  	[sflag:s4] =	ssyncadd.s32 $0xFFFFF800  }
0x279: {  	_ =	swait.ge [sflag:s4], $0x800  }
0x27a: {  	[sflag:s4] =	ssyncset.done $0x0  }
0x27b: {  	[sflag:s4] =	ssyncadd.s32 $0xFFFFF800  }
0x27c: {  	_ =	swait.ge [sflag:s4], $0x800  }
0x27d: {  	[sflag:s4] =	ssyncset.done $0x0  }
0x27e: {  	[sflag:s4] =	ssyncadd.s32 $0xFFFFF800  }
0x27f: {  	_ =	swait.ge [sflag:s4], $0x800  }
0x280: {  	[sflag:s4] =	ssyncset.done $0x0  }
0x281: {  	[sflag:s4] =	ssyncadd.s32 $0xFFFFF800  }
0x282: {  	[spmem:s3] =	stream.indirect.scatter.add.f32 [tilespmem:s8], [sflag:$0x1], $0x10, s18, s29, $0xb8;
	[tilespmem:$0x1EA80] =	vst v63  }
0x283: {  	s11 =	simm.s32 $0x1C480  }
0x284: {  	[spmem:s3] =	stream.indirect.scatter.add.f32 [tilespmem:s13], [sflag:$0x1], $0x10, s11, s29, $0xb8;
	[tilespmem:$0x1EA80] =	vst v63  }
0x285: {  	_ = 	snop  }
0x286: {  	[spmem:s3] =	stream.indirect.scatter.add.f32 [tilespmem:s15], [sflag:$0x1], $0x10, s10, s29, $0xb8;
	[tilespmem:$0x1EA80] =	vst v63  }
0x287: {  	_ = 	snop  }
0x288: {  	[spmem:s3] =	stream.indirect.scatter.add.f32 [tilespmem:s22], [sflag:$0x1], $0x10, s23, s29, $0xb8;
	[tilespmem:$0x1EA80] =	vst v63  }
0x289: {  	_ =	swait.ge [sflag:s4], $0x800  }
0x28a: {  	[sflag:s4] =	ssyncset.done $0x0  }
0x28b: {  	[sflag:s4] =	ssyncadd.s32 $0xFFFFF800  }
0x28c: {  	_ =	swait.ge [sflag:s4], $0x800  }
0x28d: {  	[sflag:s4] =	ssyncset.done $0x0  }
0x28e: {  	[sflag:s4] =	ssyncadd.s32 $0xFFFFF800  }
0x28f: {  	_ =	swait.ge [sflag:s4], $0x800  }
0x290: {  	s11 =	smin.u32 s25, $0x5F;
	[sflag:s4] =	ssyncset.done $0x0  }
0x291: {  	s11 =	sshll.u32 s11, $0x9;
	[sflag:s4] =	ssyncadd.s32 $0xFFFFF800  }
0x292: {  	s11 =	sadd.s32 s11, s26;
	_ =	swait.ge [sflag:s4], $0x800  }
0x293: {  	s11 =	sshrl.u32 s11, $0x3;
	[sflag:s4] =	ssyncset.done $0x0  }
0x294: {  	s25 =	sadd.s32 s6, s11;
	[sflag:s4] =	ssyncadd.s32 $0xFFFFF800  }
0x295: {  	[tilespmem:s17], [sflag:$0x2] =	stream.linear.gather [hbm4b:s25+s5], $0x200, $0x38;
	[tilespmem:$0x1EA80] =	vst v63  }
0x296: {  	s25 =	simm.s32 $0x1C680  }
0x297: {  	s11 =	sadd.s32 s7, s11  }
0x298: {  	[tilespmem:s18], [sflag:$0x2] =	stream.linear.gather [hbm4b:s11+s5], $0x200, $0x38;
	[tilespmem:$0x1EA80] =	vst v63  }
0x299: {  	_ =	swait.ge [sflag:s9], $0x200  }
0x29a: {  	[sflag:s9] =	ssyncset.done $0x0  }
0x29b: {  	[sflag:s9] =	ssyncadd.s32 $0xFFFFFE00  }
0x29c: {  	_ =	swait.ge [sflag:s9], $0x200  }
0x29d: {  	[sflag:s9] =	ssyncset.done $0x0  }
0x29e: {  	[sflag:s9] =	ssyncadd.s32 $0xFFFFFE00  }
0x29f: {  	[tilespmem:s8], [sflag:$0x1] =	stream.indirect.gather [spmem:s2], $0x10, s19, s29, $0xb8;
	[tilespmem:$0x1EA80] =	vst v63  }
0x2a0: {  	_ = 	snop  }
0x2a1: {  	[tilespmem:s13], [sflag:$0x1] =	stream.indirect.gather [spmem:s2], $0x10, s25, s29, $0xb8;
	[tilespmem:$0x1EA80] =	vst v63  }
0x2a2: {  	_ = 	snop  }
0x2a3: {  	[tilespmem:s15], [sflag:$0x1] =	stream.indirect.gather [spmem:s2], $0x10, s0, s29, $0xb8;
	[tilespmem:$0x1EA80] =	vst v63  }
0x2a4: {  	_ = 	snop  }
0x2a5: {  	[tilespmem:s22], [sflag:$0x1] =	stream.indirect.gather [spmem:s2], $0x10, s30, s29, $0xb8;
	[tilespmem:$0x1EA80] =	vst v63  }
0x2a6: {  	_ =	swait.ge [sflag:s4], $0x800  }
0x2a7: {  	[sflag:s4] =	ssyncset.done $0x0  }
0x2a8: {  	[sflag:s4] =	ssyncadd.s32 $0xFFFFF800  }
0x2a9: {  	_ =	swait.ge [sflag:s4], $0x800  }
0x2aa: {  	[sflag:s4] =	ssyncset.done $0x0  }
0x2ab: {  	[sflag:s4] =	ssyncadd.s32 $0xFFFFF800  }
0x2ac: {  	_ =	swait.ge [sflag:s4], $0x800  }
0x2ad: {  	[sflag:s4] =	ssyncset.done $0x0  }
0x2ae: {  	[sflag:s4] =	ssyncadd.s32 $0xFFFFF800  }
0x2af: {  	_ =	swait.ge [sflag:s4], $0x800  }
0x2b0: {  	[sflag:s4] =	ssyncset.done $0x0  }
0x2b1: {  	[sflag:s4] =	ssyncadd.s32 $0xFFFFF800  }
0x2b2: {  	[spmem:s3] =	stream.indirect.scatter.add.f32 [tilespmem:s8], [sflag:$0x1], $0x10, s28, s29, $0xb8;
	[tilespmem:$0x1EA80] =	vst v63  }
0x2b3: {  	_ = 	snop  }
0x2b4: {  	[spmem:s3] =	stream.indirect.scatter.add.f32 [tilespmem:s13], [sflag:$0x1], $0x10, s31, s29, $0xb8;
	[tilespmem:$0x1EA80] =	vst v63  }
0x2b5: {  	_ = 	snop  }
0x2b6: {  	[spmem:s3] =	stream.indirect.scatter.add.f32 [tilespmem:s15], [sflag:$0x1], $0x10, s16, s29, $0xb8;
	[tilespmem:$0x1EA80] =	vst v63  }
0x2b7: {  	_ = 	snop  }
0x2b8: {  	[spmem:s3] =	stream.indirect.scatter.add.f32 [tilespmem:s22], [sflag:$0x1], $0x10, s24, s29, $0xb8;
	[tilespmem:$0x1EA80] =	vst v63  }
0x2b9: {  	_ =	swait.ge [sflag:s4], $0x800  }
0x2ba: {  	[sflag:s4] =	ssyncset.done $0x0  }
0x2bb: {  	[sflag:s4] =	ssyncadd.s32 $0xFFFFF800  }
0x2bc: {  	_ =	swait.ge [sflag:s4], $0x800  }
0x2bd: {  	[sflag:s4] =	ssyncset.done $0x0  }
0x2be: {  	[sflag:s4] =	ssyncadd.s32 $0xFFFFF800  }
.Ltmp4:
0x2bf: {  	_ =	swait.ge [sflag:s4], $0x800;
	(pc) =	sbr.rel @p0 .LBB2_10-.Ltmp4, $4  }
0x2c0: {  	[sflag:s4] =	ssyncset.done $0x0  }
0x2c1: {  	[sflag:s4] =	ssyncadd.s32 $0xFFFFF800  }
0x2c2: {  	_ =	swait.ge [sflag:s4], $0x800  }
0x2c3: {  	[sflag:s4] =	ssyncset.done $0x0  }
0x2c4: {  	[sflag:s4] =	ssyncadd.s32 $0xFFFFF800  }
0x2c5: {  	_ =	swait.ge [sflag:s9], $0x200  }
0x2c6: {  	[sflag:s9] =	ssyncset.done $0x0  }
0x2c7: {  	[sflag:s9] =	ssyncadd.s32 $0xFFFFFE00  }
0x2c8: {  	_ =	swait.ge [sflag:s9], $0x200  }
0x2c9: {  	[sflag:s9] =	ssyncset.done $0x0  }
0x2ca: {  	[sflag:s9] =	ssyncadd.s32 $0xFFFFFE00  }
0x2cb: {  	[bflag:$0x0] =	sbarrier.arrive $0xFFFF  }
0x2cc: {  	s11 =	rddreg [dreg:$0x11]  }
0x2cd: {  	s10 =	rddreg [dreg:$0x1d]  }
0x2ce: {  	s12 =	simm.s32 $0x8;
	s23 =	simm.s32 $0x3;
	s14 =	rddreg [dreg:$0x1f]  }
0x2cf: {  	[hbm:s11@s12], [sflag:s10] =	dma.strided [spmem:s14@s9], $0x1900, s4, $0x2   }
0x2d0: {  	_ =	swait.ge [sflag:s23], $0x1900  }
0x2d1: {  	s24 =	rddreg [dreg:$0x1c]  }
0x2d2: {  	s31 =	rddreg [dreg:$0x19];
	s12 =	sadd.s32 $0x1, s24  }
0x2d3: {  	p0 =	sne.s32 s12, s31  }
.Ltmp5:
0x2d4: {  	_ = 	snop;
	(pc) =	sbr.rel @p0 .LBB2_1-.Ltmp5, $4  }
0x2d5: {  	[sflag:s23] =	ssyncset.done $0x0  }
0x2d6: {  	[sflag:s23] =	ssyncadd.s32 $0xFFFFE700  }
0x2d7: {  	s16 =	simm.s32 $0x1C780;
	[bflag:$0x0] =	sbarrier.arrive $0xFFFF  }
0x2d8: {  	s10 =	simm.s32 $0x1C380;
	s23 =	simm.s32 $0x1C300;
	s30 =	rddreg [dreg:$0x13]  }
0x2d9: {  	_ =	sfence.sel $0x180000  }
0x2da: {  	[bflag:$0x0] =	sbarrier.arrive $0xFFFF  }
0x2db: {  	_ =	strace $0x90000047  }
0x2dc: {  	s0 =	stileid.u32;
	[bflag:$0x2] =	sbarrier.arrive $0xFFFF  }
0x2dd: {  	p0 =	sne.s32 s0, $0x0;
	s0 =	rddreg [dreg:$0x5]  }
0x2de: {  	s0 =	sadd.s32 @!p0 $0x100000, s0  }
0x2df: {  	[sflag:s0] =	ssyncadd.tile.s32 @!p0 $0x1;
	_ =	shalt  }
.Lfunc_end2:
_tile_overlayer_lowered:
.L_overlay_start_2:
0x2e0: {  	(tag) =	ssettag $0x2  }
0x2e1: {  	s0 =	rddreg [dreg:$0x0];
	s2 =	stileid.u32  }
0x2e2: {  	s1 =	rddreg [dreg:$0x1];
	p0 =	sne.s32 s2, $0x0  }
0x2e3: {  	s3 =	rddreg [dreg:$0x2];
	[bflag:$0x3] =	sbarrier.arrive $0xFFFF;
	s2 =	simm.s32 @!p0 $0x1C03  }
0x2e4: {  	[timem:s3], [sflag:s2] =	dma.local @!p0 [hbm:s0], s1  }
0x2e5: {  	s0 =	simm.s32 @!p0 $0x3  }
0x2e6: {  	_ =	swait.ge @!p0 [sflag:s0], s1  }
0x2e7: {  	s1 =	ssub.s32 @!p0 $0x0, s1;
	[sflag:s0] =	ssyncset.done @!p0 $0x0  }
0x2e8: {  	[sflag:s0] =	ssyncadd.s32 @!p0 s1  }
0x2e9: {  	[bflag:$0x3] =	sbarrier.arrive $0xFFFF  }
0x2ea: {  	_ =	shalt  }

</sc_bundles>
